<compile_context>
chip_gen: v7x
topology: tpu7x:2x2x1
jax: 0.10.2.dev20260603
libtpu: 0.0.44.dev20260713+nightly
codegen_flags: <defaults>
</compile_context>

<pallas_src>
import functools

import jax
import jax.numpy as jnp
from jax import lax
from jax.experimental import pallas as pl
from jax.experimental.pallas import tpu as pltpu
from jax.experimental.pallas import tpu_sc as plsc

NNODE = 10000
NPAD = 10240
NWORKER = 32
CHUNK = 128
ROWS_PER_SUB = NPAD // 16



def _mm1_body(x_ref, w_ref, o_ref):
    o_ref[...] = jnp.dot(x_ref[...], w_ref[...],
                         preferred_element_type=jnp.float32)


def _mm1(x, W1):
    n, _ = x.shape
    d = W1.shape[1]
    return pl.pallas_call(
        _mm1_body,
        out_shape=jax.ShapeDtypeStruct((n, d), jnp.float32),
    )(x, W1)


def _mm2_body(p_ref, b1_ref, w2_ref, o_ref):
    h = jnp.maximum(p_ref[0] + p_ref[1] + b1_ref[...], 0.0)
    o_ref[...] = jnp.dot(h, w2_ref[...], preferred_element_type=jnp.float32)


def _mm2(p, b1, W2):
    n = p.shape[1]
    d = W2.shape[1]
    return pl.pallas_call(
        _mm2_body,
        out_shape=jax.ShapeDtypeStruct((n, d), jnp.float32),
    )(p, b1.reshape(1, -1), W2)


def _fin_body(q_ref, b2_ref, o_ref):
    o_ref[...] = q_ref[0] + q_ref[1] + b2_ref[...]


def _fin(q, b2):
    n, d = q.shape[1], q.shape[2]
    return pl.pallas_call(
        _fin_body,
        out_shape=jax.ShapeDtypeStruct((n, d), jnp.float32),
    )(q, b2.reshape(1, -1))



def _make_spmm(d, n_chunks):
    nv = d // 16
    mesh = plsc.VectorSubcoreMesh(core_axis_name="c", subcore_axis_name="s")

    @functools.partial(
        pl.kernel,
        out_type=jax.ShapeDtypeStruct((2 * NPAD, d), jnp.float32),
        mesh=mesh,
        compiler_params=pltpu.CompilerParams(use_tc_tiling_on_sc=False),
        scratch_types=[
            pltpu.VMEM((n_chunks, CHUNK), jnp.int32),
            pltpu.VMEM((n_chunks, CHUNK), jnp.int32),
            pltpu.VMEM((n_chunks * CHUNK,), jnp.float32),
            pltpu.VMEM((CHUNK, d), jnp.float32),
            pltpu.VMEM((CHUNK, d), jnp.float32),
            pltpu.VMEM((CHUNK, d), jnp.float32),
            pltpu.VMEM_SHARED((NPAD, d), jnp.float32),
            pltpu.SemaphoreType.DMA,
            pltpu.SemaphoreType.DMA,
            pltpu.SemaphoreType.DMA,
            pltpu.SemaphoreType.DMA,
        ],
    )
    def spmm(h_hbm, src_hbm, dst_hbm, w_hbm, out_hbm,
             src_v, dst_v, w_v, gbufa, gbufb, zbuf, acc,
             gsema, gsemb, ssema, ssemb):
        c = lax.axis_index("c")
        s = lax.axis_index("s")
        wid = s * 2 + c

        pltpu.sync_copy(src_hbm.at[wid], src_v)
        pltpu.sync_copy(dst_hbm.at[wid], dst_v)
        pltpu.sync_copy(w_hbm.at[wid], w_v)

        zero16 = jnp.zeros((16,), jnp.float32)

        def zc(i, carry):
            zbuf[i // nv, pl.ds((i % nv) * 16, 16)] = zero16
            return carry

        lax.fori_loop(0, CHUNK * nv, zc, 0)

        base_row = s * ROWS_PER_SUB
        for t in range(ROWS_PER_SUB // CHUNK):
            r0 = base_row + t * CHUNK
            pltpu.sync_copy(zbuf, acc.at[pl.ds(r0, CHUNK)])
        pltpu.async_copy(h_hbm.at[src_v.at[0]], gbufa, gsema)
        pltpu.async_copy(h_hbm.at[src_v.at[1]], gbufb, gsemb)
        plsc.subcore_barrier()

        def scale(ci, buf):
            def group_body(g, carry2):
                wchunk = w_v[pl.ds(ci * CHUNK + g * 16, 16)]
                for e16 in range(16):
                    wv = wchunk.at[jnp.full((16,), e16, jnp.int32)].get(
                        mode="promise_in_bounds")
                    row = g * 16 + e16
                    for j in range(nv):
                        sl = pl.ds(j * 16, 16)
                        buf[row, sl] = buf[row, sl] * wv
                return carry2

            lax.fori_loop(0, CHUNK // 16, group_body, 0)

        def pair_body(cj, carry):
            ci0 = 2 * cj
            ci1 = ci0 + 1
            for ci, buf, gsem, ssem in ((ci0, gbufa, gsema, ssema),
                                        (ci1, gbufb, gsemb, ssemb)):
                pltpu.make_async_copy(
                    h_hbm.at[src_v.at[ci]], buf, gsem).wait()
                scale(ci, buf)
                pltpu.async_copy(buf, acc.at[dst_v.at[ci]], ssem, add=True)
            for ci, buf, gsem, ssem in ((ci0, gbufa, gsema, ssema),
                                        (ci1, gbufb, gsemb, ssemb)):
                pltpu.make_async_copy(
                    buf, acc.at[dst_v.at[ci]], ssem).wait()

                @pl.when(ci + 2 < n_chunks)
                def _():
                    pltpu.async_copy(
                        h_hbm.at[src_v.at[ci + 2]], buf, gsem)

            return carry

        lax.fori_loop(0, n_chunks // 2, pair_body, 0)
        plsc.subcore_barrier()

        for t in range(ROWS_PER_SUB // CHUNK):
            r0 = base_row + t * CHUNK
            pltpu.sync_copy(acc.at[pl.ds(r0, CHUNK)], gbufa)
            pltpu.sync_copy(gbufa, out_hbm.at[pl.ds(c * NPAD + r0, CHUNK)])

    return spmm



def kernel(x, edge_index, edge_weight, W1, b1, W2, b2):
    src = edge_index[0].astype(jnp.int32)
    dst = edge_index[1].astype(jnp.int32)
    w = edge_weight.astype(jnp.float32)
    e = src.shape[0]

    n_chunks = -(-e // (NWORKER * CHUNK))
    n_chunks += n_chunks % 2
    e_pad = NWORKER * n_chunks * CHUNK
    pad = e_pad - e
    if pad:
        src = jnp.concatenate([src, jnp.zeros((pad,), jnp.int32)])
        dst = jnp.concatenate([dst, jnp.zeros((pad,), jnp.int32)])
        w = jnp.concatenate([w, jnp.zeros((pad,), jnp.float32)])
    src3 = src.reshape(NWORKER, n_chunks, CHUNK)
    dst3 = dst.reshape(NWORKER, n_chunks, CHUNK)
    w3 = w.reshape(NWORKER, n_chunks * CHUNK)

    nhid = W1.shape[1]
    ncls = W2.shape[1]

    xp = jnp.pad(x, ((0, NPAD - NNODE), (0, 0)))

    h = _mm1(xp, W1)
    p = _make_spmm(nhid, n_chunks)(h, src3, dst3, w3)
    h2 = _mm2(p.reshape(2, NPAD, nhid), b1, W2)
    q = _make_spmm(ncls, n_chunks)(h2, src3, dst3, w3)
    q = q.reshape(2, NPAD, ncls)[:, :NNODE, :]
    return _fin(q, b2)

# --- scband reference (transcript-rebuilt; emitter-appended) ---
"""Pipeline reference for scband-hgnn-18296560681436 (READ-ONLY COPY).

The authoritative reference and input builder live on the scoring server;
editing this copy changes nothing except your own understanding.
"""

import jax, jax.numpy as jnp
import numpy as np

N = 10000
E = 320000
NFEAT = 128
NHID = 64
NCLASS = 16


def setup_inputs(seed: int = 0) -> dict:
    key = jax.random.key(seed)
    ks = jax.random.split(key, 8)
    x = jax.random.normal(ks[0], (N, NFEAT), dtype=jnp.float32)
    edge_index = jax.random.randint(ks[1], (2, E), 0, N, dtype=jnp.int64)
    edge_weight = jax.random.uniform(ks[2], (E,), dtype=jnp.float32)
    # learned params for HGNNconv layers (Glorot-ish scaling)
    W1 = jax.random.normal(ks[3], (NFEAT, NHID), dtype=jnp.float32) * (1.0 / np.sqrt(NFEAT))
    b1 = jnp.zeros((NHID,), dtype=jnp.float32)
    W2 = jax.random.normal(ks[4], (NHID, NCLASS), dtype=jnp.float32) * (1.0 / np.sqrt(NHID))
    b2 = jnp.zeros((NCLASS,), dtype=jnp.float32)
    return {"x": x, "edge_index": edge_index, "edge_weight": edge_weight,
            "W1": W1, "b1": b1, "W2": W2, "b2": b2}


def _spmm(edge_index, edge_weight, h):
    # sparse hypergraph Laplacian G applied as scatter-add over COO edges
    src = edge_index[0]
    dst = edge_index[1]
    msgs = h[src] * edge_weight[:, None]
    out = jnp.zeros_like(h).at[dst].add(msgs)
    return out


def reference(x, edge_index, edge_weight, W1, b1, W2, b2):
    # eval mode: dropout is identity
    # HGNNconv 1: G @ (x W1) + b1, then ReLU
    h = x @ W1
    h = _spmm(edge_index, edge_weight, h) + b1
    h = jax.nn.relu(h)
    # HGNNconv 2: G @ (h W2) + b2
    h2 = h @ W2
    out = _spmm(edge_index, edge_weight, h2) + b2
    return out

if __name__ == "__main__":
    import jax
    _d = setup_inputs()
    print(jax.jit(kernel)(*tuple(_d.values())))

</pallas_src>

<mosaic_0001>
#map = affine_map<(d0, d1) -> (0, 0)>
#map1 = affine_map<(d0, d1) -> (0, 0, 0)>
module attributes {stable_mosaic.version = 14 : i64} {
  func.func @spmm(%arg0: i32, %arg1: i32, %arg2: memref<10240x16xf32, #tpu.memory_space<hbm>>, %arg3: memref<32x80x128xi32, #tpu.memory_space<hbm>>, %arg4: memref<32x80x128xi32, #tpu.memory_space<hbm>>, %arg5: memref<32x10240xf32, #tpu.memory_space<hbm>>, %arg6: memref<20480x16xf32, #tpu.memory_space<hbm>>, %arg7: memref<80x128xi32, #tpu.memory_space<vmem>>, %arg8: memref<80x128xi32, #tpu.memory_space<vmem>>, %arg9: memref<10240xf32, #tpu.memory_space<vmem>>, %arg10: memref<128x16xf32, #tpu.memory_space<vmem>>, %arg11: memref<128x16xf32, #tpu.memory_space<vmem>>, %arg12: memref<128x16xf32, #tpu.memory_space<vmem>>, %arg13: memref<10240x16xf32, #tpu.memory_space<vmem_shared>>, %arg14: memref<!tpu.dma_semaphore, #tpu.memory_space<semaphore_mem>>, %arg15: memref<!tpu.dma_semaphore, #tpu.memory_space<semaphore_mem>>, %arg16: memref<!tpu.dma_semaphore, #tpu.memory_space<semaphore_mem>>, %arg17: memref<!tpu.dma_semaphore, #tpu.memory_space<semaphore_mem>>) attributes {dimension_semantics = [#tpu.dimension_semantics<core_parallel>, #tpu.dimension_semantics<subcore_parallel>], iteration_bounds = array<i64: 2, 16>, scalar_prefetch = 0 : i64, scratch_operands = 11 : i64, tpu.core_type = #tpu.core_type<sc_vector_subcore>, window_params = [{transform_indices = #map}, {transform_indices = #map1}, {transform_indices = #map1}, {transform_indices = #map}, {transform_indices = #map}]} {
    %mul3A = arith.constant 2 : i32
    %mul3A_0 = arith.muli %arg1, %mul3A : i32
    %add3A = arith.addi %mul3A_0, %arg0 : i32
    "tpu.region"() ({
      %run_scoped3A = tpu.sem_alloc : memref<!tpu.dma_semaphore, #tpu.memory_space<semaphore_mem>>
      %dma_start3A_64 = arith.constant 0 : i32
      %dma_start3A_65 = arith.constant 0 : i32
      %dma_start3A_66 = tpu.memref_slice %arg3[%add3A, %dma_start3A_64, %dma_start3A_65] : memref<32x80x128xi32, #tpu.memory_space<hbm>> -> memref<1x80x128xi32, #tpu.memory_space<hbm>>
      %dma_start3A_67 = tpu.memref_squeeze %dma_start3A_66 : memref<1x80x128xi32, #tpu.memory_space<hbm>> -> memref<80x128xi32, #tpu.memory_space<hbm>>
      %dma_start3A_68 = arith.constant 0 : i32
      %dma_start3A_69 = arith.constant 0 : i32
      %dma_start3A_70 = tpu.memref_slice %arg3[%add3A, %dma_start3A_68, %dma_start3A_69] : memref<32x80x128xi32, #tpu.memory_space<hbm>> -> memref<1x80x128xi32, #tpu.memory_space<hbm>>
      %dma_start3A_71 = tpu.memref_squeeze %dma_start3A_70 : memref<1x80x128xi32, #tpu.memory_space<hbm>> -> memref<80x128xi32, #tpu.memory_space<hbm>>
      tpu.enqueue_dma source(%dma_start3A_71 : memref<80x128xi32, #tpu.memory_space<hbm>>) target(%arg7 : memref<80x128xi32, #tpu.memory_space<vmem>>) target_semaphore(%run_scoped3A : memref<!tpu.dma_semaphore, #tpu.memory_space<semaphore_mem>>)
      %dma_wait3A = arith.constant 0 : i32
      %dma_wait3A_72 = arith.constant 0 : i32
      %dma_wait3A_73 = tpu.memref_slice %arg3[%add3A, %dma_wait3A, %dma_wait3A_72] : memref<32x80x128xi32, #tpu.memory_space<hbm>> -> memref<1x80x128xi32, #tpu.memory_space<hbm>>
      %dma_wait3A_74 = tpu.memref_squeeze %dma_wait3A_73 : memref<1x80x128xi32, #tpu.memory_space<hbm>> -> memref<80x128xi32, #tpu.memory_space<hbm>>
      %dma_wait3A_75 = arith.constant 0 : i32
      %dma_wait3A_76 = arith.constant 0 : i32
      %dma_wait3A_77 = tpu.memref_slice %arg3[%add3A, %dma_wait3A_75, %dma_wait3A_76] : memref<32x80x128xi32, #tpu.memory_space<hbm>> -> memref<1x80x128xi32, #tpu.memory_space<hbm>>
      %dma_wait3A_78 = tpu.memref_squeeze %dma_wait3A_77 : memref<1x80x128xi32, #tpu.memory_space<hbm>> -> memref<80x128xi32, #tpu.memory_space<hbm>>
      tpu.wait_dma2 semaphore(%run_scoped3A : memref<!tpu.dma_semaphore, #tpu.memory_space<semaphore_mem>>) src(%dma_wait3A_78 : memref<80x128xi32, #tpu.memory_space<hbm>>) dst(%arg7 : memref<80x128xi32, #tpu.memory_space<vmem>>)
      tpu.yield
    }) : () -> ()
    "tpu.region"() ({
      %run_scoped3A = tpu.sem_alloc : memref<!tpu.dma_semaphore, #tpu.memory_space<semaphore_mem>>
      %dma_start3A_64 = arith.constant 0 : i32
      %dma_start3A_65 = arith.constant 0 : i32
      %dma_start3A_66 = tpu.memref_slice %arg4[%add3A, %dma_start3A_64, %dma_start3A_65] : memref<32x80x128xi32, #tpu.memory_space<hbm>> -> memref<1x80x128xi32, #tpu.memory_space<hbm>>
      %dma_start3A_67 = tpu.memref_squeeze %dma_start3A_66 : memref<1x80x128xi32, #tpu.memory_space<hbm>> -> memref<80x128xi32, #tpu.memory_space<hbm>>
      %dma_start3A_68 = arith.constant 0 : i32
      %dma_start3A_69 = arith.constant 0 : i32
      %dma_start3A_70 = tpu.memref_slice %arg4[%add3A, %dma_start3A_68, %dma_start3A_69] : memref<32x80x128xi32, #tpu.memory_space<hbm>> -> memref<1x80x128xi32, #tpu.memory_space<hbm>>
      %dma_start3A_71 = tpu.memref_squeeze %dma_start3A_70 : memref<1x80x128xi32, #tpu.memory_space<hbm>> -> memref<80x128xi32, #tpu.memory_space<hbm>>
      tpu.enqueue_dma source(%dma_start3A_71 : memref<80x128xi32, #tpu.memory_space<hbm>>) target(%arg8 : memref<80x128xi32, #tpu.memory_space<vmem>>) target_semaphore(%run_scoped3A : memref<!tpu.dma_semaphore, #tpu.memory_space<semaphore_mem>>)
      %dma_wait3A = arith.constant 0 : i32
      %dma_wait3A_72 = arith.constant 0 : i32
      %dma_wait3A_73 = tpu.memref_slice %arg4[%add3A, %dma_wait3A, %dma_wait3A_72] : memref<32x80x128xi32, #tpu.memory_space<hbm>> -> memref<1x80x128xi32, #tpu.memory_space<hbm>>
      %dma_wait3A_74 = tpu.memref_squeeze %dma_wait3A_73 : memref<1x80x128xi32, #tpu.memory_space<hbm>> -> memref<80x128xi32, #tpu.memory_space<hbm>>
      %dma_wait3A_75 = arith.constant 0 : i32
      %dma_wait3A_76 = arith.constant 0 : i32
      %dma_wait3A_77 = tpu.memref_slice %arg4[%add3A, %dma_wait3A_75, %dma_wait3A_76] : memref<32x80x128xi32, #tpu.memory_space<hbm>> -> memref<1x80x128xi32, #tpu.memory_space<hbm>>
      %dma_wait3A_78 = tpu.memref_squeeze %dma_wait3A_77 : memref<1x80x128xi32, #tpu.memory_space<hbm>> -> memref<80x128xi32, #tpu.memory_space<hbm>>
      tpu.wait_dma2 semaphore(%run_scoped3A : memref<!tpu.dma_semaphore, #tpu.memory_space<semaphore_mem>>) src(%dma_wait3A_78 : memref<80x128xi32, #tpu.memory_space<hbm>>) dst(%arg8 : memref<80x128xi32, #tpu.memory_space<vmem>>)
      tpu.yield
    }) : () -> ()
    "tpu.region"() ({
      %run_scoped3A = tpu.sem_alloc : memref<!tpu.dma_semaphore, #tpu.memory_space<semaphore_mem>>
      %dma_start3A_64 = arith.constant 0 : i32
      %dma_start3A_65 = tpu.memref_slice %arg5[%add3A, %dma_start3A_64] : memref<32x10240xf32, #tpu.memory_space<hbm>> -> memref<1x10240xf32, #tpu.memory_space<hbm>>
      %dma_start3A_66 = tpu.memref_squeeze %dma_start3A_65 : memref<1x10240xf32, #tpu.memory_space<hbm>> -> memref<10240xf32, #tpu.memory_space<hbm>>
      %dma_start3A_67 = arith.constant 0 : i32
      %dma_start3A_68 = tpu.memref_slice %arg5[%add3A, %dma_start3A_67] : memref<32x10240xf32, #tpu.memory_space<hbm>> -> memref<1x10240xf32, #tpu.memory_space<hbm>>
      %dma_start3A_69 = tpu.memref_squeeze %dma_start3A_68 : memref<1x10240xf32, #tpu.memory_space<hbm>> -> memref<10240xf32, #tpu.memory_space<hbm>>
      tpu.enqueue_dma source(%dma_start3A_69 : memref<10240xf32, #tpu.memory_space<hbm>>) target(%arg9 : memref<10240xf32, #tpu.memory_space<vmem>>) target_semaphore(%run_scoped3A : memref<!tpu.dma_semaphore, #tpu.memory_space<semaphore_mem>>)
      %dma_wait3A = arith.constant 0 : i32
      %dma_wait3A_70 = tpu.memref_slice %arg5[%add3A, %dma_wait3A] : memref<32x10240xf32, #tpu.memory_space<hbm>> -> memref<1x10240xf32, #tpu.memory_space<hbm>>
      %dma_wait3A_71 = tpu.memref_squeeze %dma_wait3A_70 : memref<1x10240xf32, #tpu.memory_space<hbm>> -> memref<10240xf32, #tpu.memory_space<hbm>>
      %dma_wait3A_72 = arith.constant 0 : i32
      %dma_wait3A_73 = tpu.memref_slice %arg5[%add3A, %dma_wait3A_72] : memref<32x10240xf32, #tpu.memory_space<hbm>> -> memref<1x10240xf32, #tpu.memory_space<hbm>>
      %dma_wait3A_74 = tpu.memref_squeeze %dma_wait3A_73 : memref<1x10240xf32, #tpu.memory_space<hbm>> -> memref<10240xf32, #tpu.memory_space<hbm>>
      tpu.wait_dma2 semaphore(%run_scoped3A : memref<!tpu.dma_semaphore, #tpu.memory_space<semaphore_mem>>) src(%dma_wait3A_74 : memref<10240xf32, #tpu.memory_space<hbm>>) dst(%arg9 : memref<10240xf32, #tpu.memory_space<vmem>>)
      tpu.yield
    }) : () -> ()
    %broadcast_in_dim3A = arith.constant 0.000000e+00 : f32
    %broadcast_in_dim3A_1 = vector.broadcast %broadcast_in_dim3A : f32 to vector<16xf32>
    %scan3A = arith.constant 0 : i32
    %scan3A_2 = arith.constant 0 : i32
    %scan3A_3 = arith.constant 128 : i32
    %scan3A_4 = arith.addi %scan3A_2, %scan3A_3 : i32
    %scan3A_5 = arith.constant 1 : i32
    scf.for %scan3A_64 = %scan3A_2 to %scan3A_4 step %scan3A_5  : i32 {
      %jit3A = arith.constant 1 : i32
      %div3A = arith.divsi %scan3A_64, %jit3A : i32
      %sign3A = arith.constant 0 : i32
      %sign3A_65 = arith.cmpi sgt, %scan3A_64, %sign3A : i32
      %sign3A_66 = arith.extui %sign3A_65 : i1 to i32
      %sign3A_67 = arith.constant 0 : i32
      %sign3A_68 = arith.cmpi slt, %scan3A_64, %sign3A_67 : i32
      %sign3A_69 = arith.extui %sign3A_68 : i1 to i32
      %sign3A_70 = arith.subi %sign3A_66, %sign3A_69 : i32
      %sign3A_71 = arith.constant 0 : i32
      %sign3A_72 = arith.cmpi sgt, %jit3A, %sign3A_71 : i32
      %sign3A_73 = arith.extui %sign3A_72 : i1 to i32
      %sign3A_74 = arith.constant 0 : i32
      %sign3A_75 = arith.cmpi slt, %jit3A, %sign3A_74 : i32
      %sign3A_76 = arith.extui %sign3A_75 : i1 to i32
      %sign3A_77 = arith.subi %sign3A_73, %sign3A_76 : i32
      %ne3A = arith.cmpi ne, %sign3A_70, %sign3A_77 : i32
      %rem3A = arith.remsi %scan3A_64, %jit3A : i32
      %ne3A_78 = arith.constant 0 : i32
      %ne3A_79 = arith.cmpi ne, %rem3A, %ne3A_78 : i32
      %and3A = arith.andi %ne3A, %ne3A_79 : i1
      %sub3A = arith.constant 1 : i32
      %sub3A_80 = arith.subi %div3A, %sub3A : i32
      %select_n3A = arith.select %and3A, %sub3A_80, %div3A : i32
      %jit3A_81 = arith.constant 1 : i32
      %eq3A = arith.constant 0 : i32
      %eq3A_82 = arith.cmpi eq, %jit3A_81, %eq3A : i32
      %jit3A_83 = arith.constant 1 : i32
      %select_n3A_84 = arith.select %eq3A_82, %jit3A_83, %jit3A_81 : i32
      %rem3A_85 = arith.remsi %scan3A_64, %select_n3A_84 : i32
      %ne3A_86 = arith.constant 0 : i32
      %ne3A_87 = arith.cmpi ne, %rem3A_85, %ne3A_86 : i32
      %lt3A = arith.constant 0 : i32
      %lt3A_88 = arith.cmpi slt, %rem3A_85, %lt3A : i32
      %lt3A_89 = arith.constant 0 : i32
      %lt3A_90 = arith.cmpi slt, %select_n3A_84, %lt3A_89 : i32
      %ne3A_91 = arith.xori %lt3A_88, %lt3A_90 : i1
      %and3A_92 = arith.andi %ne3A_91, %ne3A_87 : i1
      %add3A_93 = arith.addi %rem3A_85, %select_n3A_84 : i32
      %select_n3A_94 = arith.select %and3A_92, %add3A_93, %rem3A_85 : i32
      %mul3A_95 = arith.constant 16 : i32
      %mul3A_96 = arith.muli %select_n3A_94, %mul3A_95 : i32
      %swap3A = arith.index_cast %select_n3A : i32 to index
      %swap3A_97 = arith.index_cast %mul3A_96 : i32 to index
      %swap3A_98 = tpu.vector_load %arg12[%swap3A, %swap3A_97] {strides = array<i32>} : memref<128x16xf32, #tpu.memory_space<vmem>>, vector<1x16xf32>,
      %swap3A_99 = vector.shape_cast %swap3A_98 : vector<1x16xf32> to vector<16xf32>
      %swap3A_100 = vector.shape_cast %broadcast_in_dim3A_1 : vector<16xf32> to vector<1x16xf32>
      tpu.vector_store %arg12[%swap3A, %swap3A_97], %swap3A_100 {strides = array<i32>} : memref<128x16xf32, #tpu.memory_space<vmem>>, vector<1x16xf32>,
    }
    %scan3A_6 = arith.constant 128 : i32
    %mul3A_7 = arith.constant 640 : i32
    %mul3A_8 = arith.muli %arg1, %mul3A_7 : i32
    %add3A_9 = arith.constant 0 : i32
    %add3A_10 = arith.addi %mul3A_8, %add3A_9 : i32
    "tpu.region"() ({
      %run_scoped3A = tpu.sem_alloc : memref<!tpu.dma_semaphore, #tpu.memory_space<semaphore_mem>>
      %dma_start3A_64 = arith.constant 0 : i32
      %dma_start3A_65 = tpu.memref_slice %arg13[%add3A_10, %dma_start3A_64] : memref<10240x16xf32, #tpu.memory_space<vmem_shared>> -> memref<128x16xf32, #tpu.memory_space<vmem_shared>>
      %dma_start3A_66 = arith.constant 0 : i32
      %dma_start3A_67 = tpu.memref_slice %arg13[%add3A_10, %dma_start3A_66] : memref<10240x16xf32, #tpu.memory_space<vmem_shared>> -> memref<128x16xf32, #tpu.memory_space<vmem_shared>>
      tpu.enqueue_dma source(%arg12 : memref<128x16xf32, #tpu.memory_space<vmem>>) target(%dma_start3A_67 : memref<128x16xf32, #tpu.memory_space<vmem_shared>>) target_semaphore(%run_scoped3A : memref<!tpu.dma_semaphore, #tpu.memory_space<semaphore_mem>>)
      %dma_wait3A = arith.constant 0 : i32
      %dma_wait3A_68 = tpu.memref_slice %arg13[%add3A_10, %dma_wait3A] : memref<10240x16xf32, #tpu.memory_space<vmem_shared>> -> memref<128x16xf32, #tpu.memory_space<vmem_shared>>
      %dma_wait3A_69 = arith.constant 0 : i32
      %dma_wait3A_70 = tpu.memref_slice %arg13[%add3A_10, %dma_wait3A_69] : memref<10240x16xf32, #tpu.memory_space<vmem_shared>> -> memref<128x16xf32, #tpu.memory_space<vmem_shared>>
      tpu.wait_dma2 semaphore(%run_scoped3A : memref<!tpu.dma_semaphore, #tpu.memory_space<semaphore_mem>>) src(%arg12 : memref<128x16xf32, #tpu.memory_space<vmem>>) dst(%dma_wait3A_70 : memref<128x16xf32, #tpu.memory_space<vmem_shared>>)
      tpu.yield
    }) : () -> ()
    %add3A_11 = arith.constant 128 : i32
    %add3A_12 = arith.addi %mul3A_8, %add3A_11 : i32
    "tpu.region"() ({
      %run_scoped3A = tpu.sem_alloc : memref<!tpu.dma_semaphore, #tpu.memory_space<semaphore_mem>>
      %dma_start3A_64 = arith.constant 0 : i32
      %dma_start3A_65 = tpu.memref_slice %arg13[%add3A_12, %dma_start3A_64] : memref<10240x16xf32, #tpu.memory_space<vmem_shared>> -> memref<128x16xf32, #tpu.memory_space<vmem_shared>>
      %dma_start3A_66 = arith.constant 0 : i32
      %dma_start3A_67 = tpu.memref_slice %arg13[%add3A_12, %dma_start3A_66] : memref<10240x16xf32, #tpu.memory_space<vmem_shared>> -> memref<128x16xf32, #tpu.memory_space<vmem_shared>>
      tpu.enqueue_dma source(%arg12 : memref<128x16xf32, #tpu.memory_space<vmem>>) target(%dma_start3A_67 : memref<128x16xf32, #tpu.memory_space<vmem_shared>>) target_semaphore(%run_scoped3A : memref<!tpu.dma_semaphore, #tpu.memory_space<semaphore_mem>>)
      %dma_wait3A = arith.constant 0 : i32
      %dma_wait3A_68 = tpu.memref_slice %arg13[%add3A_12, %dma_wait3A] : memref<10240x16xf32, #tpu.memory_space<vmem_shared>> -> memref<128x16xf32, #tpu.memory_space<vmem_shared>>
      %dma_wait3A_69 = arith.constant 0 : i32
      %dma_wait3A_70 = tpu.memref_slice %arg13[%add3A_12, %dma_wait3A_69] : memref<10240x16xf32, #tpu.memory_space<vmem_shared>> -> memref<128x16xf32, #tpu.memory_space<vmem_shared>>
      tpu.wait_dma2 semaphore(%run_scoped3A : memref<!tpu.dma_semaphore, #tpu.memory_space<semaphore_mem>>) src(%arg12 : memref<128x16xf32, #tpu.memory_space<vmem>>) dst(%dma_wait3A_70 : memref<128x16xf32, #tpu.memory_space<vmem_shared>>)
      tpu.yield
    }) : () -> ()
    %add3A_13 = arith.constant 256 : i32
    %add3A_14 = arith.addi %mul3A_8, %add3A_13 : i32
    "tpu.region"() ({
      %run_scoped3A = tpu.sem_alloc : memref<!tpu.dma_semaphore, #tpu.memory_space<semaphore_mem>>
      %dma_start3A_64 = arith.constant 0 : i32
      %dma_start3A_65 = tpu.memref_slice %arg13[%add3A_14, %dma_start3A_64] : memref<10240x16xf32, #tpu.memory_space<vmem_shared>> -> memref<128x16xf32, #tpu.memory_space<vmem_shared>>
      %dma_start3A_66 = arith.constant 0 : i32
      %dma_start3A_67 = tpu.memref_slice %arg13[%add3A_14, %dma_start3A_66] : memref<10240x16xf32, #tpu.memory_space<vmem_shared>> -> memref<128x16xf32, #tpu.memory_space<vmem_shared>>
      tpu.enqueue_dma source(%arg12 : memref<128x16xf32, #tpu.memory_space<vmem>>) target(%dma_start3A_67 : memref<128x16xf32, #tpu.memory_space<vmem_shared>>) target_semaphore(%run_scoped3A : memref<!tpu.dma_semaphore, #tpu.memory_space<semaphore_mem>>)
      %dma_wait3A = arith.constant 0 : i32
      %dma_wait3A_68 = tpu.memref_slice %arg13[%add3A_14, %dma_wait3A] : memref<10240x16xf32, #tpu.memory_space<vmem_shared>> -> memref<128x16xf32, #tpu.memory_space<vmem_shared>>
      %dma_wait3A_69 = arith.constant 0 : i32
      %dma_wait3A_70 = tpu.memref_slice %arg13[%add3A_14, %dma_wait3A_69] : memref<10240x16xf32, #tpu.memory_space<vmem_shared>> -> memref<128x16xf32, #tpu.memory_space<vmem_shared>>
      tpu.wait_dma2 semaphore(%run_scoped3A : memref<!tpu.dma_semaphore, #tpu.memory_space<semaphore_mem>>) src(%arg12 : memref<128x16xf32, #tpu.memory_space<vmem>>) dst(%dma_wait3A_70 : memref<128x16xf32, #tpu.memory_space<vmem_shared>>)
      tpu.yield
    }) : () -> ()
    %add3A_15 = arith.constant 384 : i32
    %add3A_16 = arith.addi %mul3A_8, %add3A_15 : i32
    "tpu.region"() ({
      %run_scoped3A = tpu.sem_alloc : memref<!tpu.dma_semaphore, #tpu.memory_space<semaphore_mem>>
      %dma_start3A_64 = arith.constant 0 : i32
      %dma_start3A_65 = tpu.memref_slice %arg13[%add3A_16, %dma_start3A_64] : memref<10240x16xf32, #tpu.memory_space<vmem_shared>> -> memref<128x16xf32, #tpu.memory_space<vmem_shared>>
      %dma_start3A_66 = arith.constant 0 : i32
      %dma_start3A_67 = tpu.memref_slice %arg13[%add3A_16, %dma_start3A_66] : memref<10240x16xf32, #tpu.memory_space<vmem_shared>> -> memref<128x16xf32, #tpu.memory_space<vmem_shared>>
      tpu.enqueue_dma source(%arg12 : memref<128x16xf32, #tpu.memory_space<vmem>>) target(%dma_start3A_67 : memref<128x16xf32, #tpu.memory_space<vmem_shared>>) target_semaphore(%run_scoped3A : memref<!tpu.dma_semaphore, #tpu.memory_space<semaphore_mem>>)
      %dma_wait3A = arith.constant 0 : i32
      %dma_wait3A_68 = tpu.memref_slice %arg13[%add3A_16, %dma_wait3A] : memref<10240x16xf32, #tpu.memory_space<vmem_shared>> -> memref<128x16xf32, #tpu.memory_space<vmem_shared>>
      %dma_wait3A_69 = arith.constant 0 : i32
      %dma_wait3A_70 = tpu.memref_slice %arg13[%add3A_16, %dma_wait3A_69] : memref<10240x16xf32, #tpu.memory_space<vmem_shared>> -> memref<128x16xf32, #tpu.memory_space<vmem_shared>>
      tpu.wait_dma2 semaphore(%run_scoped3A : memref<!tpu.dma_semaphore, #tpu.memory_space<semaphore_mem>>) src(%arg12 : memref<128x16xf32, #tpu.memory_space<vmem>>) dst(%dma_wait3A_70 : memref<128x16xf32, #tpu.memory_space<vmem_shared>>)
      tpu.yield
    }) : () -> ()
    %add3A_17 = arith.constant 512 : i32
    %add3A_18 = arith.addi %mul3A_8, %add3A_17 : i32
    "tpu.region"() ({
      %run_scoped3A = tpu.sem_alloc : memref<!tpu.dma_semaphore, #tpu.memory_space<semaphore_mem>>
      %dma_start3A_64 = arith.constant 0 : i32
      %dma_start3A_65 = tpu.memref_slice %arg13[%add3A_18, %dma_start3A_64] : memref<10240x16xf32, #tpu.memory_space<vmem_shared>> -> memref<128x16xf32, #tpu.memory_space<vmem_shared>>
      %dma_start3A_66 = arith.constant 0 : i32
      %dma_start3A_67 = tpu.memref_slice %arg13[%add3A_18, %dma_start3A_66] : memref<10240x16xf32, #tpu.memory_space<vmem_shared>> -> memref<128x16xf32, #tpu.memory_space<vmem_shared>>
      tpu.enqueue_dma source(%arg12 : memref<128x16xf32, #tpu.memory_space<vmem>>) target(%dma_start3A_67 : memref<128x16xf32, #tpu.memory_space<vmem_shared>>) target_semaphore(%run_scoped3A : memref<!tpu.dma_semaphore, #tpu.memory_space<semaphore_mem>>)
      %dma_wait3A = arith.constant 0 : i32
      %dma_wait3A_68 = tpu.memref_slice %arg13[%add3A_18, %dma_wait3A] : memref<10240x16xf32, #tpu.memory_space<vmem_shared>> -> memref<128x16xf32, #tpu.memory_space<vmem_shared>>
      %dma_wait3A_69 = arith.constant 0 : i32
      %dma_wait3A_70 = tpu.memref_slice %arg13[%add3A_18, %dma_wait3A_69] : memref<10240x16xf32, #tpu.memory_space<vmem_shared>> -> memref<128x16xf32, #tpu.memory_space<vmem_shared>>
      tpu.wait_dma2 semaphore(%run_scoped3A : memref<!tpu.dma_semaphore, #tpu.memory_space<semaphore_mem>>) src(%arg12 : memref<128x16xf32, #tpu.memory_space<vmem>>) dst(%dma_wait3A_70 : memref<128x16xf32, #tpu.memory_space<vmem_shared>>)
      tpu.yield
    }) : () -> ()
    %dma_start3A = arith.constant 0 : i32
    %dma_start3A_19 = arith.constant 0 : i32
    %dma_start3A_20 = tpu.memref_slice %arg7[%dma_start3A, %dma_start3A_19] : memref<80x128xi32, #tpu.memory_space<vmem>> -> memref<1x128xi32, #tpu.memory_space<vmem>>
    %dma_start3A_21 = tpu.memref_squeeze %dma_start3A_20 : memref<1x128xi32, #tpu.memory_space<vmem>> -> memref<128xi32, #tpu.memory_space<vmem>>
    %dma_start3A_22 = arith.constant 0 : i32
    %dma_start3A_23 = arith.constant 0 : i32
    %dma_start3A_24 = tpu.memref_slice %arg2[%dma_start3A_22, %dma_start3A_23] : memref<10240x16xf32, #tpu.memory_space<hbm>> -> memref<10240x16xf32, #tpu.memory_space<hbm>>
    tpu.enqueue_indirect_dma source(%dma_start3A_24 : memref<10240x16xf32, #tpu.memory_space<hbm>>) target(%arg10 : memref<128x16xf32, #tpu.memory_space<vmem>>) offsets(%dma_start3A_21 : memref<128xi32, #tpu.memory_space<vmem>>) semaphore(%arg14 : memref<!tpu.dma_semaphore, #tpu.memory_space<semaphore_mem>>)
    %dma_start3A_25 = arith.constant 1 : i32
    %dma_start3A_26 = arith.constant 0 : i32
    %dma_start3A_27 = tpu.memref_slice %arg7[%dma_start3A_25, %dma_start3A_26] : memref<80x128xi32, #tpu.memory_space<vmem>> -> memref<1x128xi32, #tpu.memory_space<vmem>>
    %dma_start3A_28 = tpu.memref_squeeze %dma_start3A_27 : memref<1x128xi32, #tpu.memory_space<vmem>> -> memref<128xi32, #tpu.memory_space<vmem>>
    %dma_start3A_29 = arith.constant 0 : i32
    %dma_start3A_30 = arith.constant 0 : i32
    %dma_start3A_31 = tpu.memref_slice %arg2[%dma_start3A_29, %dma_start3A_30] : memref<10240x16xf32, #tpu.memory_space<hbm>> -> memref<10240x16xf32, #tpu.memory_space<hbm>>
    tpu.enqueue_indirect_dma source(%dma_start3A_31 : memref<10240x16xf32, #tpu.memory_space<hbm>>) target(%arg11 : memref<128x16xf32, #tpu.memory_space<vmem>>) offsets(%dma_start3A_28 : memref<128xi32, #tpu.memory_space<vmem>>) semaphore(%arg15 : memref<!tpu.dma_semaphore, #tpu.memory_space<semaphore_mem>>)
    %barrier3A = arith.constant 0 : index
    tpu.barrier barrier_id(%barrier3A)
    %scan3A_32 = arith.constant 0 : i32
    %scan3A_33 = arith.constant 0 : i32
    %scan3A_34 = arith.constant 40 : i32
    %scan3A_35 = arith.addi %scan3A_33, %scan3A_34 : i32
    %scan3A_36 = arith.constant 1 : i32
    scf.for %scan3A_64 = %scan3A_33 to %scan3A_35 step %scan3A_36  : i32 {
      %mul3A_65 = arith.constant 2 : i32
      %mul3A_66 = arith.muli %mul3A_65, %scan3A_64 : i32
      %add3A_67 = arith.constant 1 : i32
      %add3A_68 = arith.addi %mul3A_66, %add3A_67 : i32
      %dma_wait3A = arith.constant 0 : i32
      %dma_wait3A_69 = tpu.memref_slice %arg7[%mul3A_66, %dma_wait3A] : memref<80x128xi32, #tpu.memory_space<vmem>> -> memref<1x128xi32, #tpu.memory_space<vmem>>
      %dma_wait3A_70 = tpu.memref_squeeze %dma_wait3A_69 : memref<1x128xi32, #tpu.memory_space<vmem>> -> memref<128xi32, #tpu.memory_space<vmem>>
      %dma_wait3A_71 = arith.constant 0 : i32
      %dma_wait3A_72 = arith.constant 0 : i32
      %dma_wait3A_73 = tpu.memref_slice %arg2[%dma_wait3A_71, %dma_wait3A_72] : memref<10240x16xf32, #tpu.memory_space<hbm>> -> memref<10240x16xf32, #tpu.memory_space<hbm>>
      tpu.wait_indirect_dma semaphore(%arg14 : memref<!tpu.dma_semaphore, #tpu.memory_space<semaphore_mem>>) src(%dma_wait3A_73 : memref<10240x16xf32, #tpu.memory_space<hbm>>) dst(%arg10 : memref<128x16xf32, #tpu.memory_space<vmem>>)
      %scan3A_74 = arith.constant 0 : i32
      %scan3A_75 = arith.constant 0 : i32
      %scan3A_76 = arith.constant 8 : i32
      %scan3A_77 = arith.addi %scan3A_75, %scan3A_76 : i32
      %scan3A_78 = arith.constant 1 : i32
      scf.for %scan3A_127 = %scan3A_75 to %scan3A_77 step %scan3A_78  : i32 {
        %mul3A_128 = arith.constant 128 : i32
        %mul3A_129 = arith.muli %mul3A_66, %mul3A_128 : i32
        %mul3A_130 = arith.constant 16 : i32
        %mul3A_131 = arith.muli %scan3A_127, %mul3A_130 : i32
        %add3A_132 = arith.addi %mul3A_129, %mul3A_131 : i32
        %get3A = arith.index_cast %add3A_132 : i32 to index
        %get3A_133 = tpu.vector_load %arg9[%get3A] {strides = array<i32>} : memref<10240xf32, #tpu.memory_space<vmem>>, vector<16xf32>,
        %get3A_134 = vector.shape_cast %get3A_133 : vector<16xf32> to vector<16xf32>
        %broadcast_in_dim3A_135 = arith.constant 0 : i32
        %broadcast_in_dim3A_136 = vector.broadcast %broadcast_in_dim3A_135 : i32 to vector<16xi32>
        %lt3A_137 = arith.constant 0 : i32
        %lt3A_138 = vector.broadcast %lt3A_137 : i32 to vector<16xi32>
        %lt3A_139 = arith.cmpi slt, %broadcast_in_dim3A_136, %lt3A_138 : vector<16xi32>
        %add3A_140 = arith.constant 16 : i32
        %add3A_141 = vector.broadcast %add3A_140 : i32 to vector<16xi32>
        %add3A_142 = arith.addi %broadcast_in_dim3A_136, %add3A_141 : vector<16xi32>
        %select_n3A = arith.select %lt3A_139, %add3A_142, %broadcast_in_dim3A_136 : vector<16xi1>, vector<16xi32>
        %broadcast_in_dim3A_143 = vector.shape_cast %select_n3A : vector<16xi32> to vector<16x1xi32>
        %gather3A = vector.shape_cast %broadcast_in_dim3A_143 : vector<16x1xi32> to vector<16xi32>
        %gather3A_144 = tpu.dynamic_gather %get3A_134[%gather3A] in [0] : vector<16xf32>, vector<16xi32> -> vector<16xf32>
        %mul3A_145 = arith.constant 16 : i32
        %mul3A_146 = arith.muli %scan3A_127, %mul3A_145 : i32
        %add3A_147 = arith.constant 0 : i32
        %add3A_148 = arith.addi %mul3A_146, %add3A_147 : i32
        %get3A_149 = arith.index_cast %add3A_148 : i32 to index
        %get3A_150 = arith.constant 0 : index
        %get3A_151 = tpu.vector_load %arg10[%get3A_149, %get3A_150] {strides = array<i32>} : memref<128x16xf32, #tpu.memory_space<vmem>>, vector<1x16xf32>,
        %get3A_152 = vector.shape_cast %get3A_151 : vector<1x16xf32> to vector<16xf32>
        %mul3A_153 = arith.mulf %get3A_152, %gather3A_144 : vector<16xf32>
        %swap3A = arith.index_cast %add3A_148 : i32 to index
        %swap3A_154 = arith.constant 0 : index
        %swap3A_155 = tpu.vector_load %arg10[%swap3A, %swap3A_154] {strides = array<i32>} : memref<128x16xf32, #tpu.memory_space<vmem>>, vector<1x16xf32>,
        %swap3A_156 = vector.shape_cast %swap3A_155 : vector<1x16xf32> to vector<16xf32>
        %swap3A_157 = vector.shape_cast %mul3A_153 : vector<16xf32> to vector<1x16xf32>
        tpu.vector_store %arg10[%swap3A, %swap3A_154], %swap3A_157 {strides = array<i32>} : memref<128x16xf32, #tpu.memory_space<vmem>>, vector<1x16xf32>,
        %broadcast_in_dim3A_158 = arith.constant 1 : i32
        %broadcast_in_dim3A_159 = vector.broadcast %broadcast_in_dim3A_158 : i32 to vector<16xi32>
        %lt3A_160 = arith.constant 0 : i32
        %lt3A_161 = vector.broadcast %lt3A_160 : i32 to vector<16xi32>
        %lt3A_162 = arith.cmpi slt, %broadcast_in_dim3A_159, %lt3A_161 : vector<16xi32>
        %add3A_163 = arith.constant 16 : i32
        %add3A_164 = vector.broadcast %add3A_163 : i32 to vector<16xi32>
        %add3A_165 = arith.addi %broadcast_in_dim3A_159, %add3A_164 : vector<16xi32>
        %select_n3A_166 = arith.select %lt3A_162, %add3A_165, %broadcast_in_dim3A_159 : vector<16xi1>, vector<16xi32>
        %broadcast_in_dim3A_167 = vector.shape_cast %select_n3A_166 : vector<16xi32> to vector<16x1xi32>
        %gather3A_168 = vector.shape_cast %broadcast_in_dim3A_167 : vector<16x1xi32> to vector<16xi32>
        %gather3A_169 = tpu.dynamic_gather %get3A_134[%gather3A_168] in [0] : vector<16xf32>, vector<16xi32> -> vector<16xf32>
        %mul3A_170 = arith.constant 16 : i32
        %mul3A_171 = arith.muli %scan3A_127, %mul3A_170 : i32
        %add3A_172 = arith.constant 1 : i32
        %add3A_173 = arith.addi %mul3A_171, %add3A_172 : i32
        %get3A_174 = arith.index_cast %add3A_173 : i32 to index
        %get3A_175 = arith.constant 0 : index
        %get3A_176 = tpu.vector_load %arg10[%get3A_174, %get3A_175] {strides = array<i32>} : memref<128x16xf32, #tpu.memory_space<vmem>>, vector<1x16xf32>,
        %get3A_177 = vector.shape_cast %get3A_176 : vector<1x16xf32> to vector<16xf32>
        %mul3A_178 = arith.mulf %get3A_177, %gather3A_169 : vector<16xf32>
        %swap3A_179 = arith.index_cast %add3A_173 : i32 to index
        %swap3A_180 = arith.constant 0 : index
        %swap3A_181 = tpu.vector_load %arg10[%swap3A_179, %swap3A_180] {strides = array<i32>} : memref<128x16xf32, #tpu.memory_space<vmem>>, vector<1x16xf32>,
        %swap3A_182 = vector.shape_cast %swap3A_181 : vector<1x16xf32> to vector<16xf32>
        %swap3A_183 = vector.shape_cast %mul3A_178 : vector<16xf32> to vector<1x16xf32>
        tpu.vector_store %arg10[%swap3A_179, %swap3A_180], %swap3A_183 {strides = array<i32>} : memref<128x16xf32, #tpu.memory_space<vmem>>, vector<1x16xf32>,
        %broadcast_in_dim3A_184 = arith.constant 2 : i32
        %broadcast_in_dim3A_185 = vector.broadcast %broadcast_in_dim3A_184 : i32 to vector<16xi32>
        %lt3A_186 = arith.constant 0 : i32
        %lt3A_187 = vector.broadcast %lt3A_186 : i32 to vector<16xi32>
        %lt3A_188 = arith.cmpi slt, %broadcast_in_dim3A_185, %lt3A_187 : vector<16xi32>
        %add3A_189 = arith.constant 16 : i32
        %add3A_190 = vector.broadcast %add3A_189 : i32 to vector<16xi32>
        %add3A_191 = arith.addi %broadcast_in_dim3A_185, %add3A_190 : vector<16xi32>
        %select_n3A_192 = arith.select %lt3A_188, %add3A_191, %broadcast_in_dim3A_185 : vector<16xi1>, vector<16xi32>
        %broadcast_in_dim3A_193 = vector.shape_cast %select_n3A_192 : vector<16xi32> to vector<16x1xi32>
        %gather3A_194 = vector.shape_cast %broadcast_in_dim3A_193 : vector<16x1xi32> to vector<16xi32>
        %gather3A_195 = tpu.dynamic_gather %get3A_134[%gather3A_194] in [0] : vector<16xf32>, vector<16xi32> -> vector<16xf32>
        %mul3A_196 = arith.constant 16 : i32
        %mul3A_197 = arith.muli %scan3A_127, %mul3A_196 : i32
        %add3A_198 = arith.constant 2 : i32
        %add3A_199 = arith.addi %mul3A_197, %add3A_198 : i32
        %get3A_200 = arith.index_cast %add3A_199 : i32 to index
        %get3A_201 = arith.constant 0 : index
        %get3A_202 = tpu.vector_load %arg10[%get3A_200, %get3A_201] {strides = array<i32>} : memref<128x16xf32, #tpu.memory_space<vmem>>, vector<1x16xf32>,
        %get3A_203 = vector.shape_cast %get3A_202 : vector<1x16xf32> to vector<16xf32>
        %mul3A_204 = arith.mulf %get3A_203, %gather3A_195 : vector<16xf32>
        %swap3A_205 = arith.index_cast %add3A_199 : i32 to index
        %swap3A_206 = arith.constant 0 : index
        %swap3A_207 = tpu.vector_load %arg10[%swap3A_205, %swap3A_206] {strides = array<i32>} : memref<128x16xf32, #tpu.memory_space<vmem>>, vector<1x16xf32>,
        %swap3A_208 = vector.shape_cast %swap3A_207 : vector<1x16xf32> to vector<16xf32>
        %swap3A_209 = vector.shape_cast %mul3A_204 : vector<16xf32> to vector<1x16xf32>
        tpu.vector_store %arg10[%swap3A_205, %swap3A_206], %swap3A_209 {strides = array<i32>} : memref<128x16xf32, #tpu.memory_space<vmem>>, vector<1x16xf32>,
        %broadcast_in_dim3A_210 = arith.constant 3 : i32
        %broadcast_in_dim3A_211 = vector.broadcast %broadcast_in_dim3A_210 : i32 to vector<16xi32>
        %lt3A_212 = arith.constant 0 : i32
        %lt3A_213 = vector.broadcast %lt3A_212 : i32 to vector<16xi32>
        %lt3A_214 = arith.cmpi slt, %broadcast_in_dim3A_211, %lt3A_213 : vector<16xi32>
        %add3A_215 = arith.constant 16 : i32
        %add3A_216 = vector.broadcast %add3A_215 : i32 to vector<16xi32>
        %add3A_217 = arith.addi %broadcast_in_dim3A_211, %add3A_216 : vector<16xi32>
        %select_n3A_218 = arith.select %lt3A_214, %add3A_217, %broadcast_in_dim3A_211 : vector<16xi1>, vector<16xi32>
        %broadcast_in_dim3A_219 = vector.shape_cast %select_n3A_218 : vector<16xi32> to vector<16x1xi32>
        %gather3A_220 = vector.shape_cast %broadcast_in_dim3A_219 : vector<16x1xi32> to vector<16xi32>
        %gather3A_221 = tpu.dynamic_gather %get3A_134[%gather3A_220] in [0] : vector<16xf32>, vector<16xi32> -> vector<16xf32>
        %mul3A_222 = arith.constant 16 : i32
        %mul3A_223 = arith.muli %scan3A_127, %mul3A_222 : i32
        %add3A_224 = arith.constant 3 : i32
        %add3A_225 = arith.addi %mul3A_223, %add3A_224 : i32
        %get3A_226 = arith.index_cast %add3A_225 : i32 to index
        %get3A_227 = arith.constant 0 : index
        %get3A_228 = tpu.vector_load %arg10[%get3A_226, %get3A_227] {strides = array<i32>} : memref<128x16xf32, #tpu.memory_space<vmem>>, vector<1x16xf32>,
        %get3A_229 = vector.shape_cast %get3A_228 : vector<1x16xf32> to vector<16xf32>
        %mul3A_230 = arith.mulf %get3A_229, %gather3A_221 : vector<16xf32>
        %swap3A_231 = arith.index_cast %add3A_225 : i32 to index
        %swap3A_232 = arith.constant 0 : index
        %swap3A_233 = tpu.vector_load %arg10[%swap3A_231, %swap3A_232] {strides = array<i32>} : memref<128x16xf32, #tpu.memory_space<vmem>>, vector<1x16xf32>,
        %swap3A_234 = vector.shape_cast %swap3A_233 : vector<1x16xf32> to vector<16xf32>
        %swap3A_235 = vector.shape_cast %mul3A_230 : vector<16xf32> to vector<1x16xf32>
        tpu.vector_store %arg10[%swap3A_231, %swap3A_232], %swap3A_235 {strides = array<i32>} : memref<128x16xf32, #tpu.memory_space<vmem>>, vector<1x16xf32>,
        %broadcast_in_dim3A_236 = arith.constant 4 : i32
        %broadcast_in_dim3A_237 = vector.broadcast %broadcast_in_dim3A_236 : i32 to vector<16xi32>
        %lt3A_238 = arith.constant 0 : i32
        %lt3A_239 = vector.broadcast %lt3A_238 : i32 to vector<16xi32>
        %lt3A_240 = arith.cmpi slt, %broadcast_in_dim3A_237, %lt3A_239 : vector<16xi32>
        %add3A_241 = arith.constant 16 : i32
        %add3A_242 = vector.broadcast %add3A_241 : i32 to vector<16xi32>
        %add3A_243 = arith.addi %broadcast_in_dim3A_237, %add3A_242 : vector<16xi32>
        %select_n3A_244 = arith.select %lt3A_240, %add3A_243, %broadcast_in_dim3A_237 : vector<16xi1>, vector<16xi32>
        %broadcast_in_dim3A_245 = vector.shape_cast %select_n3A_244 : vector<16xi32> to vector<16x1xi32>
        %gather3A_246 = vector.shape_cast %broadcast_in_dim3A_245 : vector<16x1xi32> to vector<16xi32>
        %gather3A_247 = tpu.dynamic_gather %get3A_134[%gather3A_246] in [0] : vector<16xf32>, vector<16xi32> -> vector<16xf32>
        %mul3A_248 = arith.constant 16 : i32
        %mul3A_249 = arith.muli %scan3A_127, %mul3A_248 : i32
        %add3A_250 = arith.constant 4 : i32
        %add3A_251 = arith.addi %mul3A_249, %add3A_250 : i32
        %get3A_252 = arith.index_cast %add3A_251 : i32 to index
        %get3A_253 = arith.constant 0 : index
        %get3A_254 = tpu.vector_load %arg10[%get3A_252, %get3A_253] {strides = array<i32>} : memref<128x16xf32, #tpu.memory_space<vmem>>, vector<1x16xf32>,
        %get3A_255 = vector.shape_cast %get3A_254 : vector<1x16xf32> to vector<16xf32>
        %mul3A_256 = arith.mulf %get3A_255, %gather3A_247 : vector<16xf32>
        %swap3A_257 = arith.index_cast %add3A_251 : i32 to index
        %swap3A_258 = arith.constant 0 : index
        %swap3A_259 = tpu.vector_load %arg10[%swap3A_257, %swap3A_258] {strides = array<i32>} : memref<128x16xf32, #tpu.memory_space<vmem>>, vector<1x16xf32>,
        %swap3A_260 = vector.shape_cast %swap3A_259 : vector<1x16xf32> to vector<16xf32>
        %swap3A_261 = vector.shape_cast %mul3A_256 : vector<16xf32> to vector<1x16xf32>
        tpu.vector_store %arg10[%swap3A_257, %swap3A_258], %swap3A_261 {strides = array<i32>} : memref<128x16xf32, #tpu.memory_space<vmem>>, vector<1x16xf32>,
        %broadcast_in_dim3A_262 = arith.constant 5 : i32
        %broadcast_in_dim3A_263 = vector.broadcast %broadcast_in_dim3A_262 : i32 to vector<16xi32>
        %lt3A_264 = arith.constant 0 : i32
        %lt3A_265 = vector.broadcast %lt3A_264 : i32 to vector<16xi32>
        %lt3A_266 = arith.cmpi slt, %broadcast_in_dim3A_263, %lt3A_265 : vector<16xi32>
        %add3A_267 = arith.constant 16 : i32
        %add3A_268 = vector.broadcast %add3A_267 : i32 to vector<16xi32>
        %add3A_269 = arith.addi %broadcast_in_dim3A_263, %add3A_268 : vector<16xi32>
        %select_n3A_270 = arith.select %lt3A_266, %add3A_269, %broadcast_in_dim3A_263 : vector<16xi1>, vector<16xi32>
        %broadcast_in_dim3A_271 = vector.shape_cast %select_n3A_270 : vector<16xi32> to vector<16x1xi32>
        %gather3A_272 = vector.shape_cast %broadcast_in_dim3A_271 : vector<16x1xi32> to vector<16xi32>
        %gather3A_273 = tpu.dynamic_gather %get3A_134[%gather3A_272] in [0] : vector<16xf32>, vector<16xi32> -> vector<16xf32>
        %mul3A_274 = arith.constant 16 : i32
        %mul3A_275 = arith.muli %scan3A_127, %mul3A_274 : i32
        %add3A_276 = arith.constant 5 : i32
        %add3A_277 = arith.addi %mul3A_275, %add3A_276 : i32
        %get3A_278 = arith.index_cast %add3A_277 : i32 to index
        %get3A_279 = arith.constant 0 : index
        %get3A_280 = tpu.vector_load %arg10[%get3A_278, %get3A_279] {strides = array<i32>} : memref<128x16xf32, #tpu.memory_space<vmem>>, vector<1x16xf32>,
        %get3A_281 = vector.shape_cast %get3A_280 : vector<1x16xf32> to vector<16xf32>
        %mul3A_282 = arith.mulf %get3A_281, %gather3A_273 : vector<16xf32>
        %swap3A_283 = arith.index_cast %add3A_277 : i32 to index
        %swap3A_284 = arith.constant 0 : index
        %swap3A_285 = tpu.vector_load %arg10[%swap3A_283, %swap3A_284] {strides = array<i32>} : memref<128x16xf32, #tpu.memory_space<vmem>>, vector<1x16xf32>,
        %swap3A_286 = vector.shape_cast %swap3A_285 : vector<1x16xf32> to vector<16xf32>
        %swap3A_287 = vector.shape_cast %mul3A_282 : vector<16xf32> to vector<1x16xf32>
        tpu.vector_store %arg10[%swap3A_283, %swap3A_284], %swap3A_287 {strides = array<i32>} : memref<128x16xf32, #tpu.memory_space<vmem>>, vector<1x16xf32>,
        %broadcast_in_dim3A_288 = arith.constant 6 : i32
        %broadcast_in_dim3A_289 = vector.broadcast %broadcast_in_dim3A_288 : i32 to vector<16xi32>
        %lt3A_290 = arith.constant 0 : i32
        %lt3A_291 = vector.broadcast %lt3A_290 : i32 to vector<16xi32>
        %lt3A_292 = arith.cmpi slt, %broadcast_in_dim3A_289, %lt3A_291 : vector<16xi32>
        %add3A_293 = arith.constant 16 : i32
        %add3A_294 = vector.broadcast %add3A_293 : i32 to vector<16xi32>
        %add3A_295 = arith.addi %broadcast_in_dim3A_289, %add3A_294 : vector<16xi32>
        %select_n3A_296 = arith.select %lt3A_292, %add3A_295, %broadcast_in_dim3A_289 : vector<16xi1>, vector<16xi32>
        %broadcast_in_dim3A_297 = vector.shape_cast %select_n3A_296 : vector<16xi32> to vector<16x1xi32>
        %gather3A_298 = vector.shape_cast %broadcast_in_dim3A_297 : vector<16x1xi32> to vector<16xi32>
        %gather3A_299 = tpu.dynamic_gather %get3A_134[%gather3A_298] in [0] : vector<16xf32>, vector<16xi32> -> vector<16xf32>
        %mul3A_300 = arith.constant 16 : i32
        %mul3A_301 = arith.muli %scan3A_127, %mul3A_300 : i32
        %add3A_302 = arith.constant 6 : i32
        %add3A_303 = arith.addi %mul3A_301, %add3A_302 : i32
        %get3A_304 = arith.index_cast %add3A_303 : i32 to index
        %get3A_305 = arith.constant 0 : index
        %get3A_306 = tpu.vector_load %arg10[%get3A_304, %get3A_305] {strides = array<i32>} : memref<128x16xf32, #tpu.memory_space<vmem>>, vector<1x16xf32>,
        %get3A_307 = vector.shape_cast %get3A_306 : vector<1x16xf32> to vector<16xf32>
        %mul3A_308 = arith.mulf %get3A_307, %gather3A_299 : vector<16xf32>
        %swap3A_309 = arith.index_cast %add3A_303 : i32 to index
        %swap3A_310 = arith.constant 0 : index
        %swap3A_311 = tpu.vector_load %arg10[%swap3A_309, %swap3A_310] {strides = array<i32>} : memref<128x16xf32, #tpu.memory_space<vmem>>, vector<1x16xf32>,
        %swap3A_312 = vector.shape_cast %swap3A_311 : vector<1x16xf32> to vector<16xf32>
        %swap3A_313 = vector.shape_cast %mul3A_308 : vector<16xf32> to vector<1x16xf32>
        tpu.vector_store %arg10[%swap3A_309, %swap3A_310], %swap3A_313 {strides = array<i32>} : memref<128x16xf32, #tpu.memory_space<vmem>>, vector<1x16xf32>,
        %broadcast_in_dim3A_314 = arith.constant 7 : i32
        %broadcast_in_dim3A_315 = vector.broadcast %broadcast_in_dim3A_314 : i32 to vector<16xi32>
        %lt3A_316 = arith.constant 0 : i32
        %lt3A_317 = vector.broadcast %lt3A_316 : i32 to vector<16xi32>
        %lt3A_318 = arith.cmpi slt, %broadcast_in_dim3A_315, %lt3A_317 : vector<16xi32>
        %add3A_319 = arith.constant 16 : i32
        %add3A_320 = vector.broadcast %add3A_319 : i32 to vector<16xi32>
        %add3A_321 = arith.addi %broadcast_in_dim3A_315, %add3A_320 : vector<16xi32>
        %select_n3A_322 = arith.select %lt3A_318, %add3A_321, %broadcast_in_dim3A_315 : vector<16xi1>, vector<16xi32>
        %broadcast_in_dim3A_323 = vector.shape_cast %select_n3A_322 : vector<16xi32> to vector<16x1xi32>
        %gather3A_324 = vector.shape_cast %broadcast_in_dim3A_323 : vector<16x1xi32> to vector<16xi32>
        %gather3A_325 = tpu.dynamic_gather %get3A_134[%gather3A_324] in [0] : vector<16xf32>, vector<16xi32> -> vector<16xf32>
        %mul3A_326 = arith.constant 16 : i32
        %mul3A_327 = arith.muli %scan3A_127, %mul3A_326 : i32
        %add3A_328 = arith.constant 7 : i32
        %add3A_329 = arith.addi %mul3A_327, %add3A_328 : i32
        %get3A_330 = arith.index_cast %add3A_329 : i32 to index
        %get3A_331 = arith.constant 0 : index
        %get3A_332 = tpu.vector_load %arg10[%get3A_330, %get3A_331] {strides = array<i32>} : memref<128x16xf32, #tpu.memory_space<vmem>>, vector<1x16xf32>,
        %get3A_333 = vector.shape_cast %get3A_332 : vector<1x16xf32> to vector<16xf32>
        %mul3A_334 = arith.mulf %get3A_333, %gather3A_325 : vector<16xf32>
        %swap3A_335 = arith.index_cast %add3A_329 : i32 to index
        %swap3A_336 = arith.constant 0 : index
        %swap3A_337 = tpu.vector_load %arg10[%swap3A_335, %swap3A_336] {strides = array<i32>} : memref<128x16xf32, #tpu.memory_space<vmem>>, vector<1x16xf32>,
        %swap3A_338 = vector.shape_cast %swap3A_337 : vector<1x16xf32> to vector<16xf32>
        %swap3A_339 = vector.shape_cast %mul3A_334 : vector<16xf32> to vector<1x16xf32>
        tpu.vector_store %arg10[%swap3A_335, %swap3A_336], %swap3A_339 {strides = array<i32>} : memref<128x16xf32, #tpu.memory_space<vmem>>, vector<1x16xf32>,
        %broadcast_in_dim3A_340 = arith.constant 8 : i32
        %broadcast_in_dim3A_341 = vector.broadcast %broadcast_in_dim3A_340 : i32 to vector<16xi32>
        %lt3A_342 = arith.constant 0 : i32
        %lt3A_343 = vector.broadcast %lt3A_342 : i32 to vector<16xi32>
        %lt3A_344 = arith.cmpi slt, %broadcast_in_dim3A_341, %lt3A_343 : vector<16xi32>
        %add3A_345 = arith.constant 16 : i32
        %add3A_346 = vector.broadcast %add3A_345 : i32 to vector<16xi32>
        %add3A_347 = arith.addi %broadcast_in_dim3A_341, %add3A_346 : vector<16xi32>
        %select_n3A_348 = arith.select %lt3A_344, %add3A_347, %broadcast_in_dim3A_341 : vector<16xi1>, vector<16xi32>
        %broadcast_in_dim3A_349 = vector.shape_cast %select_n3A_348 : vector<16xi32> to vector<16x1xi32>
        %gather3A_350 = vector.shape_cast %broadcast_in_dim3A_349 : vector<16x1xi32> to vector<16xi32>
        %gather3A_351 = tpu.dynamic_gather %get3A_134[%gather3A_350] in [0] : vector<16xf32>, vector<16xi32> -> vector<16xf32>
        %mul3A_352 = arith.constant 16 : i32
        %mul3A_353 = arith.muli %scan3A_127, %mul3A_352 : i32
        %add3A_354 = arith.constant 8 : i32
        %add3A_355 = arith.addi %mul3A_353, %add3A_354 : i32
        %get3A_356 = arith.index_cast %add3A_355 : i32 to index
        %get3A_357 = arith.constant 0 : index
        %get3A_358 = tpu.vector_load %arg10[%get3A_356, %get3A_357] {strides = array<i32>} : memref<128x16xf32, #tpu.memory_space<vmem>>, vector<1x16xf32>,
        %get3A_359 = vector.shape_cast %get3A_358 : vector<1x16xf32> to vector<16xf32>
        %mul3A_360 = arith.mulf %get3A_359, %gather3A_351 : vector<16xf32>
        %swap3A_361 = arith.index_cast %add3A_355 : i32 to index
        %swap3A_362 = arith.constant 0 : index
        %swap3A_363 = tpu.vector_load %arg10[%swap3A_361, %swap3A_362] {strides = array<i32>} : memref<128x16xf32, #tpu.memory_space<vmem>>, vector<1x16xf32>,
        %swap3A_364 = vector.shape_cast %swap3A_363 : vector<1x16xf32> to vector<16xf32>
        %swap3A_365 = vector.shape_cast %mul3A_360 : vector<16xf32> to vector<1x16xf32>
        tpu.vector_store %arg10[%swap3A_361, %swap3A_362], %swap3A_365 {strides = array<i32>} : memref<128x16xf32, #tpu.memory_space<vmem>>, vector<1x16xf32>,
        %broadcast_in_dim3A_366 = arith.constant 9 : i32
        %broadcast_in_dim3A_367 = vector.broadcast %broadcast_in_dim3A_366 : i32 to vector<16xi32>
        %lt3A_368 = arith.constant 0 : i32
        %lt3A_369 = vector.broadcast %lt3A_368 : i32 to vector<16xi32>
        %lt3A_370 = arith.cmpi slt, %broadcast_in_dim3A_367, %lt3A_369 : vector<16xi32>
        %add3A_371 = arith.constant 16 : i32
        %add3A_372 = vector.broadcast %add3A_371 : i32 to vector<16xi32>
        %add3A_373 = arith.addi %broadcast_in_dim3A_367, %add3A_372 : vector<16xi32>
        %select_n3A_374 = arith.select %lt3A_370, %add3A_373, %broadcast_in_dim3A_367 : vector<16xi1>, vector<16xi32>
        %broadcast_in_dim3A_375 = vector.shape_cast %select_n3A_374 : vector<16xi32> to vector<16x1xi32>
        %gather3A_376 = vector.shape_cast %broadcast_in_dim3A_375 : vector<16x1xi32> to vector<16xi32>
        %gather3A_377 = tpu.dynamic_gather %get3A_134[%gather3A_376] in [0] : vector<16xf32>, vector<16xi32> -> vector<16xf32>
        %mul3A_378 = arith.constant 16 : i32
        %mul3A_379 = arith.muli %scan3A_127, %mul3A_378 : i32
        %add3A_380 = arith.constant 9 : i32
        %add3A_381 = arith.addi %mul3A_379, %add3A_380 : i32
        %get3A_382 = arith.index_cast %add3A_381 : i32 to index
        %get3A_383 = arith.constant 0 : index
        %get3A_384 = tpu.vector_load %arg10[%get3A_382, %get3A_383] {strides = array<i32>} : memref<128x16xf32, #tpu.memory_space<vmem>>, vector<1x16xf32>,
        %get3A_385 = vector.shape_cast %get3A_384 : vector<1x16xf32> to vector<16xf32>
        %mul3A_386 = arith.mulf %get3A_385, %gather3A_377 : vector<16xf32>
        %swap3A_387 = arith.index_cast %add3A_381 : i32 to index
        %swap3A_388 = arith.constant 0 : index
        %swap3A_389 = tpu.vector_load %arg10[%swap3A_387, %swap3A_388] {strides = array<i32>} : memref<128x16xf32, #tpu.memory_space<vmem>>, vector<1x16xf32>,
        %swap3A_390 = vector.shape_cast %swap3A_389 : vector<1x16xf32> to vector<16xf32>
        %swap3A_391 = vector.shape_cast %mul3A_386 : vector<16xf32> to vector<1x16xf32>
        tpu.vector_store %arg10[%swap3A_387, %swap3A_388], %swap3A_391 {strides = array<i32>} : memref<128x16xf32, #tpu.memory_space<vmem>>, vector<1x16xf32>,
        %broadcast_in_dim3A_392 = arith.constant 10 : i32
        %broadcast_in_dim3A_393 = vector.broadcast %broadcast_in_dim3A_392 : i32 to vector<16xi32>
        %lt3A_394 = arith.constant 0 : i32
        %lt3A_395 = vector.broadcast %lt3A_394 : i32 to vector<16xi32>
        %lt3A_396 = arith.cmpi slt, %broadcast_in_dim3A_393, %lt3A_395 : vector<16xi32>
        %add3A_397 = arith.constant 16 : i32
        %add3A_398 = vector.broadcast %add3A_397 : i32 to vector<16xi32>
        %add3A_399 = arith.addi %broadcast_in_dim3A_393, %add3A_398 : vector<16xi32>
        %select_n3A_400 = arith.select %lt3A_396, %add3A_399, %broadcast_in_dim3A_393 : vector<16xi1>, vector<16xi32>
        %broadcast_in_dim3A_401 = vector.shape_cast %select_n3A_400 : vector<16xi32> to vector<16x1xi32>
        %gather3A_402 = vector.shape_cast %broadcast_in_dim3A_401 : vector<16x1xi32> to vector<16xi32>
        %gather3A_403 = tpu.dynamic_gather %get3A_134[%gather3A_402] in [0] : vector<16xf32>, vector<16xi32> -> vector<16xf32>
        %mul3A_404 = arith.constant 16 : i32
        %mul3A_405 = arith.muli %scan3A_127, %mul3A_404 : i32
        %add3A_406 = arith.constant 10 : i32
        %add3A_407 = arith.addi %mul3A_405, %add3A_406 : i32
        %get3A_408 = arith.index_cast %add3A_407 : i32 to index
        %get3A_409 = arith.constant 0 : index
        %get3A_410 = tpu.vector_load %arg10[%get3A_408, %get3A_409] {strides = array<i32>} : memref<128x16xf32, #tpu.memory_space<vmem>>, vector<1x16xf32>,
        %get3A_411 = vector.shape_cast %get3A_410 : vector<1x16xf32> to vector<16xf32>
        %mul3A_412 = arith.mulf %get3A_411, %gather3A_403 : vector<16xf32>
        %swap3A_413 = arith.index_cast %add3A_407 : i32 to index
        %swap3A_414 = arith.constant 0 : index
        %swap3A_415 = tpu.vector_load %arg10[%swap3A_413, %swap3A_414] {strides = array<i32>} : memref<128x16xf32, #tpu.memory_space<vmem>>, vector<1x16xf32>,
        %swap3A_416 = vector.shape_cast %swap3A_415 : vector<1x16xf32> to vector<16xf32>
        %swap3A_417 = vector.shape_cast %mul3A_412 : vector<16xf32> to vector<1x16xf32>
        tpu.vector_store %arg10[%swap3A_413, %swap3A_414], %swap3A_417 {strides = array<i32>} : memref<128x16xf32, #tpu.memory_space<vmem>>, vector<1x16xf32>,
        %broadcast_in_dim3A_418 = arith.constant 11 : i32
        %broadcast_in_dim3A_419 = vector.broadcast %broadcast_in_dim3A_418 : i32 to vector<16xi32>
        %lt3A_420 = arith.constant 0 : i32
        %lt3A_421 = vector.broadcast %lt3A_420 : i32 to vector<16xi32>
        %lt3A_422 = arith.cmpi slt, %broadcast_in_dim3A_419, %lt3A_421 : vector<16xi32>
        %add3A_423 = arith.constant 16 : i32
        %add3A_424 = vector.broadcast %add3A_423 : i32 to vector<16xi32>
        %add3A_425 = arith.addi %broadcast_in_dim3A_419, %add3A_424 : vector<16xi32>
        %select_n3A_426 = arith.select %lt3A_422, %add3A_425, %broadcast_in_dim3A_419 : vector<16xi1>, vector<16xi32>
        %broadcast_in_dim3A_427 = vector.shape_cast %select_n3A_426 : vector<16xi32> to vector<16x1xi32>
        %gather3A_428 = vector.shape_cast %broadcast_in_dim3A_427 : vector<16x1xi32> to vector<16xi32>
        %gather3A_429 = tpu.dynamic_gather %get3A_134[%gather3A_428] in [0] : vector<16xf32>, vector<16xi32> -> vector<16xf32>
        %mul3A_430 = arith.constant 16 : i32
        %mul3A_431 = arith.muli %scan3A_127, %mul3A_430 : i32
        %add3A_432 = arith.constant 11 : i32
        %add3A_433 = arith.addi %mul3A_431, %add3A_432 : i32
        %get3A_434 = arith.index_cast %add3A_433 : i32 to index
        %get3A_435 = arith.constant 0 : index
        %get3A_436 = tpu.vector_load %arg10[%get3A_434, %get3A_435] {strides = array<i32>} : memref<128x16xf32, #tpu.memory_space<vmem>>, vector<1x16xf32>,
        %get3A_437 = vector.shape_cast %get3A_436 : vector<1x16xf32> to vector<16xf32>
        %mul3A_438 = arith.mulf %get3A_437, %gather3A_429 : vector<16xf32>
        %swap3A_439 = arith.index_cast %add3A_433 : i32 to index
        %swap3A_440 = arith.constant 0 : index
        %swap3A_441 = tpu.vector_load %arg10[%swap3A_439, %swap3A_440] {strides = array<i32>} : memref<128x16xf32, #tpu.memory_space<vmem>>, vector<1x16xf32>,
        %swap3A_442 = vector.shape_cast %swap3A_441 : vector<1x16xf32> to vector<16xf32>
        %swap3A_443 = vector.shape_cast %mul3A_438 : vector<16xf32> to vector<1x16xf32>
        tpu.vector_store %arg10[%swap3A_439, %swap3A_440], %swap3A_443 {strides = array<i32>} : memref<128x16xf32, #tpu.memory_space<vmem>>, vector<1x16xf32>,
        %broadcast_in_dim3A_444 = arith.constant 12 : i32
        %broadcast_in_dim3A_445 = vector.broadcast %broadcast_in_dim3A_444 : i32 to vector<16xi32>
        %lt3A_446 = arith.constant 0 : i32
        %lt3A_447 = vector.broadcast %lt3A_446 : i32 to vector<16xi32>
        %lt3A_448 = arith.cmpi slt, %broadcast_in_dim3A_445, %lt3A_447 : vector<16xi32>
        %add3A_449 = arith.constant 16 : i32
        %add3A_450 = vector.broadcast %add3A_449 : i32 to vector<16xi32>
        %add3A_451 = arith.addi %broadcast_in_dim3A_445, %add3A_450 : vector<16xi32>
        %select_n3A_452 = arith.select %lt3A_448, %add3A_451, %broadcast_in_dim3A_445 : vector<16xi1>, vector<16xi32>
        %broadcast_in_dim3A_453 = vector.shape_cast %select_n3A_452 : vector<16xi32> to vector<16x1xi32>
        %gather3A_454 = vector.shape_cast %broadcast_in_dim3A_453 : vector<16x1xi32> to vector<16xi32>
        %gather3A_455 = tpu.dynamic_gather %get3A_134[%gather3A_454] in [0] : vector<16xf32>, vector<16xi32> -> vector<16xf32>
        %mul3A_456 = arith.constant 16 : i32
        %mul3A_457 = arith.muli %scan3A_127, %mul3A_456 : i32
        %add3A_458 = arith.constant 12 : i32
        %add3A_459 = arith.addi %mul3A_457, %add3A_458 : i32
        %get3A_460 = arith.index_cast %add3A_459 : i32 to index
        %get3A_461 = arith.constant 0 : index
        %get3A_462 = tpu.vector_load %arg10[%get3A_460, %get3A_461] {strides = array<i32>} : memref<128x16xf32, #tpu.memory_space<vmem>>, vector<1x16xf32>,
        %get3A_463 = vector.shape_cast %get3A_462 : vector<1x16xf32> to vector<16xf32>
        %mul3A_464 = arith.mulf %get3A_463, %gather3A_455 : vector<16xf32>
        %swap3A_465 = arith.index_cast %add3A_459 : i32 to index
        %swap3A_466 = arith.constant 0 : index
        %swap3A_467 = tpu.vector_load %arg10[%swap3A_465, %swap3A_466] {strides = array<i32>} : memref<128x16xf32, #tpu.memory_space<vmem>>, vector<1x16xf32>,
        %swap3A_468 = vector.shape_cast %swap3A_467 : vector<1x16xf32> to vector<16xf32>
        %swap3A_469 = vector.shape_cast %mul3A_464 : vector<16xf32> to vector<1x16xf32>
        tpu.vector_store %arg10[%swap3A_465, %swap3A_466], %swap3A_469 {strides = array<i32>} : memref<128x16xf32, #tpu.memory_space<vmem>>, vector<1x16xf32>,
        %broadcast_in_dim3A_470 = arith.constant 13 : i32
        %broadcast_in_dim3A_471 = vector.broadcast %broadcast_in_dim3A_470 : i32 to vector<16xi32>
        %lt3A_472 = arith.constant 0 : i32
        %lt3A_473 = vector.broadcast %lt3A_472 : i32 to vector<16xi32>
        %lt3A_474 = arith.cmpi slt, %broadcast_in_dim3A_471, %lt3A_473 : vector<16xi32>
        %add3A_475 = arith.constant 16 : i32
        %add3A_476 = vector.broadcast %add3A_475 : i32 to vector<16xi32>
        %add3A_477 = arith.addi %broadcast_in_dim3A_471, %add3A_476 : vector<16xi32>
        %select_n3A_478 = arith.select %lt3A_474, %add3A_477, %broadcast_in_dim3A_471 : vector<16xi1>, vector<16xi32>
        %broadcast_in_dim3A_479 = vector.shape_cast %select_n3A_478 : vector<16xi32> to vector<16x1xi32>
        %gather3A_480 = vector.shape_cast %broadcast_in_dim3A_479 : vector<16x1xi32> to vector<16xi32>
        %gather3A_481 = tpu.dynamic_gather %get3A_134[%gather3A_480] in [0] : vector<16xf32>, vector<16xi32> -> vector<16xf32>
        %mul3A_482 = arith.constant 16 : i32
        %mul3A_483 = arith.muli %scan3A_127, %mul3A_482 : i32
        %add3A_484 = arith.constant 13 : i32
        %add3A_485 = arith.addi %mul3A_483, %add3A_484 : i32
        %get3A_486 = arith.index_cast %add3A_485 : i32 to index
        %get3A_487 = arith.constant 0 : index
        %get3A_488 = tpu.vector_load %arg10[%get3A_486, %get3A_487] {strides = array<i32>} : memref<128x16xf32, #tpu.memory_space<vmem>>, vector<1x16xf32>,
        %get3A_489 = vector.shape_cast %get3A_488 : vector<1x16xf32> to vector<16xf32>
        %mul3A_490 = arith.mulf %get3A_489, %gather3A_481 : vector<16xf32>
        %swap3A_491 = arith.index_cast %add3A_485 : i32 to index
        %swap3A_492 = arith.constant 0 : index
        %swap3A_493 = tpu.vector_load %arg10[%swap3A_491, %swap3A_492] {strides = array<i32>} : memref<128x16xf32, #tpu.memory_space<vmem>>, vector<1x16xf32>,
        %swap3A_494 = vector.shape_cast %swap3A_493 : vector<1x16xf32> to vector<16xf32>
        %swap3A_495 = vector.shape_cast %mul3A_490 : vector<16xf32> to vector<1x16xf32>
        tpu.vector_store %arg10[%swap3A_491, %swap3A_492], %swap3A_495 {strides = array<i32>} : memref<128x16xf32, #tpu.memory_space<vmem>>, vector<1x16xf32>,
        %broadcast_in_dim3A_496 = arith.constant 14 : i32
        %broadcast_in_dim3A_497 = vector.broadcast %broadcast_in_dim3A_496 : i32 to vector<16xi32>
        %lt3A_498 = arith.constant 0 : i32
        %lt3A_499 = vector.broadcast %lt3A_498 : i32 to vector<16xi32>
        %lt3A_500 = arith.cmpi slt, %broadcast_in_dim3A_497, %lt3A_499 : vector<16xi32>
        %add3A_501 = arith.constant 16 : i32
        %add3A_502 = vector.broadcast %add3A_501 : i32 to vector<16xi32>
        %add3A_503 = arith.addi %broadcast_in_dim3A_497, %add3A_502 : vector<16xi32>
        %select_n3A_504 = arith.select %lt3A_500, %add3A_503, %broadcast_in_dim3A_497 : vector<16xi1>, vector<16xi32>
        %broadcast_in_dim3A_505 = vector.shape_cast %select_n3A_504 : vector<16xi32> to vector<16x1xi32>
        %gather3A_506 = vector.shape_cast %broadcast_in_dim3A_505 : vector<16x1xi32> to vector<16xi32>
        %gather3A_507 = tpu.dynamic_gather %get3A_134[%gather3A_506] in [0] : vector<16xf32>, vector<16xi32> -> vector<16xf32>
        %mul3A_508 = arith.constant 16 : i32
        %mul3A_509 = arith.muli %scan3A_127, %mul3A_508 : i32
        %add3A_510 = arith.constant 14 : i32
        %add3A_511 = arith.addi %mul3A_509, %add3A_510 : i32
        %get3A_512 = arith.index_cast %add3A_511 : i32 to index
        %get3A_513 = arith.constant 0 : index
        %get3A_514 = tpu.vector_load %arg10[%get3A_512, %get3A_513] {strides = array<i32>} : memref<128x16xf32, #tpu.memory_space<vmem>>, vector<1x16xf32>,
        %get3A_515 = vector.shape_cast %get3A_514 : vector<1x16xf32> to vector<16xf32>
        %mul3A_516 = arith.mulf %get3A_515, %gather3A_507 : vector<16xf32>
        %swap3A_517 = arith.index_cast %add3A_511 : i32 to index
        %swap3A_518 = arith.constant 0 : index
        %swap3A_519 = tpu.vector_load %arg10[%swap3A_517, %swap3A_518] {strides = array<i32>} : memref<128x16xf32, #tpu.memory_space<vmem>>, vector<1x16xf32>,
        %swap3A_520 = vector.shape_cast %swap3A_519 : vector<1x16xf32> to vector<16xf32>
        %swap3A_521 = vector.shape_cast %mul3A_516 : vector<16xf32> to vector<1x16xf32>
        tpu.vector_store %arg10[%swap3A_517, %swap3A_518], %swap3A_521 {strides = array<i32>} : memref<128x16xf32, #tpu.memory_space<vmem>>, vector<1x16xf32>,
        %broadcast_in_dim3A_522 = arith.constant 15 : i32
        %broadcast_in_dim3A_523 = vector.broadcast %broadcast_in_dim3A_522 : i32 to vector<16xi32>
        %lt3A_524 = arith.constant 0 : i32
        %lt3A_525 = vector.broadcast %lt3A_524 : i32 to vector<16xi32>
        %lt3A_526 = arith.cmpi slt, %broadcast_in_dim3A_523, %lt3A_525 : vector<16xi32>
        %add3A_527 = arith.constant 16 : i32
        %add3A_528 = vector.broadcast %add3A_527 : i32 to vector<16xi32>
        %add3A_529 = arith.addi %broadcast_in_dim3A_523, %add3A_528 : vector<16xi32>
        %select_n3A_530 = arith.select %lt3A_526, %add3A_529, %broadcast_in_dim3A_523 : vector<16xi1>, vector<16xi32>
        %broadcast_in_dim3A_531 = vector.shape_cast %select_n3A_530 : vector<16xi32> to vector<16x1xi32>
        %gather3A_532 = vector.shape_cast %broadcast_in_dim3A_531 : vector<16x1xi32> to vector<16xi32>
        %gather3A_533 = tpu.dynamic_gather %get3A_134[%gather3A_532] in [0] : vector<16xf32>, vector<16xi32> -> vector<16xf32>
        %mul3A_534 = arith.constant 16 : i32
        %mul3A_535 = arith.muli %scan3A_127, %mul3A_534 : i32
        %add3A_536 = arith.constant 15 : i32
        %add3A_537 = arith.addi %mul3A_535, %add3A_536 : i32
        %get3A_538 = arith.index_cast %add3A_537 : i32 to index
        %get3A_539 = arith.constant 0 : index
        %get3A_540 = tpu.vector_load %arg10[%get3A_538, %get3A_539] {strides = array<i32>} : memref<128x16xf32, #tpu.memory_space<vmem>>, vector<1x16xf32>,
        %get3A_541 = vector.shape_cast %get3A_540 : vector<1x16xf32> to vector<16xf32>
        %mul3A_542 = arith.mulf %get3A_541, %gather3A_533 : vector<16xf32>
        %swap3A_543 = arith.index_cast %add3A_537 : i32 to index
        %swap3A_544 = arith.constant 0 : index
        %swap3A_545 = tpu.vector_load %arg10[%swap3A_543, %swap3A_544] {strides = array<i32>} : memref<128x16xf32, #tpu.memory_space<vmem>>, vector<1x16xf32>,
        %swap3A_546 = vector.shape_cast %swap3A_545 : vector<1x16xf32> to vector<16xf32>
        %swap3A_547 = vector.shape_cast %mul3A_542 : vector<16xf32> to vector<1x16xf32>
        tpu.vector_store %arg10[%swap3A_543, %swap3A_544], %swap3A_547 {strides = array<i32>} : memref<128x16xf32, #tpu.memory_space<vmem>>, vector<1x16xf32>,
      }
      %scan3A_79 = arith.constant 8 : i32
      %dma_start3A_80 = arith.constant 0 : i32
      %dma_start3A_81 = tpu.memref_slice %arg8[%mul3A_66, %dma_start3A_80] : memref<80x128xi32, #tpu.memory_space<vmem>> -> memref<1x128xi32, #tpu.memory_space<vmem>>
      %dma_start3A_82 = tpu.memref_squeeze %dma_start3A_81 : memref<1x128xi32, #tpu.memory_space<vmem>> -> memref<128xi32, #tpu.memory_space<vmem>>
      %dma_start3A_83 = arith.constant 0 : i32
      %dma_start3A_84 = arith.constant 0 : i32
      %dma_start3A_85 = tpu.memref_slice %arg13[%dma_start3A_83, %dma_start3A_84] : memref<10240x16xf32, #tpu.memory_space<vmem_shared>> -> memref<10240x16xf32, #tpu.memory_space<vmem_shared>>
      tpu.enqueue_indirect_dma source(%arg10 : memref<128x16xf32, #tpu.memory_space<vmem>>) target(%dma_start3A_85 : memref<10240x16xf32, #tpu.memory_space<vmem_shared>>) offsets(%dma_start3A_82 : memref<128xi32, #tpu.memory_space<vmem>>) semaphore(%arg16 : memref<!tpu.dma_semaphore, #tpu.memory_space<semaphore_mem>>) {add = true}
      %dma_wait3A_86 = arith.constant 0 : i32
      %dma_wait3A_87 = tpu.memref_slice %arg7[%add3A_68, %dma_wait3A_86] : memref<80x128xi32, #tpu.memory_space<vmem>> -> memref<1x128xi32, #tpu.memory_space<vmem>>
      %dma_wait3A_88 = tpu.memref_squeeze %dma_wait3A_87 : memref<1x128xi32, #tpu.memory_space<vmem>> -> memref<128xi32, #tpu.memory_space<vmem>>
      %dma_wait3A_89 = arith.constant 0 : i32
      %dma_wait3A_90 = arith.constant 0 : i32
      %dma_wait3A_91 = tpu.memref_slice %arg2[%dma_wait3A_89, %dma_wait3A_90] : memref<10240x16xf32, #tpu.memory_space<hbm>> -> memref<10240x16xf32, #tpu.memory_space<hbm>>
      tpu.wait_indirect_dma semaphore(%arg15 : memref<!tpu.dma_semaphore, #tpu.memory_space<semaphore_mem>>) src(%dma_wait3A_91 : memref<10240x16xf32, #tpu.memory_space<hbm>>) dst(%arg11 : memref<128x16xf32, #tpu.memory_space<vmem>>)
      %scan3A_92 = arith.constant 0 : i32
      %scan3A_93 = arith.constant 0 : i32
      %scan3A_94 = arith.constant 8 : i32
      %scan3A_95 = arith.addi %scan3A_93, %scan3A_94 : i32
      %scan3A_96 = arith.constant 1 : i32
      scf.for %scan3A_127 = %scan3A_93 to %scan3A_95 step %scan3A_96  : i32 {
        %mul3A_128 = arith.constant 128 : i32
        %mul3A_129 = arith.muli %add3A_68, %mul3A_128 : i32
        %mul3A_130 = arith.constant 16 : i32
        %mul3A_131 = arith.muli %scan3A_127, %mul3A_130 : i32
        %add3A_132 = arith.addi %mul3A_129, %mul3A_131 : i32
        %get3A = arith.index_cast %add3A_132 : i32 to index
        %get3A_133 = tpu.vector_load %arg9[%get3A] {strides = array<i32>} : memref<10240xf32, #tpu.memory_space<vmem>>, vector<16xf32>,
        %get3A_134 = vector.shape_cast %get3A_133 : vector<16xf32> to vector<16xf32>
        %broadcast_in_dim3A_135 = arith.constant 0 : i32
        %broadcast_in_dim3A_136 = vector.broadcast %broadcast_in_dim3A_135 : i32 to vector<16xi32>
        %lt3A_137 = arith.constant 0 : i32
        %lt3A_138 = vector.broadcast %lt3A_137 : i32 to vector<16xi32>
        %lt3A_139 = arith.cmpi slt, %broadcast_in_dim3A_136, %lt3A_138 : vector<16xi32>
        %add3A_140 = arith.constant 16 : i32
        %add3A_141 = vector.broadcast %add3A_140 : i32 to vector<16xi32>
        %add3A_142 = arith.addi %broadcast_in_dim3A_136, %add3A_141 : vector<16xi32>
        %select_n3A = arith.select %lt3A_139, %add3A_142, %broadcast_in_dim3A_136 : vector<16xi1>, vector<16xi32>
        %broadcast_in_dim3A_143 = vector.shape_cast %select_n3A : vector<16xi32> to vector<16x1xi32>
        %gather3A = vector.shape_cast %broadcast_in_dim3A_143 : vector<16x1xi32> to vector<16xi32>
        %gather3A_144 = tpu.dynamic_gather %get3A_134[%gather3A] in [0] : vector<16xf32>, vector<16xi32> -> vector<16xf32>
        %mul3A_145 = arith.constant 16 : i32
        %mul3A_146 = arith.muli %scan3A_127, %mul3A_145 : i32
        %add3A_147 = arith.constant 0 : i32
        %add3A_148 = arith.addi %mul3A_146, %add3A_147 : i32
        %get3A_149 = arith.index_cast %add3A_148 : i32 to index
        %get3A_150 = arith.constant 0 : index
        %get3A_151 = tpu.vector_load %arg11[%get3A_149, %get3A_150] {strides = array<i32>} : memref<128x16xf32, #tpu.memory_space<vmem>>, vector<1x16xf32>,
        %get3A_152 = vector.shape_cast %get3A_151 : vector<1x16xf32> to vector<16xf32>
        %mul3A_153 = arith.mulf %get3A_152, %gather3A_144 : vector<16xf32>
        %swap3A = arith.index_cast %add3A_148 : i32 to index
        %swap3A_154 = arith.constant 0 : index
        %swap3A_155 = tpu.vector_load %arg11[%swap3A, %swap3A_154] {strides = array<i32>} : memref<128x16xf32, #tpu.memory_space<vmem>>, vector<1x16xf32>,
        %swap3A_156 = vector.shape_cast %swap3A_155 : vector<1x16xf32> to vector<16xf32>
        %swap3A_157 = vector.shape_cast %mul3A_153 : vector<16xf32> to vector<1x16xf32>
        tpu.vector_store %arg11[%swap3A, %swap3A_154], %swap3A_157 {strides = array<i32>} : memref<128x16xf32, #tpu.memory_space<vmem>>, vector<1x16xf32>,
        %broadcast_in_dim3A_158 = arith.constant 1 : i32
        %broadcast_in_dim3A_159 = vector.broadcast %broadcast_in_dim3A_158 : i32 to vector<16xi32>
        %lt3A_160 = arith.constant 0 : i32
        %lt3A_161 = vector.broadcast %lt3A_160 : i32 to vector<16xi32>
        %lt3A_162 = arith.cmpi slt, %broadcast_in_dim3A_159, %lt3A_161 : vector<16xi32>
        %add3A_163 = arith.constant 16 : i32
        %add3A_164 = vector.broadcast %add3A_163 : i32 to vector<16xi32>
        %add3A_165 = arith.addi %broadcast_in_dim3A_159, %add3A_164 : vector<16xi32>
        %select_n3A_166 = arith.select %lt3A_162, %add3A_165, %broadcast_in_dim3A_159 : vector<16xi1>, vector<16xi32>
        %broadcast_in_dim3A_167 = vector.shape_cast %select_n3A_166 : vector<16xi32> to vector<16x1xi32>
        %gather3A_168 = vector.shape_cast %broadcast_in_dim3A_167 : vector<16x1xi32> to vector<16xi32>
        %gather3A_169 = tpu.dynamic_gather %get3A_134[%gather3A_168] in [0] : vector<16xf32>, vector<16xi32> -> vector<16xf32>
        %mul3A_170 = arith.constant 16 : i32
        %mul3A_171 = arith.muli %scan3A_127, %mul3A_170 : i32
        %add3A_172 = arith.constant 1 : i32
        %add3A_173 = arith.addi %mul3A_171, %add3A_172 : i32
        %get3A_174 = arith.index_cast %add3A_173 : i32 to index
        %get3A_175 = arith.constant 0 : index
        %get3A_176 = tpu.vector_load %arg11[%get3A_174, %get3A_175] {strides = array<i32>} : memref<128x16xf32, #tpu.memory_space<vmem>>, vector<1x16xf32>,
        %get3A_177 = vector.shape_cast %get3A_176 : vector<1x16xf32> to vector<16xf32>
        %mul3A_178 = arith.mulf %get3A_177, %gather3A_169 : vector<16xf32>
        %swap3A_179 = arith.index_cast %add3A_173 : i32 to index
        %swap3A_180 = arith.constant 0 : index
        %swap3A_181 = tpu.vector_load %arg11[%swap3A_179, %swap3A_180] {strides = array<i32>} : memref<128x16xf32, #tpu.memory_space<vmem>>, vector<1x16xf32>,
        %swap3A_182 = vector.shape_cast %swap3A_181 : vector<1x16xf32> to vector<16xf32>
        %swap3A_183 = vector.shape_cast %mul3A_178 : vector<16xf32> to vector<1x16xf32>
        tpu.vector_store %arg11[%swap3A_179, %swap3A_180], %swap3A_183 {strides = array<i32>} : memref<128x16xf32, #tpu.memory_space<vmem>>, vector<1x16xf32>,
        %broadcast_in_dim3A_184 = arith.constant 2 : i32
        %broadcast_in_dim3A_185 = vector.broadcast %broadcast_in_dim3A_184 : i32 to vector<16xi32>
        %lt3A_186 = arith.constant 0 : i32
        %lt3A_187 = vector.broadcast %lt3A_186 : i32 to vector<16xi32>
        %lt3A_188 = arith.cmpi slt, %broadcast_in_dim3A_185, %lt3A_187 : vector<16xi32>
        %add3A_189 = arith.constant 16 : i32
        %add3A_190 = vector.broadcast %add3A_189 : i32 to vector<16xi32>
        %add3A_191 = arith.addi %broadcast_in_dim3A_185, %add3A_190 : vector<16xi32>
        %select_n3A_192 = arith.select %lt3A_188, %add3A_191, %broadcast_in_dim3A_185 : vector<16xi1>, vector<16xi32>
        %broadcast_in_dim3A_193 = vector.shape_cast %select_n3A_192 : vector<16xi32> to vector<16x1xi32>
        %gather3A_194 = vector.shape_cast %broadcast_in_dim3A_193 : vector<16x1xi32> to vector<16xi32>
        %gather3A_195 = tpu.dynamic_gather %get3A_134[%gather3A_194] in [0] : vector<16xf32>, vector<16xi32> -> vector<16xf32>
        %mul3A_196 = arith.constant 16 : i32
        %mul3A_197 = arith.muli %scan3A_127, %mul3A_196 : i32
        %add3A_198 = arith.constant 2 : i32
        %add3A_199 = arith.addi %mul3A_197, %add3A_198 : i32
        %get3A_200 = arith.index_cast %add3A_199 : i32 to index
        %get3A_201 = arith.constant 0 : index
        %get3A_202 = tpu.vector_load %arg11[%get3A_200, %get3A_201] {strides = array<i32>} : memref<128x16xf32, #tpu.memory_space<vmem>>, vector<1x16xf32>,
        %get3A_203 = vector.shape_cast %get3A_202 : vector<1x16xf32> to vector<16xf32>
        %mul3A_204 = arith.mulf %get3A_203, %gather3A_195 : vector<16xf32>
        %swap3A_205 = arith.index_cast %add3A_199 : i32 to index
        %swap3A_206 = arith.constant 0 : index
        %swap3A_207 = tpu.vector_load %arg11[%swap3A_205, %swap3A_206] {strides = array<i32>} : memref<128x16xf32, #tpu.memory_space<vmem>>, vector<1x16xf32>,
        %swap3A_208 = vector.shape_cast %swap3A_207 : vector<1x16xf32> to vector<16xf32>
        %swap3A_209 = vector.shape_cast %mul3A_204 : vector<16xf32> to vector<1x16xf32>
        tpu.vector_store %arg11[%swap3A_205, %swap3A_206], %swap3A_209 {strides = array<i32>} : memref<128x16xf32, #tpu.memory_space<vmem>>, vector<1x16xf32>,
        %broadcast_in_dim3A_210 = arith.constant 3 : i32
        %broadcast_in_dim3A_211 = vector.broadcast %broadcast_in_dim3A_210 : i32 to vector<16xi32>
        %lt3A_212 = arith.constant 0 : i32
        %lt3A_213 = vector.broadcast %lt3A_212 : i32 to vector<16xi32>
        %lt3A_214 = arith.cmpi slt, %broadcast_in_dim3A_211, %lt3A_213 : vector<16xi32>
        %add3A_215 = arith.constant 16 : i32
        %add3A_216 = vector.broadcast %add3A_215 : i32 to vector<16xi32>
        %add3A_217 = arith.addi %broadcast_in_dim3A_211, %add3A_216 : vector<16xi32>
        %select_n3A_218 = arith.select %lt3A_214, %add3A_217, %broadcast_in_dim3A_211 : vector<16xi1>, vector<16xi32>
        %broadcast_in_dim3A_219 = vector.shape_cast %select_n3A_218 : vector<16xi32> to vector<16x1xi32>
        %gather3A_220 = vector.shape_cast %broadcast_in_dim3A_219 : vector<16x1xi32> to vector<16xi32>
        %gather3A_221 = tpu.dynamic_gather %get3A_134[%gather3A_220] in [0] : vector<16xf32>, vector<16xi32> -> vector<16xf32>
        %mul3A_222 = arith.constant 16 : i32
        %mul3A_223 = arith.muli %scan3A_127, %mul3A_222 : i32
        %add3A_224 = arith.constant 3 : i32
        %add3A_225 = arith.addi %mul3A_223, %add3A_224 : i32
        %get3A_226 = arith.index_cast %add3A_225 : i32 to index
        %get3A_227 = arith.constant 0 : index
        %get3A_228 = tpu.vector_load %arg11[%get3A_226, %get3A_227] {strides = array<i32>} : memref<128x16xf32, #tpu.memory_space<vmem>>, vector<1x16xf32>,
        %get3A_229 = vector.shape_cast %get3A_228 : vector<1x16xf32> to vector<16xf32>
        %mul3A_230 = arith.mulf %get3A_229, %gather3A_221 : vector<16xf32>
        %swap3A_231 = arith.index_cast %add3A_225 : i32 to index
        %swap3A_232 = arith.constant 0 : index
        %swap3A_233 = tpu.vector_load %arg11[%swap3A_231, %swap3A_232] {strides = array<i32>} : memref<128x16xf32, #tpu.memory_space<vmem>>, vector<1x16xf32>,
        %swap3A_234 = vector.shape_cast %swap3A_233 : vector<1x16xf32> to vector<16xf32>
        %swap3A_235 = vector.shape_cast %mul3A_230 : vector<16xf32> to vector<1x16xf32>
        tpu.vector_store %arg11[%swap3A_231, %swap3A_232], %swap3A_235 {strides = array<i32>} : memref<128x16xf32, #tpu.memory_space<vmem>>, vector<1x16xf32>,
        %broadcast_in_dim3A_236 = arith.constant 4 : i32
        %broadcast_in_dim3A_237 = vector.broadcast %broadcast_in_dim3A_236 : i32 to vector<16xi32>
        %lt3A_238 = arith.constant 0 : i32
        %lt3A_239 = vector.broadcast %lt3A_238 : i32 to vector<16xi32>
        %lt3A_240 = arith.cmpi slt, %broadcast_in_dim3A_237, %lt3A_239 : vector<16xi32>
        %add3A_241 = arith.constant 16 : i32
        %add3A_242 = vector.broadcast %add3A_241 : i32 to vector<16xi32>
        %add3A_243 = arith.addi %broadcast_in_dim3A_237, %add3A_242 : vector<16xi32>
        %select_n3A_244 = arith.select %lt3A_240, %add3A_243, %broadcast_in_dim3A_237 : vector<16xi1>, vector<16xi32>
        %broadcast_in_dim3A_245 = vector.shape_cast %select_n3A_244 : vector<16xi32> to vector<16x1xi32>
        %gather3A_246 = vector.shape_cast %broadcast_in_dim3A_245 : vector<16x1xi32> to vector<16xi32>
        %gather3A_247 = tpu.dynamic_gather %get3A_134[%gather3A_246] in [0] : vector<16xf32>, vector<16xi32> -> vector<16xf32>
        %mul3A_248 = arith.constant 16 : i32
        %mul3A_249 = arith.muli %scan3A_127, %mul3A_248 : i32
        %add3A_250 = arith.constant 4 : i32
        %add3A_251 = arith.addi %mul3A_249, %add3A_250 : i32
        %get3A_252 = arith.index_cast %add3A_251 : i32 to index
        %get3A_253 = arith.constant 0 : index
        %get3A_254 = tpu.vector_load %arg11[%get3A_252, %get3A_253] {strides = array<i32>} : memref<128x16xf32, #tpu.memory_space<vmem>>, vector<1x16xf32>,
        %get3A_255 = vector.shape_cast %get3A_254 : vector<1x16xf32> to vector<16xf32>
        %mul3A_256 = arith.mulf %get3A_255, %gather3A_247 : vector<16xf32>
        %swap3A_257 = arith.index_cast %add3A_251 : i32 to index
        %swap3A_258 = arith.constant 0 : index
        %swap3A_259 = tpu.vector_load %arg11[%swap3A_257, %swap3A_258] {strides = array<i32>} : memref<128x16xf32, #tpu.memory_space<vmem>>, vector<1x16xf32>,
        %swap3A_260 = vector.shape_cast %swap3A_259 : vector<1x16xf32> to vector<16xf32>
        %swap3A_261 = vector.shape_cast %mul3A_256 : vector<16xf32> to vector<1x16xf32>
        tpu.vector_store %arg11[%swap3A_257, %swap3A_258], %swap3A_261 {strides = array<i32>} : memref<128x16xf32, #tpu.memory_space<vmem>>, vector<1x16xf32>,
        %broadcast_in_dim3A_262 = arith.constant 5 : i32
        %broadcast_in_dim3A_263 = vector.broadcast %broadcast_in_dim3A_262 : i32 to vector<16xi32>
        %lt3A_264 = arith.constant 0 : i32
        %lt3A_265 = vector.broadcast %lt3A_264 : i32 to vector<16xi32>
        %lt3A_266 = arith.cmpi slt, %broadcast_in_dim3A_263, %lt3A_265 : vector<16xi32>
        %add3A_267 = arith.constant 16 : i32
        %add3A_268 = vector.broadcast %add3A_267 : i32 to vector<16xi32>
        %add3A_269 = arith.addi %broadcast_in_dim3A_263, %add3A_268 : vector<16xi32>
        %select_n3A_270 = arith.select %lt3A_266, %add3A_269, %broadcast_in_dim3A_263 : vector<16xi1>, vector<16xi32>
        %broadcast_in_dim3A_271 = vector.shape_cast %select_n3A_270 : vector<16xi32> to vector<16x1xi32>
        %gather3A_272 = vector.shape_cast %broadcast_in_dim3A_271 : vector<16x1xi32> to vector<16xi32>
        %gather3A_273 = tpu.dynamic_gather %get3A_134[%gather3A_272] in [0] : vector<16xf32>, vector<16xi32> -> vector<16xf32>
        %mul3A_274 = arith.constant 16 : i32
        %mul3A_275 = arith.muli %scan3A_127, %mul3A_274 : i32
        %add3A_276 = arith.constant 5 : i32
        %add3A_277 = arith.addi %mul3A_275, %add3A_276 : i32
        %get3A_278 = arith.index_cast %add3A_277 : i32 to index
        %get3A_279 = arith.constant 0 : index
        %get3A_280 = tpu.vector_load %arg11[%get3A_278, %get3A_279] {strides = array<i32>} : memref<128x16xf32, #tpu.memory_space<vmem>>, vector<1x16xf32>,
        %get3A_281 = vector.shape_cast %get3A_280 : vector<1x16xf32> to vector<16xf32>
        %mul3A_282 = arith.mulf %get3A_281, %gather3A_273 : vector<16xf32>
        %swap3A_283 = arith.index_cast %add3A_277 : i32 to index
        %swap3A_284 = arith.constant 0 : index
        %swap3A_285 = tpu.vector_load %arg11[%swap3A_283, %swap3A_284] {strides = array<i32>} : memref<128x16xf32, #tpu.memory_space<vmem>>, vector<1x16xf32>,
        %swap3A_286 = vector.shape_cast %swap3A_285 : vector<1x16xf32> to vector<16xf32>
        %swap3A_287 = vector.shape_cast %mul3A_282 : vector<16xf32> to vector<1x16xf32>
        tpu.vector_store %arg11[%swap3A_283, %swap3A_284], %swap3A_287 {strides = array<i32>} : memref<128x16xf32, #tpu.memory_space<vmem>>, vector<1x16xf32>,
        %broadcast_in_dim3A_288 = arith.constant 6 : i32
        %broadcast_in_dim3A_289 = vector.broadcast %broadcast_in_dim3A_288 : i32 to vector<16xi32>
        %lt3A_290 = arith.constant 0 : i32
        %lt3A_291 = vector.broadcast %lt3A_290 : i32 to vector<16xi32>
        %lt3A_292 = arith.cmpi slt, %broadcast_in_dim3A_289, %lt3A_291 : vector<16xi32>
        %add3A_293 = arith.constant 16 : i32
        %add3A_294 = vector.broadcast %add3A_293 : i32 to vector<16xi32>
        %add3A_295 = arith.addi %broadcast_in_dim3A_289, %add3A_294 : vector<16xi32>
        %select_n3A_296 = arith.select %lt3A_292, %add3A_295, %broadcast_in_dim3A_289 : vector<16xi1>, vector<16xi32>
        %broadcast_in_dim3A_297 = vector.shape_cast %select_n3A_296 : vector<16xi32> to vector<16x1xi32>
        %gather3A_298 = vector.shape_cast %broadcast_in_dim3A_297 : vector<16x1xi32> to vector<16xi32>
        %gather3A_299 = tpu.dynamic_gather %get3A_134[%gather3A_298] in [0] : vector<16xf32>, vector<16xi32> -> vector<16xf32>
        %mul3A_300 = arith.constant 16 : i32
        %mul3A_301 = arith.muli %scan3A_127, %mul3A_300 : i32
        %add3A_302 = arith.constant 6 : i32
        %add3A_303 = arith.addi %mul3A_301, %add3A_302 : i32
        %get3A_304 = arith.index_cast %add3A_303 : i32 to index
        %get3A_305 = arith.constant 0 : index
        %get3A_306 = tpu.vector_load %arg11[%get3A_304, %get3A_305] {strides = array<i32>} : memref<128x16xf32, #tpu.memory_space<vmem>>, vector<1x16xf32>,
        %get3A_307 = vector.shape_cast %get3A_306 : vector<1x16xf32> to vector<16xf32>
        %mul3A_308 = arith.mulf %get3A_307, %gather3A_299 : vector<16xf32>
        %swap3A_309 = arith.index_cast %add3A_303 : i32 to index
        %swap3A_310 = arith.constant 0 : index
        %swap3A_311 = tpu.vector_load %arg11[%swap3A_309, %swap3A_310] {strides = array<i32>} : memref<128x16xf32, #tpu.memory_space<vmem>>, vector<1x16xf32>,
        %swap3A_312 = vector.shape_cast %swap3A_311 : vector<1x16xf32> to vector<16xf32>
        %swap3A_313 = vector.shape_cast %mul3A_308 : vector<16xf32> to vector<1x16xf32>
        tpu.vector_store %arg11[%swap3A_309, %swap3A_310], %swap3A_313 {strides = array<i32>} : memref<128x16xf32, #tpu.memory_space<vmem>>, vector<1x16xf32>,
        %broadcast_in_dim3A_314 = arith.constant 7 : i32
        %broadcast_in_dim3A_315 = vector.broadcast %broadcast_in_dim3A_314 : i32 to vector<16xi32>
        %lt3A_316 = arith.constant 0 : i32
        %lt3A_317 = vector.broadcast %lt3A_316 : i32 to vector<16xi32>
        %lt3A_318 = arith.cmpi slt, %broadcast_in_dim3A_315, %lt3A_317 : vector<16xi32>
        %add3A_319 = arith.constant 16 : i32
        %add3A_320 = vector.broadcast %add3A_319 : i32 to vector<16xi32>
        %add3A_321 = arith.addi %broadcast_in_dim3A_315, %add3A_320 : vector<16xi32>
        %select_n3A_322 = arith.select %lt3A_318, %add3A_321, %broadcast_in_dim3A_315 : vector<16xi1>, vector<16xi32>
        %broadcast_in_dim3A_323 = vector.shape_cast %select_n3A_322 : vector<16xi32> to vector<16x1xi32>
        %gather3A_324 = vector.shape_cast %broadcast_in_dim3A_323 : vector<16x1xi32> to vector<16xi32>
        %gather3A_325 = tpu.dynamic_gather %get3A_134[%gather3A_324] in [0] : vector<16xf32>, vector<16xi32> -> vector<16xf32>
        %mul3A_326 = arith.constant 16 : i32
        %mul3A_327 = arith.muli %scan3A_127, %mul3A_326 : i32
        %add3A_328 = arith.constant 7 : i32
        %add3A_329 = arith.addi %mul3A_327, %add3A_328 : i32
        %get3A_330 = arith.index_cast %add3A_329 : i32 to index
        %get3A_331 = arith.constant 0 : index
        %get3A_332 = tpu.vector_load %arg11[%get3A_330, %get3A_331] {strides = array<i32>} : memref<128x16xf32, #tpu.memory_space<vmem>>, vector<1x16xf32>,
        %get3A_333 = vector.shape_cast %get3A_332 : vector<1x16xf32> to vector<16xf32>
        %mul3A_334 = arith.mulf %get3A_333, %gather3A_325 : vector<16xf32>
        %swap3A_335 = arith.index_cast %add3A_329 : i32 to index
        %swap3A_336 = arith.constant 0 : index
        %swap3A_337 = tpu.vector_load %arg11[%swap3A_335, %swap3A_336] {strides = array<i32>} : memref<128x16xf32, #tpu.memory_space<vmem>>, vector<1x16xf32>,
        %swap3A_338 = vector.shape_cast %swap3A_337 : vector<1x16xf32> to vector<16xf32>
        %swap3A_339 = vector.shape_cast %mul3A_334 : vector<16xf32> to vector<1x16xf32>
        tpu.vector_store %arg11[%swap3A_335, %swap3A_336], %swap3A_339 {strides = array<i32>} : memref<128x16xf32, #tpu.memory_space<vmem>>, vector<1x16xf32>,
        %broadcast_in_dim3A_340 = arith.constant 8 : i32
        %broadcast_in_dim3A_341 = vector.broadcast %broadcast_in_dim3A_340 : i32 to vector<16xi32>
        %lt3A_342 = arith.constant 0 : i32
        %lt3A_343 = vector.broadcast %lt3A_342 : i32 to vector<16xi32>
        %lt3A_344 = arith.cmpi slt, %broadcast_in_dim3A_341, %lt3A_343 : vector<16xi32>
        %add3A_345 = arith.constant 16 : i32
        %add3A_346 = vector.broadcast %add3A_345 : i32 to vector<16xi32>
        %add3A_347 = arith.addi %broadcast_in_dim3A_341, %add3A_346 : vector<16xi32>
        %select_n3A_348 = arith.select %lt3A_344, %add3A_347, %broadcast_in_dim3A_341 : vector<16xi1>, vector<16xi32>
        %broadcast_in_dim3A_349 = vector.shape_cast %select_n3A_348 : vector<16xi32> to vector<16x1xi32>
        %gather3A_350 = vector.shape_cast %broadcast_in_dim3A_349 : vector<16x1xi32> to vector<16xi32>
        %gather3A_351 = tpu.dynamic_gather %get3A_134[%gather3A_350] in [0] : vector<16xf32>, vector<16xi32> -> vector<16xf32>
        %mul3A_352 = arith.constant 16 : i32
        %mul3A_353 = arith.muli %scan3A_127, %mul3A_352 : i32
        %add3A_354 = arith.constant 8 : i32
        %add3A_355 = arith.addi %mul3A_353, %add3A_354 : i32
        %get3A_356 = arith.index_cast %add3A_355 : i32 to index
        %get3A_357 = arith.constant 0 : index
        %get3A_358 = tpu.vector_load %arg11[%get3A_356, %get3A_357] {strides = array<i32>} : memref<128x16xf32, #tpu.memory_space<vmem>>, vector<1x16xf32>,
        %get3A_359 = vector.shape_cast %get3A_358 : vector<1x16xf32> to vector<16xf32>
        %mul3A_360 = arith.mulf %get3A_359, %gather3A_351 : vector<16xf32>
        %swap3A_361 = arith.index_cast %add3A_355 : i32 to index
        %swap3A_362 = arith.constant 0 : index
        %swap3A_363 = tpu.vector_load %arg11[%swap3A_361, %swap3A_362] {strides = array<i32>} : memref<128x16xf32, #tpu.memory_space<vmem>>, vector<1x16xf32>,
        %swap3A_364 = vector.shape_cast %swap3A_363 : vector<1x16xf32> to vector<16xf32>
        %swap3A_365 = vector.shape_cast %mul3A_360 : vector<16xf32> to vector<1x16xf32>
        tpu.vector_store %arg11[%swap3A_361, %swap3A_362], %swap3A_365 {strides = array<i32>} : memref<128x16xf32, #tpu.memory_space<vmem>>, vector<1x16xf32>,
        %broadcast_in_dim3A_366 = arith.constant 9 : i32
        %broadcast_in_dim3A_367 = vector.broadcast %broadcast_in_dim3A_366 : i32 to vector<16xi32>
        %lt3A_368 = arith.constant 0 : i32
        %lt3A_369 = vector.broadcast %lt3A_368 : i32 to vector<16xi32>
        %lt3A_370 = arith.cmpi slt, %broadcast_in_dim3A_367, %lt3A_369 : vector<16xi32>
        %add3A_371 = arith.constant 16 : i32
        %add3A_372 = vector.broadcast %add3A_371 : i32 to vector<16xi32>
        %add3A_373 = arith.addi %broadcast_in_dim3A_367, %add3A_372 : vector<16xi32>
        %select_n3A_374 = arith.select %lt3A_370, %add3A_373, %broadcast_in_dim3A_367 : vector<16xi1>, vector<16xi32>
        %broadcast_in_dim3A_375 = vector.shape_cast %select_n3A_374 : vector<16xi32> to vector<16x1xi32>
        %gather3A_376 = vector.shape_cast %broadcast_in_dim3A_375 : vector<16x1xi32> to vector<16xi32>
        %gather3A_377 = tpu.dynamic_gather %get3A_134[%gather3A_376] in [0] : vector<16xf32>, vector<16xi32> -> vector<16xf32>
        %mul3A_378 = arith.constant 16 : i32
        %mul3A_379 = arith.muli %scan3A_127, %mul3A_378 : i32
        %add3A_380 = arith.constant 9 : i32
        %add3A_381 = arith.addi %mul3A_379, %add3A_380 : i32
        %get3A_382 = arith.index_cast %add3A_381 : i32 to index
        %get3A_383 = arith.constant 0 : index
        %get3A_384 = tpu.vector_load %arg11[%get3A_382, %get3A_383] {strides = array<i32>} : memref<128x16xf32, #tpu.memory_space<vmem>>, vector<1x16xf32>,
        %get3A_385 = vector.shape_cast %get3A_384 : vector<1x16xf32> to vector<16xf32>
        %mul3A_386 = arith.mulf %get3A_385, %gather3A_377 : vector<16xf32>
        %swap3A_387 = arith.index_cast %add3A_381 : i32 to index
        %swap3A_388 = arith.constant 0 : index
        %swap3A_389 = tpu.vector_load %arg11[%swap3A_387, %swap3A_388] {strides = array<i32>} : memref<128x16xf32, #tpu.memory_space<vmem>>, vector<1x16xf32>,
        %swap3A_390 = vector.shape_cast %swap3A_389 : vector<1x16xf32> to vector<16xf32>
        %swap3A_391 = vector.shape_cast %mul3A_386 : vector<16xf32> to vector<1x16xf32>
        tpu.vector_store %arg11[%swap3A_387, %swap3A_388], %swap3A_391 {strides = array<i32>} : memref<128x16xf32, #tpu.memory_space<vmem>>, vector<1x16xf32>,
        %broadcast_in_dim3A_392 = arith.constant 10 : i32
        %broadcast_in_dim3A_393 = vector.broadcast %broadcast_in_dim3A_392 : i32 to vector<16xi32>
        %lt3A_394 = arith.constant 0 : i32
        %lt3A_395 = vector.broadcast %lt3A_394 : i32 to vector<16xi32>
        %lt3A_396 = arith.cmpi slt, %broadcast_in_dim3A_393, %lt3A_395 : vector<16xi32>
        %add3A_397 = arith.constant 16 : i32
        %add3A_398 = vector.broadcast %add3A_397 : i32 to vector<16xi32>
        %add3A_399 = arith.addi %broadcast_in_dim3A_393, %add3A_398 : vector<16xi32>
        %select_n3A_400 = arith.select %lt3A_396, %add3A_399, %broadcast_in_dim3A_393 : vector<16xi1>, vector<16xi32>
        %broadcast_in_dim3A_401 = vector.shape_cast %select_n3A_400 : vector<16xi32> to vector<16x1xi32>
        %gather3A_402 = vector.shape_cast %broadcast_in_dim3A_401 : vector<16x1xi32> to vector<16xi32>
        %gather3A_403 = tpu.dynamic_gather %get3A_134[%gather3A_402] in [0] : vector<16xf32>, vector<16xi32> -> vector<16xf32>
        %mul3A_404 = arith.constant 16 : i32
        %mul3A_405 = arith.muli %scan3A_127, %mul3A_404 : i32
        %add3A_406 = arith.constant 10 : i32
        %add3A_407 = arith.addi %mul3A_405, %add3A_406 : i32
        %get3A_408 = arith.index_cast %add3A_407 : i32 to index
        %get3A_409 = arith.constant 0 : index
        %get3A_410 = tpu.vector_load %arg11[%get3A_408, %get3A_409] {strides = array<i32>} : memref<128x16xf32, #tpu.memory_space<vmem>>, vector<1x16xf32>,
        %get3A_411 = vector.shape_cast %get3A_410 : vector<1x16xf32> to vector<16xf32>
        %mul3A_412 = arith.mulf %get3A_411, %gather3A_403 : vector<16xf32>
        %swap3A_413 = arith.index_cast %add3A_407 : i32 to index
        %swap3A_414 = arith.constant 0 : index
        %swap3A_415 = tpu.vector_load %arg11[%swap3A_413, %swap3A_414] {strides = array<i32>} : memref<128x16xf32, #tpu.memory_space<vmem>>, vector<1x16xf32>,
        %swap3A_416 = vector.shape_cast %swap3A_415 : vector<1x16xf32> to vector<16xf32>
        %swap3A_417 = vector.shape_cast %mul3A_412 : vector<16xf32> to vector<1x16xf32>
        tpu.vector_store %arg11[%swap3A_413, %swap3A_414], %swap3A_417 {strides = array<i32>} : memref<128x16xf32, #tpu.memory_space<vmem>>, vector<1x16xf32>,
        %broadcast_in_dim3A_418 = arith.constant 11 : i32
        %broadcast_in_dim3A_419 = vector.broadcast %broadcast_in_dim3A_418 : i32 to vector<16xi32>
        %lt3A_420 = arith.constant 0 : i32
        %lt3A_421 = vector.broadcast %lt3A_420 : i32 to vector<16xi32>
        %lt3A_422 = arith.cmpi slt, %broadcast_in_dim3A_419, %lt3A_421 : vector<16xi32>
        %add3A_423 = arith.constant 16 : i32
        %add3A_424 = vector.broadcast %add3A_423 : i32 to vector<16xi32>
        %add3A_425 = arith.addi %broadcast_in_dim3A_419, %add3A_424 : vector<16xi32>
        %select_n3A_426 = arith.select %lt3A_422, %add3A_425, %broadcast_in_dim3A_419 : vector<16xi1>, vector<16xi32>
        %broadcast_in_dim3A_427 = vector.shape_cast %select_n3A_426 : vector<16xi32> to vector<16x1xi32>
        %gather3A_428 = vector.shape_cast %broadcast_in_dim3A_427 : vector<16x1xi32> to vector<16xi32>
        %gather3A_429 = tpu.dynamic_gather %get3A_134[%gather3A_428] in [0] : vector<16xf32>, vector<16xi32> -> vector<16xf32>
        %mul3A_430 = arith.constant 16 : i32
        %mul3A_431 = arith.muli %scan3A_127, %mul3A_430 : i32
        %add3A_432 = arith.constant 11 : i32
        %add3A_433 = arith.addi %mul3A_431, %add3A_432 : i32
        %get3A_434 = arith.index_cast %add3A_433 : i32 to index
        %get3A_435 = arith.constant 0 : index
        %get3A_436 = tpu.vector_load %arg11[%get3A_434, %get3A_435] {strides = array<i32>} : memref<128x16xf32, #tpu.memory_space<vmem>>, vector<1x16xf32>,
        %get3A_437 = vector.shape_cast %get3A_436 : vector<1x16xf32> to vector<16xf32>
        %mul3A_438 = arith.mulf %get3A_437, %gather3A_429 : vector<16xf32>
        %swap3A_439 = arith.index_cast %add3A_433 : i32 to index
        %swap3A_440 = arith.constant 0 : index
        %swap3A_441 = tpu.vector_load %arg11[%swap3A_439, %swap3A_440] {strides = array<i32>} : memref<128x16xf32, #tpu.memory_space<vmem>>, vector<1x16xf32>,
        %swap3A_442 = vector.shape_cast %swap3A_441 : vector<1x16xf32> to vector<16xf32>
        %swap3A_443 = vector.shape_cast %mul3A_438 : vector<16xf32> to vector<1x16xf32>
        tpu.vector_store %arg11[%swap3A_439, %swap3A_440], %swap3A_443 {strides = array<i32>} : memref<128x16xf32, #tpu.memory_space<vmem>>, vector<1x16xf32>,
        %broadcast_in_dim3A_444 = arith.constant 12 : i32
        %broadcast_in_dim3A_445 = vector.broadcast %broadcast_in_dim3A_444 : i32 to vector<16xi32>
        %lt3A_446 = arith.constant 0 : i32
        %lt3A_447 = vector.broadcast %lt3A_446 : i32 to vector<16xi32>
        %lt3A_448 = arith.cmpi slt, %broadcast_in_dim3A_445, %lt3A_447 : vector<16xi32>
        %add3A_449 = arith.constant 16 : i32
        %add3A_450 = vector.broadcast %add3A_449 : i32 to vector<16xi32>
        %add3A_451 = arith.addi %broadcast_in_dim3A_445, %add3A_450 : vector<16xi32>
        %select_n3A_452 = arith.select %lt3A_448, %add3A_451, %broadcast_in_dim3A_445 : vector<16xi1>, vector<16xi32>
        %broadcast_in_dim3A_453 = vector.shape_cast %select_n3A_452 : vector<16xi32> to vector<16x1xi32>
        %gather3A_454 = vector.shape_cast %broadcast_in_dim3A_453 : vector<16x1xi32> to vector<16xi32>
        %gather3A_455 = tpu.dynamic_gather %get3A_134[%gather3A_454] in [0] : vector<16xf32>, vector<16xi32> -> vector<16xf32>
        %mul3A_456 = arith.constant 16 : i32
        %mul3A_457 = arith.muli %scan3A_127, %mul3A_456 : i32
        %add3A_458 = arith.constant 12 : i32
        %add3A_459 = arith.addi %mul3A_457, %add3A_458 : i32
        %get3A_460 = arith.index_cast %add3A_459 : i32 to index
        %get3A_461 = arith.constant 0 : index
        %get3A_462 = tpu.vector_load %arg11[%get3A_460, %get3A_461] {strides = array<i32>} : memref<128x16xf32, #tpu.memory_space<vmem>>, vector<1x16xf32>,
        %get3A_463 = vector.shape_cast %get3A_462 : vector<1x16xf32> to vector<16xf32>
        %mul3A_464 = arith.mulf %get3A_463, %gather3A_455 : vector<16xf32>
        %swap3A_465 = arith.index_cast %add3A_459 : i32 to index
        %swap3A_466 = arith.constant 0 : index
        %swap3A_467 = tpu.vector_load %arg11[%swap3A_465, %swap3A_466] {strides = array<i32>} : memref<128x16xf32, #tpu.memory_space<vmem>>, vector<1x16xf32>,
        %swap3A_468 = vector.shape_cast %swap3A_467 : vector<1x16xf32> to vector<16xf32>
        %swap3A_469 = vector.shape_cast %mul3A_464 : vector<16xf32> to vector<1x16xf32>
        tpu.vector_store %arg11[%swap3A_465, %swap3A_466], %swap3A_469 {strides = array<i32>} : memref<128x16xf32, #tpu.memory_space<vmem>>, vector<1x16xf32>,
        %broadcast_in_dim3A_470 = arith.constant 13 : i32
        %broadcast_in_dim3A_471 = vector.broadcast %broadcast_in_dim3A_470 : i32 to vector<16xi32>
        %lt3A_472 = arith.constant 0 : i32
        %lt3A_473 = vector.broadcast %lt3A_472 : i32 to vector<16xi32>
        %lt3A_474 = arith.cmpi slt, %broadcast_in_dim3A_471, %lt3A_473 : vector<16xi32>
        %add3A_475 = arith.constant 16 : i32
        %add3A_476 = vector.broadcast %add3A_475 : i32 to vector<16xi32>
        %add3A_477 = arith.addi %broadcast_in_dim3A_471, %add3A_476 : vector<16xi32>
        %select_n3A_478 = arith.select %lt3A_474, %add3A_477, %broadcast_in_dim3A_471 : vector<16xi1>, vector<16xi32>
        %broadcast_in_dim3A_479 = vector.shape_cast %select_n3A_478 : vector<16xi32> to vector<16x1xi32>
        %gather3A_480 = vector.shape_cast %broadcast_in_dim3A_479 : vector<16x1xi32> to vector<16xi32>
        %gather3A_481 = tpu.dynamic_gather %get3A_134[%gather3A_480] in [0] : vector<16xf32>, vector<16xi32> -> vector<16xf32>
        %mul3A_482 = arith.constant 16 : i32
        %mul3A_483 = arith.muli %scan3A_127, %mul3A_482 : i32
        %add3A_484 = arith.constant 13 : i32
        %add3A_485 = arith.addi %mul3A_483, %add3A_484 : i32
        %get3A_486 = arith.index_cast %add3A_485 : i32 to index
        %get3A_487 = arith.constant 0 : index
        %get3A_488 = tpu.vector_load %arg11[%get3A_486, %get3A_487] {strides = array<i32>} : memref<128x16xf32, #tpu.memory_space<vmem>>, vector<1x16xf32>,
        %get3A_489 = vector.shape_cast %get3A_488 : vector<1x16xf32> to vector<16xf32>
        %mul3A_490 = arith.mulf %get3A_489, %gather3A_481 : vector<16xf32>
        %swap3A_491 = arith.index_cast %add3A_485 : i32 to index
        %swap3A_492 = arith.constant 0 : index
        %swap3A_493 = tpu.vector_load %arg11[%swap3A_491, %swap3A_492] {strides = array<i32>} : memref<128x16xf32, #tpu.memory_space<vmem>>, vector<1x16xf32>,
        %swap3A_494 = vector.shape_cast %swap3A_493 : vector<1x16xf32> to vector<16xf32>
        %swap3A_495 = vector.shape_cast %mul3A_490 : vector<16xf32> to vector<1x16xf32>
        tpu.vector_store %arg11[%swap3A_491, %swap3A_492], %swap3A_495 {strides = array<i32>} : memref<128x16xf32, #tpu.memory_space<vmem>>, vector<1x16xf32>,
        %broadcast_in_dim3A_496 = arith.constant 14 : i32
        %broadcast_in_dim3A_497 = vector.broadcast %broadcast_in_dim3A_496 : i32 to vector<16xi32>
        %lt3A_498 = arith.constant 0 : i32
        %lt3A_499 = vector.broadcast %lt3A_498 : i32 to vector<16xi32>
        %lt3A_500 = arith.cmpi slt, %broadcast_in_dim3A_497, %lt3A_499 : vector<16xi32>
        %add3A_501 = arith.constant 16 : i32
        %add3A_502 = vector.broadcast %add3A_501 : i32 to vector<16xi32>
        %add3A_503 = arith.addi %broadcast_in_dim3A_497, %add3A_502 : vector<16xi32>
        %select_n3A_504 = arith.select %lt3A_500, %add3A_503, %broadcast_in_dim3A_497 : vector<16xi1>, vector<16xi32>
        %broadcast_in_dim3A_505 = vector.shape_cast %select_n3A_504 : vector<16xi32> to vector<16x1xi32>
        %gather3A_506 = vector.shape_cast %broadcast_in_dim3A_505 : vector<16x1xi32> to vector<16xi32>
        %gather3A_507 = tpu.dynamic_gather %get3A_134[%gather3A_506] in [0] : vector<16xf32>, vector<16xi32> -> vector<16xf32>
        %mul3A_508 = arith.constant 16 : i32
        %mul3A_509 = arith.muli %scan3A_127, %mul3A_508 : i32
        %add3A_510 = arith.constant 14 : i32
        %add3A_511 = arith.addi %mul3A_509, %add3A_510 : i32
        %get3A_512 = arith.index_cast %add3A_511 : i32 to index
        %get3A_513 = arith.constant 0 : index
        %get3A_514 = tpu.vector_load %arg11[%get3A_512, %get3A_513] {strides = array<i32>} : memref<128x16xf32, #tpu.memory_space<vmem>>, vector<1x16xf32>,
        %get3A_515 = vector.shape_cast %get3A_514 : vector<1x16xf32> to vector<16xf32>
        %mul3A_516 = arith.mulf %get3A_515, %gather3A_507 : vector<16xf32>
        %swap3A_517 = arith.index_cast %add3A_511 : i32 to index
        %swap3A_518 = arith.constant 0 : index
        %swap3A_519 = tpu.vector_load %arg11[%swap3A_517, %swap3A_518] {strides = array<i32>} : memref<128x16xf32, #tpu.memory_space<vmem>>, vector<1x16xf32>,
        %swap3A_520 = vector.shape_cast %swap3A_519 : vector<1x16xf32> to vector<16xf32>
        %swap3A_521 = vector.shape_cast %mul3A_516 : vector<16xf32> to vector<1x16xf32>
        tpu.vector_store %arg11[%swap3A_517, %swap3A_518], %swap3A_521 {strides = array<i32>} : memref<128x16xf32, #tpu.memory_space<vmem>>, vector<1x16xf32>,
        %broadcast_in_dim3A_522 = arith.constant 15 : i32
        %broadcast_in_dim3A_523 = vector.broadcast %broadcast_in_dim3A_522 : i32 to vector<16xi32>
        %lt3A_524 = arith.constant 0 : i32
        %lt3A_525 = vector.broadcast %lt3A_524 : i32 to vector<16xi32>
        %lt3A_526 = arith.cmpi slt, %broadcast_in_dim3A_523, %lt3A_525 : vector<16xi32>
        %add3A_527 = arith.constant 16 : i32
        %add3A_528 = vector.broadcast %add3A_527 : i32 to vector<16xi32>
        %add3A_529 = arith.addi %broadcast_in_dim3A_523, %add3A_528 : vector<16xi32>
        %select_n3A_530 = arith.select %lt3A_526, %add3A_529, %broadcast_in_dim3A_523 : vector<16xi1>, vector<16xi32>
        %broadcast_in_dim3A_531 = vector.shape_cast %select_n3A_530 : vector<16xi32> to vector<16x1xi32>
        %gather3A_532 = vector.shape_cast %broadcast_in_dim3A_531 : vector<16x1xi32> to vector<16xi32>
        %gather3A_533 = tpu.dynamic_gather %get3A_134[%gather3A_532] in [0] : vector<16xf32>, vector<16xi32> -> vector<16xf32>
        %mul3A_534 = arith.constant 16 : i32
        %mul3A_535 = arith.muli %scan3A_127, %mul3A_534 : i32
        %add3A_536 = arith.constant 15 : i32
        %add3A_537 = arith.addi %mul3A_535, %add3A_536 : i32
        %get3A_538 = arith.index_cast %add3A_537 : i32 to index
        %get3A_539 = arith.constant 0 : index
        %get3A_540 = tpu.vector_load %arg11[%get3A_538, %get3A_539] {strides = array<i32>} : memref<128x16xf32, #tpu.memory_space<vmem>>, vector<1x16xf32>,
        %get3A_541 = vector.shape_cast %get3A_540 : vector<1x16xf32> to vector<16xf32>
        %mul3A_542 = arith.mulf %get3A_541, %gather3A_533 : vector<16xf32>
        %swap3A_543 = arith.index_cast %add3A_537 : i32 to index
        %swap3A_544 = arith.constant 0 : index
        %swap3A_545 = tpu.vector_load %arg11[%swap3A_543, %swap3A_544] {strides = array<i32>} : memref<128x16xf32, #tpu.memory_space<vmem>>, vector<1x16xf32>,
        %swap3A_546 = vector.shape_cast %swap3A_545 : vector<1x16xf32> to vector<16xf32>
        %swap3A_547 = vector.shape_cast %mul3A_542 : vector<16xf32> to vector<1x16xf32>
        tpu.vector_store %arg11[%swap3A_543, %swap3A_544], %swap3A_547 {strides = array<i32>} : memref<128x16xf32, #tpu.memory_space<vmem>>, vector<1x16xf32>,
      }
      %scan3A_97 = arith.constant 8 : i32
      %dma_start3A_98 = arith.constant 0 : i32
      %dma_start3A_99 = tpu.memref_slice %arg8[%add3A_68, %dma_start3A_98] : memref<80x128xi32, #tpu.memory_space<vmem>> -> memref<1x128xi32, #tpu.memory_space<vmem>>
      %dma_start3A_100 = tpu.memref_squeeze %dma_start3A_99 : memref<1x128xi32, #tpu.memory_space<vmem>> -> memref<128xi32, #tpu.memory_space<vmem>>
      %dma_start3A_101 = arith.constant 0 : i32
      %dma_start3A_102 = arith.constant 0 : i32
      %dma_start3A_103 = tpu.memref_slice %arg13[%dma_start3A_101, %dma_start3A_102] : memref<10240x16xf32, #tpu.memory_space<vmem_shared>> -> memref<10240x16xf32, #tpu.memory_space<vmem_shared>>
      tpu.enqueue_indirect_dma source(%arg11 : memref<128x16xf32, #tpu.memory_space<vmem>>) target(%dma_start3A_103 : memref<10240x16xf32, #tpu.memory_space<vmem_shared>>) offsets(%dma_start3A_100 : memref<128xi32, #tpu.memory_space<vmem>>) semaphore(%arg17 : memref<!tpu.dma_semaphore, #tpu.memory_space<semaphore_mem>>) {add = true}
      %dma_wait3A_104 = arith.constant 0 : i32
      %dma_wait3A_105 = tpu.memref_slice %arg8[%mul3A_66, %dma_wait3A_104] : memref<80x128xi32, #tpu.memory_space<vmem>> -> memref<1x128xi32, #tpu.memory_space<vmem>>
      %dma_wait3A_106 = tpu.memref_squeeze %dma_wait3A_105 : memref<1x128xi32, #tpu.memory_space<vmem>> -> memref<128xi32, #tpu.memory_space<vmem>>
      %dma_wait3A_107 = arith.constant 0 : i32
      %dma_wait3A_108 = arith.constant 0 : i32
      %dma_wait3A_109 = tpu.memref_slice %arg13[%dma_wait3A_107, %dma_wait3A_108] : memref<10240x16xf32, #tpu.memory_space<vmem_shared>> -> memref<10240x16xf32, #tpu.memory_space<vmem_shared>>
      tpu.wait_indirect_dma semaphore(%arg16 : memref<!tpu.dma_semaphore, #tpu.memory_space<semaphore_mem>>) src(%arg10 : memref<128x16xf32, #tpu.memory_space<vmem>>) dst(%dma_wait3A_109 : memref<10240x16xf32, #tpu.memory_space<vmem_shared>>)
      %add3A_110 = arith.constant 2 : i32
      %add3A_111 = arith.addi %mul3A_66, %add3A_110 : i32
      %lt3A = arith.constant 80 : i32
      %lt3A_112 = arith.cmpi slt, %add3A_111, %lt3A : i32
      %convert_element_type3A = arith.extui %lt3A_112 : i1 to i32
      %cond3A = arith.constant 0 : i32
      %cond3A_113 = arith.cmpi ne, %convert_element_type3A, %cond3A : i32
      scf.if %cond3A_113 {
        %add3A_127 = arith.constant 2 : i32
        %add3A_128 = arith.addi %mul3A_66, %add3A_127 : i32
        %dma_start3A_129 = arith.constant 0 : i32
        %dma_start3A_130 = tpu.memref_slice %arg7[%add3A_128, %dma_start3A_129] : memref<80x128xi32, #tpu.memory_space<vmem>> -> memref<1x128xi32, #tpu.memory_space<vmem>>
        %dma_start3A_131 = tpu.memref_squeeze %dma_start3A_130 : memref<1x128xi32, #tpu.memory_space<vmem>> -> memref<128xi32, #tpu.memory_space<vmem>>
        %dma_start3A_132 = arith.constant 0 : i32
        %dma_start3A_133 = arith.constant 0 : i32
        %dma_start3A_134 = tpu.memref_slice %arg2[%dma_start3A_132, %dma_start3A_133] : memref<10240x16xf32, #tpu.memory_space<hbm>> -> memref<10240x16xf32, #tpu.memory_space<hbm>>
        tpu.enqueue_indirect_dma source(%dma_start3A_134 : memref<10240x16xf32, #tpu.memory_space<hbm>>) target(%arg10 : memref<128x16xf32, #tpu.memory_space<vmem>>) offsets(%dma_start3A_131 : memref<128xi32, #tpu.memory_space<vmem>>) semaphore(%arg14 : memref<!tpu.dma_semaphore, #tpu.memory_space<semaphore_mem>>)
      } else {
      }
      %dma_wait3A_114 = arith.constant 0 : i32
      %dma_wait3A_115 = tpu.memref_slice %arg8[%add3A_68, %dma_wait3A_114] : memref<80x128xi32, #tpu.memory_space<vmem>> -> memref<1x128xi32, #tpu.memory_space<vmem>>
      %dma_wait3A_116 = tpu.memref_squeeze %dma_wait3A_115 : memref<1x128xi32, #tpu.memory_space<vmem>> -> memref<128xi32, #tpu.memory_space<vmem>>
      %dma_wait3A_117 = arith.constant 0 : i32
      %dma_wait3A_118 = arith.constant 0 : i32
      %dma_wait3A_119 = tpu.memref_slice %arg13[%dma_wait3A_117, %dma_wait3A_118] : memref<10240x16xf32, #tpu.memory_space<vmem_shared>> -> memref<10240x16xf32, #tpu.memory_space<vmem_shared>>
      tpu.wait_indirect_dma semaphore(%arg17 : memref<!tpu.dma_semaphore, #tpu.memory_space<semaphore_mem>>) src(%arg11 : memref<128x16xf32, #tpu.memory_space<vmem>>) dst(%dma_wait3A_119 : memref<10240x16xf32, #tpu.memory_space<vmem_shared>>)
      %add3A_120 = arith.constant 2 : i32
      %add3A_121 = arith.addi %add3A_68, %add3A_120 : i32
      %lt3A_122 = arith.constant 80 : i32
      %lt3A_123 = arith.cmpi slt, %add3A_121, %lt3A_122 : i32
      %convert_element_type3A_124 = arith.extui %lt3A_123 : i1 to i32
      %cond3A_125 = arith.constant 0 : i32
      %cond3A_126 = arith.cmpi ne, %convert_element_type3A_124, %cond3A_125 : i32
      scf.if %cond3A_126 {
        %add3A_127 = arith.constant 2 : i32
        %add3A_128 = arith.addi %add3A_68, %add3A_127 : i32
        %dma_start3A_129 = arith.constant 0 : i32
        %dma_start3A_130 = tpu.memref_slice %arg7[%add3A_128, %dma_start3A_129] : memref<80x128xi32, #tpu.memory_space<vmem>> -> memref<1x128xi32, #tpu.memory_space<vmem>>
        %dma_start3A_131 = tpu.memref_squeeze %dma_start3A_130 : memref<1x128xi32, #tpu.memory_space<vmem>> -> memref<128xi32, #tpu.memory_space<vmem>>
        %dma_start3A_132 = arith.constant 0 : i32
        %dma_start3A_133 = arith.constant 0 : i32
        %dma_start3A_134 = tpu.memref_slice %arg2[%dma_start3A_132, %dma_start3A_133] : memref<10240x16xf32, #tpu.memory_space<hbm>> -> memref<10240x16xf32, #tpu.memory_space<hbm>>
        tpu.enqueue_indirect_dma source(%dma_start3A_134 : memref<10240x16xf32, #tpu.memory_space<hbm>>) target(%arg11 : memref<128x16xf32, #tpu.memory_space<vmem>>) offsets(%dma_start3A_131 : memref<128xi32, #tpu.memory_space<vmem>>) semaphore(%arg15 : memref<!tpu.dma_semaphore, #tpu.memory_space<semaphore_mem>>)
      } else {
      }
    }
    %scan3A_37 = arith.constant 40 : i32
    %barrier3A_38 = arith.constant 0 : index
    tpu.barrier barrier_id(%barrier3A_38)
    %add3A_39 = arith.constant 0 : i32
    %add3A_40 = arith.addi %mul3A_8, %add3A_39 : i32
    "tpu.region"() ({
      %run_scoped3A = tpu.sem_alloc : memref<!tpu.dma_semaphore, #tpu.memory_space<semaphore_mem>>
      %dma_start3A_64 = arith.constant 0 : i32
      %dma_start3A_65 = tpu.memref_slice %arg13[%add3A_40, %dma_start3A_64] : memref<10240x16xf32, #tpu.memory_space<vmem_shared>> -> memref<128x16xf32, #tpu.memory_space<vmem_shared>>
      %dma_start3A_66 = arith.constant 0 : i32
      %dma_start3A_67 = tpu.memref_slice %arg13[%add3A_40, %dma_start3A_66] : memref<10240x16xf32, #tpu.memory_space<vmem_shared>> -> memref<128x16xf32, #tpu.memory_space<vmem_shared>>
      tpu.enqueue_dma source(%dma_start3A_67 : memref<128x16xf32, #tpu.memory_space<vmem_shared>>) target(%arg10 : memref<128x16xf32, #tpu.memory_space<vmem>>) target_semaphore(%run_scoped3A : memref<!tpu.dma_semaphore, #tpu.memory_space<semaphore_mem>>)
      %dma_wait3A = arith.constant 0 : i32
      %dma_wait3A_68 = tpu.memref_slice %arg13[%add3A_40, %dma_wait3A] : memref<10240x16xf32, #tpu.memory_space<vmem_shared>> -> memref<128x16xf32, #tpu.memory_space<vmem_shared>>
      %dma_wait3A_69 = arith.constant 0 : i32
      %dma_wait3A_70 = tpu.memref_slice %arg13[%add3A_40, %dma_wait3A_69] : memref<10240x16xf32, #tpu.memory_space<vmem_shared>> -> memref<128x16xf32, #tpu.memory_space<vmem_shared>>
      tpu.wait_dma2 semaphore(%run_scoped3A : memref<!tpu.dma_semaphore, #tpu.memory_space<semaphore_mem>>) src(%dma_wait3A_70 : memref<128x16xf32, #tpu.memory_space<vmem_shared>>) dst(%arg10 : memref<128x16xf32, #tpu.memory_space<vmem>>)
      tpu.yield
    }) : () -> ()
    %mul3A_41 = arith.constant 10240 : i32
    %mul3A_42 = arith.muli %arg0, %mul3A_41 : i32
    %add3A_43 = arith.addi %mul3A_42, %add3A_40 : i32
    "tpu.region"() ({
      %run_scoped3A = tpu.sem_alloc : memref<!tpu.dma_semaphore, #tpu.memory_space<semaphore_mem>>
      %dma_start3A_64 = arith.constant 0 : i32
      %dma_start3A_65 = tpu.memref_slice %arg6[%add3A_43, %dma_start3A_64] : memref<20480x16xf32, #tpu.memory_space<hbm>> -> memref<128x16xf32, #tpu.memory_space<hbm>>
      %dma_start3A_66 = arith.constant 0 : i32
      %dma_start3A_67 = tpu.memref_slice %arg6[%add3A_43, %dma_start3A_66] : memref<20480x16xf32, #tpu.memory_space<hbm>> -> memref<128x16xf32, #tpu.memory_space<hbm>>
      tpu.enqueue_dma source(%arg10 : memref<128x16xf32, #tpu.memory_space<vmem>>) target(%dma_start3A_67 : memref<128x16xf32, #tpu.memory_space<hbm>>) target_semaphore(%run_scoped3A : memref<!tpu.dma_semaphore, #tpu.memory_space<semaphore_mem>>)
      %dma_wait3A = arith.constant 0 : i32
      %dma_wait3A_68 = tpu.memref_slice %arg6[%add3A_43, %dma_wait3A] : memref<20480x16xf32, #tpu.memory_space<hbm>> -> memref<128x16xf32, #tpu.memory_space<hbm>>
      %dma_wait3A_69 = arith.constant 0 : i32
      %dma_wait3A_70 = tpu.memref_slice %arg6[%add3A_43, %dma_wait3A_69] : memref<20480x16xf32, #tpu.memory_space<hbm>> -> memref<128x16xf32, #tpu.memory_space<hbm>>
      tpu.wait_dma2 semaphore(%run_scoped3A : memref<!tpu.dma_semaphore, #tpu.memory_space<semaphore_mem>>) src(%arg10 : memref<128x16xf32, #tpu.memory_space<vmem>>) dst(%dma_wait3A_70 : memref<128x16xf32, #tpu.memory_space<hbm>>)
      tpu.yield
    }) : () -> ()
    %add3A_44 = arith.constant 128 : i32
    %add3A_45 = arith.addi %mul3A_8, %add3A_44 : i32
    "tpu.region"() ({
      %run_scoped3A = tpu.sem_alloc : memref<!tpu.dma_semaphore, #tpu.memory_space<semaphore_mem>>
      %dma_start3A_64 = arith.constant 0 : i32
      %dma_start3A_65 = tpu.memref_slice %arg13[%add3A_45, %dma_start3A_64] : memref<10240x16xf32, #tpu.memory_space<vmem_shared>> -> memref<128x16xf32, #tpu.memory_space<vmem_shared>>
      %dma_start3A_66 = arith.constant 0 : i32
      %dma_start3A_67 = tpu.memref_slice %arg13[%add3A_45, %dma_start3A_66] : memref<10240x16xf32, #tpu.memory_space<vmem_shared>> -> memref<128x16xf32, #tpu.memory_space<vmem_shared>>
      tpu.enqueue_dma source(%dma_start3A_67 : memref<128x16xf32, #tpu.memory_space<vmem_shared>>) target(%arg10 : memref<128x16xf32, #tpu.memory_space<vmem>>) target_semaphore(%run_scoped3A : memref<!tpu.dma_semaphore, #tpu.memory_space<semaphore_mem>>)
      %dma_wait3A = arith.constant 0 : i32
      %dma_wait3A_68 = tpu.memref_slice %arg13[%add3A_45, %dma_wait3A] : memref<10240x16xf32, #tpu.memory_space<vmem_shared>> -> memref<128x16xf32, #tpu.memory_space<vmem_shared>>
      %dma_wait3A_69 = arith.constant 0 : i32
      %dma_wait3A_70 = tpu.memref_slice %arg13[%add3A_45, %dma_wait3A_69] : memref<10240x16xf32, #tpu.memory_space<vmem_shared>> -> memref<128x16xf32, #tpu.memory_space<vmem_shared>>
      tpu.wait_dma2 semaphore(%run_scoped3A : memref<!tpu.dma_semaphore, #tpu.memory_space<semaphore_mem>>) src(%dma_wait3A_70 : memref<128x16xf32, #tpu.memory_space<vmem_shared>>) dst(%arg10 : memref<128x16xf32, #tpu.memory_space<vmem>>)
      tpu.yield
    }) : () -> ()
    %mul3A_46 = arith.constant 10240 : i32
    %mul3A_47 = arith.muli %arg0, %mul3A_46 : i32
    %add3A_48 = arith.addi %mul3A_47, %add3A_45 : i32
    "tpu.region"() ({
      %run_scoped3A = tpu.sem_alloc : memref<!tpu.dma_semaphore, #tpu.memory_space<semaphore_mem>>
      %dma_start3A_64 = arith.constant 0 : i32
      %dma_start3A_65 = tpu.memref_slice %arg6[%add3A_48, %dma_start3A_64] : memref<20480x16xf32, #tpu.memory_space<hbm>> -> memref<128x16xf32, #tpu.memory_space<hbm>>
      %dma_start3A_66 = arith.constant 0 : i32
      %dma_start3A_67 = tpu.memref_slice %arg6[%add3A_48, %dma_start3A_66] : memref<20480x16xf32, #tpu.memory_space<hbm>> -> memref<128x16xf32, #tpu.memory_space<hbm>>
      tpu.enqueue_dma source(%arg10 : memref<128x16xf32, #tpu.memory_space<vmem>>) target(%dma_start3A_67 : memref<128x16xf32, #tpu.memory_space<hbm>>) target_semaphore(%run_scoped3A : memref<!tpu.dma_semaphore, #tpu.memory_space<semaphore_mem>>)
      %dma_wait3A = arith.constant 0 : i32
      %dma_wait3A_68 = tpu.memref_slice %arg6[%add3A_48, %dma_wait3A] : memref<20480x16xf32, #tpu.memory_space<hbm>> -> memref<128x16xf32, #tpu.memory_space<hbm>>
      %dma_wait3A_69 = arith.constant 0 : i32
      %dma_wait3A_70 = tpu.memref_slice %arg6[%add3A_48, %dma_wait3A_69] : memref<20480x16xf32, #tpu.memory_space<hbm>> -> memref<128x16xf32, #tpu.memory_space<hbm>>
      tpu.wait_dma2 semaphore(%run_scoped3A : memref<!tpu.dma_semaphore, #tpu.memory_space<semaphore_mem>>) src(%arg10 : memref<128x16xf32, #tpu.memory_space<vmem>>) dst(%dma_wait3A_70 : memref<128x16xf32, #tpu.memory_space<hbm>>)
      tpu.yield
    }) : () -> ()
    %add3A_49 = arith.constant 256 : i32
    %add3A_50 = arith.addi %mul3A_8, %add3A_49 : i32
    "tpu.region"() ({
      %run_scoped3A = tpu.sem_alloc : memref<!tpu.dma_semaphore, #tpu.memory_space<semaphore_mem>>
      %dma_start3A_64 = arith.constant 0 : i32
      %dma_start3A_65 = tpu.memref_slice %arg13[%add3A_50, %dma_start3A_64] : memref<10240x16xf32, #tpu.memory_space<vmem_shared>> -> memref<128x16xf32, #tpu.memory_space<vmem_shared>>
      %dma_start3A_66 = arith.constant 0 : i32
      %dma_start3A_67 = tpu.memref_slice %arg13[%add3A_50, %dma_start3A_66] : memref<10240x16xf32, #tpu.memory_space<vmem_shared>> -> memref<128x16xf32, #tpu.memory_space<vmem_shared>>
      tpu.enqueue_dma source(%dma_start3A_67 : memref<128x16xf32, #tpu.memory_space<vmem_shared>>) target(%arg10 : memref<128x16xf32, #tpu.memory_space<vmem>>) target_semaphore(%run_scoped3A : memref<!tpu.dma_semaphore, #tpu.memory_space<semaphore_mem>>)
      %dma_wait3A = arith.constant 0 : i32
      %dma_wait3A_68 = tpu.memref_slice %arg13[%add3A_50, %dma_wait3A] : memref<10240x16xf32, #tpu.memory_space<vmem_shared>> -> memref<128x16xf32, #tpu.memory_space<vmem_shared>>
      %dma_wait3A_69 = arith.constant 0 : i32
      %dma_wait3A_70 = tpu.memref_slice %arg13[%add3A_50, %dma_wait3A_69] : memref<10240x16xf32, #tpu.memory_space<vmem_shared>> -> memref<128x16xf32, #tpu.memory_space<vmem_shared>>
      tpu.wait_dma2 semaphore(%run_scoped3A : memref<!tpu.dma_semaphore, #tpu.memory_space<semaphore_mem>>) src(%dma_wait3A_70 : memref<128x16xf32, #tpu.memory_space<vmem_shared>>) dst(%arg10 : memref<128x16xf32, #tpu.memory_space<vmem>>)
      tpu.yield
    }) : () -> ()
    %mul3A_51 = arith.constant 10240 : i32
    %mul3A_52 = arith.muli %arg0, %mul3A_51 : i32
    %add3A_53 = arith.addi %mul3A_52, %add3A_50 : i32
    "tpu.region"() ({
      %run_scoped3A = tpu.sem_alloc : memref<!tpu.dma_semaphore, #tpu.memory_space<semaphore_mem>>
      %dma_start3A_64 = arith.constant 0 : i32
      %dma_start3A_65 = tpu.memref_slice %arg6[%add3A_53, %dma_start3A_64] : memref<20480x16xf32, #tpu.memory_space<hbm>> -> memref<128x16xf32, #tpu.memory_space<hbm>>
      %dma_start3A_66 = arith.constant 0 : i32
      %dma_start3A_67 = tpu.memref_slice %arg6[%add3A_53, %dma_start3A_66] : memref<20480x16xf32, #tpu.memory_space<hbm>> -> memref<128x16xf32, #tpu.memory_space<hbm>>
      tpu.enqueue_dma source(%arg10 : memref<128x16xf32, #tpu.memory_space<vmem>>) target(%dma_start3A_67 : memref<128x16xf32, #tpu.memory_space<hbm>>) target_semaphore(%run_scoped3A : memref<!tpu.dma_semaphore, #tpu.memory_space<semaphore_mem>>)
      %dma_wait3A = arith.constant 0 : i32
      %dma_wait3A_68 = tpu.memref_slice %arg6[%add3A_53, %dma_wait3A] : memref<20480x16xf32, #tpu.memory_space<hbm>> -> memref<128x16xf32, #tpu.memory_space<hbm>>
      %dma_wait3A_69 = arith.constant 0 : i32
      %dma_wait3A_70 = tpu.memref_slice %arg6[%add3A_53, %dma_wait3A_69] : memref<20480x16xf32, #tpu.memory_space<hbm>> -> memref<128x16xf32, #tpu.memory_space<hbm>>
      tpu.wait_dma2 semaphore(%run_scoped3A : memref<!tpu.dma_semaphore, #tpu.memory_space<semaphore_mem>>) src(%arg10 : memref<128x16xf32, #tpu.memory_space<vmem>>) dst(%dma_wait3A_70 : memref<128x16xf32, #tpu.memory_space<hbm>>)
      tpu.yield
    }) : () -> ()
    %add3A_54 = arith.constant 384 : i32
    %add3A_55 = arith.addi %mul3A_8, %add3A_54 : i32
    "tpu.region"() ({
      %run_scoped3A = tpu.sem_alloc : memref<!tpu.dma_semaphore, #tpu.memory_space<semaphore_mem>>
      %dma_start3A_64 = arith.constant 0 : i32
      %dma_start3A_65 = tpu.memref_slice %arg13[%add3A_55, %dma_start3A_64] : memref<10240x16xf32, #tpu.memory_space<vmem_shared>> -> memref<128x16xf32, #tpu.memory_space<vmem_shared>>
      %dma_start3A_66 = arith.constant 0 : i32
      %dma_start3A_67 = tpu.memref_slice %arg13[%add3A_55, %dma_start3A_66] : memref<10240x16xf32, #tpu.memory_space<vmem_shared>> -> memref<128x16xf32, #tpu.memory_space<vmem_shared>>
      tpu.enqueue_dma source(%dma_start3A_67 : memref<128x16xf32, #tpu.memory_space<vmem_shared>>) target(%arg10 : memref<128x16xf32, #tpu.memory_space<vmem>>) target_semaphore(%run_scoped3A : memref<!tpu.dma_semaphore, #tpu.memory_space<semaphore_mem>>)
      %dma_wait3A = arith.constant 0 : i32
      %dma_wait3A_68 = tpu.memref_slice %arg13[%add3A_55, %dma_wait3A] : memref<10240x16xf32, #tpu.memory_space<vmem_shared>> -> memref<128x16xf32, #tpu.memory_space<vmem_shared>>
      %dma_wait3A_69 = arith.constant 0 : i32
      %dma_wait3A_70 = tpu.memref_slice %arg13[%add3A_55, %dma_wait3A_69] : memref<10240x16xf32, #tpu.memory_space<vmem_shared>> -> memref<128x16xf32, #tpu.memory_space<vmem_shared>>
      tpu.wait_dma2 semaphore(%run_scoped3A : memref<!tpu.dma_semaphore, #tpu.memory_space<semaphore_mem>>) src(%dma_wait3A_70 : memref<128x16xf32, #tpu.memory_space<vmem_shared>>) dst(%arg10 : memref<128x16xf32, #tpu.memory_space<vmem>>)
      tpu.yield
    }) : () -> ()
    %mul3A_56 = arith.constant 10240 : i32
    %mul3A_57 = arith.muli %arg0, %mul3A_56 : i32
    %add3A_58 = arith.addi %mul3A_57, %add3A_55 : i32
    "tpu.region"() ({
      %run_scoped3A = tpu.sem_alloc : memref<!tpu.dma_semaphore, #tpu.memory_space<semaphore_mem>>
      %dma_start3A_64 = arith.constant 0 : i32
      %dma_start3A_65 = tpu.memref_slice %arg6[%add3A_58, %dma_start3A_64] : memref<20480x16xf32, #tpu.memory_space<hbm>> -> memref<128x16xf32, #tpu.memory_space<hbm>>
      %dma_start3A_66 = arith.constant 0 : i32
      %dma_start3A_67 = tpu.memref_slice %arg6[%add3A_58, %dma_start3A_66] : memref<20480x16xf32, #tpu.memory_space<hbm>> -> memref<128x16xf32, #tpu.memory_space<hbm>>
      tpu.enqueue_dma source(%arg10 : memref<128x16xf32, #tpu.memory_space<vmem>>) target(%dma_start3A_67 : memref<128x16xf32, #tpu.memory_space<hbm>>) target_semaphore(%run_scoped3A : memref<!tpu.dma_semaphore, #tpu.memory_space<semaphore_mem>>)
      %dma_wait3A = arith.constant 0 : i32
      %dma_wait3A_68 = tpu.memref_slice %arg6[%add3A_58, %dma_wait3A] : memref<20480x16xf32, #tpu.memory_space<hbm>> -> memref<128x16xf32, #tpu.memory_space<hbm>>
      %dma_wait3A_69 = arith.constant 0 : i32
      %dma_wait3A_70 = tpu.memref_slice %arg6[%add3A_58, %dma_wait3A_69] : memref<20480x16xf32, #tpu.memory_space<hbm>> -> memref<128x16xf32, #tpu.memory_space<hbm>>
      tpu.wait_dma2 semaphore(%run_scoped3A : memref<!tpu.dma_semaphore, #tpu.memory_space<semaphore_mem>>) src(%arg10 : memref<128x16xf32, #tpu.memory_space<vmem>>) dst(%dma_wait3A_70 : memref<128x16xf32, #tpu.memory_space<hbm>>)
      tpu.yield
    }) : () -> ()
    %add3A_59 = arith.constant 512 : i32
    %add3A_60 = arith.addi %mul3A_8, %add3A_59 : i32
    "tpu.region"() ({
      %run_scoped3A = tpu.sem_alloc : memref<!tpu.dma_semaphore, #tpu.memory_space<semaphore_mem>>
      %dma_start3A_64 = arith.constant 0 : i32
      %dma_start3A_65 = tpu.memref_slice %arg13[%add3A_60, %dma_start3A_64] : memref<10240x16xf32, #tpu.memory_space<vmem_shared>> -> memref<128x16xf32, #tpu.memory_space<vmem_shared>>
      %dma_start3A_66 = arith.constant 0 : i32
      %dma_start3A_67 = tpu.memref_slice %arg13[%add3A_60, %dma_start3A_66] : memref<10240x16xf32, #tpu.memory_space<vmem_shared>> -> memref<128x16xf32, #tpu.memory_space<vmem_shared>>
      tpu.enqueue_dma source(%dma_start3A_67 : memref<128x16xf32, #tpu.memory_space<vmem_shared>>) target(%arg10 : memref<128x16xf32, #tpu.memory_space<vmem>>) target_semaphore(%run_scoped3A : memref<!tpu.dma_semaphore, #tpu.memory_space<semaphore_mem>>)
      %dma_wait3A = arith.constant 0 : i32
      %dma_wait3A_68 = tpu.memref_slice %arg13[%add3A_60, %dma_wait3A] : memref<10240x16xf32, #tpu.memory_space<vmem_shared>> -> memref<128x16xf32, #tpu.memory_space<vmem_shared>>
      %dma_wait3A_69 = arith.constant 0 : i32
      %dma_wait3A_70 = tpu.memref_slice %arg13[%add3A_60, %dma_wait3A_69] : memref<10240x16xf32, #tpu.memory_space<vmem_shared>> -> memref<128x16xf32, #tpu.memory_space<vmem_shared>>
      tpu.wait_dma2 semaphore(%run_scoped3A : memref<!tpu.dma_semaphore, #tpu.memory_space<semaphore_mem>>) src(%dma_wait3A_70 : memref<128x16xf32, #tpu.memory_space<vmem_shared>>) dst(%arg10 : memref<128x16xf32, #tpu.memory_space<vmem>>)
      tpu.yield
    }) : () -> ()
    %mul3A_61 = arith.constant 10240 : i32
    %mul3A_62 = arith.muli %arg0, %mul3A_61 : i32
    %add3A_63 = arith.addi %mul3A_62, %add3A_60 : i32
    "tpu.region"() ({
      %run_scoped3A = tpu.sem_alloc : memref<!tpu.dma_semaphore, #tpu.memory_space<semaphore_mem>>
      %dma_start3A_64 = arith.constant 0 : i32
      %dma_start3A_65 = tpu.memref_slice %arg6[%add3A_63, %dma_start3A_64] : memref<20480x16xf32, #tpu.memory_space<hbm>> -> memref<128x16xf32, #tpu.memory_space<hbm>>
      %dma_start3A_66 = arith.constant 0 : i32
      %dma_start3A_67 = tpu.memref_slice %arg6[%add3A_63, %dma_start3A_66] : memref<20480x16xf32, #tpu.memory_space<hbm>> -> memref<128x16xf32, #tpu.memory_space<hbm>>
      tpu.enqueue_dma source(%arg10 : memref<128x16xf32, #tpu.memory_space<vmem>>) target(%dma_start3A_67 : memref<128x16xf32, #tpu.memory_space<hbm>>) target_semaphore(%run_scoped3A : memref<!tpu.dma_semaphore, #tpu.memory_space<semaphore_mem>>)
      %dma_wait3A = arith.constant 0 : i32
      %dma_wait3A_68 = tpu.memref_slice %arg6[%add3A_63, %dma_wait3A] : memref<20480x16xf32, #tpu.memory_space<hbm>> -> memref<128x16xf32, #tpu.memory_space<hbm>>
      %dma_wait3A_69 = arith.constant 0 : i32
      %dma_wait3A_70 = tpu.memref_slice %arg6[%add3A_63, %dma_wait3A_69] : memref<20480x16xf32, #tpu.memory_space<hbm>> -> memref<128x16xf32, #tpu.memory_space<hbm>>
      tpu.wait_dma2 semaphore(%run_scoped3A : memref<!tpu.dma_semaphore, #tpu.memory_space<semaphore_mem>>) src(%arg10 : memref<128x16xf32, #tpu.memory_space<vmem>>) dst(%dma_wait3A_70 : memref<128x16xf32, #tpu.memory_space<hbm>>)
      tpu.yield
    }) : () -> ()
    return
  }
}

#map = affine_map<(d0, d1) -> (0, 0)>
#map1 = affine_map<(d0, d1) -> (0, 0, 0)>
module attributes {stable_mosaic.version = 14 : i64} {
  func.func @spmm(%arg0: i32, %arg1: i32, %arg2: memref<10240x64xf32, #tpu.memory_space<hbm>>, %arg3: memref<32x80x128xi32, #tpu.memory_space<hbm>>, %arg4: memref<32x80x128xi32, #tpu.memory_space<hbm>>, %arg5: memref<32x10240xf32, #tpu.memory_space<hbm>>, %arg6: memref<20480x64xf32, #tpu.memory_space<hbm>>, %arg7: memref<80x128xi32, #tpu.memory_space<vmem>>, %arg8: memref<80x128xi32, #tpu.memory_space<vmem>>, %arg9: memref<10240xf32, #tpu.memory_space<vmem>>, %arg10: memref<128x64xf32, #tpu.memory_space<vmem>>, %arg11: memref<128x64xf32, #tpu.memory_space<vmem>>, %arg12: memref<128x64xf32, #tpu.memory_space<vmem>>, %arg13: memref<10240x64xf32, #tpu.memory_space<vmem_shared>>, %arg14: memref<!tpu.dma_semaphore, #tpu.memory_space<semaphore_mem>>, %arg15: memref<!tpu.dma_semaphore, #tpu.memory_space<semaphore_mem>>, %arg16: memref<!tpu.dma_semaphore, #tpu.memory_space<semaphore_mem>>, %arg17: memref<!tpu.dma_semaphore, #tpu.memory_space<semaphore_mem>>) attributes {dimension_semantics = [#tpu.dimension_semantics<core_parallel>, #tpu.dimension_semantics<subcore_parallel>], iteration_bounds = array<i64: 2, 16>, scalar_prefetch = 0 : i64, scratch_operands = 11 : i64, tpu.core_type = #tpu.core_type<sc_vector_subcore>, window_params = [{transform_indices = #map}, {transform_indices = #map1}, {transform_indices = #map1}, {transform_indices = #map}, {transform_indices = #map}]} {
    %mul3A = arith.constant 2 : i32
    %mul3A_0 = arith.muli %arg1, %mul3A : i32
    %add3A = arith.addi %mul3A_0, %arg0 : i32
    "tpu.region"() ({
      %run_scoped3A = tpu.sem_alloc : memref<!tpu.dma_semaphore, #tpu.memory_space<semaphore_mem>>
      %dma_start3A_64 = arith.constant 0 : i32
      %dma_start3A_65 = arith.constant 0 : i32
      %dma_start3A_66 = tpu.memref_slice %arg3[%add3A, %dma_start3A_64, %dma_start3A_65] : memref<32x80x128xi32, #tpu.memory_space<hbm>> -> memref<1x80x128xi32, #tpu.memory_space<hbm>>
      %dma_start3A_67 = tpu.memref_squeeze %dma_start3A_66 : memref<1x80x128xi32, #tpu.memory_space<hbm>> -> memref<80x128xi32, #tpu.memory_space<hbm>>
      %dma_start3A_68 = arith.constant 0 : i32
      %dma_start3A_69 = arith.constant 0 : i32
      %dma_start3A_70 = tpu.memref_slice %arg3[%add3A, %dma_start3A_68, %dma_start3A_69] : memref<32x80x128xi32, #tpu.memory_space<hbm>> -> memref<1x80x128xi32, #tpu.memory_space<hbm>>
      %dma_start3A_71 = tpu.memref_squeeze %dma_start3A_70 : memref<1x80x128xi32, #tpu.memory_space<hbm>> -> memref<80x128xi32, #tpu.memory_space<hbm>>
      tpu.enqueue_dma source(%dma_start3A_71 : memref<80x128xi32, #tpu.memory_space<hbm>>) target(%arg7 : memref<80x128xi32, #tpu.memory_space<vmem>>) target_semaphore(%run_scoped3A : memref<!tpu.dma_semaphore, #tpu.memory_space<semaphore_mem>>)
      %dma_wait3A = arith.constant 0 : i32
      %dma_wait3A_72 = arith.constant 0 : i32
      %dma_wait3A_73 = tpu.memref_slice %arg3[%add3A, %dma_wait3A, %dma_wait3A_72] : memref<32x80x128xi32, #tpu.memory_space<hbm>> -> memref<1x80x128xi32, #tpu.memory_space<hbm>>
      %dma_wait3A_74 = tpu.memref_squeeze %dma_wait3A_73 : memref<1x80x128xi32, #tpu.memory_space<hbm>> -> memref<80x128xi32, #tpu.memory_space<hbm>>
      %dma_wait3A_75 = arith.constant 0 : i32
      %dma_wait3A_76 = arith.constant 0 : i32
      %dma_wait3A_77 = tpu.memref_slice %arg3[%add3A, %dma_wait3A_75, %dma_wait3A_76] : memref<32x80x128xi32, #tpu.memory_space<hbm>> -> memref<1x80x128xi32, #tpu.memory_space<hbm>>
      %dma_wait3A_78 = tpu.memref_squeeze %dma_wait3A_77 : memref<1x80x128xi32, #tpu.memory_space<hbm>> -> memref<80x128xi32, #tpu.memory_space<hbm>>
      tpu.wait_dma2 semaphore(%run_scoped3A : memref<!tpu.dma_semaphore, #tpu.memory_space<semaphore_mem>>) src(%dma_wait3A_78 : memref<80x128xi32, #tpu.memory_space<hbm>>) dst(%arg7 : memref<80x128xi32, #tpu.memory_space<vmem>>)
      tpu.yield
    }) : () -> ()
    "tpu.region"() ({
      %run_scoped3A = tpu.sem_alloc : memref<!tpu.dma_semaphore, #tpu.memory_space<semaphore_mem>>
      %dma_start3A_64 = arith.constant 0 : i32
      %dma_start3A_65 = arith.constant 0 : i32
      %dma_start3A_66 = tpu.memref_slice %arg4[%add3A, %dma_start3A_64, %dma_start3A_65] : memref<32x80x128xi32, #tpu.memory_space<hbm>> -> memref<1x80x128xi32, #tpu.memory_space<hbm>>
      %dma_start3A_67 = tpu.memref_squeeze %dma_start3A_66 : memref<1x80x128xi32, #tpu.memory_space<hbm>> -> memref<80x128xi32, #tpu.memory_space<hbm>>
      %dma_start3A_68 = arith.constant 0 : i32
      %dma_start3A_69 = arith.constant 0 : i32
      %dma_start3A_70 = tpu.memref_slice %arg4[%add3A, %dma_start3A_68, %dma_start3A_69] : memref<32x80x128xi32, #tpu.memory_space<hbm>> -> memref<1x80x128xi32, #tpu.memory_space<hbm>>
      %dma_start3A_71 = tpu.memref_squeeze %dma_start3A_70 : memref<1x80x128xi32, #tpu.memory_space<hbm>> -> memref<80x128xi32, #tpu.memory_space<hbm>>
      tpu.enqueue_dma source(%dma_start3A_71 : memref<80x128xi32, #tpu.memory_space<hbm>>) target(%arg8 : memref<80x128xi32, #tpu.memory_space<vmem>>) target_semaphore(%run_scoped3A : memref<!tpu.dma_semaphore, #tpu.memory_space<semaphore_mem>>)
      %dma_wait3A = arith.constant 0 : i32
      %dma_wait3A_72 = arith.constant 0 : i32
      %dma_wait3A_73 = tpu.memref_slice %arg4[%add3A, %dma_wait3A, %dma_wait3A_72] : memref<32x80x128xi32, #tpu.memory_space<hbm>> -> memref<1x80x128xi32, #tpu.memory_space<hbm>>
      %dma_wait3A_74 = tpu.memref_squeeze %dma_wait3A_73 : memref<1x80x128xi32, #tpu.memory_space<hbm>> -> memref<80x128xi32, #tpu.memory_space<hbm>>
      %dma_wait3A_75 = arith.constant 0 : i32
      %dma_wait3A_76 = arith.constant 0 : i32
      %dma_wait3A_77 = tpu.memref_slice %arg4[%add3A, %dma_wait3A_75, %dma_wait3A_76] : memref<32x80x128xi32, #tpu.memory_space<hbm>> -> memref<1x80x128xi32, #tpu.memory_space<hbm>>
      %dma_wait3A_78 = tpu.memref_squeeze %dma_wait3A_77 : memref<1x80x128xi32, #tpu.memory_space<hbm>> -> memref<80x128xi32, #tpu.memory_space<hbm>>
      tpu.wait_dma2 semaphore(%run_scoped3A : memref<!tpu.dma_semaphore, #tpu.memory_space<semaphore_mem>>) src(%dma_wait3A_78 : memref<80x128xi32, #tpu.memory_space<hbm>>) dst(%arg8 : memref<80x128xi32, #tpu.memory_space<vmem>>)
      tpu.yield
    }) : () -> ()
    "tpu.region"() ({
      %run_scoped3A = tpu.sem_alloc : memref<!tpu.dma_semaphore, #tpu.memory_space<semaphore_mem>>
      %dma_start3A_64 = arith.constant 0 : i32
      %dma_start3A_65 = tpu.memref_slice %arg5[%add3A, %dma_start3A_64] : memref<32x10240xf32, #tpu.memory_space<hbm>> -> memref<1x10240xf32, #tpu.memory_space<hbm>>
      %dma_start3A_66 = tpu.memref_squeeze %dma_start3A_65 : memref<1x10240xf32, #tpu.memory_space<hbm>> -> memref<10240xf32, #tpu.memory_space<hbm>>
      %dma_start3A_67 = arith.constant 0 : i32
      %dma_start3A_68 = tpu.memref_slice %arg5[%add3A, %dma_start3A_67] : memref<32x10240xf32, #tpu.memory_space<hbm>> -> memref<1x10240xf32, #tpu.memory_space<hbm>>
      %dma_start3A_69 = tpu.memref_squeeze %dma_start3A_68 : memref<1x10240xf32, #tpu.memory_space<hbm>> -> memref<10240xf32, #tpu.memory_space<hbm>>
      tpu.enqueue_dma source(%dma_start3A_69 : memref<10240xf32, #tpu.memory_space<hbm>>) target(%arg9 : memref<10240xf32, #tpu.memory_space<vmem>>) target_semaphore(%run_scoped3A : memref<!tpu.dma_semaphore, #tpu.memory_space<semaphore_mem>>)
      %dma_wait3A = arith.constant 0 : i32
      %dma_wait3A_70 = tpu.memref_slice %arg5[%add3A, %dma_wait3A] : memref<32x10240xf32, #tpu.memory_space<hbm>> -> memref<1x10240xf32, #tpu.memory_space<hbm>>
      %dma_wait3A_71 = tpu.memref_squeeze %dma_wait3A_70 : memref<1x10240xf32, #tpu.memory_space<hbm>> -> memref<10240xf32, #tpu.memory_space<hbm>>
      %dma_wait3A_72 = arith.constant 0 : i32
      %dma_wait3A_73 = tpu.memref_slice %arg5[%add3A, %dma_wait3A_72] : memref<32x10240xf32, #tpu.memory_space<hbm>> -> memref<1x10240xf32, #tpu.memory_space<hbm>>
      %dma_wait3A_74 = tpu.memref_squeeze %dma_wait3A_73 : memref<1x10240xf32, #tpu.memory_space<hbm>> -> memref<10240xf32, #tpu.memory_space<hbm>>
      tpu.wait_dma2 semaphore(%run_scoped3A : memref<!tpu.dma_semaphore, #tpu.memory_space<semaphore_mem>>) src(%dma_wait3A_74 : memref<10240xf32, #tpu.memory_space<hbm>>) dst(%arg9 : memref<10240xf32, #tpu.memory_space<vmem>>)
      tpu.yield
    }) : () -> ()
    %broadcast_in_dim3A = arith.constant 0.000000e+00 : f32
    %broadcast_in_dim3A_1 = vector.broadcast %broadcast_in_dim3A : f32 to vector<16xf32>
    %scan3A = arith.constant 0 : i32
    %scan3A_2 = arith.constant 0 : i32
    %scan3A_3 = arith.constant 512 : i32
    %scan3A_4 = arith.addi %scan3A_2, %scan3A_3 : i32
    %scan3A_5 = arith.constant 1 : i32
    scf.for %scan3A_64 = %scan3A_2 to %scan3A_4 step %scan3A_5  : i32 {
      %jit3A = arith.constant 4 : i32
      %div3A = arith.divsi %scan3A_64, %jit3A : i32
      %sign3A = arith.constant 0 : i32
      %sign3A_65 = arith.cmpi sgt, %scan3A_64, %sign3A : i32
      %sign3A_66 = arith.extui %sign3A_65 : i1 to i32
      %sign3A_67 = arith.constant 0 : i32
      %sign3A_68 = arith.cmpi slt, %scan3A_64, %sign3A_67 : i32
      %sign3A_69 = arith.extui %sign3A_68 : i1 to i32
      %sign3A_70 = arith.subi %sign3A_66, %sign3A_69 : i32
      %sign3A_71 = arith.constant 0 : i32
      %sign3A_72 = arith.cmpi sgt, %jit3A, %sign3A_71 : i32
      %sign3A_73 = arith.extui %sign3A_72 : i1 to i32
      %sign3A_74 = arith.constant 0 : i32
      %sign3A_75 = arith.cmpi slt, %jit3A, %sign3A_74 : i32
      %sign3A_76 = arith.extui %sign3A_75 : i1 to i32
      %sign3A_77 = arith.subi %sign3A_73, %sign3A_76 : i32
      %ne3A = arith.cmpi ne, %sign3A_70, %sign3A_77 : i32
      %rem3A = arith.remsi %scan3A_64, %jit3A : i32
      %ne3A_78 = arith.constant 0 : i32
      %ne3A_79 = arith.cmpi ne, %rem3A, %ne3A_78 : i32
      %and3A = arith.andi %ne3A, %ne3A_79 : i1
      %sub3A = arith.constant 1 : i32
      %sub3A_80 = arith.subi %div3A, %sub3A : i32
      %select_n3A = arith.select %and3A, %sub3A_80, %div3A : i32
      %jit3A_81 = arith.constant 4 : i32
      %eq3A = arith.constant 0 : i32
      %eq3A_82 = arith.cmpi eq, %jit3A_81, %eq3A : i32
      %jit3A_83 = arith.constant 1 : i32
      %select_n3A_84 = arith.select %eq3A_82, %jit3A_83, %jit3A_81 : i32
      %rem3A_85 = arith.remsi %scan3A_64, %select_n3A_84 : i32
      %ne3A_86 = arith.constant 0 : i32
      %ne3A_87 = arith.cmpi ne, %rem3A_85, %ne3A_86 : i32
      %lt3A = arith.constant 0 : i32
      %lt3A_88 = arith.cmpi slt, %rem3A_85, %lt3A : i32
      %lt3A_89 = arith.constant 0 : i32
      %lt3A_90 = arith.cmpi slt, %select_n3A_84, %lt3A_89 : i32
      %ne3A_91 = arith.xori %lt3A_88, %lt3A_90 : i1
      %and3A_92 = arith.andi %ne3A_91, %ne3A_87 : i1
      %add3A_93 = arith.addi %rem3A_85, %select_n3A_84 : i32
      %select_n3A_94 = arith.select %and3A_92, %add3A_93, %rem3A_85 : i32
      %mul3A_95 = arith.constant 16 : i32
      %mul3A_96 = arith.muli %select_n3A_94, %mul3A_95 : i32
      %swap3A = arith.index_cast %select_n3A : i32 to index
      %swap3A_97 = arith.index_cast %mul3A_96 : i32 to index
      %swap3A_98 = tpu.vector_load %arg12[%swap3A, %swap3A_97] {strides = array<i32>} : memref<128x64xf32, #tpu.memory_space<vmem>>, vector<1x16xf32>,
      %swap3A_99 = vector.shape_cast %swap3A_98 : vector<1x16xf32> to vector<16xf32>
      %swap3A_100 = vector.shape_cast %broadcast_in_dim3A_1 : vector<16xf32> to vector<1x16xf32>
      tpu.vector_store %arg12[%swap3A, %swap3A_97], %swap3A_100 {strides = array<i32>} : memref<128x64xf32, #tpu.memory_space<vmem>>, vector<1x16xf32>,
    }
    %scan3A_6 = arith.constant 512 : i32
    %mul3A_7 = arith.constant 640 : i32
    %mul3A_8 = arith.muli %arg1, %mul3A_7 : i32
    %add3A_9 = arith.constant 0 : i32
    %add3A_10 = arith.addi %mul3A_8, %add3A_9 : i32
    "tpu.region"() ({
      %run_scoped3A = tpu.sem_alloc : memref<!tpu.dma_semaphore, #tpu.memory_space<semaphore_mem>>
      %dma_start3A_64 = arith.constant 0 : i32
      %dma_start3A_65 = tpu.memref_slice %arg13[%add3A_10, %dma_start3A_64] : memref<10240x64xf32, #tpu.memory_space<vmem_shared>> -> memref<128x64xf32, #tpu.memory_space<vmem_shared>>
      %dma_start3A_66 = arith.constant 0 : i32
      %dma_start3A_67 = tpu.memref_slice %arg13[%add3A_10, %dma_start3A_66] : memref<10240x64xf32, #tpu.memory_space<vmem_shared>> -> memref<128x64xf32, #tpu.memory_space<vmem_shared>>
      tpu.enqueue_dma source(%arg12 : memref<128x64xf32, #tpu.memory_space<vmem>>) target(%dma_start3A_67 : memref<128x64xf32, #tpu.memory_space<vmem_shared>>) target_semaphore(%run_scoped3A : memref<!tpu.dma_semaphore, #tpu.memory_space<semaphore_mem>>)
      %dma_wait3A = arith.constant 0 : i32
      %dma_wait3A_68 = tpu.memref_slice %arg13[%add3A_10, %dma_wait3A] : memref<10240x64xf32, #tpu.memory_space<vmem_shared>> -> memref<128x64xf32, #tpu.memory_space<vmem_shared>>
      %dma_wait3A_69 = arith.constant 0 : i32
      %dma_wait3A_70 = tpu.memref_slice %arg13[%add3A_10, %dma_wait3A_69] : memref<10240x64xf32, #tpu.memory_space<vmem_shared>> -> memref<128x64xf32, #tpu.memory_space<vmem_shared>>
      tpu.wait_dma2 semaphore(%run_scoped3A : memref<!tpu.dma_semaphore, #tpu.memory_space<semaphore_mem>>) src(%arg12 : memref<128x64xf32, #tpu.memory_space<vmem>>) dst(%dma_wait3A_70 : memref<128x64xf32, #tpu.memory_space<vmem_shared>>)
      tpu.yield
    }) : () -> ()
    %add3A_11 = arith.constant 128 : i32
    %add3A_12 = arith.addi %mul3A_8, %add3A_11 : i32
    "tpu.region"() ({
      %run_scoped3A = tpu.sem_alloc : memref<!tpu.dma_semaphore, #tpu.memory_space<semaphore_mem>>
      %dma_start3A_64 = arith.constant 0 : i32
      %dma_start3A_65 = tpu.memref_slice %arg13[%add3A_12, %dma_start3A_64] : memref<10240x64xf32, #tpu.memory_space<vmem_shared>> -> memref<128x64xf32, #tpu.memory_space<vmem_shared>>
      %dma_start3A_66 = arith.constant 0 : i32
      %dma_start3A_67 = tpu.memref_slice %arg13[%add3A_12, %dma_start3A_66] : memref<10240x64xf32, #tpu.memory_space<vmem_shared>> -> memref<128x64xf32, #tpu.memory_space<vmem_shared>>
      tpu.enqueue_dma source(%arg12 : memref<128x64xf32, #tpu.memory_space<vmem>>) target(%dma_start3A_67 : memref<128x64xf32, #tpu.memory_space<vmem_shared>>) target_semaphore(%run_scoped3A : memref<!tpu.dma_semaphore, #tpu.memory_space<semaphore_mem>>)
      %dma_wait3A = arith.constant 0 : i32
      %dma_wait3A_68 = tpu.memref_slice %arg13[%add3A_12, %dma_wait3A] : memref<10240x64xf32, #tpu.memory_space<vmem_shared>> -> memref<128x64xf32, #tpu.memory_space<vmem_shared>>
      %dma_wait3A_69 = arith.constant 0 : i32
      %dma_wait3A_70 = tpu.memref_slice %arg13[%add3A_12, %dma_wait3A_69] : memref<10240x64xf32, #tpu.memory_space<vmem_shared>> -> memref<128x64xf32, #tpu.memory_space<vmem_shared>>
      tpu.wait_dma2 semaphore(%run_scoped3A : memref<!tpu.dma_semaphore, #tpu.memory_space<semaphore_mem>>) src(%arg12 : memref<128x64xf32, #tpu.memory_space<vmem>>) dst(%dma_wait3A_70 : memref<128x64xf32, #tpu.memory_space<vmem_shared>>)
      tpu.yield
    }) : () -> ()
    %add3A_13 = arith.constant 256 : i32
    %add3A_14 = arith.addi %mul3A_8, %add3A_13 : i32
    "tpu.region"() ({
      %run_scoped3A = tpu.sem_alloc : memref<!tpu.dma_semaphore, #tpu.memory_space<semaphore_mem>>
      %dma_start3A_64 = arith.constant 0 : i32
      %dma_start3A_65 = tpu.memref_slice %arg13[%add3A_14, %dma_start3A_64] : memref<10240x64xf32, #tpu.memory_space<vmem_shared>> -> memref<128x64xf32, #tpu.memory_space<vmem_shared>>
      %dma_start3A_66 = arith.constant 0 : i32
      %dma_start3A_67 = tpu.memref_slice %arg13[%add3A_14, %dma_start3A_66] : memref<10240x64xf32, #tpu.memory_space<vmem_shared>> -> memref<128x64xf32, #tpu.memory_space<vmem_shared>>
      tpu.enqueue_dma source(%arg12 : memref<128x64xf32, #tpu.memory_space<vmem>>) target(%dma_start3A_67 : memref<128x64xf32, #tpu.memory_space<vmem_shared>>) target_semaphore(%run_scoped3A : memref<!tpu.dma_semaphore, #tpu.memory_space<semaphore_mem>>)
      %dma_wait3A = arith.constant 0 : i32
      %dma_wait3A_68 = tpu.memref_slice %arg13[%add3A_14, %dma_wait3A] : memref<10240x64xf32, #tpu.memory_space<vmem_shared>> -> memref<128x64xf32, #tpu.memory_space<vmem_shared>>
      %dma_wait3A_69 = arith.constant 0 : i32
      %dma_wait3A_70 = tpu.memref_slice %arg13[%add3A_14, %dma_wait3A_69] : memref<10240x64xf32, #tpu.memory_space<vmem_shared>> -> memref<128x64xf32, #tpu.memory_space<vmem_shared>>
      tpu.wait_dma2 semaphore(%run_scoped3A : memref<!tpu.dma_semaphore, #tpu.memory_space<semaphore_mem>>) src(%arg12 : memref<128x64xf32, #tpu.memory_space<vmem>>) dst(%dma_wait3A_70 : memref<128x64xf32, #tpu.memory_space<vmem_shared>>)
      tpu.yield
    }) : () -> ()
    %add3A_15 = arith.constant 384 : i32
    %add3A_16 = arith.addi %mul3A_8, %add3A_15 : i32
    "tpu.region"() ({
      %run_scoped3A = tpu.sem_alloc : memref<!tpu.dma_semaphore, #tpu.memory_space<semaphore_mem>>
      %dma_start3A_64 = arith.constant 0 : i32
      %dma_start3A_65 = tpu.memref_slice %arg13[%add3A_16, %dma_start3A_64] : memref<10240x64xf32, #tpu.memory_space<vmem_shared>> -> memref<128x64xf32, #tpu.memory_space<vmem_shared>>
      %dma_start3A_66 = arith.constant 0 : i32
      %dma_start3A_67 = tpu.memref_slice %arg13[%add3A_16, %dma_start3A_66] : memref<10240x64xf32, #tpu.memory_space<vmem_shared>> -> memref<128x64xf32, #tpu.memory_space<vmem_shared>>
      tpu.enqueue_dma source(%arg12 : memref<128x64xf32, #tpu.memory_space<vmem>>) target(%dma_start3A_67 : memref<128x64xf32, #tpu.memory_space<vmem_shared>>) target_semaphore(%run_scoped3A : memref<!tpu.dma_semaphore, #tpu.memory_space<semaphore_mem>>)
      %dma_wait3A = arith.constant 0 : i32
      %dma_wait3A_68 = tpu.memref_slice %arg13[%add3A_16, %dma_wait3A] : memref<10240x64xf32, #tpu.memory_space<vmem_shared>> -> memref<128x64xf32, #tpu.memory_space<vmem_shared>>
      %dma_wait3A_69 = arith.constant 0 : i32
      %dma_wait3A_70 = tpu.memref_slice %arg13[%add3A_16, %dma_wait3A_69] : memref<10240x64xf32, #tpu.memory_space<vmem_shared>> -> memref<128x64xf32, #tpu.memory_space<vmem_shared>>
      tpu.wait_dma2 semaphore(%run_scoped3A : memref<!tpu.dma_semaphore, #tpu.memory_space<semaphore_mem>>) src(%arg12 : memref<128x64xf32, #tpu.memory_space<vmem>>) dst(%dma_wait3A_70 : memref<128x64xf32, #tpu.memory_space<vmem_shared>>)
      tpu.yield
    }) : () -> ()
    %add3A_17 = arith.constant 512 : i32
    %add3A_18 = arith.addi %mul3A_8, %add3A_17 : i32
    "tpu.region"() ({
      %run_scoped3A = tpu.sem_alloc : memref<!tpu.dma_semaphore, #tpu.memory_space<semaphore_mem>>
      %dma_start3A_64 = arith.constant 0 : i32
      %dma_start3A_65 = tpu.memref_slice %arg13[%add3A_18, %dma_start3A_64] : memref<10240x64xf32, #tpu.memory_space<vmem_shared>> -> memref<128x64xf32, #tpu.memory_space<vmem_shared>>
      %dma_start3A_66 = arith.constant 0 : i32
      %dma_start3A_67 = tpu.memref_slice %arg13[%add3A_18, %dma_start3A_66] : memref<10240x64xf32, #tpu.memory_space<vmem_shared>> -> memref<128x64xf32, #tpu.memory_space<vmem_shared>>
      tpu.enqueue_dma source(%arg12 : memref<128x64xf32, #tpu.memory_space<vmem>>) target(%dma_start3A_67 : memref<128x64xf32, #tpu.memory_space<vmem_shared>>) target_semaphore(%run_scoped3A : memref<!tpu.dma_semaphore, #tpu.memory_space<semaphore_mem>>)
      %dma_wait3A = arith.constant 0 : i32
      %dma_wait3A_68 = tpu.memref_slice %arg13[%add3A_18, %dma_wait3A] : memref<10240x64xf32, #tpu.memory_space<vmem_shared>> -> memref<128x64xf32, #tpu.memory_space<vmem_shared>>
      %dma_wait3A_69 = arith.constant 0 : i32
      %dma_wait3A_70 = tpu.memref_slice %arg13[%add3A_18, %dma_wait3A_69] : memref<10240x64xf32, #tpu.memory_space<vmem_shared>> -> memref<128x64xf32, #tpu.memory_space<vmem_shared>>
      tpu.wait_dma2 semaphore(%run_scoped3A : memref<!tpu.dma_semaphore, #tpu.memory_space<semaphore_mem>>) src(%arg12 : memref<128x64xf32, #tpu.memory_space<vmem>>) dst(%dma_wait3A_70 : memref<128x64xf32, #tpu.memory_space<vmem_shared>>)
      tpu.yield
    }) : () -> ()
    %dma_start3A = arith.constant 0 : i32
    %dma_start3A_19 = arith.constant 0 : i32
    %dma_start3A_20 = tpu.memref_slice %arg7[%dma_start3A, %dma_start3A_19] : memref<80x128xi32, #tpu.memory_space<vmem>> -> memref<1x128xi32, #tpu.memory_space<vmem>>
    %dma_start3A_21 = tpu.memref_squeeze %dma_start3A_20 : memref<1x128xi32, #tpu.memory_space<vmem>> -> memref<128xi32, #tpu.memory_space<vmem>>
    %dma_start3A_22 = arith.constant 0 : i32
    %dma_start3A_23 = arith.constant 0 : i32
    %dma_start3A_24 = tpu.memref_slice %arg2[%dma_start3A_22, %dma_start3A_23] : memref<10240x64xf32, #tpu.memory_space<hbm>> -> memref<10240x64xf32, #tpu.memory_space<hbm>>
    tpu.enqueue_indirect_dma source(%dma_start3A_24 : memref<10240x64xf32, #tpu.memory_space<hbm>>) target(%arg10 : memref<128x64xf32, #tpu.memory_space<vmem>>) offsets(%dma_start3A_21 : memref<128xi32, #tpu.memory_space<vmem>>) semaphore(%arg14 : memref<!tpu.dma_semaphore, #tpu.memory_space<semaphore_mem>>)
    %dma_start3A_25 = arith.constant 1 : i32
    %dma_start3A_26 = arith.constant 0 : i32
    %dma_start3A_27 = tpu.memref_slice %arg7[%dma_start3A_25, %dma_start3A_26] : memref<80x128xi32, #tpu.memory_space<vmem>> -> memref<1x128xi32, #tpu.memory_space<vmem>>
    %dma_start3A_28 = tpu.memref_squeeze %dma_start3A_27 : memref<1x128xi32, #tpu.memory_space<vmem>> -> memref<128xi32, #tpu.memory_space<vmem>>
    %dma_start3A_29 = arith.constant 0 : i32
    %dma_start3A_30 = arith.constant 0 : i32
    %dma_start3A_31 = tpu.memref_slice %arg2[%dma_start3A_29, %dma_start3A_30] : memref<10240x64xf32, #tpu.memory_space<hbm>> -> memref<10240x64xf32, #tpu.memory_space<hbm>>
    tpu.enqueue_indirect_dma source(%dma_start3A_31 : memref<10240x64xf32, #tpu.memory_space<hbm>>) target(%arg11 : memref<128x64xf32, #tpu.memory_space<vmem>>) offsets(%dma_start3A_28 : memref<128xi32, #tpu.memory_space<vmem>>) semaphore(%arg15 : memref<!tpu.dma_semaphore, #tpu.memory_space<semaphore_mem>>)
    %barrier3A = arith.constant 0 : index
    tpu.barrier barrier_id(%barrier3A)
    %scan3A_32 = arith.constant 0 : i32
    %scan3A_33 = arith.constant 0 : i32
    %scan3A_34 = arith.constant 40 : i32
    %scan3A_35 = arith.addi %scan3A_33, %scan3A_34 : i32
    %scan3A_36 = arith.constant 1 : i32
    scf.for %scan3A_64 = %scan3A_33 to %scan3A_35 step %scan3A_36  : i32 {
      %mul3A_65 = arith.constant 2 : i32
      %mul3A_66 = arith.muli %mul3A_65, %scan3A_64 : i32
      %add3A_67 = arith.constant 1 : i32
      %add3A_68 = arith.addi %mul3A_66, %add3A_67 : i32
      %dma_wait3A = arith.constant 0 : i32
      %dma_wait3A_69 = tpu.memref_slice %arg7[%mul3A_66, %dma_wait3A] : memref<80x128xi32, #tpu.memory_space<vmem>> -> memref<1x128xi32, #tpu.memory_space<vmem>>
      %dma_wait3A_70 = tpu.memref_squeeze %dma_wait3A_69 : memref<1x128xi32, #tpu.memory_space<vmem>> -> memref<128xi32, #tpu.memory_space<vmem>>
      %dma_wait3A_71 = arith.constant 0 : i32
      %dma_wait3A_72 = arith.constant 0 : i32
      %dma_wait3A_73 = tpu.memref_slice %arg2[%dma_wait3A_71, %dma_wait3A_72] : memref<10240x64xf32, #tpu.memory_space<hbm>> -> memref<10240x64xf32, #tpu.memory_space<hbm>>
      tpu.wait_indirect_dma semaphore(%arg14 : memref<!tpu.dma_semaphore, #tpu.memory_space<semaphore_mem>>) src(%dma_wait3A_73 : memref<10240x64xf32, #tpu.memory_space<hbm>>) dst(%arg10 : memref<128x64xf32, #tpu.memory_space<vmem>>)
      %scan3A_74 = arith.constant 0 : i32
      %scan3A_75 = arith.constant 0 : i32
      %scan3A_76 = arith.constant 8 : i32
      %scan3A_77 = arith.addi %scan3A_75, %scan3A_76 : i32
      %scan3A_78 = arith.constant 1 : i32
      scf.for %scan3A_127 = %scan3A_75 to %scan3A_77 step %scan3A_78  : i32 {
        %mul3A_128 = arith.constant 128 : i32
        %mul3A_129 = arith.muli %mul3A_66, %mul3A_128 : i32
        %mul3A_130 = arith.constant 16 : i32
        %mul3A_131 = arith.muli %scan3A_127, %mul3A_130 : i32
        %add3A_132 = arith.addi %mul3A_129, %mul3A_131 : i32
        %get3A = arith.index_cast %add3A_132 : i32 to index
        %get3A_133 = tpu.vector_load %arg9[%get3A] {strides = array<i32>} : memref<10240xf32, #tpu.memory_space<vmem>>, vector<16xf32>,
        %get3A_134 = vector.shape_cast %get3A_133 : vector<16xf32> to vector<16xf32>
        %broadcast_in_dim3A_135 = arith.constant 0 : i32
        %broadcast_in_dim3A_136 = vector.broadcast %broadcast_in_dim3A_135 : i32 to vector<16xi32>
        %lt3A_137 = arith.constant 0 : i32
        %lt3A_138 = vector.broadcast %lt3A_137 : i32 to vector<16xi32>
        %lt3A_139 = arith.cmpi slt, %broadcast_in_dim3A_136, %lt3A_138 : vector<16xi32>
        %add3A_140 = arith.constant 16 : i32
        %add3A_141 = vector.broadcast %add3A_140 : i32 to vector<16xi32>
        %add3A_142 = arith.addi %broadcast_in_dim3A_136, %add3A_141 : vector<16xi32>
        %select_n3A = arith.select %lt3A_139, %add3A_142, %broadcast_in_dim3A_136 : vector<16xi1>, vector<16xi32>
        %broadcast_in_dim3A_143 = vector.shape_cast %select_n3A : vector<16xi32> to vector<16x1xi32>
        %gather3A = vector.shape_cast %broadcast_in_dim3A_143 : vector<16x1xi32> to vector<16xi32>
        %gather3A_144 = tpu.dynamic_gather %get3A_134[%gather3A] in [0] : vector<16xf32>, vector<16xi32> -> vector<16xf32>
        %mul3A_145 = arith.constant 16 : i32
        %mul3A_146 = arith.muli %scan3A_127, %mul3A_145 : i32
        %add3A_147 = arith.constant 0 : i32
        %add3A_148 = arith.addi %mul3A_146, %add3A_147 : i32
        %get3A_149 = arith.index_cast %add3A_148 : i32 to index
        %get3A_150 = arith.constant 0 : index
        %get3A_151 = tpu.vector_load %arg10[%get3A_149, %get3A_150] {strides = array<i32>} : memref<128x64xf32, #tpu.memory_space<vmem>>, vector<1x16xf32>,
        %get3A_152 = vector.shape_cast %get3A_151 : vector<1x16xf32> to vector<16xf32>
        %mul3A_153 = arith.mulf %get3A_152, %gather3A_144 : vector<16xf32>
        %swap3A = arith.index_cast %add3A_148 : i32 to index
        %swap3A_154 = arith.constant 0 : index
        %swap3A_155 = tpu.vector_load %arg10[%swap3A, %swap3A_154] {strides = array<i32>} : memref<128x64xf32, #tpu.memory_space<vmem>>, vector<1x16xf32>,
        %swap3A_156 = vector.shape_cast %swap3A_155 : vector<1x16xf32> to vector<16xf32>
        %swap3A_157 = vector.shape_cast %mul3A_153 : vector<16xf32> to vector<1x16xf32>
        tpu.vector_store %arg10[%swap3A, %swap3A_154], %swap3A_157 {strides = array<i32>} : memref<128x64xf32, #tpu.memory_space<vmem>>, vector<1x16xf32>,
        %get3A_158 = arith.index_cast %add3A_148 : i32 to index
        %get3A_159 = arith.constant 16 : index
        %get3A_160 = tpu.vector_load %arg10[%get3A_158, %get3A_159] {strides = array<i32>} : memref<128x64xf32, #tpu.memory_space<vmem>>, vector<1x16xf32>,
        %get3A_161 = vector.shape_cast %get3A_160 : vector<1x16xf32> to vector<16xf32>
        %mul3A_162 = arith.mulf %get3A_161, %gather3A_144 : vector<16xf32>
        %swap3A_163 = arith.index_cast %add3A_148 : i32 to index
        %swap3A_164 = arith.constant 16 : index
        %swap3A_165 = tpu.vector_load %arg10[%swap3A_163, %swap3A_164] {strides = array<i32>} : memref<128x64xf32, #tpu.memory_space<vmem>>, vector<1x16xf32>,
        %swap3A_166 = vector.shape_cast %swap3A_165 : vector<1x16xf32> to vector<16xf32>
        %swap3A_167 = vector.shape_cast %mul3A_162 : vector<16xf32> to vector<1x16xf32>
        tpu.vector_store %arg10[%swap3A_163, %swap3A_164], %swap3A_167 {strides = array<i32>} : memref<128x64xf32, #tpu.memory_space<vmem>>, vector<1x16xf32>,
        %get3A_168 = arith.index_cast %add3A_148 : i32 to index
        %get3A_169 = arith.constant 32 : index
        %get3A_170 = tpu.vector_load %arg10[%get3A_168, %get3A_169] {strides = array<i32>} : memref<128x64xf32, #tpu.memory_space<vmem>>, vector<1x16xf32>,
        %get3A_171 = vector.shape_cast %get3A_170 : vector<1x16xf32> to vector<16xf32>
        %mul3A_172 = arith.mulf %get3A_171, %gather3A_144 : vector<16xf32>
        %swap3A_173 = arith.index_cast %add3A_148 : i32 to index
        %swap3A_174 = arith.constant 32 : index
        %swap3A_175 = tpu.vector_load %arg10[%swap3A_173, %swap3A_174] {strides = array<i32>} : memref<128x64xf32, #tpu.memory_space<vmem>>, vector<1x16xf32>,
        %swap3A_176 = vector.shape_cast %swap3A_175 : vector<1x16xf32> to vector<16xf32>
        %swap3A_177 = vector.shape_cast %mul3A_172 : vector<16xf32> to vector<1x16xf32>
        tpu.vector_store %arg10[%swap3A_173, %swap3A_174], %swap3A_177 {strides = array<i32>} : memref<128x64xf32, #tpu.memory_space<vmem>>, vector<1x16xf32>,
        %get3A_178 = arith.index_cast %add3A_148 : i32 to index
        %get3A_179 = arith.constant 48 : index
        %get3A_180 = tpu.vector_load %arg10[%get3A_178, %get3A_179] {strides = array<i32>} : memref<128x64xf32, #tpu.memory_space<vmem>>, vector<1x16xf32>,
        %get3A_181 = vector.shape_cast %get3A_180 : vector<1x16xf32> to vector<16xf32>
        %mul3A_182 = arith.mulf %get3A_181, %gather3A_144 : vector<16xf32>
        %swap3A_183 = arith.index_cast %add3A_148 : i32 to index
        %swap3A_184 = arith.constant 48 : index
        %swap3A_185 = tpu.vector_load %arg10[%swap3A_183, %swap3A_184] {strides = array<i32>} : memref<128x64xf32, #tpu.memory_space<vmem>>, vector<1x16xf32>,
        %swap3A_186 = vector.shape_cast %swap3A_185 : vector<1x16xf32> to vector<16xf32>
        %swap3A_187 = vector.shape_cast %mul3A_182 : vector<16xf32> to vector<1x16xf32>
        tpu.vector_store %arg10[%swap3A_183, %swap3A_184], %swap3A_187 {strides = array<i32>} : memref<128x64xf32, #tpu.memory_space<vmem>>, vector<1x16xf32>,
        %broadcast_in_dim3A_188 = arith.constant 1 : i32
        %broadcast_in_dim3A_189 = vector.broadcast %broadcast_in_dim3A_188 : i32 to vector<16xi32>
        %lt3A_190 = arith.constant 0 : i32
        %lt3A_191 = vector.broadcast %lt3A_190 : i32 to vector<16xi32>
        %lt3A_192 = arith.cmpi slt, %broadcast_in_dim3A_189, %lt3A_191 : vector<16xi32>
        %add3A_193 = arith.constant 16 : i32
        %add3A_194 = vector.broadcast %add3A_193 : i32 to vector<16xi32>
        %add3A_195 = arith.addi %broadcast_in_dim3A_189, %add3A_194 : vector<16xi32>
        %select_n3A_196 = arith.select %lt3A_192, %add3A_195, %broadcast_in_dim3A_189 : vector<16xi1>, vector<16xi32>
        %broadcast_in_dim3A_197 = vector.shape_cast %select_n3A_196 : vector<16xi32> to vector<16x1xi32>
        %gather3A_198 = vector.shape_cast %broadcast_in_dim3A_197 : vector<16x1xi32> to vector<16xi32>
        %gather3A_199 = tpu.dynamic_gather %get3A_134[%gather3A_198] in [0] : vector<16xf32>, vector<16xi32> -> vector<16xf32>
        %mul3A_200 = arith.constant 16 : i32
        %mul3A_201 = arith.muli %scan3A_127, %mul3A_200 : i32
        %add3A_202 = arith.constant 1 : i32
        %add3A_203 = arith.addi %mul3A_201, %add3A_202 : i32
        %get3A_204 = arith.index_cast %add3A_203 : i32 to index
        %get3A_205 = arith.constant 0 : index
        %get3A_206 = tpu.vector_load %arg10[%get3A_204, %get3A_205] {strides = array<i32>} : memref<128x64xf32, #tpu.memory_space<vmem>>, vector<1x16xf32>,
        %get3A_207 = vector.shape_cast %get3A_206 : vector<1x16xf32> to vector<16xf32>
        %mul3A_208 = arith.mulf %get3A_207, %gather3A_199 : vector<16xf32>
        %swap3A_209 = arith.index_cast %add3A_203 : i32 to index
        %swap3A_210 = arith.constant 0 : index
        %swap3A_211 = tpu.vector_load %arg10[%swap3A_209, %swap3A_210] {strides = array<i32>} : memref<128x64xf32, #tpu.memory_space<vmem>>, vector<1x16xf32>,
        %swap3A_212 = vector.shape_cast %swap3A_211 : vector<1x16xf32> to vector<16xf32>
        %swap3A_213 = vector.shape_cast %mul3A_208 : vector<16xf32> to vector<1x16xf32>
        tpu.vector_store %arg10[%swap3A_209, %swap3A_210], %swap3A_213 {strides = array<i32>} : memref<128x64xf32, #tpu.memory_space<vmem>>, vector<1x16xf32>,
        %get3A_214 = arith.index_cast %add3A_203 : i32 to index
        %get3A_215 = arith.constant 16 : index
        %get3A_216 = tpu.vector_load %arg10[%get3A_214, %get3A_215] {strides = array<i32>} : memref<128x64xf32, #tpu.memory_space<vmem>>, vector<1x16xf32>,
        %get3A_217 = vector.shape_cast %get3A_216 : vector<1x16xf32> to vector<16xf32>
        %mul3A_218 = arith.mulf %get3A_217, %gather3A_199 : vector<16xf32>
        %swap3A_219 = arith.index_cast %add3A_203 : i32 to index
        %swap3A_220 = arith.constant 16 : index
        %swap3A_221 = tpu.vector_load %arg10[%swap3A_219, %swap3A_220] {strides = array<i32>} : memref<128x64xf32, #tpu.memory_space<vmem>>, vector<1x16xf32>,
        %swap3A_222 = vector.shape_cast %swap3A_221 : vector<1x16xf32> to vector<16xf32>
        %swap3A_223 = vector.shape_cast %mul3A_218 : vector<16xf32> to vector<1x16xf32>
        tpu.vector_store %arg10[%swap3A_219, %swap3A_220], %swap3A_223 {strides = array<i32>} : memref<128x64xf32, #tpu.memory_space<vmem>>, vector<1x16xf32>,
        %get3A_224 = arith.index_cast %add3A_203 : i32 to index
        %get3A_225 = arith.constant 32 : index
        %get3A_226 = tpu.vector_load %arg10[%get3A_224, %get3A_225] {strides = array<i32>} : memref<128x64xf32, #tpu.memory_space<vmem>>, vector<1x16xf32>,
        %get3A_227 = vector.shape_cast %get3A_226 : vector<1x16xf32> to vector<16xf32>
        %mul3A_228 = arith.mulf %get3A_227, %gather3A_199 : vector<16xf32>
        %swap3A_229 = arith.index_cast %add3A_203 : i32 to index
        %swap3A_230 = arith.constant 32 : index
        %swap3A_231 = tpu.vector_load %arg10[%swap3A_229, %swap3A_230] {strides = array<i32>} : memref<128x64xf32, #tpu.memory_space<vmem>>, vector<1x16xf32>,
        %swap3A_232 = vector.shape_cast %swap3A_231 : vector<1x16xf32> to vector<16xf32>
        %swap3A_233 = vector.shape_cast %mul3A_228 : vector<16xf32> to vector<1x16xf32>
        tpu.vector_store %arg10[%swap3A_229, %swap3A_230], %swap3A_233 {strides = array<i32>} : memref<128x64xf32, #tpu.memory_space<vmem>>, vector<1x16xf32>,
        %get3A_234 = arith.index_cast %add3A_203 : i32 to index
        %get3A_235 = arith.constant 48 : index
        %get3A_236 = tpu.vector_load %arg10[%get3A_234, %get3A_235] {strides = array<i32>} : memref<128x64xf32, #tpu.memory_space<vmem>>, vector<1x16xf32>,
        %get3A_237 = vector.shape_cast %get3A_236 : vector<1x16xf32> to vector<16xf32>
        %mul3A_238 = arith.mulf %get3A_237, %gather3A_199 : vector<16xf32>
        %swap3A_239 = arith.index_cast %add3A_203 : i32 to index
        %swap3A_240 = arith.constant 48 : index
        %swap3A_241 = tpu.vector_load %arg10[%swap3A_239, %swap3A_240] {strides = array<i32>} : memref<128x64xf32, #tpu.memory_space<vmem>>, vector<1x16xf32>,
        %swap3A_242 = vector.shape_cast %swap3A_241 : vector<1x16xf32> to vector<16xf32>
        %swap3A_243 = vector.shape_cast %mul3A_238 : vector<16xf32> to vector<1x16xf32>
        tpu.vector_store %arg10[%swap3A_239, %swap3A_240], %swap3A_243 {strides = array<i32>} : memref<128x64xf32, #tpu.memory_space<vmem>>, vector<1x16xf32>,
        %broadcast_in_dim3A_244 = arith.constant 2 : i32
        %broadcast_in_dim3A_245 = vector.broadcast %broadcast_in_dim3A_244 : i32 to vector<16xi32>
        %lt3A_246 = arith.constant 0 : i32
        %lt3A_247 = vector.broadcast %lt3A_246 : i32 to vector<16xi32>
        %lt3A_248 = arith.cmpi slt, %broadcast_in_dim3A_245, %lt3A_247 : vector<16xi32>
        %add3A_249 = arith.constant 16 : i32
        %add3A_250 = vector.broadcast %add3A_249 : i32 to vector<16xi32>
        %add3A_251 = arith.addi %broadcast_in_dim3A_245, %add3A_250 : vector<16xi32>
        %select_n3A_252 = arith.select %lt3A_248, %add3A_251, %broadcast_in_dim3A_245 : vector<16xi1>, vector<16xi32>
        %broadcast_in_dim3A_253 = vector.shape_cast %select_n3A_252 : vector<16xi32> to vector<16x1xi32>
        %gather3A_254 = vector.shape_cast %broadcast_in_dim3A_253 : vector<16x1xi32> to vector<16xi32>
        %gather3A_255 = tpu.dynamic_gather %get3A_134[%gather3A_254] in [0] : vector<16xf32>, vector<16xi32> -> vector<16xf32>
        %mul3A_256 = arith.constant 16 : i32
        %mul3A_257 = arith.muli %scan3A_127, %mul3A_256 : i32
        %add3A_258 = arith.constant 2 : i32
        %add3A_259 = arith.addi %mul3A_257, %add3A_258 : i32
        %get3A_260 = arith.index_cast %add3A_259 : i32 to index
        %get3A_261 = arith.constant 0 : index
        %get3A_262 = tpu.vector_load %arg10[%get3A_260, %get3A_261] {strides = array<i32>} : memref<128x64xf32, #tpu.memory_space<vmem>>, vector<1x16xf32>,
        %get3A_263 = vector.shape_cast %get3A_262 : vector<1x16xf32> to vector<16xf32>
        %mul3A_264 = arith.mulf %get3A_263, %gather3A_255 : vector<16xf32>
        %swap3A_265 = arith.index_cast %add3A_259 : i32 to index
        %swap3A_266 = arith.constant 0 : index
        %swap3A_267 = tpu.vector_load %arg10[%swap3A_265, %swap3A_266] {strides = array<i32>} : memref<128x64xf32, #tpu.memory_space<vmem>>, vector<1x16xf32>,
        %swap3A_268 = vector.shape_cast %swap3A_267 : vector<1x16xf32> to vector<16xf32>
        %swap3A_269 = vector.shape_cast %mul3A_264 : vector<16xf32> to vector<1x16xf32>
        tpu.vector_store %arg10[%swap3A_265, %swap3A_266], %swap3A_269 {strides = array<i32>} : memref<128x64xf32, #tpu.memory_space<vmem>>, vector<1x16xf32>,
        %get3A_270 = arith.index_cast %add3A_259 : i32 to index
        %get3A_271 = arith.constant 16 : index
        %get3A_272 = tpu.vector_load %arg10[%get3A_270, %get3A_271] {strides = array<i32>} : memref<128x64xf32, #tpu.memory_space<vmem>>, vector<1x16xf32>,
        %get3A_273 = vector.shape_cast %get3A_272 : vector<1x16xf32> to vector<16xf32>
        %mul3A_274 = arith.mulf %get3A_273, %gather3A_255 : vector<16xf32>
        %swap3A_275 = arith.index_cast %add3A_259 : i32 to index
        %swap3A_276 = arith.constant 16 : index
        %swap3A_277 = tpu.vector_load %arg10[%swap3A_275, %swap3A_276] {strides = array<i32>} : memref<128x64xf32, #tpu.memory_space<vmem>>, vector<1x16xf32>,
        %swap3A_278 = vector.shape_cast %swap3A_277 : vector<1x16xf32> to vector<16xf32>
        %swap3A_279 = vector.shape_cast %mul3A_274 : vector<16xf32> to vector<1x16xf32>
        tpu.vector_store %arg10[%swap3A_275, %swap3A_276], %swap3A_279 {strides = array<i32>} : memref<128x64xf32, #tpu.memory_space<vmem>>, vector<1x16xf32>,
        %get3A_280 = arith.index_cast %add3A_259 : i32 to index
        %get3A_281 = arith.constant 32 : index
        %get3A_282 = tpu.vector_load %arg10[%get3A_280, %get3A_281] {strides = array<i32>} : memref<128x64xf32, #tpu.memory_space<vmem>>, vector<1x16xf32>,
        %get3A_283 = vector.shape_cast %get3A_282 : vector<1x16xf32> to vector<16xf32>
        %mul3A_284 = arith.mulf %get3A_283, %gather3A_255 : vector<16xf32>
        %swap3A_285 = arith.index_cast %add3A_259 : i32 to index
        %swap3A_286 = arith.constant 32 : index
        %swap3A_287 = tpu.vector_load %arg10[%swap3A_285, %swap3A_286] {strides = array<i32>} : memref<128x64xf32, #tpu.memory_space<vmem>>, vector<1x16xf32>,
        %swap3A_288 = vector.shape_cast %swap3A_287 : vector<1x16xf32> to vector<16xf32>
        %swap3A_289 = vector.shape_cast %mul3A_284 : vector<16xf32> to vector<1x16xf32>
        tpu.vector_store %arg10[%swap3A_285, %swap3A_286], %swap3A_289 {strides = array<i32>} : memref<128x64xf32, #tpu.memory_space<vmem>>, vector<1x16xf32>,
        %get3A_290 = arith.index_cast %add3A_259 : i32 to index
        %get3A_291 = arith.constant 48 : index
        %get3A_292 = tpu.vector_load %arg10[%get3A_290, %get3A_291] {strides = array<i32>} : memref<128x64xf32, #tpu.memory_space<vmem>>, vector<1x16xf32>,
        %get3A_293 = vector.shape_cast %get3A_292 : vector<1x16xf32> to vector<16xf32>
        %mul3A_294 = arith.mulf %get3A_293, %gather3A_255 : vector<16xf32>
        %swap3A_295 = arith.index_cast %add3A_259 : i32 to index
        %swap3A_296 = arith.constant 48 : index
        %swap3A_297 = tpu.vector_load %arg10[%swap3A_295, %swap3A_296] {strides = array<i32>} : memref<128x64xf32, #tpu.memory_space<vmem>>, vector<1x16xf32>,
        %swap3A_298 = vector.shape_cast %swap3A_297 : vector<1x16xf32> to vector<16xf32>
        %swap3A_299 = vector.shape_cast %mul3A_294 : vector<16xf32> to vector<1x16xf32>
        tpu.vector_store %arg10[%swap3A_295, %swap3A_296], %swap3A_299 {strides = array<i32>} : memref<128x64xf32, #tpu.memory_space<vmem>>, vector<1x16xf32>,
        %broadcast_in_dim3A_300 = arith.constant 3 : i32
        %broadcast_in_dim3A_301 = vector.broadcast %broadcast_in_dim3A_300 : i32 to vector<16xi32>
        %lt3A_302 = arith.constant 0 : i32
        %lt3A_303 = vector.broadcast %lt3A_302 : i32 to vector<16xi32>
        %lt3A_304 = arith.cmpi slt, %broadcast_in_dim3A_301, %lt3A_303 : vector<16xi32>
        %add3A_305 = arith.constant 16 : i32
        %add3A_306 = vector.broadcast %add3A_305 : i32 to vector<16xi32>
        %add3A_307 = arith.addi %broadcast_in_dim3A_301, %add3A_306 : vector<16xi32>
        %select_n3A_308 = arith.select %lt3A_304, %add3A_307, %broadcast_in_dim3A_301 : vector<16xi1>, vector<16xi32>
        %broadcast_in_dim3A_309 = vector.shape_cast %select_n3A_308 : vector<16xi32> to vector<16x1xi32>
        %gather3A_310 = vector.shape_cast %broadcast_in_dim3A_309 : vector<16x1xi32> to vector<16xi32>
        %gather3A_311 = tpu.dynamic_gather %get3A_134[%gather3A_310] in [0] : vector<16xf32>, vector<16xi32> -> vector<16xf32>
        %mul3A_312 = arith.constant 16 : i32
        %mul3A_313 = arith.muli %scan3A_127, %mul3A_312 : i32
        %add3A_314 = arith.constant 3 : i32
        %add3A_315 = arith.addi %mul3A_313, %add3A_314 : i32
        %get3A_316 = arith.index_cast %add3A_315 : i32 to index
        %get3A_317 = arith.constant 0 : index
        %get3A_318 = tpu.vector_load %arg10[%get3A_316, %get3A_317] {strides = array<i32>} : memref<128x64xf32, #tpu.memory_space<vmem>>, vector<1x16xf32>,
        %get3A_319 = vector.shape_cast %get3A_318 : vector<1x16xf32> to vector<16xf32>
        %mul3A_320 = arith.mulf %get3A_319, %gather3A_311 : vector<16xf32>
        %swap3A_321 = arith.index_cast %add3A_315 : i32 to index
        %swap3A_322 = arith.constant 0 : index
        %swap3A_323 = tpu.vector_load %arg10[%swap3A_321, %swap3A_322] {strides = array<i32>} : memref<128x64xf32, #tpu.memory_space<vmem>>, vector<1x16xf32>,
        %swap3A_324 = vector.shape_cast %swap3A_323 : vector<1x16xf32> to vector<16xf32>
        %swap3A_325 = vector.shape_cast %mul3A_320 : vector<16xf32> to vector<1x16xf32>
        tpu.vector_store %arg10[%swap3A_321, %swap3A_322], %swap3A_325 {strides = array<i32>} : memref<128x64xf32, #tpu.memory_space<vmem>>, vector<1x16xf32>,
        %get3A_326 = arith.index_cast %add3A_315 : i32 to index
        %get3A_327 = arith.constant 16 : index
        %get3A_328 = tpu.vector_load %arg10[%get3A_326, %get3A_327] {strides = array<i32>} : memref<128x64xf32, #tpu.memory_space<vmem>>, vector<1x16xf32>,
        %get3A_329 = vector.shape_cast %get3A_328 : vector<1x16xf32> to vector<16xf32>
        %mul3A_330 = arith.mulf %get3A_329, %gather3A_311 : vector<16xf32>
        %swap3A_331 = arith.index_cast %add3A_315 : i32 to index
        %swap3A_332 = arith.constant 16 : index
        %swap3A_333 = tpu.vector_load %arg10[%swap3A_331, %swap3A_332] {strides = array<i32>} : memref<128x64xf32, #tpu.memory_space<vmem>>, vector<1x16xf32>,
        %swap3A_334 = vector.shape_cast %swap3A_333 : vector<1x16xf32> to vector<16xf32>
        %swap3A_335 = vector.shape_cast %mul3A_330 : vector<16xf32> to vector<1x16xf32>
        tpu.vector_store %arg10[%swap3A_331, %swap3A_332], %swap3A_335 {strides = array<i32>} : memref<128x64xf32, #tpu.memory_space<vmem>>, vector<1x16xf32>,
        %get3A_336 = arith.index_cast %add3A_315 : i32 to index
        %get3A_337 = arith.constant 32 : index
        %get3A_338 = tpu.vector_load %arg10[%get3A_336, %get3A_337] {strides = array<i32>} : memref<128x64xf32, #tpu.memory_space<vmem>>, vector<1x16xf32>,
        %get3A_339 = vector.shape_cast %get3A_338 : vector<1x16xf32> to vector<16xf32>
        %mul3A_340 = arith.mulf %get3A_339, %gather3A_311 : vector<16xf32>
        %swap3A_341 = arith.index_cast %add3A_315 : i32 to index
        %swap3A_342 = arith.constant 32 : index
        %swap3A_343 = tpu.vector_load %arg10[%swap3A_341, %swap3A_342] {strides = array<i32>} : memref<128x64xf32, #tpu.memory_space<vmem>>, vector<1x16xf32>,
        %swap3A_344 = vector.shape_cast %swap3A_343 : vector<1x16xf32> to vector<16xf32>
        %swap3A_345 = vector.shape_cast %mul3A_340 : vector<16xf32> to vector<1x16xf32>
        tpu.vector_store %arg10[%swap3A_341, %swap3A_342], %swap3A_345 {strides = array<i32>} : memref<128x64xf32, #tpu.memory_space<vmem>>, vector<1x16xf32>,
        %get3A_346 = arith.index_cast %add3A_315 : i32 to index
        %get3A_347 = arith.constant 48 : index
        %get3A_348 = tpu.vector_load %arg10[%get3A_346, %get3A_347] {strides = array<i32>} : memref<128x64xf32, #tpu.memory_space<vmem>>, vector<1x16xf32>,
        %get3A_349 = vector.shape_cast %get3A_348 : vector<1x16xf32> to vector<16xf32>
        %mul3A_350 = arith.mulf %get3A_349, %gather3A_311 : vector<16xf32>
        %swap3A_351 = arith.index_cast %add3A_315 : i32 to index
        %swap3A_352 = arith.constant 48 : index
        %swap3A_353 = tpu.vector_load %arg10[%swap3A_351, %swap3A_352] {strides = array<i32>} : memref<128x64xf32, #tpu.memory_space<vmem>>, vector<1x16xf32>,
        %swap3A_354 = vector.shape_cast %swap3A_353 : vector<1x16xf32> to vector<16xf32>
        %swap3A_355 = vector.shape_cast %mul3A_350 : vector<16xf32> to vector<1x16xf32>
        tpu.vector_store %arg10[%swap3A_351, %swap3A_352], %swap3A_355 {strides = array<i32>} : memref<128x64xf32, #tpu.memory_space<vmem>>, vector<1x16xf32>,
        %broadcast_in_dim3A_356 = arith.constant 4 : i32
        %broadcast_in_dim3A_357 = vector.broadcast %broadcast_in_dim3A_356 : i32 to vector<16xi32>
        %lt3A_358 = arith.constant 0 : i32
        %lt3A_359 = vector.broadcast %lt3A_358 : i32 to vector<16xi32>
        %lt3A_360 = arith.cmpi slt, %broadcast_in_dim3A_357, %lt3A_359 : vector<16xi32>
        %add3A_361 = arith.constant 16 : i32
        %add3A_362 = vector.broadcast %add3A_361 : i32 to vector<16xi32>
        %add3A_363 = arith.addi %broadcast_in_dim3A_357, %add3A_362 : vector<16xi32>
        %select_n3A_364 = arith.select %lt3A_360, %add3A_363, %broadcast_in_dim3A_357 : vector<16xi1>, vector<16xi32>
        %broadcast_in_dim3A_365 = vector.shape_cast %select_n3A_364 : vector<16xi32> to vector<16x1xi32>
        %gather3A_366 = vector.shape_cast %broadcast_in_dim3A_365 : vector<16x1xi32> to vector<16xi32>
        %gather3A_367 = tpu.dynamic_gather %get3A_134[%gather3A_366] in [0] : vector<16xf32>, vector<16xi32> -> vector<16xf32>
        %mul3A_368 = arith.constant 16 : i32
        %mul3A_369 = arith.muli %scan3A_127, %mul3A_368 : i32
        %add3A_370 = arith.constant 4 : i32
        %add3A_371 = arith.addi %mul3A_369, %add3A_370 : i32
        %get3A_372 = arith.index_cast %add3A_371 : i32 to index
        %get3A_373 = arith.constant 0 : index
        %get3A_374 = tpu.vector_load %arg10[%get3A_372, %get3A_373] {strides = array<i32>} : memref<128x64xf32, #tpu.memory_space<vmem>>, vector<1x16xf32>,
        %get3A_375 = vector.shape_cast %get3A_374 : vector<1x16xf32> to vector<16xf32>
        %mul3A_376 = arith.mulf %get3A_375, %gather3A_367 : vector<16xf32>
        %swap3A_377 = arith.index_cast %add3A_371 : i32 to index
        %swap3A_378 = arith.constant 0 : index
        %swap3A_379 = tpu.vector_load %arg10[%swap3A_377, %swap3A_378] {strides = array<i32>} : memref<128x64xf32, #tpu.memory_space<vmem>>, vector<1x16xf32>,
        %swap3A_380 = vector.shape_cast %swap3A_379 : vector<1x16xf32> to vector<16xf32>
        %swap3A_381 = vector.shape_cast %mul3A_376 : vector<16xf32> to vector<1x16xf32>
        tpu.vector_store %arg10[%swap3A_377, %swap3A_378], %swap3A_381 {strides = array<i32>} : memref<128x64xf32, #tpu.memory_space<vmem>>, vector<1x16xf32>,
        %get3A_382 = arith.index_cast %add3A_371 : i32 to index
        %get3A_383 = arith.constant 16 : index
        %get3A_384 = tpu.vector_load %arg10[%get3A_382, %get3A_383] {strides = array<i32>} : memref<128x64xf32, #tpu.memory_space<vmem>>, vector<1x16xf32>,
        %get3A_385 = vector.shape_cast %get3A_384 : vector<1x16xf32> to vector<16xf32>
        %mul3A_386 = arith.mulf %get3A_385, %gather3A_367 : vector<16xf32>
        %swap3A_387 = arith.index_cast %add3A_371 : i32 to index
        %swap3A_388 = arith.constant 16 : index
        %swap3A_389 = tpu.vector_load %arg10[%swap3A_387, %swap3A_388] {strides = array<i32>} : memref<128x64xf32, #tpu.memory_space<vmem>>, vector<1x16xf32>,
        %swap3A_390 = vector.shape_cast %swap3A_389 : vector<1x16xf32> to vector<16xf32>
        %swap3A_391 = vector.shape_cast %mul3A_386 : vector<16xf32> to vector<1x16xf32>
        tpu.vector_store %arg10[%swap3A_387, %swap3A_388], %swap3A_391 {strides = array<i32>} : memref<128x64xf32, #tpu.memory_space<vmem>>, vector<1x16xf32>,
        %get3A_392 = arith.index_cast %add3A_371 : i32 to index
        %get3A_393 = arith.constant 32 : index
        %get3A_394 = tpu.vector_load %arg10[%get3A_392, %get3A_393] {strides = array<i32>} : memref<128x64xf32, #tpu.memory_space<vmem>>, vector<1x16xf32>,
        %get3A_395 = vector.shape_cast %get3A_394 : vector<1x16xf32> to vector<16xf32>
        %mul3A_396 = arith.mulf %get3A_395, %gather3A_367 : vector<16xf32>
        %swap3A_397 = arith.index_cast %add3A_371 : i32 to index
        %swap3A_398 = arith.constant 32 : index
        %swap3A_399 = tpu.vector_load %arg10[%swap3A_397, %swap3A_398] {strides = array<i32>} : memref<128x64xf32, #tpu.memory_space<vmem>>, vector<1x16xf32>,
        %swap3A_400 = vector.shape_cast %swap3A_399 : vector<1x16xf32> to vector<16xf32>
        %swap3A_401 = vector.shape_cast %mul3A_396 : vector<16xf32> to vector<1x16xf32>
        tpu.vector_store %arg10[%swap3A_397, %swap3A_398], %swap3A_401 {strides = array<i32>} : memref<128x64xf32, #tpu.memory_space<vmem>>, vector<1x16xf32>,
        %get3A_402 = arith.index_cast %add3A_371 : i32 to index
        %get3A_403 = arith.constant 48 : index
        %get3A_404 = tpu.vector_load %arg10[%get3A_402, %get3A_403] {strides = array<i32>} : memref<128x64xf32, #tpu.memory_space<vmem>>, vector<1x16xf32>,
        %get3A_405 = vector.shape_cast %get3A_404 : vector<1x16xf32> to vector<16xf32>
        %mul3A_406 = arith.mulf %get3A_405, %gather3A_367 : vector<16xf32>
        %swap3A_407 = arith.index_cast %add3A_371 : i32 to index
        %swap3A_408 = arith.constant 48 : index
        %swap3A_409 = tpu.vector_load %arg10[%swap3A_407, %swap3A_408] {strides = array<i32>} : memref<128x64xf32, #tpu.memory_space<vmem>>, vector<1x16xf32>,
        %swap3A_410 = vector.shape_cast %swap3A_409 : vector<1x16xf32> to vector<16xf32>
        %swap3A_411 = vector.shape_cast %mul3A_406 : vector<16xf32> to vector<1x16xf32>
        tpu.vector_store %arg10[%swap3A_407, %swap3A_408], %swap3A_411 {strides = array<i32>} : memref<128x64xf32, #tpu.memory_space<vmem>>, vector<1x16xf32>,
        %broadcast_in_dim3A_412 = arith.constant 5 : i32
        %broadcast_in_dim3A_413 = vector.broadcast %broadcast_in_dim3A_412 : i32 to vector<16xi32>
        %lt3A_414 = arith.constant 0 : i32
        %lt3A_415 = vector.broadcast %lt3A_414 : i32 to vector<16xi32>
        %lt3A_416 = arith.cmpi slt, %broadcast_in_dim3A_413, %lt3A_415 : vector<16xi32>
        %add3A_417 = arith.constant 16 : i32
        %add3A_418 = vector.broadcast %add3A_417 : i32 to vector<16xi32>
        %add3A_419 = arith.addi %broadcast_in_dim3A_413, %add3A_418 : vector<16xi32>
        %select_n3A_420 = arith.select %lt3A_416, %add3A_419, %broadcast_in_dim3A_413 : vector<16xi1>, vector<16xi32>
        %broadcast_in_dim3A_421 = vector.shape_cast %select_n3A_420 : vector<16xi32> to vector<16x1xi32>
        %gather3A_422 = vector.shape_cast %broadcast_in_dim3A_421 : vector<16x1xi32> to vector<16xi32>
        %gather3A_423 = tpu.dynamic_gather %get3A_134[%gather3A_422] in [0] : vector<16xf32>, vector<16xi32> -> vector<16xf32>
        %mul3A_424 = arith.constant 16 : i32
        %mul3A_425 = arith.muli %scan3A_127, %mul3A_424 : i32
        %add3A_426 = arith.constant 5 : i32
        %add3A_427 = arith.addi %mul3A_425, %add3A_426 : i32
        %get3A_428 = arith.index_cast %add3A_427 : i32 to index
        %get3A_429 = arith.constant 0 : index
        %get3A_430 = tpu.vector_load %arg10[%get3A_428, %get3A_429] {strides = array<i32>} : memref<128x64xf32, #tpu.memory_space<vmem>>, vector<1x16xf32>,
        %get3A_431 = vector.shape_cast %get3A_430 : vector<1x16xf32> to vector<16xf32>
        %mul3A_432 = arith.mulf %get3A_431, %gather3A_423 : vector<16xf32>
        %swap3A_433 = arith.index_cast %add3A_427 : i32 to index
        %swap3A_434 = arith.constant 0 : index
        %swap3A_435 = tpu.vector_load %arg10[%swap3A_433, %swap3A_434] {strides = array<i32>} : memref<128x64xf32, #tpu.memory_space<vmem>>, vector<1x16xf32>,
        %swap3A_436 = vector.shape_cast %swap3A_435 : vector<1x16xf32> to vector<16xf32>
        %swap3A_437 = vector.shape_cast %mul3A_432 : vector<16xf32> to vector<1x16xf32>
        tpu.vector_store %arg10[%swap3A_433, %swap3A_434], %swap3A_437 {strides = array<i32>} : memref<128x64xf32, #tpu.memory_space<vmem>>, vector<1x16xf32>,
        %get3A_438 = arith.index_cast %add3A_427 : i32 to index
        %get3A_439 = arith.constant 16 : index
        %get3A_440 = tpu.vector_load %arg10[%get3A_438, %get3A_439] {strides = array<i32>} : memref<128x64xf32, #tpu.memory_space<vmem>>, vector<1x16xf32>,
        %get3A_441 = vector.shape_cast %get3A_440 : vector<1x16xf32> to vector<16xf32>
        %mul3A_442 = arith.mulf %get3A_441, %gather3A_423 : vector<16xf32>
        %swap3A_443 = arith.index_cast %add3A_427 : i32 to index
        %swap3A_444 = arith.constant 16 : index
        %swap3A_445 = tpu.vector_load %arg10[%swap3A_443, %swap3A_444] {strides = array<i32>} : memref<128x64xf32, #tpu.memory_space<vmem>>, vector<1x16xf32>,
        %swap3A_446 = vector.shape_cast %swap3A_445 : vector<1x16xf32> to vector<16xf32>
        %swap3A_447 = vector.shape_cast %mul3A_442 : vector<16xf32> to vector<1x16xf32>
        tpu.vector_store %arg10[%swap3A_443, %swap3A_444], %swap3A_447 {strides = array<i32>} : memref<128x64xf32, #tpu.memory_space<vmem>>, vector<1x16xf32>,
        %get3A_448 = arith.index_cast %add3A_427 : i32 to index
        %get3A_449 = arith.constant 32 : index
        %get3A_450 = tpu.vector_load %arg10[%get3A_448, %get3A_449] {strides = array<i32>} : memref<128x64xf32, #tpu.memory_space<vmem>>, vector<1x16xf32>,
        %get3A_451 = vector.shape_cast %get3A_450 : vector<1x16xf32> to vector<16xf32>
        %mul3A_452 = arith.mulf %get3A_451, %gather3A_423 : vector<16xf32>
        %swap3A_453 = arith.index_cast %add3A_427 : i32 to index
        %swap3A_454 = arith.constant 32 : index
        %swap3A_455 = tpu.vector_load %arg10[%swap3A_453, %swap3A_454] {strides = array<i32>} : memref<128x64xf32, #tpu.memory_space<vmem>>, vector<1x16xf32>,
        %swap3A_456 = vector.shape_cast %swap3A_455 : vector<1x16xf32> to vector<16xf32>
        %swap3A_457 = vector.shape_cast %mul3A_452 : vector<16xf32> to vector<1x16xf32>
        tpu.vector_store %arg10[%swap3A_453, %swap3A_454], %swap3A_457 {strides = array<i32>} : memref<128x64xf32, #tpu.memory_space<vmem>>, vector<1x16xf32>,
        %get3A_458 = arith.index_cast %add3A_427 : i32 to index
        %get3A_459 = arith.constant 48 : index
        %get3A_460 = tpu.vector_load %arg10[%get3A_458, %get3A_459] {strides = array<i32>} : memref<128x64xf32, #tpu.memory_space<vmem>>, vector<1x16xf32>,
        %get3A_461 = vector.shape_cast %get3A_460 : vector<1x16xf32> to vector<16xf32>
        %mul3A_462 = arith.mulf %get3A_461, %gather3A_423 : vector<16xf32>
        %swap3A_463 = arith.index_cast %add3A_427 : i32 to index
        %swap3A_464 = arith.constant 48 : index
        %swap3A_465 = tpu.vector_load %arg10[%swap3A_463, %swap3A_464] {strides = array<i32>} : memref<128x64xf32, #tpu.memory_space<vmem>>, vector<1x16xf32>,
        %swap3A_466 = vector.shape_cast %swap3A_465 : vector<1x16xf32> to vector<16xf32>
        %swap3A_467 = vector.shape_cast %mul3A_462 : vector<16xf32> to vector<1x16xf32>
        tpu.vector_store %arg10[%swap3A_463, %swap3A_464], %swap3A_467 {strides = array<i32>} : memref<128x64xf32, #tpu.memory_space<vmem>>, vector<1x16xf32>,
        %broadcast_in_dim3A_468 = arith.constant 6 : i32
        %broadcast_in_dim3A_469 = vector.broadcast %broadcast_in_dim3A_468 : i32 to vector<16xi32>
        %lt3A_470 = arith.constant 0 : i32
        %lt3A_471 = vector.broadcast %lt3A_470 : i32 to vector<16xi32>
        %lt3A_472 = arith.cmpi slt, %broadcast_in_dim3A_469, %lt3A_471 : vector<16xi32>
        %add3A_473 = arith.constant 16 : i32
        %add3A_474 = vector.broadcast %add3A_473 : i32 to vector<16xi32>
        %add3A_475 = arith.addi %broadcast_in_dim3A_469, %add3A_474 : vector<16xi32>
        %select_n3A_476 = arith.select %lt3A_472, %add3A_475, %broadcast_in_dim3A_469 : vector<16xi1>, vector<16xi32>
        %broadcast_in_dim3A_477 = vector.shape_cast %select_n3A_476 : vector<16xi32> to vector<16x1xi32>
        %gather3A_478 = vector.shape_cast %broadcast_in_dim3A_477 : vector<16x1xi32> to vector<16xi32>
        %gather3A_479 = tpu.dynamic_gather %get3A_134[%gather3A_478] in [0] : vector<16xf32>, vector<16xi32> -> vector<16xf32>
        %mul3A_480 = arith.constant 16 : i32
        %mul3A_481 = arith.muli %scan3A_127, %mul3A_480 : i32
        %add3A_482 = arith.constant 6 : i32
        %add3A_483 = arith.addi %mul3A_481, %add3A_482 : i32
        %get3A_484 = arith.index_cast %add3A_483 : i32 to index
        %get3A_485 = arith.constant 0 : index
        %get3A_486 = tpu.vector_load %arg10[%get3A_484, %get3A_485] {strides = array<i32>} : memref<128x64xf32, #tpu.memory_space<vmem>>, vector<1x16xf32>,
        %get3A_487 = vector.shape_cast %get3A_486 : vector<1x16xf32> to vector<16xf32>
        %mul3A_488 = arith.mulf %get3A_487, %gather3A_479 : vector<16xf32>
        %swap3A_489 = arith.index_cast %add3A_483 : i32 to index
        %swap3A_490 = arith.constant 0 : index
        %swap3A_491 = tpu.vector_load %arg10[%swap3A_489, %swap3A_490] {strides = array<i32>} : memref<128x64xf32, #tpu.memory_space<vmem>>, vector<1x16xf32>,
        %swap3A_492 = vector.shape_cast %swap3A_491 : vector<1x16xf32> to vector<16xf32>
        %swap3A_493 = vector.shape_cast %mul3A_488 : vector<16xf32> to vector<1x16xf32>
        tpu.vector_store %arg10[%swap3A_489, %swap3A_490], %swap3A_493 {strides = array<i32>} : memref<128x64xf32, #tpu.memory_space<vmem>>, vector<1x16xf32>,
        %get3A_494 = arith.index_cast %add3A_483 : i32 to index
        %get3A_495 = arith.constant 16 : index
        %get3A_496 = tpu.vector_load %arg10[%get3A_494, %get3A_495] {strides = array<i32>} : memref<128x64xf32, #tpu.memory_space<vmem>>, vector<1x16xf32>,
        %get3A_497 = vector.shape_cast %get3A_496 : vector<1x16xf32> to vector<16xf32>
        %mul3A_498 = arith.mulf %get3A_497, %gather3A_479 : vector<16xf32>
        %swap3A_499 = arith.index_cast %add3A_483 : i32 to index
        %swap3A_500 = arith.constant 16 : index
        %swap3A_501 = tpu.vector_load %arg10[%swap3A_499, %swap3A_500] {strides = array<i32>} : memref<128x64xf32, #tpu.memory_space<vmem>>, vector<1x16xf32>,
        %swap3A_502 = vector.shape_cast %swap3A_501 : vector<1x16xf32> to vector<16xf32>
        %swap3A_503 = vector.shape_cast %mul3A_498 : vector<16xf32> to vector<1x16xf32>
        tpu.vector_store %arg10[%swap3A_499, %swap3A_500], %swap3A_503 {strides = array<i32>} : memref<128x64xf32, #tpu.memory_space<vmem>>, vector<1x16xf32>,
        %get3A_504 = arith.index_cast %add3A_483 : i32 to index
        %get3A_505 = arith.constant 32 : index
        %get3A_506 = tpu.vector_load %arg10[%get3A_504, %get3A_505] {strides = array<i32>} : memref<128x64xf32, #tpu.memory_space<vmem>>, vector<1x16xf32>,
        %get3A_507 = vector.shape_cast %get3A_506 : vector<1x16xf32> to vector<16xf32>
        %mul3A_508 = arith.mulf %get3A_507, %gather3A_479 : vector<16xf32>
        %swap3A_509 = arith.index_cast %add3A_483 : i32 to index
        %swap3A_510 = arith.constant 32 : index
        %swap3A_511 = tpu.vector_load %arg10[%swap3A_509, %swap3A_510] {strides = array<i32>} : memref<128x64xf32, #tpu.memory_space<vmem>>, vector<1x16xf32>,
        %swap3A_512 = vector.shape_cast %swap3A_511 : vector<1x16xf32> to vector<16xf32>
        %swap3A_513 = vector.shape_cast %mul3A_508 : vector<16xf32> to vector<1x16xf32>
        tpu.vector_store %arg10[%swap3A_509, %swap3A_510], %swap3A_513 {strides = array<i32>} : memref<128x64xf32, #tpu.memory_space<vmem>>, vector<1x16xf32>,
        %get3A_514 = arith.index_cast %add3A_483 : i32 to index
        %get3A_515 = arith.constant 48 : index
        %get3A_516 = tpu.vector_load %arg10[%get3A_514, %get3A_515] {strides = array<i32>} : memref<128x64xf32, #tpu.memory_space<vmem>>, vector<1x16xf32>,
        %get3A_517 = vector.shape_cast %get3A_516 : vector<1x16xf32> to vector<16xf32>
        %mul3A_518 = arith.mulf %get3A_517, %gather3A_479 : vector<16xf32>
        %swap3A_519 = arith.index_cast %add3A_483 : i32 to index
        %swap3A_520 = arith.constant 48 : index
        %swap3A_521 = tpu.vector_load %arg10[%swap3A_519, %swap3A_520] {strides = array<i32>} : memref<128x64xf32, #tpu.memory_space<vmem>>, vector<1x16xf32>,
        %swap3A_522 = vector.shape_cast %swap3A_521 : vector<1x16xf32> to vector<16xf32>
        %swap3A_523 = vector.shape_cast %mul3A_518 : vector<16xf32> to vector<1x16xf32>
        tpu.vector_store %arg10[%swap3A_519, %swap3A_520], %swap3A_523 {strides = array<i32>} : memref<128x64xf32, #tpu.memory_space<vmem>>, vector<1x16xf32>,
        %broadcast_in_dim3A_524 = arith.constant 7 : i32
        %broadcast_in_dim3A_525 = vector.broadcast %broadcast_in_dim3A_524 : i32 to vector<16xi32>
        %lt3A_526 = arith.constant 0 : i32
        %lt3A_527 = vector.broadcast %lt3A_526 : i32 to vector<16xi32>
        %lt3A_528 = arith.cmpi slt, %broadcast_in_dim3A_525, %lt3A_527 : vector<16xi32>
        %add3A_529 = arith.constant 16 : i32
        %add3A_530 = vector.broadcast %add3A_529 : i32 to vector<16xi32>
        %add3A_531 = arith.addi %broadcast_in_dim3A_525, %add3A_530 : vector<16xi32>
        %select_n3A_532 = arith.select %lt3A_528, %add3A_531, %broadcast_in_dim3A_525 : vector<16xi1>, vector<16xi32>
        %broadcast_in_dim3A_533 = vector.shape_cast %select_n3A_532 : vector<16xi32> to vector<16x1xi32>
        %gather3A_534 = vector.shape_cast %broadcast_in_dim3A_533 : vector<16x1xi32> to vector<16xi32>
        %gather3A_535 = tpu.dynamic_gather %get3A_134[%gather3A_534] in [0] : vector<16xf32>, vector<16xi32> -> vector<16xf32>
        %mul3A_536 = arith.constant 16 : i32
        %mul3A_537 = arith.muli %scan3A_127, %mul3A_536 : i32
        %add3A_538 = arith.constant 7 : i32
        %add3A_539 = arith.addi %mul3A_537, %add3A_538 : i32
        %get3A_540 = arith.index_cast %add3A_539 : i32 to index
        %get3A_541 = arith.constant 0 : index
        %get3A_542 = tpu.vector_load %arg10[%get3A_540, %get3A_541] {strides = array<i32>} : memref<128x64xf32, #tpu.memory_space<vmem>>, vector<1x16xf32>,
        %get3A_543 = vector.shape_cast %get3A_542 : vector<1x16xf32> to vector<16xf32>
        %mul3A_544 = arith.mulf %get3A_543, %gather3A_535 : vector<16xf32>
        %swap3A_545 = arith.index_cast %add3A_539 : i32 to index
        %swap3A_546 = arith.constant 0 : index
        %swap3A_547 = tpu.vector_load %arg10[%swap3A_545, %swap3A_546] {strides = array<i32>} : memref<128x64xf32, #tpu.memory_space<vmem>>, vector<1x16xf32>,
        %swap3A_548 = vector.shape_cast %swap3A_547 : vector<1x16xf32> to vector<16xf32>
        %swap3A_549 = vector.shape_cast %mul3A_544 : vector<16xf32> to vector<1x16xf32>
        tpu.vector_store %arg10[%swap3A_545, %swap3A_546], %swap3A_549 {strides = array<i32>} : memref<128x64xf32, #tpu.memory_space<vmem>>, vector<1x16xf32>,
        %get3A_550 = arith.index_cast %add3A_539 : i32 to index
        %get3A_551 = arith.constant 16 : index
        %get3A_552 = tpu.vector_load %arg10[%get3A_550, %get3A_551] {strides = array<i32>} : memref<128x64xf32, #tpu.memory_space<vmem>>, vector<1x16xf32>,
        %get3A_553 = vector.shape_cast %get3A_552 : vector<1x16xf32> to vector<16xf32>
        %mul3A_554 = arith.mulf %get3A_553, %gather3A_535 : vector<16xf32>
        %swap3A_555 = arith.index_cast %add3A_539 : i32 to index
        %swap3A_556 = arith.constant 16 : index
        %swap3A_557 = tpu.vector_load %arg10[%swap3A_555, %swap3A_556] {strides = array<i32>} : memref<128x64xf32, #tpu.memory_space<vmem>>, vector<1x16xf32>,
        %swap3A_558 = vector.shape_cast %swap3A_557 : vector<1x16xf32> to vector<16xf32>
        %swap3A_559 = vector.shape_cast %mul3A_554 : vector<16xf32> to vector<1x16xf32>
        tpu.vector_store %arg10[%swap3A_555, %swap3A_556], %swap3A_559 {strides = array<i32>} : memref<128x64xf32, #tpu.memory_space<vmem>>, vector<1x16xf32>,
        %get3A_560 = arith.index_cast %add3A_539 : i32 to index
        %get3A_561 = arith.constant 32 : index
        %get3A_562 = tpu.vector_load %arg10[%get3A_560, %get3A_561] {strides = array<i32>} : memref<128x64xf32, #tpu.memory_space<vmem>>, vector<1x16xf32>,
        %get3A_563 = vector.shape_cast %get3A_562 : vector<1x16xf32> to vector<16xf32>
        %mul3A_564 = arith.mulf %get3A_563, %gather3A_535 : vector<16xf32>
        %swap3A_565 = arith.index_cast %add3A_539 : i32 to index
        %swap3A_566 = arith.constant 32 : index
        %swap3A_567 = tpu.vector_load %arg10[%swap3A_565, %swap3A_566] {strides = array<i32>} : memref<128x64xf32, #tpu.memory_space<vmem>>, vector<1x16xf32>,
        %swap3A_568 = vector.shape_cast %swap3A_567 : vector<1x16xf32> to vector<16xf32>
        %swap3A_569 = vector.shape_cast %mul3A_564 : vector<16xf32> to vector<1x16xf32>
        tpu.vector_store %arg10[%swap3A_565, %swap3A_566], %swap3A_569 {strides = array<i32>} : memref<128x64xf32, #tpu.memory_space<vmem>>, vector<1x16xf32>,
        %get3A_570 = arith.index_cast %add3A_539 : i32 to index
        %get3A_571 = arith.constant 48 : index
        %get3A_572 = tpu.vector_load %arg10[%get3A_570, %get3A_571] {strides = array<i32>} : memref<128x64xf32, #tpu.memory_space<vmem>>, vector<1x16xf32>,
        %get3A_573 = vector.shape_cast %get3A_572 : vector<1x16xf32> to vector<16xf32>
        %mul3A_574 = arith.mulf %get3A_573, %gather3A_535 : vector<16xf32>
        %swap3A_575 = arith.index_cast %add3A_539 : i32 to index
        %swap3A_576 = arith.constant 48 : index
        %swap3A_577 = tpu.vector_load %arg10[%swap3A_575, %swap3A_576] {strides = array<i32>} : memref<128x64xf32, #tpu.memory_space<vmem>>, vector<1x16xf32>,
        %swap3A_578 = vector.shape_cast %swap3A_577 : vector<1x16xf32> to vector<16xf32>
        %swap3A_579 = vector.shape_cast %mul3A_574 : vector<16xf32> to vector<1x16xf32>
        tpu.vector_store %arg10[%swap3A_575, %swap3A_576], %swap3A_579 {strides = array<i32>} : memref<128x64xf32, #tpu.memory_space<vmem>>, vector<1x16xf32>,
        %broadcast_in_dim3A_580 = arith.constant 8 : i32
        %broadcast_in_dim3A_581 = vector.broadcast %broadcast_in_dim3A_580 : i32 to vector<16xi32>
        %lt3A_582 = arith.constant 0 : i32
        %lt3A_583 = vector.broadcast %lt3A_582 : i32 to vector<16xi32>
        %lt3A_584 = arith.cmpi slt, %broadcast_in_dim3A_581, %lt3A_583 : vector<16xi32>
        %add3A_585 = arith.constant 16 : i32
        %add3A_586 = vector.broadcast %add3A_585 : i32 to vector<16xi32>
        %add3A_587 = arith.addi %broadcast_in_dim3A_581, %add3A_586 : vector<16xi32>
        %select_n3A_588 = arith.select %lt3A_584, %add3A_587, %broadcast_in_dim3A_581 : vector<16xi1>, vector<16xi32>
        %broadcast_in_dim3A_589 = vector.shape_cast %select_n3A_588 : vector<16xi32> to vector<16x1xi32>
        %gather3A_590 = vector.shape_cast %broadcast_in_dim3A_589 : vector<16x1xi32> to vector<16xi32>
        %gather3A_591 = tpu.dynamic_gather %get3A_134[%gather3A_590] in [0] : vector<16xf32>, vector<16xi32> -> vector<16xf32>
        %mul3A_592 = arith.constant 16 : i32
        %mul3A_593 = arith.muli %scan3A_127, %mul3A_592 : i32
        %add3A_594 = arith.constant 8 : i32
        %add3A_595 = arith.addi %mul3A_593, %add3A_594 : i32
        %get3A_596 = arith.index_cast %add3A_595 : i32 to index
        %get3A_597 = arith.constant 0 : index
        %get3A_598 = tpu.vector_load %arg10[%get3A_596, %get3A_597] {strides = array<i32>} : memref<128x64xf32, #tpu.memory_space<vmem>>, vector<1x16xf32>,
        %get3A_599 = vector.shape_cast %get3A_598 : vector<1x16xf32> to vector<16xf32>
        %mul3A_600 = arith.mulf %get3A_599, %gather3A_591 : vector<16xf32>
        %swap3A_601 = arith.index_cast %add3A_595 : i32 to index
        %swap3A_602 = arith.constant 0 : index
        %swap3A_603 = tpu.vector_load %arg10[%swap3A_601, %swap3A_602] {strides = array<i32>} : memref<128x64xf32, #tpu.memory_space<vmem>>, vector<1x16xf32>,
        %swap3A_604 = vector.shape_cast %swap3A_603 : vector<1x16xf32> to vector<16xf32>
        %swap3A_605 = vector.shape_cast %mul3A_600 : vector<16xf32> to vector<1x16xf32>
        tpu.vector_store %arg10[%swap3A_601, %swap3A_602], %swap3A_605 {strides = array<i32>} : memref<128x64xf32, #tpu.memory_space<vmem>>, vector<1x16xf32>,
        %get3A_606 = arith.index_cast %add3A_595 : i32 to index
        %get3A_607 = arith.constant 16 : index
        %get3A_608 = tpu.vector_load %arg10[%get3A_606, %get3A_607] {strides = array<i32>} : memref<128x64xf32, #tpu.memory_space<vmem>>, vector<1x16xf32>,
        %get3A_609 = vector.shape_cast %get3A_608 : vector<1x16xf32> to vector<16xf32>
        %mul3A_610 = arith.mulf %get3A_609, %gather3A_591 : vector<16xf32>
        %swap3A_611 = arith.index_cast %add3A_595 : i32 to index
        %swap3A_612 = arith.constant 16 : index
        %swap3A_613 = tpu.vector_load %arg10[%swap3A_611, %swap3A_612] {strides = array<i32>} : memref<128x64xf32, #tpu.memory_space<vmem>>, vector<1x16xf32>,
        %swap3A_614 = vector.shape_cast %swap3A_613 : vector<1x16xf32> to vector<16xf32>
        %swap3A_615 = vector.shape_cast %mul3A_610 : vector<16xf32> to vector<1x16xf32>
        tpu.vector_store %arg10[%swap3A_611, %swap3A_612], %swap3A_615 {strides = array<i32>} : memref<128x64xf32, #tpu.memory_space<vmem>>, vector<1x16xf32>,
        %get3A_616 = arith.index_cast %add3A_595 : i32 to index
        %get3A_617 = arith.constant 32 : index
        %get3A_618 = tpu.vector_load %arg10[%get3A_616, %get3A_617] {strides = array<i32>} : memref<128x64xf32, #tpu.memory_space<vmem>>, vector<1x16xf32>,
        %get3A_619 = vector.shape_cast %get3A_618 : vector<1x16xf32> to vector<16xf32>
        %mul3A_620 = arith.mulf %get3A_619, %gather3A_591 : vector<16xf32>
        %swap3A_621 = arith.index_cast %add3A_595 : i32 to index
        %swap3A_622 = arith.constant 32 : index
        %swap3A_623 = tpu.vector_load %arg10[%swap3A_621, %swap3A_622] {strides = array<i32>} : memref<128x64xf32, #tpu.memory_space<vmem>>, vector<1x16xf32>,
        %swap3A_624 = vector.shape_cast %swap3A_623 : vector<1x16xf32> to vector<16xf32>
        %swap3A_625 = vector.shape_cast %mul3A_620 : vector<16xf32> to vector<1x16xf32>
        tpu.vector_store %arg10[%swap3A_621, %swap3A_622], %swap3A_625 {strides = array<i32>} : memref<128x64xf32, #tpu.memory_space<vmem>>, vector<1x16xf32>,
        %get3A_626 = arith.index_cast %add3A_595 : i32 to index
        %get3A_627 = arith.constant 48 : index
        %get3A_628 = tpu.vector_load %arg10[%get3A_626, %get3A_627] {strides = array<i32>} : memref<128x64xf32, #tpu.memory_space<vmem>>, vector<1x16xf32>,
        %get3A_629 = vector.shape_cast %get3A_628 : vector<1x16xf32> to vector<16xf32>
        %mul3A_630 = arith.mulf %get3A_629, %gather3A_591 : vector<16xf32>
        %swap3A_631 = arith.index_cast %add3A_595 : i32 to index
        %swap3A_632 = arith.constant 48 : index
        %swap3A_633 = tpu.vector_load %arg10[%swap3A_631, %swap3A_632] {strides = array<i32>} : memref<128x64xf32, #tpu.memory_space<vmem>>, vector<1x16xf32>,
        %swap3A_634 = vector.shape_cast %swap3A_633 : vector<1x16xf32> to vector<16xf32>
        %swap3A_635 = vector.shape_cast %mul3A_630 : vector<16xf32> to vector<1x16xf32>
        tpu.vector_store %arg10[%swap3A_631, %swap3A_632], %swap3A_635 {strides = array<i32>} : memref<128x64xf32, #tpu.memory_space<vmem>>, vector<1x16xf32>,
        %broadcast_in_dim3A_636 = arith.constant 9 : i32
        %broadcast_in_dim3A_637 = vector.broadcast %broadcast_in_dim3A_636 : i32 to vector<16xi32>
        %lt3A_638 = arith.constant 0 : i32
        %lt3A_639 = vector.broadcast %lt3A_638 : i32 to vector<16xi32>
        %lt3A_640 = arith.cmpi slt, %broadcast_in_dim3A_637, %lt3A_639 : vector<16xi32>
        %add3A_641 = arith.constant 16 : i32
        %add3A_642 = vector.broadcast %add3A_641 : i32 to vector<16xi32>
        %add3A_643 = arith.addi %broadcast_in_dim3A_637, %add3A_642 : vector<16xi32>
        %select_n3A_644 = arith.select %lt3A_640, %add3A_643, %broadcast_in_dim3A_637 : vector<16xi1>, vector<16xi32>
        %broadcast_in_dim3A_645 = vector.shape_cast %select_n3A_644 : vector<16xi32> to vector<16x1xi32>
        %gather3A_646 = vector.shape_cast %broadcast_in_dim3A_645 : vector<16x1xi32> to vector<16xi32>
        %gather3A_647 = tpu.dynamic_gather %get3A_134[%gather3A_646] in [0] : vector<16xf32>, vector<16xi32> -> vector<16xf32>
        %mul3A_648 = arith.constant 16 : i32
        %mul3A_649 = arith.muli %scan3A_127, %mul3A_648 : i32
        %add3A_650 = arith.constant 9 : i32
        %add3A_651 = arith.addi %mul3A_649, %add3A_650 : i32
        %get3A_652 = arith.index_cast %add3A_651 : i32 to index
        %get3A_653 = arith.constant 0 : index
        %get3A_654 = tpu.vector_load %arg10[%get3A_652, %get3A_653] {strides = array<i32>} : memref<128x64xf32, #tpu.memory_space<vmem>>, vector<1x16xf32>,
        %get3A_655 = vector.shape_cast %get3A_654 : vector<1x16xf32> to vector<16xf32>
        %mul3A_656 = arith.mulf %get3A_655, %gather3A_647 : vector<16xf32>
        %swap3A_657 = arith.index_cast %add3A_651 : i32 to index
        %swap3A_658 = arith.constant 0 : index
        %swap3A_659 = tpu.vector_load %arg10[%swap3A_657, %swap3A_658] {strides = array<i32>} : memref<128x64xf32, #tpu.memory_space<vmem>>, vector<1x16xf32>,
        %swap3A_660 = vector.shape_cast %swap3A_659 : vector<1x16xf32> to vector<16xf32>
        %swap3A_661 = vector.shape_cast %mul3A_656 : vector<16xf32> to vector<1x16xf32>
        tpu.vector_store %arg10[%swap3A_657, %swap3A_658], %swap3A_661 {strides = array<i32>} : memref<128x64xf32, #tpu.memory_space<vmem>>, vector<1x16xf32>,
        %get3A_662 = arith.index_cast %add3A_651 : i32 to index
        %get3A_663 = arith.constant 16 : index
        %get3A_664 = tpu.vector_load %arg10[%get3A_662, %get3A_663] {strides = array<i32>} : memref<128x64xf32, #tpu.memory_space<vmem>>, vector<1x16xf32>,
        %get3A_665 = vector.shape_cast %get3A_664 : vector<1x16xf32> to vector<16xf32>
        %mul3A_666 = arith.mulf %get3A_665, %gather3A_647 : vector<16xf32>
        %swap3A_667 = arith.index_cast %add3A_651 : i32 to index
        %swap3A_668 = arith.constant 16 : index
        %swap3A_669 = tpu.vector_load %arg10[%swap3A_667, %swap3A_668] {strides = array<i32>} : memref<128x64xf32, #tpu.memory_space<vmem>>, vector<1x16xf32>,
        %swap3A_670 = vector.shape_cast %swap3A_669 : vector<1x16xf32> to vector<16xf32>
        %swap3A_671 = vector.shape_cast %mul3A_666 : vector<16xf32> to vector<1x16xf32>
        tpu.vector_store %arg10[%swap3A_667, %swap3A_668], %swap3A_671 {strides = array<i32>} : memref<128x64xf32, #tpu.memory_space<vmem>>, vector<1x16xf32>,
        %get3A_672 = arith.index_cast %add3A_651 : i32 to index
        %get3A_673 = arith.constant 32 : index
        %get3A_674 = tpu.vector_load %arg10[%get3A_672, %get3A_673] {strides = array<i32>} : memref<128x64xf32, #tpu.memory_space<vmem>>, vector<1x16xf32>,
        %get3A_675 = vector.shape_cast %get3A_674 : vector<1x16xf32> to vector<16xf32>
        %mul3A_676 = arith.mulf %get3A_675, %gather3A_647 : vector<16xf32>
        %swap3A_677 = arith.index_cast %add3A_651 : i32 to index
        %swap3A_678 = arith.constant 32 : index
        %swap3A_679 = tpu.vector_load %arg10[%swap3A_677, %swap3A_678] {strides = array<i32>} : memref<128x64xf32, #tpu.memory_space<vmem>>, vector<1x16xf32>,
        %swap3A_680 = vector.shape_cast %swap3A_679 : vector<1x16xf32> to vector<16xf32>
        %swap3A_681 = vector.shape_cast %mul3A_676 : vector<16xf32> to vector<1x16xf32>
        tpu.vector_store %arg10[%swap3A_677, %swap3A_678], %swap3A_681 {strides = array<i32>} : memref<128x64xf32, #tpu.memory_space<vmem>>, vector<1x16xf32>,
        %get3A_682 = arith.index_cast %add3A_651 : i32 to index
        %get3A_683 = arith.constant 48 : index
        %get3A_684 = tpu.vector_load %arg10[%get3A_682, %get3A_683] {strides = array<i32>} : memref<128x64xf32, #tpu.memory_space<vmem>>, vector<1x16xf32>,
        %get3A_685 = vector.shape_cast %get3A_684 : vector<1x16xf32> to vector<16xf32>
        %mul3A_686 = arith.mulf %get3A_685, %gather3A_647 : vector<16xf32>
        %swap3A_687 = arith.index_cast %add3A_651 : i32 to index
        %swap3A_688 = arith.constant 48 : index
        %swap3A_689 = tpu.vector_load %arg10[%swap3A_687, %swap3A_688] {strides = array<i32>} : memref<128x64xf32, #tpu.memory_space<vmem>>, vector<1x16xf32>,
        %swap3A_690 = vector.shape_cast %swap3A_689 : vector<1x16xf32> to vector<16xf32>
        %swap3A_691 = vector.shape_cast %mul3A_686 : vector<16xf32> to vector<1x16xf32>
        tpu.vector_store %arg10[%swap3A_687, %swap3A_688], %swap3A_691 {strides = array<i32>} : memref<128x64xf32, #tpu.memory_space<vmem>>, vector<1x16xf32>,
        %broadcast_in_dim3A_692 = arith.constant 10 : i32
        %broadcast_in_dim3A_693 = vector.broadcast %broadcast_in_dim3A_692 : i32 to vector<16xi32>
        %lt3A_694 = arith.constant 0 : i32
        %lt3A_695 = vector.broadcast %lt3A_694 : i32 to vector<16xi32>
        %lt3A_696 = arith.cmpi slt, %broadcast_in_dim3A_693, %lt3A_695 : vector<16xi32>
        %add3A_697 = arith.constant 16 : i32
        %add3A_698 = vector.broadcast %add3A_697 : i32 to vector<16xi32>
        %add3A_699 = arith.addi %broadcast_in_dim3A_693, %add3A_698 : vector<16xi32>
        %select_n3A_700 = arith.select %lt3A_696, %add3A_699, %broadcast_in_dim3A_693 : vector<16xi1>, vector<16xi32>
        %broadcast_in_dim3A_701 = vector.shape_cast %select_n3A_700 : vector<16xi32> to vector<16x1xi32>
        %gather3A_702 = vector.shape_cast %broadcast_in_dim3A_701 : vector<16x1xi32> to vector<16xi32>
        %gather3A_703 = tpu.dynamic_gather %get3A_134[%gather3A_702] in [0] : vector<16xf32>, vector<16xi32> -> vector<16xf32>
        %mul3A_704 = arith.constant 16 : i32
        %mul3A_705 = arith.muli %scan3A_127, %mul3A_704 : i32
        %add3A_706 = arith.constant 10 : i32
        %add3A_707 = arith.addi %mul3A_705, %add3A_706 : i32
        %get3A_708 = arith.index_cast %add3A_707 : i32 to index
        %get3A_709 = arith.constant 0 : index
        %get3A_710 = tpu.vector_load %arg10[%get3A_708, %get3A_709] {strides = array<i32>} : memref<128x64xf32, #tpu.memory_space<vmem>>, vector<1x16xf32>,
        %get3A_711 = vector.shape_cast %get3A_710 : vector<1x16xf32> to vector<16xf32>
        %mul3A_712 = arith.mulf %get3A_711, %gather3A_703 : vector<16xf32>
        %swap3A_713 = arith.index_cast %add3A_707 : i32 to index
        %swap3A_714 = arith.constant 0 : index
        %swap3A_715 = tpu.vector_load %arg10[%swap3A_713, %swap3A_714] {strides = array<i32>} : memref<128x64xf32, #tpu.memory_space<vmem>>, vector<1x16xf32>,
        %swap3A_716 = vector.shape_cast %swap3A_715 : vector<1x16xf32> to vector<16xf32>
        %swap3A_717 = vector.shape_cast %mul3A_712 : vector<16xf32> to vector<1x16xf32>
        tpu.vector_store %arg10[%swap3A_713, %swap3A_714], %swap3A_717 {strides = array<i32>} : memref<128x64xf32, #tpu.memory_space<vmem>>, vector<1x16xf32>,
        %get3A_718 = arith.index_cast %add3A_707 : i32 to index
        %get3A_719 = arith.constant 16 : index
        %get3A_720 = tpu.vector_load %arg10[%get3A_718, %get3A_719] {strides = array<i32>} : memref<128x64xf32, #tpu.memory_space<vmem>>, vector<1x16xf32>,
        %get3A_721 = vector.shape_cast %get3A_720 : vector<1x16xf32> to vector<16xf32>
        %mul3A_722 = arith.mulf %get3A_721, %gather3A_703 : vector<16xf32>
        %swap3A_723 = arith.index_cast %add3A_707 : i32 to index
        %swap3A_724 = arith.constant 16 : index
        %swap3A_725 = tpu.vector_load %arg10[%swap3A_723, %swap3A_724] {strides = array<i32>} : memref<128x64xf32, #tpu.memory_space<vmem>>, vector<1x16xf32>,
        %swap3A_726 = vector.shape_cast %swap3A_725 : vector<1x16xf32> to vector<16xf32>
        %swap3A_727 = vector.shape_cast %mul3A_722 : vector<16xf32> to vector<1x16xf32>
        tpu.vector_store %arg10[%swap3A_723, %swap3A_724], %swap3A_727 {strides = array<i32>} : memref<128x64xf32, #tpu.memory_space<vmem>>, vector<1x16xf32>,
        %get3A_728 = arith.index_cast %add3A_707 : i32 to index
        %get3A_729 = arith.constant 32 : index
        %get3A_730 = tpu.vector_load %arg10[%get3A_728, %get3A_729] {strides = array<i32>} : memref<128x64xf32, #tpu.memory_space<vmem>>, vector<1x16xf32>,
        %get3A_731 = vector.shape_cast %get3A_730 : vector<1x16xf32> to vector<16xf32>
        %mul3A_732 = arith.mulf %get3A_731, %gather3A_703 : vector<16xf32>
        %swap3A_733 = arith.index_cast %add3A_707 : i32 to index
        %swap3A_734 = arith.constant 32 : index
        %swap3A_735 = tpu.vector_load %arg10[%swap3A_733, %swap3A_734] {strides = array<i32>} : memref<128x64xf32, #tpu.memory_space<vmem>>, vector<1x16xf32>,
        %swap3A_736 = vector.shape_cast %swap3A_735 : vector<1x16xf32> to vector<16xf32>
        %swap3A_737 = vector.shape_cast %mul3A_732 : vector<16xf32> to vector<1x16xf32>
        tpu.vector_store %arg10[%swap3A_733, %swap3A_734], %swap3A_737 {strides = array<i32>} : memref<128x64xf32, #tpu.memory_space<vmem>>, vector<1x16xf32>,
        %get3A_738 = arith.index_cast %add3A_707 : i32 to index
        %get3A_739 = arith.constant 48 : index
        %get3A_740 = tpu.vector_load %arg10[%get3A_738, %get3A_739] {strides = array<i32>} : memref<128x64xf32, #tpu.memory_space<vmem>>, vector<1x16xf32>,
        %get3A_741 = vector.shape_cast %get3A_740 : vector<1x16xf32> to vector<16xf32>
        %mul3A_742 = arith.mulf %get3A_741, %gather3A_703 : vector<16xf32>
        %swap3A_743 = arith.index_cast %add3A_707 : i32 to index
        %swap3A_744 = arith.constant 48 : index
        %swap3A_745 = tpu.vector_load %arg10[%swap3A_743, %swap3A_744] {strides = array<i32>} : memref<128x64xf32, #tpu.memory_space<vmem>>, vector<1x16xf32>,
        %swap3A_746 = vector.shape_cast %swap3A_745 : vector<1x16xf32> to vector<16xf32>
        %swap3A_747 = vector.shape_cast %mul3A_742 : vector<16xf32> to vector<1x16xf32>
        tpu.vector_store %arg10[%swap3A_743, %swap3A_744], %swap3A_747 {strides = array<i32>} : memref<128x64xf32, #tpu.memory_space<vmem>>, vector<1x16xf32>,
        %broadcast_in_dim3A_748 = arith.constant 11 : i32
        %broadcast_in_dim3A_749 = vector.broadcast %broadcast_in_dim3A_748 : i32 to vector<16xi32>
        %lt3A_750 = arith.constant 0 : i32
        %lt3A_751 = vector.broadcast %lt3A_750 : i32 to vector<16xi32>
        %lt3A_752 = arith.cmpi slt, %broadcast_in_dim3A_749, %lt3A_751 : vector<16xi32>
        %add3A_753 = arith.constant 16 : i32
        %add3A_754 = vector.broadcast %add3A_753 : i32 to vector<16xi32>
        %add3A_755 = arith.addi %broadcast_in_dim3A_749, %add3A_754 : vector<16xi32>
        %select_n3A_756 = arith.select %lt3A_752, %add3A_755, %broadcast_in_dim3A_749 : vector<16xi1>, vector<16xi32>
        %broadcast_in_dim3A_757 = vector.shape_cast %select_n3A_756 : vector<16xi32> to vector<16x1xi32>
        %gather3A_758 = vector.shape_cast %broadcast_in_dim3A_757 : vector<16x1xi32> to vector<16xi32>
        %gather3A_759 = tpu.dynamic_gather %get3A_134[%gather3A_758] in [0] : vector<16xf32>, vector<16xi32> -> vector<16xf32>
        %mul3A_760 = arith.constant 16 : i32
        %mul3A_761 = arith.muli %scan3A_127, %mul3A_760 : i32
        %add3A_762 = arith.constant 11 : i32
        %add3A_763 = arith.addi %mul3A_761, %add3A_762 : i32
        %get3A_764 = arith.index_cast %add3A_763 : i32 to index
        %get3A_765 = arith.constant 0 : index
        %get3A_766 = tpu.vector_load %arg10[%get3A_764, %get3A_765] {strides = array<i32>} : memref<128x64xf32, #tpu.memory_space<vmem>>, vector<1x16xf32>,
        %get3A_767 = vector.shape_cast %get3A_766 : vector<1x16xf32> to vector<16xf32>
        %mul3A_768 = arith.mulf %get3A_767, %gather3A_759 : vector<16xf32>
        %swap3A_769 = arith.index_cast %add3A_763 : i32 to index
        %swap3A_770 = arith.constant 0 : index
        %swap3A_771 = tpu.vector_load %arg10[%swap3A_769, %swap3A_770] {strides = array<i32>} : memref<128x64xf32, #tpu.memory_space<vmem>>, vector<1x16xf32>,
        %swap3A_772 = vector.shape_cast %swap3A_771 : vector<1x16xf32> to vector<16xf32>
        %swap3A_773 = vector.shape_cast %mul3A_768 : vector<16xf32> to vector<1x16xf32>
        tpu.vector_store %arg10[%swap3A_769, %swap3A_770], %swap3A_773 {strides = array<i32>} : memref<128x64xf32, #tpu.memory_space<vmem>>, vector<1x16xf32>,
        %get3A_774 = arith.index_cast %add3A_763 : i32 to index
        %get3A_775 = arith.constant 16 : index
        %get3A_776 = tpu.vector_load %arg10[%get3A_774, %get3A_775] {strides = array<i32>} : memref<128x64xf32, #tpu.memory_space<vmem>>, vector<1x16xf32>,
        %get3A_777 = vector.shape_cast %get3A_776 : vector<1x16xf32> to vector<16xf32>
        %mul3A_778 = arith.mulf %get3A_777, %gather3A_759 : vector<16xf32>
        %swap3A_779 = arith.index_cast %add3A_763 : i32 to index
        %swap3A_780 = arith.constant 16 : index
        %swap3A_781 = tpu.vector_load %arg10[%swap3A_779, %swap3A_780] {strides = array<i32>} : memref<128x64xf32, #tpu.memory_space<vmem>>, vector<1x16xf32>,
        %swap3A_782 = vector.shape_cast %swap3A_781 : vector<1x16xf32> to vector<16xf32>
        %swap3A_783 = vector.shape_cast %mul3A_778 : vector<16xf32> to vector<1x16xf32>
        tpu.vector_store %arg10[%swap3A_779, %swap3A_780], %swap3A_783 {strides = array<i32>} : memref<128x64xf32, #tpu.memory_space<vmem>>, vector<1x16xf32>,
        %get3A_784 = arith.index_cast %add3A_763 : i32 to index
        %get3A_785 = arith.constant 32 : index
        %get3A_786 = tpu.vector_load %arg10[%get3A_784, %get3A_785] {strides = array<i32>} : memref<128x64xf32, #tpu.memory_space<vmem>>, vector<1x16xf32>,
        %get3A_787 = vector.shape_cast %get3A_786 : vector<1x16xf32> to vector<16xf32>
        %mul3A_788 = arith.mulf %get3A_787, %gather3A_759 : vector<16xf32>
        %swap3A_789 = arith.index_cast %add3A_763 : i32 to index
        %swap3A_790 = arith.constant 32 : index
        %swap3A_791 = tpu.vector_load %arg10[%swap3A_789, %swap3A_790] {strides = array<i32>} : memref<128x64xf32, #tpu.memory_space<vmem>>, vector<1x16xf32>,
        %swap3A_792 = vector.shape_cast %swap3A_791 : vector<1x16xf32> to vector<16xf32>
        %swap3A_793 = vector.shape_cast %mul3A_788 : vector<16xf32> to vector<1x16xf32>
        tpu.vector_store %arg10[%swap3A_789, %swap3A_790], %swap3A_793 {strides = array<i32>} : memref<128x64xf32, #tpu.memory_space<vmem>>, vector<1x16xf32>,
        %get3A_794 = arith.index_cast %add3A_763 : i32 to index
        %get3A_795 = arith.constant 48 : index
        %get3A_796 = tpu.vector_load %arg10[%get3A_794, %get3A_795] {strides = array<i32>} : memref<128x64xf32, #tpu.memory_space<vmem>>, vector<1x16xf32>,
        %get3A_797 = vector.shape_cast %get3A_796 : vector<1x16xf32> to vector<16xf32>
        %mul3A_798 = arith.mulf %get3A_797, %gather3A_759 : vector<16xf32>
        %swap3A_799 = arith.index_cast %add3A_763 : i32 to index
        %swap3A_800 = arith.constant 48 : index
        %swap3A_801 = tpu.vector_load %arg10[%swap3A_799, %swap3A_800] {strides = array<i32>} : memref<128x64xf32, #tpu.memory_space<vmem>>, vector<1x16xf32>,
        %swap3A_802 = vector.shape_cast %swap3A_801 : vector<1x16xf32> to vector<16xf32>
        %swap3A_803 = vector.shape_cast %mul3A_798 : vector<16xf32> to vector<1x16xf32>
        tpu.vector_store %arg10[%swap3A_799, %swap3A_800], %swap3A_803 {strides = array<i32>} : memref<128x64xf32, #tpu.memory_space<vmem>>, vector<1x16xf32>,
        %broadcast_in_dim3A_804 = arith.constant 12 : i32
        %broadcast_in_dim3A_805 = vector.broadcast %broadcast_in_dim3A_804 : i32 to vector<16xi32>
        %lt3A_806 = arith.constant 0 : i32
        %lt3A_807 = vector.broadcast %lt3A_806 : i32 to vector<16xi32>
        %lt3A_808 = arith.cmpi slt, %broadcast_in_dim3A_805, %lt3A_807 : vector<16xi32>
        %add3A_809 = arith.constant 16 : i32
        %add3A_810 = vector.broadcast %add3A_809 : i32 to vector<16xi32>
        %add3A_811 = arith.addi %broadcast_in_dim3A_805, %add3A_810 : vector<16xi32>
        %select_n3A_812 = arith.select %lt3A_808, %add3A_811, %broadcast_in_dim3A_805 : vector<16xi1>, vector<16xi32>
        %broadcast_in_dim3A_813 = vector.shape_cast %select_n3A_812 : vector<16xi32> to vector<16x1xi32>
        %gather3A_814 = vector.shape_cast %broadcast_in_dim3A_813 : vector<16x1xi32> to vector<16xi32>
        %gather3A_815 = tpu.dynamic_gather %get3A_134[%gather3A_814] in [0] : vector<16xf32>, vector<16xi32> -> vector<16xf32>
        %mul3A_816 = arith.constant 16 : i32
        %mul3A_817 = arith.muli %scan3A_127, %mul3A_816 : i32
        %add3A_818 = arith.constant 12 : i32
        %add3A_819 = arith.addi %mul3A_817, %add3A_818 : i32
        %get3A_820 = arith.index_cast %add3A_819 : i32 to index
        %get3A_821 = arith.constant 0 : index
        %get3A_822 = tpu.vector_load %arg10[%get3A_820, %get3A_821] {strides = array<i32>} : memref<128x64xf32, #tpu.memory_space<vmem>>, vector<1x16xf32>,
        %get3A_823 = vector.shape_cast %get3A_822 : vector<1x16xf32> to vector<16xf32>
        %mul3A_824 = arith.mulf %get3A_823, %gather3A_815 : vector<16xf32>
        %swap3A_825 = arith.index_cast %add3A_819 : i32 to index
        %swap3A_826 = arith.constant 0 : index
        %swap3A_827 = tpu.vector_load %arg10[%swap3A_825, %swap3A_826] {strides = array<i32>} : memref<128x64xf32, #tpu.memory_space<vmem>>, vector<1x16xf32>,
        %swap3A_828 = vector.shape_cast %swap3A_827 : vector<1x16xf32> to vector<16xf32>
        %swap3A_829 = vector.shape_cast %mul3A_824 : vector<16xf32> to vector<1x16xf32>
        tpu.vector_store %arg10[%swap3A_825, %swap3A_826], %swap3A_829 {strides = array<i32>} : memref<128x64xf32, #tpu.memory_space<vmem>>, vector<1x16xf32>,
        %get3A_830 = arith.index_cast %add3A_819 : i32 to index
        %get3A_831 = arith.constant 16 : index
        %get3A_832 = tpu.vector_load %arg10[%get3A_830, %get3A_831] {strides = array<i32>} : memref<128x64xf32, #tpu.memory_space<vmem>>, vector<1x16xf32>,
        %get3A_833 = vector.shape_cast %get3A_832 : vector<1x16xf32> to vector<16xf32>
        %mul3A_834 = arith.mulf %get3A_833, %gather3A_815 : vector<16xf32>
        %swap3A_835 = arith.index_cast %add3A_819 : i32 to index
        %swap3A_836 = arith.constant 16 : index
        %swap3A_837 = tpu.vector_load %arg10[%swap3A_835, %swap3A_836] {strides = array<i32>} : memref<128x64xf32, #tpu.memory_space<vmem>>, vector<1x16xf32>,
        %swap3A_838 = vector.shape_cast %swap3A_837 : vector<1x16xf32> to vector<16xf32>
        %swap3A_839 = vector.shape_cast %mul3A_834 : vector<16xf32> to vector<1x16xf32>
        tpu.vector_store %arg10[%swap3A_835, %swap3A_836], %swap3A_839 {strides = array<i32>} : memref<128x64xf32, #tpu.memory_space<vmem>>, vector<1x16xf32>,
        %get3A_840 = arith.index_cast %add3A_819 : i32 to index
        %get3A_841 = arith.constant 32 : index
        %get3A_842 = tpu.vector_load %arg10[%get3A_840, %get3A_841] {strides = array<i32>} : memref<128x64xf32, #tpu.memory_space<vmem>>, vector<1x16xf32>,
        %get3A_843 = vector.shape_cast %get3A_842 : vector<1x16xf32> to vector<16xf32>
        %mul3A_844 = arith.mulf %get3A_843, %gather3A_815 : vector<16xf32>
        %swap3A_845 = arith.index_cast %add3A_819 : i32 to index
        %swap3A_846 = arith.constant 32 : index
        %swap3A_847 = tpu.vector_load %arg10[%swap3A_845, %swap3A_846] {strides = array<i32>} : memref<128x64xf32, #tpu.memory_space<vmem>>, vector<1x16xf32>,
        %swap3A_848 = vector.shape_cast %swap3A_847 : vector<1x16xf32> to vector<16xf32>
        %swap3A_849 = vector.shape_cast %mul3A_844 : vector<16xf32> to vector<1x16xf32>
        tpu.vector_store %arg10[%swap3A_845, %swap3A_846], %swap3A_849 {strides = array<i32>} : memref<128x64xf32, #tpu.memory_space<vmem>>, vector<1x16xf32>,
        %get3A_850 = arith.index_cast %add3A_819 : i32 to index
        %get3A_851 = arith.constant 48 : index
        %get3A_852 = tpu.vector_load %arg10[%get3A_850, %get3A_851] {strides = array<i32>} : memref<128x64xf32, #tpu.memory_space<vmem>>, vector<1x16xf32>,
        %get3A_853 = vector.shape_cast %get3A_852 : vector<1x16xf32> to vector<16xf32>
        %mul3A_854 = arith.mulf %get3A_853, %gather3A_815 : vector<16xf32>
        %swap3A_855 = arith.index_cast %add3A_819 : i32 to index
        %swap3A_856 = arith.constant 48 : index
        %swap3A_857 = tpu.vector_load %arg10[%swap3A_855, %swap3A_856] {strides = array<i32>} : memref<128x64xf32, #tpu.memory_space<vmem>>, vector<1x16xf32>,
        %swap3A_858 = vector.shape_cast %swap3A_857 : vector<1x16xf32> to vector<16xf32>
        %swap3A_859 = vector.shape_cast %mul3A_854 : vector<16xf32> to vector<1x16xf32>
        tpu.vector_store %arg10[%swap3A_855, %swap3A_856], %swap3A_859 {strides = array<i32>} : memref<128x64xf32, #tpu.memory_space<vmem>>, vector<1x16xf32>,
        %broadcast_in_dim3A_860 = arith.constant 13 : i32
        %broadcast_in_dim3A_861 = vector.broadcast %broadcast_in_dim3A_860 : i32 to vector<16xi32>
        %lt3A_862 = arith.constant 0 : i32
        %lt3A_863 = vector.broadcast %lt3A_862 : i32 to vector<16xi32>
        %lt3A_864 = arith.cmpi slt, %broadcast_in_dim3A_861, %lt3A_863 : vector<16xi32>
        %add3A_865 = arith.constant 16 : i32
        %add3A_866 = vector.broadcast %add3A_865 : i32 to vector<16xi32>
        %add3A_867 = arith.addi %broadcast_in_dim3A_861, %add3A_866 : vector<16xi32>
        %select_n3A_868 = arith.select %lt3A_864, %add3A_867, %broadcast_in_dim3A_861 : vector<16xi1>, vector<16xi32>
        %broadcast_in_dim3A_869 = vector.shape_cast %select_n3A_868 : vector<16xi32> to vector<16x1xi32>
        %gather3A_870 = vector.shape_cast %broadcast_in_dim3A_869 : vector<16x1xi32> to vector<16xi32>
        %gather3A_871 = tpu.dynamic_gather %get3A_134[%gather3A_870] in [0] : vector<16xf32>, vector<16xi32> -> vector<16xf32>
        %mul3A_872 = arith.constant 16 : i32
        %mul3A_873 = arith.muli %scan3A_127, %mul3A_872 : i32
        %add3A_874 = arith.constant 13 : i32
        %add3A_875 = arith.addi %mul3A_873, %add3A_874 : i32
        %get3A_876 = arith.index_cast %add3A_875 : i32 to index
        %get3A_877 = arith.constant 0 : index
        %get3A_878 = tpu.vector_load %arg10[%get3A_876, %get3A_877] {strides = array<i32>} : memref<128x64xf32, #tpu.memory_space<vmem>>, vector<1x16xf32>,
        %get3A_879 = vector.shape_cast %get3A_878 : vector<1x16xf32> to vector<16xf32>
        %mul3A_880 = arith.mulf %get3A_879, %gather3A_871 : vector<16xf32>
        %swap3A_881 = arith.index_cast %add3A_875 : i32 to index
        %swap3A_882 = arith.constant 0 : index
        %swap3A_883 = tpu.vector_load %arg10[%swap3A_881, %swap3A_882] {strides = array<i32>} : memref<128x64xf32, #tpu.memory_space<vmem>>, vector<1x16xf32>,
        %swap3A_884 = vector.shape_cast %swap3A_883 : vector<1x16xf32> to vector<16xf32>
        %swap3A_885 = vector.shape_cast %mul3A_880 : vector<16xf32> to vector<1x16xf32>
        tpu.vector_store %arg10[%swap3A_881, %swap3A_882], %swap3A_885 {strides = array<i32>} : memref<128x64xf32, #tpu.memory_space<vmem>>, vector<1x16xf32>,
        %get3A_886 = arith.index_cast %add3A_875 : i32 to index
        %get3A_887 = arith.constant 16 : index
        %get3A_888 = tpu.vector_load %arg10[%get3A_886, %get3A_887] {strides = array<i32>} : memref<128x64xf32, #tpu.memory_space<vmem>>, vector<1x16xf32>,
        %get3A_889 = vector.shape_cast %get3A_888 : vector<1x16xf32> to vector<16xf32>
        %mul3A_890 = arith.mulf %get3A_889, %gather3A_871 : vector<16xf32>
        %swap3A_891 = arith.index_cast %add3A_875 : i32 to index
        %swap3A_892 = arith.constant 16 : index
        %swap3A_893 = tpu.vector_load %arg10[%swap3A_891, %swap3A_892] {strides = array<i32>} : memref<128x64xf32, #tpu.memory_space<vmem>>, vector<1x16xf32>,
        %swap3A_894 = vector.shape_cast %swap3A_893 : vector<1x16xf32> to vector<16xf32>
        %swap3A_895 = vector.shape_cast %mul3A_890 : vector<16xf32> to vector<1x16xf32>
        tpu.vector_store %arg10[%swap3A_891, %swap3A_892], %swap3A_895 {strides = array<i32>} : memref<128x64xf32, #tpu.memory_space<vmem>>, vector<1x16xf32>,
        %get3A_896 = arith.index_cast %add3A_875 : i32 to index
        %get3A_897 = arith.constant 32 : index
        %get3A_898 = tpu.vector_load %arg10[%get3A_896, %get3A_897] {strides = array<i32>} : memref<128x64xf32, #tpu.memory_space<vmem>>, vector<1x16xf32>,
        %get3A_899 = vector.shape_cast %get3A_898 : vector<1x16xf32> to vector<16xf32>
        %mul3A_900 = arith.mulf %get3A_899, %gather3A_871 : vector<16xf32>
        %swap3A_901 = arith.index_cast %add3A_875 : i32 to index
        %swap3A_902 = arith.constant 32 : index
        %swap3A_903 = tpu.vector_load %arg10[%swap3A_901, %swap3A_902] {strides = array<i32>} : memref<128x64xf32, #tpu.memory_space<vmem>>, vector<1x16xf32>,
        %swap3A_904 = vector.shape_cast %swap3A_903 : vector<1x16xf32> to vector<16xf32>
        %swap3A_905 = vector.shape_cast %mul3A_900 : vector<16xf32> to vector<1x16xf32>
        tpu.vector_store %arg10[%swap3A_901, %swap3A_902], %swap3A_905 {strides = array<i32>} : memref<128x64xf32, #tpu.memory_space<vmem>>, vector<1x16xf32>,
        %get3A_906 = arith.index_cast %add3A_875 : i32 to index
        %get3A_907 = arith.constant 48 : index
        %get3A_908 = tpu.vector_load %arg10[%get3A_906, %get3A_907] {strides = array<i32>} : memref<128x64xf32, #tpu.memory_space<vmem>>, vector<1x16xf32>,
        %get3A_909 = vector.shape_cast %get3A_908 : vector<1x16xf32> to vector<16xf32>
        %mul3A_910 = arith.mulf %get3A_909, %gather3A_871 : vector<16xf32>
        %swap3A_911 = arith.index_cast %add3A_875 : i32 to index
        %swap3A_912 = arith.constant 48 : index
        %swap3A_913 = tpu.vector_load %arg10[%swap3A_911, %swap3A_912] {strides = array<i32>} : memref<128x64xf32, #tpu.memory_space<vmem>>, vector<1x16xf32>,
        %swap3A_914 = vector.shape_cast %swap3A_913 : vector<1x16xf32> to vector<16xf32>
        %swap3A_915 = vector.shape_cast %mul3A_910 : vector<16xf32> to vector<1x16xf32>
        tpu.vector_store %arg10[%swap3A_911, %swap3A_912], %swap3A_915 {strides = array<i32>} : memref<128x64xf32, #tpu.memory_space<vmem>>, vector<1x16xf32>,
        %broadcast_in_dim3A_916 = arith.constant 14 : i32
        %broadcast_in_dim3A_917 = vector.broadcast %broadcast_in_dim3A_916 : i32 to vector<16xi32>
        %lt3A_918 = arith.constant 0 : i32
        %lt3A_919 = vector.broadcast %lt3A_918 : i32 to vector<16xi32>
        %lt3A_920 = arith.cmpi slt, %broadcast_in_dim3A_917, %lt3A_919 : vector<16xi32>
        %add3A_921 = arith.constant 16 : i32
        %add3A_922 = vector.broadcast %add3A_921 : i32 to vector<16xi32>
        %add3A_923 = arith.addi %broadcast_in_dim3A_917, %add3A_922 : vector<16xi32>
        %select_n3A_924 = arith.select %lt3A_920, %add3A_923, %broadcast_in_dim3A_917 : vector<16xi1>, vector<16xi32>
        %broadcast_in_dim3A_925 = vector.shape_cast %select_n3A_924 : vector<16xi32> to vector<16x1xi32>
        %gather3A_926 = vector.shape_cast %broadcast_in_dim3A_925 : vector<16x1xi32> to vector<16xi32>
        %gather3A_927 = tpu.dynamic_gather %get3A_134[%gather3A_926] in [0] : vector<16xf32>, vector<16xi32> -> vector<16xf32>
        %mul3A_928 = arith.constant 16 : i32
        %mul3A_929 = arith.muli %scan3A_127, %mul3A_928 : i32
        %add3A_930 = arith.constant 14 : i32
        %add3A_931 = arith.addi %mul3A_929, %add3A_930 : i32
        %get3A_932 = arith.index_cast %add3A_931 : i32 to index
        %get3A_933 = arith.constant 0 : index
        %get3A_934 = tpu.vector_load %arg10[%get3A_932, %get3A_933] {strides = array<i32>} : memref<128x64xf32, #tpu.memory_space<vmem>>, vector<1x16xf32>,
        %get3A_935 = vector.shape_cast %get3A_934 : vector<1x16xf32> to vector<16xf32>
        %mul3A_936 = arith.mulf %get3A_935, %gather3A_927 : vector<16xf32>
        %swap3A_937 = arith.index_cast %add3A_931 : i32 to index
        %swap3A_938 = arith.constant 0 : index
        %swap3A_939 = tpu.vector_load %arg10[%swap3A_937, %swap3A_938] {strides = array<i32>} : memref<128x64xf32, #tpu.memory_space<vmem>>, vector<1x16xf32>,
        %swap3A_940 = vector.shape_cast %swap3A_939 : vector<1x16xf32> to vector<16xf32>
        %swap3A_941 = vector.shape_cast %mul3A_936 : vector<16xf32> to vector<1x16xf32>
        tpu.vector_store %arg10[%swap3A_937, %swap3A_938], %swap3A_941 {strides = array<i32>} : memref<128x64xf32, #tpu.memory_space<vmem>>, vector<1x16xf32>,
        %get3A_942 = arith.index_cast %add3A_931 : i32 to index
        %get3A_943 = arith.constant 16 : index
        %get3A_944 = tpu.vector_load %arg10[%get3A_942, %get3A_943] {strides = array<i32>} : memref<128x64xf32, #tpu.memory_space<vmem>>, vector<1x16xf32>,
        %get3A_945 = vector.shape_cast %get3A_944 : vector<1x16xf32> to vector<16xf32>
        %mul3A_946 = arith.mulf %get3A_945, %gather3A_927 : vector<16xf32>
        %swap3A_947 = arith.index_cast %add3A_931 : i32 to index
        %swap3A_948 = arith.constant 16 : index
        %swap3A_949 = tpu.vector_load %arg10[%swap3A_947, %swap3A_948] {strides = array<i32>} : memref<128x64xf32, #tpu.memory_space<vmem>>, vector<1x16xf32>,
        %swap3A_950 = vector.shape_cast %swap3A_949 : vector<1x16xf32> to vector<16xf32>
        %swap3A_951 = vector.shape_cast %mul3A_946 : vector<16xf32> to vector<1x16xf32>
        tpu.vector_store %arg10[%swap3A_947, %swap3A_948], %swap3A_951 {strides = array<i32>} : memref<128x64xf32, #tpu.memory_space<vmem>>, vector<1x16xf32>,
        %get3A_952 = arith.index_cast %add3A_931 : i32 to index
        %get3A_953 = arith.constant 32 : index
        %get3A_954 = tpu.vector_load %arg10[%get3A_952, %get3A_953] {strides = array<i32>} : memref<128x64xf32, #tpu.memory_space<vmem>>, vector<1x16xf32>,
        %get3A_955 = vector.shape_cast %get3A_954 : vector<1x16xf32> to vector<16xf32>
        %mul3A_956 = arith.mulf %get3A_955, %gather3A_927 : vector<16xf32>
        %swap3A_957 = arith.index_cast %add3A_931 : i32 to index
        %swap3A_958 = arith.constant 32 : index
        %swap3A_959 = tpu.vector_load %arg10[%swap3A_957, %swap3A_958] {strides = array<i32>} : memref<128x64xf32, #tpu.memory_space<vmem>>, vector<1x16xf32>,
        %swap3A_960 = vector.shape_cast %swap3A_959 : vector<1x16xf32> to vector<16xf32>
        %swap3A_961 = vector.shape_cast %mul3A_956 : vector<16xf32> to vector<1x16xf32>
        tpu.vector_store %arg10[%swap3A_957, %swap3A_958], %swap3A_961 {strides = array<i32>} : memref<128x64xf32, #tpu.memory_space<vmem>>, vector<1x16xf32>,
        %get3A_962 = arith.index_cast %add3A_931 : i32 to index
        %get3A_963 = arith.constant 48 : index
        %get3A_964 = tpu.vector_load %arg10[%get3A_962, %get3A_963] {strides = array<i32>} : memref<128x64xf32, #tpu.memory_space<vmem>>, vector<1x16xf32>,
        %get3A_965 = vector.shape_cast %get3A_964 : vector<1x16xf32> to vector<16xf32>
        %mul3A_966 = arith.mulf %get3A_965, %gather3A_927 : vector<16xf32>
        %swap3A_967 = arith.index_cast %add3A_931 : i32 to index
        %swap3A_968 = arith.constant 48 : index
        %swap3A_969 = tpu.vector_load %arg10[%swap3A_967, %swap3A_968] {strides = array<i32>} : memref<128x64xf32, #tpu.memory_space<vmem>>, vector<1x16xf32>,
        %swap3A_970 = vector.shape_cast %swap3A_969 : vector<1x16xf32> to vector<16xf32>
        %swap3A_971 = vector.shape_cast %mul3A_966 : vector<16xf32> to vector<1x16xf32>
        tpu.vector_store %arg10[%swap3A_967, %swap3A_968], %swap3A_971 {strides = array<i32>} : memref<128x64xf32, #tpu.memory_space<vmem>>, vector<1x16xf32>,
        %broadcast_in_dim3A_972 = arith.constant 15 : i32
        %broadcast_in_dim3A_973 = vector.broadcast %broadcast_in_dim3A_972 : i32 to vector<16xi32>
        %lt3A_974 = arith.constant 0 : i32
        %lt3A_975 = vector.broadcast %lt3A_974 : i32 to vector<16xi32>
        %lt3A_976 = arith.cmpi slt, %broadcast_in_dim3A_973, %lt3A_975 : vector<16xi32>
        %add3A_977 = arith.constant 16 : i32
        %add3A_978 = vector.broadcast %add3A_977 : i32 to vector<16xi32>
        %add3A_979 = arith.addi %broadcast_in_dim3A_973, %add3A_978 : vector<16xi32>
        %select_n3A_980 = arith.select %lt3A_976, %add3A_979, %broadcast_in_dim3A_973 : vector<16xi1>, vector<16xi32>
        %broadcast_in_dim3A_981 = vector.shape_cast %select_n3A_980 : vector<16xi32> to vector<16x1xi32>
        %gather3A_982 = vector.shape_cast %broadcast_in_dim3A_981 : vector<16x1xi32> to vector<16xi32>
        %gather3A_983 = tpu.dynamic_gather %get3A_134[%gather3A_982] in [0] : vector<16xf32>, vector<16xi32> -> vector<16xf32>
        %mul3A_984 = arith.constant 16 : i32
        %mul3A_985 = arith.muli %scan3A_127, %mul3A_984 : i32
        %add3A_986 = arith.constant 15 : i32
        %add3A_987 = arith.addi %mul3A_985, %add3A_986 : i32
        %get3A_988 = arith.index_cast %add3A_987 : i32 to index
        %get3A_989 = arith.constant 0 : index
        %get3A_990 = tpu.vector_load %arg10[%get3A_988, %get3A_989] {strides = array<i32>} : memref<128x64xf32, #tpu.memory_space<vmem>>, vector<1x16xf32>,
        %get3A_991 = vector.shape_cast %get3A_990 : vector<1x16xf32> to vector<16xf32>
        %mul3A_992 = arith.mulf %get3A_991, %gather3A_983 : vector<16xf32>
        %swap3A_993 = arith.index_cast %add3A_987 : i32 to index
        %swap3A_994 = arith.constant 0 : index
        %swap3A_995 = tpu.vector_load %arg10[%swap3A_993, %swap3A_994] {strides = array<i32>} : memref<128x64xf32, #tpu.memory_space<vmem>>, vector<1x16xf32>,
        %swap3A_996 = vector.shape_cast %swap3A_995 : vector<1x16xf32> to vector<16xf32>
        %swap3A_997 = vector.shape_cast %mul3A_992 : vector<16xf32> to vector<1x16xf32>
        tpu.vector_store %arg10[%swap3A_993, %swap3A_994], %swap3A_997 {strides = array<i32>} : memref<128x64xf32, #tpu.memory_space<vmem>>, vector<1x16xf32>,
        %get3A_998 = arith.index_cast %add3A_987 : i32 to index
        %get3A_999 = arith.constant 16 : index
        %get3A_1000 = tpu.vector_load %arg10[%get3A_998, %get3A_999] {strides = array<i32>} : memref<128x64xf32, #tpu.memory_space<vmem>>, vector<1x16xf32>,
        %get3A_1001 = vector.shape_cast %get3A_1000 : vector<1x16xf32> to vector<16xf32>
        %mul3A_1002 = arith.mulf %get3A_1001, %gather3A_983 : vector<16xf32>
        %swap3A_1003 = arith.index_cast %add3A_987 : i32 to index
        %swap3A_1004 = arith.constant 16 : index
        %swap3A_1005 = tpu.vector_load %arg10[%swap3A_1003, %swap3A_1004] {strides = array<i32>} : memref<128x64xf32, #tpu.memory_space<vmem>>, vector<1x16xf32>,
        %swap3A_1006 = vector.shape_cast %swap3A_1005 : vector<1x16xf32> to vector<16xf32>
        %swap3A_1007 = vector.shape_cast %mul3A_1002 : vector<16xf32> to vector<1x16xf32>
        tpu.vector_store %arg10[%swap3A_1003, %swap3A_1004], %swap3A_1007 {strides = array<i32>} : memref<128x64xf32, #tpu.memory_space<vmem>>, vector<1x16xf32>,
        %get3A_1008 = arith.index_cast %add3A_987 : i32 to index
        %get3A_1009 = arith.constant 32 : index
        %get3A_1010 = tpu.vector_load %arg10[%get3A_1008, %get3A_1009] {strides = array<i32>} : memref<128x64xf32, #tpu.memory_space<vmem>>, vector<1x16xf32>,
        %get3A_1011 = vector.shape_cast %get3A_1010 : vector<1x16xf32> to vector<16xf32>
        %mul3A_1012 = arith.mulf %get3A_1011, %gather3A_983 : vector<16xf32>
        %swap3A_1013 = arith.index_cast %add3A_987 : i32 to index
        %swap3A_1014 = arith.constant 32 : index
        %swap3A_1015 = tpu.vector_load %arg10[%swap3A_1013, %swap3A_1014] {strides = array<i32>} : memref<128x64xf32, #tpu.memory_space<vmem>>, vector<1x16xf32>,
        %swap3A_1016 = vector.shape_cast %swap3A_1015 : vector<1x16xf32> to vector<16xf32>
        %swap3A_1017 = vector.shape_cast %mul3A_1012 : vector<16xf32> to vector<1x16xf32>
        tpu.vector_store %arg10[%swap3A_1013, %swap3A_1014], %swap3A_1017 {strides = array<i32>} : memref<128x64xf32, #tpu.memory_space<vmem>>, vector<1x16xf32>,
        %get3A_1018 = arith.index_cast %add3A_987 : i32 to index
        %get3A_1019 = arith.constant 48 : index
        %get3A_1020 = tpu.vector_load %arg10[%get3A_1018, %get3A_1019] {strides = array<i32>} : memref<128x64xf32, #tpu.memory_space<vmem>>, vector<1x16xf32>,
        %get3A_1021 = vector.shape_cast %get3A_1020 : vector<1x16xf32> to vector<16xf32>
        %mul3A_1022 = arith.mulf %get3A_1021, %gather3A_983 : vector<16xf32>
        %swap3A_1023 = arith.index_cast %add3A_987 : i32 to index
        %swap3A_1024 = arith.constant 48 : index
        %swap3A_1025 = tpu.vector_load %arg10[%swap3A_1023, %swap3A_1024] {strides = array<i32>} : memref<128x64xf32, #tpu.memory_space<vmem>>, vector<1x16xf32>,
        %swap3A_1026 = vector.shape_cast %swap3A_1025 : vector<1x16xf32> to vector<16xf32>
        %swap3A_1027 = vector.shape_cast %mul3A_1022 : vector<16xf32> to vector<1x16xf32>
        tpu.vector_store %arg10[%swap3A_1023, %swap3A_1024], %swap3A_1027 {strides = array<i32>} : memref<128x64xf32, #tpu.memory_space<vmem>>, vector<1x16xf32>,
      }
      %scan3A_79 = arith.constant 8 : i32
      %dma_start3A_80 = arith.constant 0 : i32
      %dma_start3A_81 = tpu.memref_slice %arg8[%mul3A_66, %dma_start3A_80] : memref<80x128xi32, #tpu.memory_space<vmem>> -> memref<1x128xi32, #tpu.memory_space<vmem>>
      %dma_start3A_82 = tpu.memref_squeeze %dma_start3A_81 : memref<1x128xi32, #tpu.memory_space<vmem>> -> memref<128xi32, #tpu.memory_space<vmem>>
      %dma_start3A_83 = arith.constant 0 : i32
      %dma_start3A_84 = arith.constant 0 : i32
      %dma_start3A_85 = tpu.memref_slice %arg13[%dma_start3A_83, %dma_start3A_84] : memref<10240x64xf32, #tpu.memory_space<vmem_shared>> -> memref<10240x64xf32, #tpu.memory_space<vmem_shared>>
      tpu.enqueue_indirect_dma source(%arg10 : memref<128x64xf32, #tpu.memory_space<vmem>>) target(%dma_start3A_85 : memref<10240x64xf32, #tpu.memory_space<vmem_shared>>) offsets(%dma_start3A_82 : memref<128xi32, #tpu.memory_space<vmem>>) semaphore(%arg16 : memref<!tpu.dma_semaphore, #tpu.memory_space<semaphore_mem>>) {add = true}
      %dma_wait3A_86 = arith.constant 0 : i32
      %dma_wait3A_87 = tpu.memref_slice %arg7[%add3A_68, %dma_wait3A_86] : memref<80x128xi32, #tpu.memory_space<vmem>> -> memref<1x128xi32, #tpu.memory_space<vmem>>
      %dma_wait3A_88 = tpu.memref_squeeze %dma_wait3A_87 : memref<1x128xi32, #tpu.memory_space<vmem>> -> memref<128xi32, #tpu.memory_space<vmem>>
      %dma_wait3A_89 = arith.constant 0 : i32
      %dma_wait3A_90 = arith.constant 0 : i32
      %dma_wait3A_91 = tpu.memref_slice %arg2[%dma_wait3A_89, %dma_wait3A_90] : memref<10240x64xf32, #tpu.memory_space<hbm>> -> memref<10240x64xf32, #tpu.memory_space<hbm>>
      tpu.wait_indirect_dma semaphore(%arg15 : memref<!tpu.dma_semaphore, #tpu.memory_space<semaphore_mem>>) src(%dma_wait3A_91 : memref<10240x64xf32, #tpu.memory_space<hbm>>) dst(%arg11 : memref<128x64xf32, #tpu.memory_space<vmem>>)
      %scan3A_92 = arith.constant 0 : i32
      %scan3A_93 = arith.constant 0 : i32
      %scan3A_94 = arith.constant 8 : i32
      %scan3A_95 = arith.addi %scan3A_93, %scan3A_94 : i32
      %scan3A_96 = arith.constant 1 : i32
      scf.for %scan3A_127 = %scan3A_93 to %scan3A_95 step %scan3A_96  : i32 {
        %mul3A_128 = arith.constant 128 : i32
        %mul3A_129 = arith.muli %add3A_68, %mul3A_128 : i32
        %mul3A_130 = arith.constant 16 : i32
        %mul3A_131 = arith.muli %scan3A_127, %mul3A_130 : i32
        %add3A_132 = arith.addi %mul3A_129, %mul3A_131 : i32
        %get3A = arith.index_cast %add3A_132 : i32 to index
        %get3A_133 = tpu.vector_load %arg9[%get3A] {strides = array<i32>} : memref<10240xf32, #tpu.memory_space<vmem>>, vector<16xf32>,
        %get3A_134 = vector.shape_cast %get3A_133 : vector<16xf32> to vector<16xf32>
        %broadcast_in_dim3A_135 = arith.constant 0 : i32
        %broadcast_in_dim3A_136 = vector.broadcast %broadcast_in_dim3A_135 : i32 to vector<16xi32>
        %lt3A_137 = arith.constant 0 : i32
        %lt3A_138 = vector.broadcast %lt3A_137 : i32 to vector<16xi32>
        %lt3A_139 = arith.cmpi slt, %broadcast_in_dim3A_136, %lt3A_138 : vector<16xi32>
        %add3A_140 = arith.constant 16 : i32
        %add3A_141 = vector.broadcast %add3A_140 : i32 to vector<16xi32>
        %add3A_142 = arith.addi %broadcast_in_dim3A_136, %add3A_141 : vector<16xi32>
        %select_n3A = arith.select %lt3A_139, %add3A_142, %broadcast_in_dim3A_136 : vector<16xi1>, vector<16xi32>
        %broadcast_in_dim3A_143 = vector.shape_cast %select_n3A : vector<16xi32> to vector<16x1xi32>
        %gather3A = vector.shape_cast %broadcast_in_dim3A_143 : vector<16x1xi32> to vector<16xi32>
        %gather3A_144 = tpu.dynamic_gather %get3A_134[%gather3A] in [0] : vector<16xf32>, vector<16xi32> -> vector<16xf32>
        %mul3A_145 = arith.constant 16 : i32
        %mul3A_146 = arith.muli %scan3A_127, %mul3A_145 : i32
        %add3A_147 = arith.constant 0 : i32
        %add3A_148 = arith.addi %mul3A_146, %add3A_147 : i32
        %get3A_149 = arith.index_cast %add3A_148 : i32 to index
        %get3A_150 = arith.constant 0 : index
        %get3A_151 = tpu.vector_load %arg11[%get3A_149, %get3A_150] {strides = array<i32>} : memref<128x64xf32, #tpu.memory_space<vmem>>, vector<1x16xf32>,
        %get3A_152 = vector.shape_cast %get3A_151 : vector<1x16xf32> to vector<16xf32>
        %mul3A_153 = arith.mulf %get3A_152, %gather3A_144 : vector<16xf32>
        %swap3A = arith.index_cast %add3A_148 : i32 to index
        %swap3A_154 = arith.constant 0 : index
        %swap3A_155 = tpu.vector_load %arg11[%swap3A, %swap3A_154] {strides = array<i32>} : memref<128x64xf32, #tpu.memory_space<vmem>>, vector<1x16xf32>,
        %swap3A_156 = vector.shape_cast %swap3A_155 : vector<1x16xf32> to vector<16xf32>
        %swap3A_157 = vector.shape_cast %mul3A_153 : vector<16xf32> to vector<1x16xf32>
        tpu.vector_store %arg11[%swap3A, %swap3A_154], %swap3A_157 {strides = array<i32>} : memref<128x64xf32, #tpu.memory_space<vmem>>, vector<1x16xf32>,
        %get3A_158 = arith.index_cast %add3A_148 : i32 to index
        %get3A_159 = arith.constant 16 : index
        %get3A_160 = tpu.vector_load %arg11[%get3A_158, %get3A_159] {strides = array<i32>} : memref<128x64xf32, #tpu.memory_space<vmem>>, vector<1x16xf32>,
        %get3A_161 = vector.shape_cast %get3A_160 : vector<1x16xf32> to vector<16xf32>
        %mul3A_162 = arith.mulf %get3A_161, %gather3A_144 : vector<16xf32>
        %swap3A_163 = arith.index_cast %add3A_148 : i32 to index
        %swap3A_164 = arith.constant 16 : index
        %swap3A_165 = tpu.vector_load %arg11[%swap3A_163, %swap3A_164] {strides = array<i32>} : memref<128x64xf32, #tpu.memory_space<vmem>>, vector<1x16xf32>,
        %swap3A_166 = vector.shape_cast %swap3A_165 : vector<1x16xf32> to vector<16xf32>
        %swap3A_167 = vector.shape_cast %mul3A_162 : vector<16xf32> to vector<1x16xf32>
        tpu.vector_store %arg11[%swap3A_163, %swap3A_164], %swap3A_167 {strides = array<i32>} : memref<128x64xf32, #tpu.memory_space<vmem>>, vector<1x16xf32>,
        %get3A_168 = arith.index_cast %add3A_148 : i32 to index
        %get3A_169 = arith.constant 32 : index
        %get3A_170 = tpu.vector_load %arg11[%get3A_168, %get3A_169] {strides = array<i32>} : memref<128x64xf32, #tpu.memory_space<vmem>>, vector<1x16xf32>,
        %get3A_171 = vector.shape_cast %get3A_170 : vector<1x16xf32> to vector<16xf32>
        %mul3A_172 = arith.mulf %get3A_171, %gather3A_144 : vector<16xf32>
        %swap3A_173 = arith.index_cast %add3A_148 : i32 to index
        %swap3A_174 = arith.constant 32 : index
        %swap3A_175 = tpu.vector_load %arg11[%swap3A_173, %swap3A_174] {strides = array<i32>} : memref<128x64xf32, #tpu.memory_space<vmem>>, vector<1x16xf32>,
        %swap3A_176 = vector.shape_cast %swap3A_175 : vector<1x16xf32> to vector<16xf32>
        %swap3A_177 = vector.shape_cast %mul3A_172 : vector<16xf32> to vector<1x16xf32>
        tpu.vector_store %arg11[%swap3A_173, %swap3A_174], %swap3A_177 {strides = array<i32>} : memref<128x64xf32, #tpu.memory_space<vmem>>, vector<1x16xf32>,
        %get3A_178 = arith.index_cast %add3A_148 : i32 to index
        %get3A_179 = arith.constant 48 : index
        %get3A_180 = tpu.vector_load %arg11[%get3A_178, %get3A_179] {strides = array<i32>} : memref<128x64xf32, #tpu.memory_space<vmem>>, vector<1x16xf32>,
        %get3A_181 = vector.shape_cast %get3A_180 : vector<1x16xf32> to vector<16xf32>
        %mul3A_182 = arith.mulf %get3A_181, %gather3A_144 : vector<16xf32>
        %swap3A_183 = arith.index_cast %add3A_148 : i32 to index
        %swap3A_184 = arith.constant 48 : index
        %swap3A_185 = tpu.vector_load %arg11[%swap3A_183, %swap3A_184] {strides = array<i32>} : memref<128x64xf32, #tpu.memory_space<vmem>>, vector<1x16xf32>,
        %swap3A_186 = vector.shape_cast %swap3A_185 : vector<1x16xf32> to vector<16xf32>
        %swap3A_187 = vector.shape_cast %mul3A_182 : vector<16xf32> to vector<1x16xf32>
        tpu.vector_store %arg11[%swap3A_183, %swap3A_184], %swap3A_187 {strides = array<i32>} : memref<128x64xf32, #tpu.memory_space<vmem>>, vector<1x16xf32>,
        %broadcast_in_dim3A_188 = arith.constant 1 : i32
        %broadcast_in_dim3A_189 = vector.broadcast %broadcast_in_dim3A_188 : i32 to vector<16xi32>
        %lt3A_190 = arith.constant 0 : i32
        %lt3A_191 = vector.broadcast %lt3A_190 : i32 to vector<16xi32>
        %lt3A_192 = arith.cmpi slt, %broadcast_in_dim3A_189, %lt3A_191 : vector<16xi32>
        %add3A_193 = arith.constant 16 : i32
        %add3A_194 = vector.broadcast %add3A_193 : i32 to vector<16xi32>
        %add3A_195 = arith.addi %broadcast_in_dim3A_189, %add3A_194 : vector<16xi32>
        %select_n3A_196 = arith.select %lt3A_192, %add3A_195, %broadcast_in_dim3A_189 : vector<16xi1>, vector<16xi32>
        %broadcast_in_dim3A_197 = vector.shape_cast %select_n3A_196 : vector<16xi32> to vector<16x1xi32>
        %gather3A_198 = vector.shape_cast %broadcast_in_dim3A_197 : vector<16x1xi32> to vector<16xi32>
        %gather3A_199 = tpu.dynamic_gather %get3A_134[%gather3A_198] in [0] : vector<16xf32>, vector<16xi32> -> vector<16xf32>
        %mul3A_200 = arith.constant 16 : i32
        %mul3A_201 = arith.muli %scan3A_127, %mul3A_200 : i32
        %add3A_202 = arith.constant 1 : i32
        %add3A_203 = arith.addi %mul3A_201, %add3A_202 : i32
        %get3A_204 = arith.index_cast %add3A_203 : i32 to index
        %get3A_205 = arith.constant 0 : index
        %get3A_206 = tpu.vector_load %arg11[%get3A_204, %get3A_205] {strides = array<i32>} : memref<128x64xf32, #tpu.memory_space<vmem>>, vector<1x16xf32>,
        %get3A_207 = vector.shape_cast %get3A_206 : vector<1x16xf32> to vector<16xf32>
        %mul3A_208 = arith.mulf %get3A_207, %gather3A_199 : vector<16xf32>
        %swap3A_209 = arith.index_cast %add3A_203 : i32 to index
        %swap3A_210 = arith.constant 0 : index
        %swap3A_211 = tpu.vector_load %arg11[%swap3A_209, %swap3A_210] {strides = array<i32>} : memref<128x64xf32, #tpu.memory_space<vmem>>, vector<1x16xf32>,
        %swap3A_212 = vector.shape_cast %swap3A_211 : vector<1x16xf32> to vector<16xf32>
        %swap3A_213 = vector.shape_cast %mul3A_208 : vector<16xf32> to vector<1x16xf32>
        tpu.vector_store %arg11[%swap3A_209, %swap3A_210], %swap3A_213 {strides = array<i32>} : memref<128x64xf32, #tpu.memory_space<vmem>>, vector<1x16xf32>,
        %get3A_214 = arith.index_cast %add3A_203 : i32 to index
        %get3A_215 = arith.constant 16 : index
        %get3A_216 = tpu.vector_load %arg11[%get3A_214, %get3A_215] {strides = array<i32>} : memref<128x64xf32, #tpu.memory_space<vmem>>, vector<1x16xf32>,
        %get3A_217 = vector.shape_cast %get3A_216 : vector<1x16xf32> to vector<16xf32>
        %mul3A_218 = arith.mulf %get3A_217, %gather3A_199 : vector<16xf32>
        %swap3A_219 = arith.index_cast %add3A_203 : i32 to index
        %swap3A_220 = arith.constant 16 : index
        %swap3A_221 = tpu.vector_load %arg11[%swap3A_219, %swap3A_220] {strides = array<i32>} : memref<128x64xf32, #tpu.memory_space<vmem>>, vector<1x16xf32>,
        %swap3A_222 = vector.shape_cast %swap3A_221 : vector<1x16xf32> to vector<16xf32>
        %swap3A_223 = vector.shape_cast %mul3A_218 : vector<16xf32> to vector<1x16xf32>
        tpu.vector_store %arg11[%swap3A_219, %swap3A_220], %swap3A_223 {strides = array<i32>} : memref<128x64xf32, #tpu.memory_space<vmem>>, vector<1x16xf32>,
        %get3A_224 = arith.index_cast %add3A_203 : i32 to index
        %get3A_225 = arith.constant 32 : index
        %get3A_226 = tpu.vector_load %arg11[%get3A_224, %get3A_225] {strides = array<i32>} : memref<128x64xf32, #tpu.memory_space<vmem>>, vector<1x16xf32>,
        %get3A_227 = vector.shape_cast %get3A_226 : vector<1x16xf32> to vector<16xf32>
        %mul3A_228 = arith.mulf %get3A_227, %gather3A_199 : vector<16xf32>
        %swap3A_229 = arith.index_cast %add3A_203 : i32 to index
        %swap3A_230 = arith.constant 32 : index
        %swap3A_231 = tpu.vector_load %arg11[%swap3A_229, %swap3A_230] {strides = array<i32>} : memref<128x64xf32, #tpu.memory_space<vmem>>, vector<1x16xf32>,
        %swap3A_232 = vector.shape_cast %swap3A_231 : vector<1x16xf32> to vector<16xf32>
        %swap3A_233 = vector.shape_cast %mul3A_228 : vector<16xf32> to vector<1x16xf32>
        tpu.vector_store %arg11[%swap3A_229, %swap3A_230], %swap3A_233 {strides = array<i32>} : memref<128x64xf32, #tpu.memory_space<vmem>>, vector<1x16xf32>,
        %get3A_234 = arith.index_cast %add3A_203 : i32 to index
        %get3A_235 = arith.constant 48 : index
        %get3A_236 = tpu.vector_load %arg11[%get3A_234, %get3A_235] {strides = array<i32>} : memref<128x64xf32, #tpu.memory_space<vmem>>, vector<1x16xf32>,
        %get3A_237 = vector.shape_cast %get3A_236 : vector<1x16xf32> to vector<16xf32>
        %mul3A_238 = arith.mulf %get3A_237, %gather3A_199 : vector<16xf32>
        %swap3A_239 = arith.index_cast %add3A_203 : i32 to index
        %swap3A_240 = arith.constant 48 : index
        %swap3A_241 = tpu.vector_load %arg11[%swap3A_239, %swap3A_240] {strides = array<i32>} : memref<128x64xf32, #tpu.memory_space<vmem>>, vector<1x16xf32>,
        %swap3A_242 = vector.shape_cast %swap3A_241 : vector<1x16xf32> to vector<16xf32>
        %swap3A_243 = vector.shape_cast %mul3A_238 : vector<16xf32> to vector<1x16xf32>
        tpu.vector_store %arg11[%swap3A_239, %swap3A_240], %swap3A_243 {strides = array<i32>} : memref<128x64xf32, #tpu.memory_space<vmem>>, vector<1x16xf32>,
        %broadcast_in_dim3A_244 = arith.constant 2 : i32
        %broadcast_in_dim3A_245 = vector.broadcast %broadcast_in_dim3A_244 : i32 to vector<16xi32>
        %lt3A_246 = arith.constant 0 : i32
        %lt3A_247 = vector.broadcast %lt3A_246 : i32 to vector<16xi32>
        %lt3A_248 = arith.cmpi slt, %broadcast_in_dim3A_245, %lt3A_247 : vector<16xi32>
        %add3A_249 = arith.constant 16 : i32
        %add3A_250 = vector.broadcast %add3A_249 : i32 to vector<16xi32>
        %add3A_251 = arith.addi %broadcast_in_dim3A_245, %add3A_250 : vector<16xi32>
        %select_n3A_252 = arith.select %lt3A_248, %add3A_251, %broadcast_in_dim3A_245 : vector<16xi1>, vector<16xi32>
        %broadcast_in_dim3A_253 = vector.shape_cast %select_n3A_252 : vector<16xi32> to vector<16x1xi32>
        %gather3A_254 = vector.shape_cast %broadcast_in_dim3A_253 : vector<16x1xi32> to vector<16xi32>
        %gather3A_255 = tpu.dynamic_gather %get3A_134[%gather3A_254] in [0] : vector<16xf32>, vector<16xi32> -> vector<16xf32>
        %mul3A_256 = arith.constant 16 : i32
        %mul3A_257 = arith.muli %scan3A_127, %mul3A_256 : i32
        %add3A_258 = arith.constant 2 : i32
        %add3A_259 = arith.addi %mul3A_257, %add3A_258 : i32
        %get3A_260 = arith.index_cast %add3A_259 : i32 to index
        %get3A_261 = arith.constant 0 : index
        %get3A_262 = tpu.vector_load %arg11[%get3A_260, %get3A_261] {strides = array<i32>} : memref<128x64xf32, #tpu.memory_space<vmem>>, vector<1x16xf32>,
        %get3A_263 = vector.shape_cast %get3A_262 : vector<1x16xf32> to vector<16xf32>
        %mul3A_264 = arith.mulf %get3A_263, %gather3A_255 : vector<16xf32>
        %swap3A_265 = arith.index_cast %add3A_259 : i32 to index
        %swap3A_266 = arith.constant 0 : index
        %swap3A_267 = tpu.vector_load %arg11[%swap3A_265, %swap3A_266] {strides = array<i32>} : memref<128x64xf32, #tpu.memory_space<vmem>>, vector<1x16xf32>,
        %swap3A_268 = vector.shape_cast %swap3A_267 : vector<1x16xf32> to vector<16xf32>
        %swap3A_269 = vector.shape_cast %mul3A_264 : vector<16xf32> to vector<1x16xf32>
        tpu.vector_store %arg11[%swap3A_265, %swap3A_266], %swap3A_269 {strides = array<i32>} : memref<128x64xf32, #tpu.memory_space<vmem>>, vector<1x16xf32>,
        %get3A_270 = arith.index_cast %add3A_259 : i32 to index
        %get3A_271 = arith.constant 16 : index
        %get3A_272 = tpu.vector_load %arg11[%get3A_270, %get3A_271] {strides = array<i32>} : memref<128x64xf32, #tpu.memory_space<vmem>>, vector<1x16xf32>,
        %get3A_273 = vector.shape_cast %get3A_272 : vector<1x16xf32> to vector<16xf32>
        %mul3A_274 = arith.mulf %get3A_273, %gather3A_255 : vector<16xf32>
        %swap3A_275 = arith.index_cast %add3A_259 : i32 to index
        %swap3A_276 = arith.constant 16 : index
        %swap3A_277 = tpu.vector_load %arg11[%swap3A_275, %swap3A_276] {strides = array<i32>} : memref<128x64xf32, #tpu.memory_space<vmem>>, vector<1x16xf32>,
        %swap3A_278 = vector.shape_cast %swap3A_277 : vector<1x16xf32> to vector<16xf32>
        %swap3A_279 = vector.shape_cast %mul3A_274 : vector<16xf32> to vector<1x16xf32>
        tpu.vector_store %arg11[%swap3A_275, %swap3A_276], %swap3A_279 {strides = array<i32>} : memref<128x64xf32, #tpu.memory_space<vmem>>, vector<1x16xf32>,
        %get3A_280 = arith.index_cast %add3A_259 : i32 to index
        %get3A_281 = arith.constant 32 : index
        %get3A_282 = tpu.vector_load %arg11[%get3A_280, %get3A_281] {strides = array<i32>} : memref<128x64xf32, #tpu.memory_space<vmem>>, vector<1x16xf32>,
        %get3A_283 = vector.shape_cast %get3A_282 : vector<1x16xf32> to vector<16xf32>
        %mul3A_284 = arith.mulf %get3A_283, %gather3A_255 : vector<16xf32>
        %swap3A_285 = arith.index_cast %add3A_259 : i32 to index
        %swap3A_286 = arith.constant 32 : index
        %swap3A_287 = tpu.vector_load %arg11[%swap3A_285, %swap3A_286] {strides = array<i32>} : memref<128x64xf32, #tpu.memory_space<vmem>>, vector<1x16xf32>,
        %swap3A_288 = vector.shape_cast %swap3A_287 : vector<1x16xf32> to vector<16xf32>
        %swap3A_289 = vector.shape_cast %mul3A_284 : vector<16xf32> to vector<1x16xf32>
        tpu.vector_store %arg11[%swap3A_285, %swap3A_286], %swap3A_289 {strides = array<i32>} : memref<128x64xf32, #tpu.memory_space<vmem>>, vector<1x16xf32>,
        %get3A_290 = arith.index_cast %add3A_259 : i32 to index
        %get3A_291 = arith.constant 48 : index
        %get3A_292 = tpu.vector_load %arg11[%get3A_290, %get3A_291] {strides = array<i32>} : memref<128x64xf32, #tpu.memory_space<vmem>>, vector<1x16xf32>,
        %get3A_293 = vector.shape_cast %get3A_292 : vector<1x16xf32> to vector<16xf32>
        %mul3A_294 = arith.mulf %get3A_293, %gather3A_255 : vector<16xf32>
        %swap3A_295 = arith.index_cast %add3A_259 : i32 to index
        %swap3A_296 = arith.constant 48 : index
        %swap3A_297 = tpu.vector_load %arg11[%swap3A_295, %swap3A_296] {strides = array<i32>} : memref<128x64xf32, #tpu.memory_space<vmem>>, vector<1x16xf32>,
        %swap3A_298 = vector.shape_cast %swap3A_297 : vector<1x16xf32> to vector<16xf32>
        %swap3A_299 = vector.shape_cast %mul3A_294 : vector<16xf32> to vector<1x16xf32>
        tpu.vector_store %arg11[%swap3A_295, %swap3A_296], %swap3A_299 {strides = array<i32>} : memref<128x64xf32, #tpu.memory_space<vmem>>, vector<1x16xf32>,
        %broadcast_in_dim3A_300 = arith.constant 3 : i32
        %broadcast_in_dim3A_301 = vector.broadcast %broadcast_in_dim3A_300 : i32 to vector<16xi32>
        %lt3A_302 = arith.constant 0 : i32
        %lt3A_303 = vector.broadcast %lt3A_302 : i32 to vector<16xi32>
        %lt3A_304 = arith.cmpi slt, %broadcast_in_dim3A_301, %lt3A_303 : vector<16xi32>
        %add3A_305 = arith.constant 16 : i32
        %add3A_306 = vector.broadcast %add3A_305 : i32 to vector<16xi32>
        %add3A_307 = arith.addi %broadcast_in_dim3A_301, %add3A_306 : vector<16xi32>
        %select_n3A_308 = arith.select %lt3A_304, %add3A_307, %broadcast_in_dim3A_301 : vector<16xi1>, vector<16xi32>
        %broadcast_in_dim3A_309 = vector.shape_cast %select_n3A_308 : vector<16xi32> to vector<16x1xi32>
        %gather3A_310 = vector.shape_cast %broadcast_in_dim3A_309 : vector<16x1xi32> to vector<16xi32>
        %gather3A_311 = tpu.dynamic_gather %get3A_134[%gather3A_310] in [0] : vector<16xf32>, vector<16xi32> -> vector<16xf32>
        %mul3A_312 = arith.constant 16 : i32
        %mul3A_313 = arith.muli %scan3A_127, %mul3A_312 : i32
        %add3A_314 = arith.constant 3 : i32
        %add3A_315 = arith.addi %mul3A_313, %add3A_314 : i32
        %get3A_316 = arith.index_cast %add3A_315 : i32 to index
        %get3A_317 = arith.constant 0 : index
        %get3A_318 = tpu.vector_load %arg11[%get3A_316, %get3A_317] {strides = array<i32>} : memref<128x64xf32, #tpu.memory_space<vmem>>, vector<1x16xf32>,
        %get3A_319 = vector.shape_cast %get3A_318 : vector<1x16xf32> to vector<16xf32>
        %mul3A_320 = arith.mulf %get3A_319, %gather3A_311 : vector<16xf32>
        %swap3A_321 = arith.index_cast %add3A_315 : i32 to index
        %swap3A_322 = arith.constant 0 : index
        %swap3A_323 = tpu.vector_load %arg11[%swap3A_321, %swap3A_322] {strides = array<i32>} : memref<128x64xf32, #tpu.memory_space<vmem>>, vector<1x16xf32>,
        %swap3A_324 = vector.shape_cast %swap3A_323 : vector<1x16xf32> to vector<16xf32>
        %swap3A_325 = vector.shape_cast %mul3A_320 : vector<16xf32> to vector<1x16xf32>
        tpu.vector_store %arg11[%swap3A_321, %swap3A_322], %swap3A_325 {strides = array<i32>} : memref<128x64xf32, #tpu.memory_space<vmem>>, vector<1x16xf32>,
        %get3A_326 = arith.index_cast %add3A_315 : i32 to index
        %get3A_327 = arith.constant 16 : index
        %get3A_328 = tpu.vector_load %arg11[%get3A_326, %get3A_327] {strides = array<i32>} : memref<128x64xf32, #tpu.memory_space<vmem>>, vector<1x16xf32>,
        %get3A_329 = vector.shape_cast %get3A_328 : vector<1x16xf32> to vector<16xf32>
        %mul3A_330 = arith.mulf %get3A_329, %gather3A_311 : vector<16xf32>
        %swap3A_331 = arith.index_cast %add3A_315 : i32 to index
        %swap3A_332 = arith.constant 16 : index
        %swap3A_333 = tpu.vector_load %arg11[%swap3A_331, %swap3A_332] {strides = array<i32>} : memref<128x64xf32, #tpu.memory_space<vmem>>, vector<1x16xf32>,
        %swap3A_334 = vector.shape_cast %swap3A_333 : vector<1x16xf32> to vector<16xf32>
        %swap3A_335 = vector.shape_cast %mul3A_330 : vector<16xf32> to vector<1x16xf32>
        tpu.vector_store %arg11[%swap3A_331, %swap3A_332], %swap3A_335 {strides = array<i32>} : memref<128x64xf32, #tpu.memory_space<vmem>>, vector<1x16xf32>,
        %get3A_336 = arith.index_cast %add3A_315 : i32 to index
        %get3A_337 = arith.constant 32 : index
        %get3A_338 = tpu.vector_load %arg11[%get3A_336, %get3A_337] {strides = array<i32>} : memref<128x64xf32, #tpu.memory_space<vmem>>, vector<1x16xf32>,
        %get3A_339 = vector.shape_cast %get3A_338 : vector<1x16xf32> to vector<16xf32>
        %mul3A_340 = arith.mulf %get3A_339, %gather3A_311 : vector<16xf32>
        %swap3A_341 = arith.index_cast %add3A_315 : i32 to index
        %swap3A_342 = arith.constant 32 : index
        %swap3A_343 = tpu.vector_load %arg11[%swap3A_341, %swap3A_342] {strides = array<i32>} : memref<128x64xf32, #tpu.memory_space<vmem>>, vector<1x16xf32>,
        %swap3A_344 = vector.shape_cast %swap3A_343 : vector<1x16xf32> to vector<16xf32>
        %swap3A_345 = vector.shape_cast %mul3A_340 : vector<16xf32> to vector<1x16xf32>
        tpu.vector_store %arg11[%swap3A_341, %swap3A_342], %swap3A_345 {strides = array<i32>} : memref<128x64xf32, #tpu.memory_space<vmem>>, vector<1x16xf32>,
        %get3A_346 = arith.index_cast %add3A_315 : i32 to index
        %get3A_347 = arith.constant 48 : index
        %get3A_348 = tpu.vector_load %arg11[%get3A_346, %get3A_347] {strides = array<i32>} : memref<128x64xf32, #tpu.memory_space<vmem>>, vector<1x16xf32>,
        %get3A_349 = vector.shape_cast %get3A_348 : vector<1x16xf32> to vector<16xf32>
        %mul3A_350 = arith.mulf %get3A_349, %gather3A_311 : vector<16xf32>
        %swap3A_351 = arith.index_cast %add3A_315 : i32 to index
        %swap3A_352 = arith.constant 48 : index
        %swap3A_353 = tpu.vector_load %arg11[%swap3A_351, %swap3A_352] {strides = array<i32>} : memref<128x64xf32, #tpu.memory_space<vmem>>, vector<1x16xf32>,
        %swap3A_354 = vector.shape_cast %swap3A_353 : vector<1x16xf32> to vector<16xf32>
        %swap3A_355 = vector.shape_cast %mul3A_350 : vector<16xf32> to vector<1x16xf32>
        tpu.vector_store %arg11[%swap3A_351, %swap3A_352], %swap3A_355 {strides = array<i32>} : memref<128x64xf32, #tpu.memory_space<vmem>>, vector<1x16xf32>,
        %broadcast_in_dim3A_356 = arith.constant 4 : i32
        %broadcast_in_dim3A_357 = vector.broadcast %broadcast_in_dim3A_356 : i32 to vector<16xi32>
        %lt3A_358 = arith.constant 0 : i32
        %lt3A_359 = vector.broadcast %lt3A_358 : i32 to vector<16xi32>
        %lt3A_360 = arith.cmpi slt, %broadcast_in_dim3A_357, %lt3A_359 : vector<16xi32>
        %add3A_361 = arith.constant 16 : i32
        %add3A_362 = vector.broadcast %add3A_361 : i32 to vector<16xi32>
        %add3A_363 = arith.addi %broadcast_in_dim3A_357, %add3A_362 : vector<16xi32>
        %select_n3A_364 = arith.select %lt3A_360, %add3A_363, %broadcast_in_dim3A_357 : vector<16xi1>, vector<16xi32>
        %broadcast_in_dim3A_365 = vector.shape_cast %select_n3A_364 : vector<16xi32> to vector<16x1xi32>
        %gather3A_366 = vector.shape_cast %broadcast_in_dim3A_365 : vector<16x1xi32> to vector<16xi32>
        %gather3A_367 = tpu.dynamic_gather %get3A_134[%gather3A_366] in [0] : vector<16xf32>, vector<16xi32> -> vector<16xf32>
        %mul3A_368 = arith.constant 16 : i32
        %mul3A_369 = arith.muli %scan3A_127, %mul3A_368 : i32
        %add3A_370 = arith.constant 4 : i32
        %add3A_371 = arith.addi %mul3A_369, %add3A_370 : i32
        %get3A_372 = arith.index_cast %add3A_371 : i32 to index
        %get3A_373 = arith.constant 0 : index
        %get3A_374 = tpu.vector_load %arg11[%get3A_372, %get3A_373] {strides = array<i32>} : memref<128x64xf32, #tpu.memory_space<vmem>>, vector<1x16xf32>,
        %get3A_375 = vector.shape_cast %get3A_374 : vector<1x16xf32> to vector<16xf32>
        %mul3A_376 = arith.mulf %get3A_375, %gather3A_367 : vector<16xf32>
        %swap3A_377 = arith.index_cast %add3A_371 : i32 to index
        %swap3A_378 = arith.constant 0 : index
        %swap3A_379 = tpu.vector_load %arg11[%swap3A_377, %swap3A_378] {strides = array<i32>} : memref<128x64xf32, #tpu.memory_space<vmem>>, vector<1x16xf32>,
        %swap3A_380 = vector.shape_cast %swap3A_379 : vector<1x16xf32> to vector<16xf32>
        %swap3A_381 = vector.shape_cast %mul3A_376 : vector<16xf32> to vector<1x16xf32>
        tpu.vector_store %arg11[%swap3A_377, %swap3A_378], %swap3A_381 {strides = array<i32>} : memref<128x64xf32, #tpu.memory_space<vmem>>, vector<1x16xf32>,
        %get3A_382 = arith.index_cast %add3A_371 : i32 to index
        %get3A_383 = arith.constant 16 : index
        %get3A_384 = tpu.vector_load %arg11[%get3A_382, %get3A_383] {strides = array<i32>} : memref<128x64xf32, #tpu.memory_space<vmem>>, vector<1x16xf32>,
        %get3A_385 = vector.shape_cast %get3A_384 : vector<1x16xf32> to vector<16xf32>
        %mul3A_386 = arith.mulf %get3A_385, %gather3A_367 : vector<16xf32>
        %swap3A_387 = arith.index_cast %add3A_371 : i32 to index
        %swap3A_388 = arith.constant 16 : index
        %swap3A_389 = tpu.vector_load %arg11[%swap3A_387, %swap3A_388] {strides = array<i32>} : memref<128x64xf32, #tpu.memory_space<vmem>>, vector<1x16xf32>,
        %swap3A_390 = vector.shape_cast %swap3A_389 : vector<1x16xf32> to vector<16xf32>
        %swap3A_391 = vector.shape_cast %mul3A_386 : vector<16xf32> to vector<1x16xf32>
        tpu.vector_store %arg11[%swap3A_387, %swap3A_388], %swap3A_391 {strides = array<i32>} : memref<128x64xf32, #tpu.memory_space<vmem>>, vector<1x16xf32>,
        %get3A_392 = arith.index_cast %add3A_371 : i32 to index
        %get3A_393 = arith.constant 32 : index
        %get3A_394 = tpu.vector_load %arg11[%get3A_392, %get3A_393] {strides = array<i32>} : memref<128x64xf32, #tpu.memory_space<vmem>>, vector<1x16xf32>,
        %get3A_395 = vector.shape_cast %get3A_394 : vector<1x16xf32> to vector<16xf32>
        %mul3A_396 = arith.mulf %get3A_395, %gather3A_367 : vector<16xf32>
        %swap3A_397 = arith.index_cast %add3A_371 : i32 to index
        %swap3A_398 = arith.constant 32 : index
        %swap3A_399 = tpu.vector_load %arg11[%swap3A_397, %swap3A_398] {strides = array<i32>} : memref<128x64xf32, #tpu.memory_space<vmem>>, vector<1x16xf32>,
        %swap3A_400 = vector.shape_cast %swap3A_399 : vector<1x16xf32> to vector<16xf32>
        %swap3A_401 = vector.shape_cast %mul3A_396 : vector<16xf32> to vector<1x16xf32>
        tpu.vector_store %arg11[%swap3A_397, %swap3A_398], %swap3A_401 {strides = array<i32>} : memref<128x64xf32, #tpu.memory_space<vmem>>, vector<1x16xf32>,
        %get3A_402 = arith.index_cast %add3A_371 : i32 to index
        %get3A_403 = arith.constant 48 : index
        %get3A_404 = tpu.vector_load %arg11[%get3A_402, %get3A_403] {strides = array<i32>} : memref<128x64xf32, #tpu.memory_space<vmem>>, vector<1x16xf32>,
        %get3A_405 = vector.shape_cast %get3A_404 : vector<1x16xf32> to vector<16xf32>
        %mul3A_406 = arith.mulf %get3A_405, %gather3A_367 : vector<16xf32>
        %swap3A_407 = arith.index_cast %add3A_371 : i32 to index
        %swap3A_408 = arith.constant 48 : index
        %swap3A_409 = tpu.vector_load %arg11[%swap3A_407, %swap3A_408] {strides = array<i32>} : memref<128x64xf32, #tpu.memory_space<vmem>>, vector<1x16xf32>,
        %swap3A_410 = vector.shape_cast %swap3A_409 : vector<1x16xf32> to vector<16xf32>
        %swap3A_411 = vector.shape_cast %mul3A_406 : vector<16xf32> to vector<1x16xf32>
        tpu.vector_store %arg11[%swap3A_407, %swap3A_408], %swap3A_411 {strides = array<i32>} : memref<128x64xf32, #tpu.memory_space<vmem>>, vector<1x16xf32>,
        %broadcast_in_dim3A_412 = arith.constant 5 : i32
        %broadcast_in_dim3A_413 = vector.broadcast %broadcast_in_dim3A_412 : i32 to vector<16xi32>
        %lt3A_414 = arith.constant 0 : i32
        %lt3A_415 = vector.broadcast %lt3A_414 : i32 to vector<16xi32>
        %lt3A_416 = arith.cmpi slt, %broadcast_in_dim3A_413, %lt3A_415 : vector<16xi32>
        %add3A_417 = arith.constant 16 : i32
        %add3A_418 = vector.broadcast %add3A_417 : i32 to vector<16xi32>
        %add3A_419 = arith.addi %broadcast_in_dim3A_413, %add3A_418 : vector<16xi32>
        %select_n3A_420 = arith.select %lt3A_416, %add3A_419, %broadcast_in_dim3A_413 : vector<16xi1>, vector<16xi32>
        %broadcast_in_dim3A_421 = vector.shape_cast %select_n3A_420 : vector<16xi32> to vector<16x1xi32>
        %gather3A_422 = vector.shape_cast %broadcast_in_dim3A_421 : vector<16x1xi32> to vector<16xi32>
        %gather3A_423 = tpu.dynamic_gather %get3A_134[%gather3A_422] in [0] : vector<16xf32>, vector<16xi32> -> vector<16xf32>
        %mul3A_424 = arith.constant 16 : i32
        %mul3A_425 = arith.muli %scan3A_127, %mul3A_424 : i32
        %add3A_426 = arith.constant 5 : i32
        %add3A_427 = arith.addi %mul3A_425, %add3A_426 : i32
        %get3A_428 = arith.index_cast %add3A_427 : i32 to index
        %get3A_429 = arith.constant 0 : index
        %get3A_430 = tpu.vector_load %arg11[%get3A_428, %get3A_429] {strides = array<i32>} : memref<128x64xf32, #tpu.memory_space<vmem>>, vector<1x16xf32>,
        %get3A_431 = vector.shape_cast %get3A_430 : vector<1x16xf32> to vector<16xf32>
        %mul3A_432 = arith.mulf %get3A_431, %gather3A_423 : vector<16xf32>
        %swap3A_433 = arith.index_cast %add3A_427 : i32 to index
        %swap3A_434 = arith.constant 0 : index
        %swap3A_435 = tpu.vector_load %arg11[%swap3A_433, %swap3A_434] {strides = array<i32>} : memref<128x64xf32, #tpu.memory_space<vmem>>, vector<1x16xf32>,
        %swap3A_436 = vector.shape_cast %swap3A_435 : vector<1x16xf32> to vector<16xf32>
        %swap3A_437 = vector.shape_cast %mul3A_432 : vector<16xf32> to vector<1x16xf32>
        tpu.vector_store %arg11[%swap3A_433, %swap3A_434], %swap3A_437 {strides = array<i32>} : memref<128x64xf32, #tpu.memory_space<vmem>>, vector<1x16xf32>,
        %get3A_438 = arith.index_cast %add3A_427 : i32 to index
        %get3A_439 = arith.constant 16 : index
        %get3A_440 = tpu.vector_load %arg11[%get3A_438, %get3A_439] {strides = array<i32>} : memref<128x64xf32, #tpu.memory_space<vmem>>, vector<1x16xf32>,
        %get3A_441 = vector.shape_cast %get3A_440 : vector<1x16xf32> to vector<16xf32>
        %mul3A_442 = arith.mulf %get3A_441, %gather3A_423 : vector<16xf32>
        %swap3A_443 = arith.index_cast %add3A_427 : i32 to index
        %swap3A_444 = arith.constant 16 : index
        %swap3A_445 = tpu.vector_load %arg11[%swap3A_443, %swap3A_444] {strides = array<i32>} : memref<128x64xf32, #tpu.memory_space<vmem>>, vector<1x16xf32>,
        %swap3A_446 = vector.shape_cast %swap3A_445 : vector<1x16xf32> to vector<16xf32>
        %swap3A_447 = vector.shape_cast %mul3A_442 : vector<16xf32> to vector<1x16xf32>
        tpu.vector_store %arg11[%swap3A_443, %swap3A_444], %swap3A_447 {strides = array<i32>} : memref<128x64xf32, #tpu.memory_space<vmem>>, vector<1x16xf32>,
        %get3A_448 = arith.index_cast %add3A_427 : i32 to index
        %get3A_449 = arith.constant 32 : index
        %get3A_450 = tpu.vector_load %arg11[%get3A_448, %get3A_449] {strides = array<i32>} : memref<128x64xf32, #tpu.memory_space<vmem>>, vector<1x16xf32>,
        %get3A_451 = vector.shape_cast %get3A_450 : vector<1x16xf32> to vector<16xf32>
        %mul3A_452 = arith.mulf %get3A_451, %gather3A_423 : vector<16xf32>
        %swap3A_453 = arith.index_cast %add3A_427 : i32 to index
        %swap3A_454 = arith.constant 32 : index
        %swap3A_455 = tpu.vector_load %arg11[%swap3A_453, %swap3A_454] {strides = array<i32>} : memref<128x64xf32, #tpu.memory_space<vmem>>, vector<1x16xf32>,
        %swap3A_456 = vector.shape_cast %swap3A_455 : vector<1x16xf32> to vector<16xf32>
        %swap3A_457 = vector.shape_cast %mul3A_452 : vector<16xf32> to vector<1x16xf32>
        tpu.vector_store %arg11[%swap3A_453, %swap3A_454], %swap3A_457 {strides = array<i32>} : memref<128x64xf32, #tpu.memory_space<vmem>>, vector<1x16xf32>,
        %get3A_458 = arith.index_cast %add3A_427 : i32 to index
        %get3A_459 = arith.constant 48 : index
        %get3A_460 = tpu.vector_load %arg11[%get3A_458, %get3A_459] {strides = array<i32>} : memref<128x64xf32, #tpu.memory_space<vmem>>, vector<1x16xf32>,
        %get3A_461 = vector.shape_cast %get3A_460 : vector<1x16xf32> to vector<16xf32>
        %mul3A_462 = arith.mulf %get3A_461, %gather3A_423 : vector<16xf32>
        %swap3A_463 = arith.index_cast %add3A_427 : i32 to index
        %swap3A_464 = arith.constant 48 : index
        %swap3A_465 = tpu.vector_load %arg11[%swap3A_463, %swap3A_464] {strides = array<i32>} : memref<128x64xf32, #tpu.memory_space<vmem>>, vector<1x16xf32>,
        %swap3A_466 = vector.shape_cast %swap3A_465 : vector<1x16xf32> to vector<16xf32>
        %swap3A_467 = vector.shape_cast %mul3A_462 : vector<16xf32> to vector<1x16xf32>
        tpu.vector_store %arg11[%swap3A_463, %swap3A_464], %swap3A_467 {strides = array<i32>} : memref<128x64xf32, #tpu.memory_space<vmem>>, vector<1x16xf32>,
        %broadcast_in_dim3A_468 = arith.constant 6 : i32
        %broadcast_in_dim3A_469 = vector.broadcast %broadcast_in_dim3A_468 : i32 to vector<16xi32>
        %lt3A_470 = arith.constant 0 : i32
        %lt3A_471 = vector.broadcast %lt3A_470 : i32 to vector<16xi32>
        %lt3A_472 = arith.cmpi slt, %broadcast_in_dim3A_469, %lt3A_471 : vector<16xi32>
        %add3A_473 = arith.constant 16 : i32
        %add3A_474 = vector.broadcast %add3A_473 : i32 to vector<16xi32>
        %add3A_475 = arith.addi %broadcast_in_dim3A_469, %add3A_474 : vector<16xi32>
        %select_n3A_476 = arith.select %lt3A_472, %add3A_475, %broadcast_in_dim3A_469 : vector<16xi1>, vector<16xi32>
        %broadcast_in_dim3A_477 = vector.shape_cast %select_n3A_476 : vector<16xi32> to vector<16x1xi32>
        %gather3A_478 = vector.shape_cast %broadcast_in_dim3A_477 : vector<16x1xi32> to vector<16xi32>
        %gather3A_479 = tpu.dynamic_gather %get3A_134[%gather3A_478] in [0] : vector<16xf32>, vector<16xi32> -> vector<16xf32>
        %mul3A_480 = arith.constant 16 : i32
        %mul3A_481 = arith.muli %scan3A_127, %mul3A_480 : i32
        %add3A_482 = arith.constant 6 : i32
        %add3A_483 = arith.addi %mul3A_481, %add3A_482 : i32
        %get3A_484 = arith.index_cast %add3A_483 : i32 to index
        %get3A_485 = arith.constant 0 : index
        %get3A_486 = tpu.vector_load %arg11[%get3A_484, %get3A_485] {strides = array<i32>} : memref<128x64xf32, #tpu.memory_space<vmem>>, vector<1x16xf32>,
        %get3A_487 = vector.shape_cast %get3A_486 : vector<1x16xf32> to vector<16xf32>
        %mul3A_488 = arith.mulf %get3A_487, %gather3A_479 : vector<16xf32>
        %swap3A_489 = arith.index_cast %add3A_483 : i32 to index
        %swap3A_490 = arith.constant 0 : index
        %swap3A_491 = tpu.vector_load %arg11[%swap3A_489, %swap3A_490] {strides = array<i32>} : memref<128x64xf32, #tpu.memory_space<vmem>>, vector<1x16xf32>,
        %swap3A_492 = vector.shape_cast %swap3A_491 : vector<1x16xf32> to vector<16xf32>
        %swap3A_493 = vector.shape_cast %mul3A_488 : vector<16xf32> to vector<1x16xf32>
        tpu.vector_store %arg11[%swap3A_489, %swap3A_490], %swap3A_493 {strides = array<i32>} : memref<128x64xf32, #tpu.memory_space<vmem>>, vector<1x16xf32>,
        %get3A_494 = arith.index_cast %add3A_483 : i32 to index
        %get3A_495 = arith.constant 16 : index
        %get3A_496 = tpu.vector_load %arg11[%get3A_494, %get3A_495] {strides = array<i32>} : memref<128x64xf32, #tpu.memory_space<vmem>>, vector<1x16xf32>,
        %get3A_497 = vector.shape_cast %get3A_496 : vector<1x16xf32> to vector<16xf32>
        %mul3A_498 = arith.mulf %get3A_497, %gather3A_479 : vector<16xf32>
        %swap3A_499 = arith.index_cast %add3A_483 : i32 to index
        %swap3A_500 = arith.constant 16 : index
        %swap3A_501 = tpu.vector_load %arg11[%swap3A_499, %swap3A_500] {strides = array<i32>} : memref<128x64xf32, #tpu.memory_space<vmem>>, vector<1x16xf32>,
        %swap3A_502 = vector.shape_cast %swap3A_501 : vector<1x16xf32> to vector<16xf32>
        %swap3A_503 = vector.shape_cast %mul3A_498 : vector<16xf32> to vector<1x16xf32>
        tpu.vector_store %arg11[%swap3A_499, %swap3A_500], %swap3A_503 {strides = array<i32>} : memref<128x64xf32, #tpu.memory_space<vmem>>, vector<1x16xf32>,
        %get3A_504 = arith.index_cast %add3A_483 : i32 to index
        %get3A_505 = arith.constant 32 : index
        %get3A_506 = tpu.vector_load %arg11[%get3A_504, %get3A_505] {strides = array<i32>} : memref<128x64xf32, #tpu.memory_space<vmem>>, vector<1x16xf32>,
        %get3A_507 = vector.shape_cast %get3A_506 : vector<1x16xf32> to vector<16xf32>
        %mul3A_508 = arith.mulf %get3A_507, %gather3A_479 : vector<16xf32>
        %swap3A_509 = arith.index_cast %add3A_483 : i32 to index
        %swap3A_510 = arith.constant 32 : index
        %swap3A_511 = tpu.vector_load %arg11[%swap3A_509, %swap3A_510] {strides = array<i32>} : memref<128x64xf32, #tpu.memory_space<vmem>>, vector<1x16xf32>,
        %swap3A_512 = vector.shape_cast %swap3A_511 : vector<1x16xf32> to vector<16xf32>
        %swap3A_513 = vector.shape_cast %mul3A_508 : vector<16xf32> to vector<1x16xf32>
        tpu.vector_store %arg11[%swap3A_509, %swap3A_510], %swap3A_513 {strides = array<i32>} : memref<128x64xf32, #tpu.memory_space<vmem>>, vector<1x16xf32>,
        %get3A_514 = arith.index_cast %add3A_483 : i32 to index
        %get3A_515 = arith.constant 48 : index
        %get3A_516 = tpu.vector_load %arg11[%get3A_514, %get3A_515] {strides = array<i32>} : memref<128x64xf32, #tpu.memory_space<vmem>>, vector<1x16xf32>,
        %get3A_517 = vector.shape_cast %get3A_516 : vector<1x16xf32> to vector<16xf32>
        %mul3A_518 = arith.mulf %get3A_517, %gather3A_479 : vector<16xf32>
        %swap3A_519 = arith.index_cast %add3A_483 : i32 to index
        %swap3A_520 = arith.constant 48 : index
        %swap3A_521 = tpu.vector_load %arg11[%swap3A_519, %swap3A_520] {strides = array<i32>} : memref<128x64xf32, #tpu.memory_space<vmem>>, vector<1x16xf32>,
        %swap3A_522 = vector.shape_cast %swap3A_521 : vector<1x16xf32> to vector<16xf32>
        %swap3A_523 = vector.shape_cast %mul3A_518 : vector<16xf32> to vector<1x16xf32>
        tpu.vector_store %arg11[%swap3A_519, %swap3A_520], %swap3A_523 {strides = array<i32>} : memref<128x64xf32, #tpu.memory_space<vmem>>, vector<1x16xf32>,
        %broadcast_in_dim3A_524 = arith.constant 7 : i32
        %broadcast_in_dim3A_525 = vector.broadcast %broadcast_in_dim3A_524 : i32 to vector<16xi32>
        %lt3A_526 = arith.constant 0 : i32
        %lt3A_527 = vector.broadcast %lt3A_526 : i32 to vector<16xi32>
        %lt3A_528 = arith.cmpi slt, %broadcast_in_dim3A_525, %lt3A_527 : vector<16xi32>
        %add3A_529 = arith.constant 16 : i32
        %add3A_530 = vector.broadcast %add3A_529 : i32 to vector<16xi32>
        %add3A_531 = arith.addi %broadcast_in_dim3A_525, %add3A_530 : vector<16xi32>
        %select_n3A_532 = arith.select %lt3A_528, %add3A_531, %broadcast_in_dim3A_525 : vector<16xi1>, vector<16xi32>
        %broadcast_in_dim3A_533 = vector.shape_cast %select_n3A_532 : vector<16xi32> to vector<16x1xi32>
        %gather3A_534 = vector.shape_cast %broadcast_in_dim3A_533 : vector<16x1xi32> to vector<16xi32>
        %gather3A_535 = tpu.dynamic_gather %get3A_134[%gather3A_534] in [0] : vector<16xf32>, vector<16xi32> -> vector<16xf32>
        %mul3A_536 = arith.constant 16 : i32
        %mul3A_537 = arith.muli %scan3A_127, %mul3A_536 : i32
        %add3A_538 = arith.constant 7 : i32
        %add3A_539 = arith.addi %mul3A_537, %add3A_538 : i32
        %get3A_540 = arith.index_cast %add3A_539 : i32 to index
        %get3A_541 = arith.constant 0 : index
        %get3A_542 = tpu.vector_load %arg11[%get3A_540, %get3A_541] {strides = array<i32>} : memref<128x64xf32, #tpu.memory_space<vmem>>, vector<1x16xf32>,
        %get3A_543 = vector.shape_cast %get3A_542 : vector<1x16xf32> to vector<16xf32>
        %mul3A_544 = arith.mulf %get3A_543, %gather3A_535 : vector<16xf32>
        %swap3A_545 = arith.index_cast %add3A_539 : i32 to index
        %swap3A_546 = arith.constant 0 : index
        %swap3A_547 = tpu.vector_load %arg11[%swap3A_545, %swap3A_546] {strides = array<i32>} : memref<128x64xf32, #tpu.memory_space<vmem>>, vector<1x16xf32>,
        %swap3A_548 = vector.shape_cast %swap3A_547 : vector<1x16xf32> to vector<16xf32>
        %swap3A_549 = vector.shape_cast %mul3A_544 : vector<16xf32> to vector<1x16xf32>
        tpu.vector_store %arg11[%swap3A_545, %swap3A_546], %swap3A_549 {strides = array<i32>} : memref<128x64xf32, #tpu.memory_space<vmem>>, vector<1x16xf32>,
        %get3A_550 = arith.index_cast %add3A_539 : i32 to index
        %get3A_551 = arith.constant 16 : index
        %get3A_552 = tpu.vector_load %arg11[%get3A_550, %get3A_551] {strides = array<i32>} : memref<128x64xf32, #tpu.memory_space<vmem>>, vector<1x16xf32>,
        %get3A_553 = vector.shape_cast %get3A_552 : vector<1x16xf32> to vector<16xf32>
        %mul3A_554 = arith.mulf %get3A_553, %gather3A_535 : vector<16xf32>
        %swap3A_555 = arith.index_cast %add3A_539 : i32 to index
        %swap3A_556 = arith.constant 16 : index
        %swap3A_557 = tpu.vector_load %arg11[%swap3A_555, %swap3A_556] {strides = array<i32>} : memref<128x64xf32, #tpu.memory_space<vmem>>, vector<1x16xf32>,
        %swap3A_558 = vector.shape_cast %swap3A_557 : vector<1x16xf32> to vector<16xf32>
        %swap3A_559 = vector.shape_cast %mul3A_554 : vector<16xf32> to vector<1x16xf32>
        tpu.vector_store %arg11[%swap3A_555, %swap3A_556], %swap3A_559 {strides = array<i32>} : memref<128x64xf32, #tpu.memory_space<vmem>>, vector<1x16xf32>,
        %get3A_560 = arith.index_cast %add3A_539 : i32 to index
        %get3A_561 = arith.constant 32 : index
        %get3A_562 = tpu.vector_load %arg11[%get3A_560, %get3A_561] {strides = array<i32>} : memref<128x64xf32, #tpu.memory_space<vmem>>, vector<1x16xf32>,
        %get3A_563 = vector.shape_cast %get3A_562 : vector<1x16xf32> to vector<16xf32>
        %mul3A_564 = arith.mulf %get3A_563, %gather3A_535 : vector<16xf32>
        %swap3A_565 = arith.index_cast %add3A_539 : i32 to index
        %swap3A_566 = arith.constant 32 : index
        %swap3A_567 = tpu.vector_load %arg11[%swap3A_565, %swap3A_566] {strides = array<i32>} : memref<128x64xf32, #tpu.memory_space<vmem>>, vector<1x16xf32>,
        %swap3A_568 = vector.shape_cast %swap3A_567 : vector<1x16xf32> to vector<16xf32>
        %swap3A_569 = vector.shape_cast %mul3A_564 : vector<16xf32> to vector<1x16xf32>
        tpu.vector_store %arg11[%swap3A_565, %swap3A_566], %swap3A_569 {strides = array<i32>} : memref<128x64xf32, #tpu.memory_space<vmem>>, vector<1x16xf32>,
        %get3A_570 = arith.index_cast %add3A_539 : i32 to index
        %get3A_571 = arith.constant 48 : index
        %get3A_572 = tpu.vector_load %arg11[%get3A_570, %get3A_571] {strides = array<i32>} : memref<128x64xf32, #tpu.memory_space<vmem>>, vector<1x16xf32>,
        %get3A_573 = vector.shape_cast %get3A_572 : vector<1x16xf32> to vector<16xf32>
        %mul3A_574 = arith.mulf %get3A_573, %gather3A_535 : vector<16xf32>
        %swap3A_575 = arith.index_cast %add3A_539 : i32 to index
        %swap3A_576 = arith.constant 48 : index
        %swap3A_577 = tpu.vector_load %arg11[%swap3A_575, %swap3A_576] {strides = array<i32>} : memref<128x64xf32, #tpu.memory_space<vmem>>, vector<1x16xf32>,
        %swap3A_578 = vector.shape_cast %swap3A_577 : vector<1x16xf32> to vector<16xf32>
        %swap3A_579 = vector.shape_cast %mul3A_574 : vector<16xf32> to vector<1x16xf32>
        tpu.vector_store %arg11[%swap3A_575, %swap3A_576], %swap3A_579 {strides = array<i32>} : memref<128x64xf32, #tpu.memory_space<vmem>>, vector<1x16xf32>,
        %broadcast_in_dim3A_580 = arith.constant 8 : i32
        %broadcast_in_dim3A_581 = vector.broadcast %broadcast_in_dim3A_580 : i32 to vector<16xi32>
        %lt3A_582 = arith.constant 0 : i32
        %lt3A_583 = vector.broadcast %lt3A_582 : i32 to vector<16xi32>
        %lt3A_584 = arith.cmpi slt, %broadcast_in_dim3A_581, %lt3A_583 : vector<16xi32>
        %add3A_585 = arith.constant 16 : i32
        %add3A_586 = vector.broadcast %add3A_585 : i32 to vector<16xi32>
        %add3A_587 = arith.addi %broadcast_in_dim3A_581, %add3A_586 : vector<16xi32>
        %select_n3A_588 = arith.select %lt3A_584, %add3A_587, %broadcast_in_dim3A_581 : vector<16xi1>, vector<16xi32>
        %broadcast_in_dim3A_589 = vector.shape_cast %select_n3A_588 : vector<16xi32> to vector<16x1xi32>
        %gather3A_590 = vector.shape_cast %broadcast_in_dim3A_589 : vector<16x1xi32> to vector<16xi32>
        %gather3A_591 = tpu.dynamic_gather %get3A_134[%gather3A_590] in [0] : vector<16xf32>, vector<16xi32> -> vector<16xf32>
        %mul3A_592 = arith.constant 16 : i32
        %mul3A_593 = arith.muli %scan3A_127, %mul3A_592 : i32
        %add3A_594 = arith.constant 8 : i32
        %add3A_595 = arith.addi %mul3A_593, %add3A_594 : i32
        %get3A_596 = arith.index_cast %add3A_595 : i32 to index
        %get3A_597 = arith.constant 0 : index
        %get3A_598 = tpu.vector_load %arg11[%get3A_596, %get3A_597] {strides = array<i32>} : memref<128x64xf32, #tpu.memory_space<vmem>>, vector<1x16xf32>,
        %get3A_599 = vector.shape_cast %get3A_598 : vector<1x16xf32> to vector<16xf32>
        %mul3A_600 = arith.mulf %get3A_599, %gather3A_591 : vector<16xf32>
        %swap3A_601 = arith.index_cast %add3A_595 : i32 to index
        %swap3A_602 = arith.constant 0 : index
        %swap3A_603 = tpu.vector_load %arg11[%swap3A_601, %swap3A_602] {strides = array<i32>} : memref<128x64xf32, #tpu.memory_space<vmem>>, vector<1x16xf32>,
        %swap3A_604 = vector.shape_cast %swap3A_603 : vector<1x16xf32> to vector<16xf32>
        %swap3A_605 = vector.shape_cast %mul3A_600 : vector<16xf32> to vector<1x16xf32>
        tpu.vector_store %arg11[%swap3A_601, %swap3A_602], %swap3A_605 {strides = array<i32>} : memref<128x64xf32, #tpu.memory_space<vmem>>, vector<1x16xf32>,
        %get3A_606 = arith.index_cast %add3A_595 : i32 to index
        %get3A_607 = arith.constant 16 : index
        %get3A_608 = tpu.vector_load %arg11[%get3A_606, %get3A_607] {strides = array<i32>} : memref<128x64xf32, #tpu.memory_space<vmem>>, vector<1x16xf32>,
        %get3A_609 = vector.shape_cast %get3A_608 : vector<1x16xf32> to vector<16xf32>
        %mul3A_610 = arith.mulf %get3A_609, %gather3A_591 : vector<16xf32>
        %swap3A_611 = arith.index_cast %add3A_595 : i32 to index
        %swap3A_612 = arith.constant 16 : index
        %swap3A_613 = tpu.vector_load %arg11[%swap3A_611, %swap3A_612] {strides = array<i32>} : memref<128x64xf32, #tpu.memory_space<vmem>>, vector<1x16xf32>,
        %swap3A_614 = vector.shape_cast %swap3A_613 : vector<1x16xf32> to vector<16xf32>
        %swap3A_615 = vector.shape_cast %mul3A_610 : vector<16xf32> to vector<1x16xf32>
        tpu.vector_store %arg11[%swap3A_611, %swap3A_612], %swap3A_615 {strides = array<i32>} : memref<128x64xf32, #tpu.memory_space<vmem>>, vector<1x16xf32>,
        %get3A_616 = arith.index_cast %add3A_595 : i32 to index
        %get3A_617 = arith.constant 32 : index
        %get3A_618 = tpu.vector_load %arg11[%get3A_616, %get3A_617] {strides = array<i32>} : memref<128x64xf32, #tpu.memory_space<vmem>>, vector<1x16xf32>,
        %get3A_619 = vector.shape_cast %get3A_618 : vector<1x16xf32> to vector<16xf32>
        %mul3A_620 = arith.mulf %get3A_619, %gather3A_591 : vector<16xf32>
        %swap3A_621 = arith.index_cast %add3A_595 : i32 to index
        %swap3A_622 = arith.constant 32 : index
        %swap3A_623 = tpu.vector_load %arg11[%swap3A_621, %swap3A_622] {strides = array<i32>} : memref<128x64xf32, #tpu.memory_space<vmem>>, vector<1x16xf32>,
        %swap3A_624 = vector.shape_cast %swap3A_623 : vector<1x16xf32> to vector<16xf32>
        %swap3A_625 = vector.shape_cast %mul3A_620 : vector<16xf32> to vector<1x16xf32>
        tpu.vector_store %arg11[%swap3A_621, %swap3A_622], %swap3A_625 {strides = array<i32>} : memref<128x64xf32, #tpu.memory_space<vmem>>, vector<1x16xf32>,
        %get3A_626 = arith.index_cast %add3A_595 : i32 to index
        %get3A_627 = arith.constant 48 : index
        %get3A_628 = tpu.vector_load %arg11[%get3A_626, %get3A_627] {strides = array<i32>} : memref<128x64xf32, #tpu.memory_space<vmem>>, vector<1x16xf32>,
        %get3A_629 = vector.shape_cast %get3A_628 : vector<1x16xf32> to vector<16xf32>
        %mul3A_630 = arith.mulf %get3A_629, %gather3A_591 : vector<16xf32>
        %swap3A_631 = arith.index_cast %add3A_595 : i32 to index
        %swap3A_632 = arith.constant 48 : index
        %swap3A_633 = tpu.vector_load %arg11[%swap3A_631, %swap3A_632] {strides = array<i32>} : memref<128x64xf32, #tpu.memory_space<vmem>>, vector<1x16xf32>,
        %swap3A_634 = vector.shape_cast %swap3A_633 : vector<1x16xf32> to vector<16xf32>
        %swap3A_635 = vector.shape_cast %mul3A_630 : vector<16xf32> to vector<1x16xf32>
        tpu.vector_store %arg11[%swap3A_631, %swap3A_632], %swap3A_635 {strides = array<i32>} : memref<128x64xf32, #tpu.memory_space<vmem>>, vector<1x16xf32>,
        %broadcast_in_dim3A_636 = arith.constant 9 : i32
        %broadcast_in_dim3A_637 = vector.broadcast %broadcast_in_dim3A_636 : i32 to vector<16xi32>
        %lt3A_638 = arith.constant 0 : i32
        %lt3A_639 = vector.broadcast %lt3A_638 : i32 to vector<16xi32>
        %lt3A_640 = arith.cmpi slt, %broadcast_in_dim3A_637, %lt3A_639 : vector<16xi32>
        %add3A_641 = arith.constant 16 : i32
        %add3A_642 = vector.broadcast %add3A_641 : i32 to vector<16xi32>
        %add3A_643 = arith.addi %broadcast_in_dim3A_637, %add3A_642 : vector<16xi32>
        %select_n3A_644 = arith.select %lt3A_640, %add3A_643, %broadcast_in_dim3A_637 : vector<16xi1>, vector<16xi32>
        %broadcast_in_dim3A_645 = vector.shape_cast %select_n3A_644 : vector<16xi32> to vector<16x1xi32>
        %gather3A_646 = vector.shape_cast %broadcast_in_dim3A_645 : vector<16x1xi32> to vector<16xi32>
        %gather3A_647 = tpu.dynamic_gather %get3A_134[%gather3A_646] in [0] : vector<16xf32>, vector<16xi32> -> vector<16xf32>
        %mul3A_648 = arith.constant 16 : i32
        %mul3A_649 = arith.muli %scan3A_127, %mul3A_648 : i32
        %add3A_650 = arith.constant 9 : i32
        %add3A_651 = arith.addi %mul3A_649, %add3A_650 : i32
        %get3A_652 = arith.index_cast %add3A_651 : i32 to index
        %get3A_653 = arith.constant 0 : index
        %get3A_654 = tpu.vector_load %arg11[%get3A_652, %get3A_653] {strides = array<i32>} : memref<128x64xf32, #tpu.memory_space<vmem>>, vector<1x16xf32>,
        %get3A_655 = vector.shape_cast %get3A_654 : vector<1x16xf32> to vector<16xf32>
        %mul3A_656 = arith.mulf %get3A_655, %gather3A_647 : vector<16xf32>
        %swap3A_657 = arith.index_cast %add3A_651 : i32 to index
        %swap3A_658 = arith.constant 0 : index
        %swap3A_659 = tpu.vector_load %arg11[%swap3A_657, %swap3A_658] {strides = array<i32>} : memref<128x64xf32, #tpu.memory_space<vmem>>, vector<1x16xf32>,
        %swap3A_660 = vector.shape_cast %swap3A_659 : vector<1x16xf32> to vector<16xf32>
        %swap3A_661 = vector.shape_cast %mul3A_656 : vector<16xf32> to vector<1x16xf32>
        tpu.vector_store %arg11[%swap3A_657, %swap3A_658], %swap3A_661 {strides = array<i32>} : memref<128x64xf32, #tpu.memory_space<vmem>>, vector<1x16xf32>,
        %get3A_662 = arith.index_cast %add3A_651 : i32 to index
        %get3A_663 = arith.constant 16 : index
        %get3A_664 = tpu.vector_load %arg11[%get3A_662, %get3A_663] {strides = array<i32>} : memref<128x64xf32, #tpu.memory_space<vmem>>, vector<1x16xf32>,
        %get3A_665 = vector.shape_cast %get3A_664 : vector<1x16xf32> to vector<16xf32>
        %mul3A_666 = arith.mulf %get3A_665, %gather3A_647 : vector<16xf32>
        %swap3A_667 = arith.index_cast %add3A_651 : i32 to index
        %swap3A_668 = arith.constant 16 : index
        %swap3A_669 = tpu.vector_load %arg11[%swap3A_667, %swap3A_668] {strides = array<i32>} : memref<128x64xf32, #tpu.memory_space<vmem>>, vector<1x16xf32>,
        %swap3A_670 = vector.shape_cast %swap3A_669 : vector<1x16xf32> to vector<16xf32>
        %swap3A_671 = vector.shape_cast %mul3A_666 : vector<16xf32> to vector<1x16xf32>
        tpu.vector_store %arg11[%swap3A_667, %swap3A_668], %swap3A_671 {strides = array<i32>} : memref<128x64xf32, #tpu.memory_space<vmem>>, vector<1x16xf32>,
        %get3A_672 = arith.index_cast %add3A_651 : i32 to index
        %get3A_673 = arith.constant 32 : index
        %get3A_674 = tpu.vector_load %arg11[%get3A_672, %get3A_673] {strides = array<i32>} : memref<128x64xf32, #tpu.memory_space<vmem>>, vector<1x16xf32>,
        %get3A_675 = vector.shape_cast %get3A_674 : vector<1x16xf32> to vector<16xf32>
        %mul3A_676 = arith.mulf %get3A_675, %gather3A_647 : vector<16xf32>
        %swap3A_677 = arith.index_cast %add3A_651 : i32 to index
        %swap3A_678 = arith.constant 32 : index
        %swap3A_679 = tpu.vector_load %arg11[%swap3A_677, %swap3A_678] {strides = array<i32>} : memref<128x64xf32, #tpu.memory_space<vmem>>, vector<1x16xf32>,
        %swap3A_680 = vector.shape_cast %swap3A_679 : vector<1x16xf32> to vector<16xf32>
        %swap3A_681 = vector.shape_cast %mul3A_676 : vector<16xf32> to vector<1x16xf32>
        tpu.vector_store %arg11[%swap3A_677, %swap3A_678], %swap3A_681 {strides = array<i32>} : memref<128x64xf32, #tpu.memory_space<vmem>>, vector<1x16xf32>,
        %get3A_682 = arith.index_cast %add3A_651 : i32 to index
        %get3A_683 = arith.constant 48 : index
        %get3A_684 = tpu.vector_load %arg11[%get3A_682, %get3A_683] {strides = array<i32>} : memref<128x64xf32, #tpu.memory_space<vmem>>, vector<1x16xf32>,
        %get3A_685 = vector.shape_cast %get3A_684 : vector<1x16xf32> to vector<16xf32>
        %mul3A_686 = arith.mulf %get3A_685, %gather3A_647 : vector<16xf32>
        %swap3A_687 = arith.index_cast %add3A_651 : i32 to index
        %swap3A_688 = arith.constant 48 : index
        %swap3A_689 = tpu.vector_load %arg11[%swap3A_687, %swap3A_688] {strides = array<i32>} : memref<128x64xf32, #tpu.memory_space<vmem>>, vector<1x16xf32>,
        %swap3A_690 = vector.shape_cast %swap3A_689 : vector<1x16xf32> to vector<16xf32>
        %swap3A_691 = vector.shape_cast %mul3A_686 : vector<16xf32> to vector<1x16xf32>
        tpu.vector_store %arg11[%swap3A_687, %swap3A_688], %swap3A_691 {strides = array<i32>} : memref<128x64xf32, #tpu.memory_space<vmem>>, vector<1x16xf32>,
        %broadcast_in_dim3A_692 = arith.constant 10 : i32
        %broadcast_in_dim3A_693 = vector.broadcast %broadcast_in_dim3A_692 : i32 to vector<16xi32>
        %lt3A_694 = arith.constant 0 : i32
        %lt3A_695 = vector.broadcast %lt3A_694 : i32 to vector<16xi32>
        %lt3A_696 = arith.cmpi slt, %broadcast_in_dim3A_693, %lt3A_695 : vector<16xi32>
        %add3A_697 = arith.constant 16 : i32
        %add3A_698 = vector.broadcast %add3A_697 : i32 to vector<16xi32>
        %add3A_699 = arith.addi %broadcast_in_dim3A_693, %add3A_698 : vector<16xi32>
        %select_n3A_700 = arith.select %lt3A_696, %add3A_699, %broadcast_in_dim3A_693 : vector<16xi1>, vector<16xi32>
        %broadcast_in_dim3A_701 = vector.shape_cast %select_n3A_700 : vector<16xi32> to vector<16x1xi32>
        %gather3A_702 = vector.shape_cast %broadcast_in_dim3A_701 : vector<16x1xi32> to vector<16xi32>
        %gather3A_703 = tpu.dynamic_gather %get3A_134[%gather3A_702] in [0] : vector<16xf32>, vector<16xi32> -> vector<16xf32>
        %mul3A_704 = arith.constant 16 : i32
        %mul3A_705 = arith.muli %scan3A_127, %mul3A_704 : i32
        %add3A_706 = arith.constant 10 : i32
        %add3A_707 = arith.addi %mul3A_705, %add3A_706 : i32
        %get3A_708 = arith.index_cast %add3A_707 : i32 to index
        %get3A_709 = arith.constant 0 : index
        %get3A_710 = tpu.vector_load %arg11[%get3A_708, %get3A_709] {strides = array<i32>} : memref<128x64xf32, #tpu.memory_space<vmem>>, vector<1x16xf32>,
        %get3A_711 = vector.shape_cast %get3A_710 : vector<1x16xf32> to vector<16xf32>
        %mul3A_712 = arith.mulf %get3A_711, %gather3A_703 : vector<16xf32>
        %swap3A_713 = arith.index_cast %add3A_707 : i32 to index
        %swap3A_714 = arith.constant 0 : index
        %swap3A_715 = tpu.vector_load %arg11[%swap3A_713, %swap3A_714] {strides = array<i32>} : memref<128x64xf32, #tpu.memory_space<vmem>>, vector<1x16xf32>,
        %swap3A_716 = vector.shape_cast %swap3A_715 : vector<1x16xf32> to vector<16xf32>
        %swap3A_717 = vector.shape_cast %mul3A_712 : vector<16xf32> to vector<1x16xf32>
        tpu.vector_store %arg11[%swap3A_713, %swap3A_714], %swap3A_717 {strides = array<i32>} : memref<128x64xf32, #tpu.memory_space<vmem>>, vector<1x16xf32>,
        %get3A_718 = arith.index_cast %add3A_707 : i32 to index
        %get3A_719 = arith.constant 16 : index
        %get3A_720 = tpu.vector_load %arg11[%get3A_718, %get3A_719] {strides = array<i32>} : memref<128x64xf32, #tpu.memory_space<vmem>>, vector<1x16xf32>,
        %get3A_721 = vector.shape_cast %get3A_720 : vector<1x16xf32> to vector<16xf32>
        %mul3A_722 = arith.mulf %get3A_721, %gather3A_703 : vector<16xf32>
        %swap3A_723 = arith.index_cast %add3A_707 : i32 to index
        %swap3A_724 = arith.constant 16 : index
        %swap3A_725 = tpu.vector_load %arg11[%swap3A_723, %swap3A_724] {strides = array<i32>} : memref<128x64xf32, #tpu.memory_space<vmem>>, vector<1x16xf32>,
        %swap3A_726 = vector.shape_cast %swap3A_725 : vector<1x16xf32> to vector<16xf32>
        %swap3A_727 = vector.shape_cast %mul3A_722 : vector<16xf32> to vector<1x16xf32>
        tpu.vector_store %arg11[%swap3A_723, %swap3A_724], %swap3A_727 {strides = array<i32>} : memref<128x64xf32, #tpu.memory_space<vmem>>, vector<1x16xf32>,
        %get3A_728 = arith.index_cast %add3A_707 : i32 to index
        %get3A_729 = arith.constant 32 : index
        %get3A_730 = tpu.vector_load %arg11[%get3A_728, %get3A_729] {strides = array<i32>} : memref<128x64xf32, #tpu.memory_space<vmem>>, vector<1x16xf32>,
        %get3A_731 = vector.shape_cast %get3A_730 : vector<1x16xf32> to vector<16xf32>
        %mul3A_732 = arith.mulf %get3A_731, %gather3A_703 : vector<16xf32>
        %swap3A_733 = arith.index_cast %add3A_707 : i32 to index
        %swap3A_734 = arith.constant 32 : index
        %swap3A_735 = tpu.vector_load %arg11[%swap3A_733, %swap3A_734] {strides = array<i32>} : memref<128x64xf32, #tpu.memory_space<vmem>>, vector<1x16xf32>,
        %swap3A_736 = vector.shape_cast %swap3A_735 : vector<1x16xf32> to vector<16xf32>
        %swap3A_737 = vector.shape_cast %mul3A_732 : vector<16xf32> to vector<1x16xf32>
        tpu.vector_store %arg11[%swap3A_733, %swap3A_734], %swap3A_737 {strides = array<i32>} : memref<128x64xf32, #tpu.memory_space<vmem>>, vector<1x16xf32>,
        %get3A_738 = arith.index_cast %add3A_707 : i32 to index
        %get3A_739 = arith.constant 48 : index
        %get3A_740 = tpu.vector_load %arg11[%get3A_738, %get3A_739] {strides = array<i32>} : memref<128x64xf32, #tpu.memory_space<vmem>>, vector<1x16xf32>,
        %get3A_741 = vector.shape_cast %get3A_740 : vector<1x16xf32> to vector<16xf32>
        %mul3A_742 = arith.mulf %get3A_741, %gather3A_703 : vector<16xf32>
        %swap3A_743 = arith.index_cast %add3A_707 : i32 to index
        %swap3A_744 = arith.constant 48 : index
        %swap3A_745 = tpu.vector_load %arg11[%swap3A_743, %swap3A_744] {strides = array<i32>} : memref<128x64xf32, #tpu.memory_space<vmem>>, vector<1x16xf32>,
        %swap3A_746 = vector.shape_cast %swap3A_745 : vector<1x16xf32> to vector<16xf32>
        %swap3A_747 = vector.shape_cast %mul3A_742 : vector<16xf32> to vector<1x16xf32>
        tpu.vector_store %arg11[%swap3A_743, %swap3A_744], %swap3A_747 {strides = array<i32>} : memref<128x64xf32, #tpu.memory_space<vmem>>, vector<1x16xf32>,
        %broadcast_in_dim3A_748 = arith.constant 11 : i32
        %broadcast_in_dim3A_749 = vector.broadcast %broadcast_in_dim3A_748 : i32 to vector<16xi32>
        %lt3A_750 = arith.constant 0 : i32
        %lt3A_751 = vector.broadcast %lt3A_750 : i32 to vector<16xi32>
        %lt3A_752 = arith.cmpi slt, %broadcast_in_dim3A_749, %lt3A_751 : vector<16xi32>
        %add3A_753 = arith.constant 16 : i32
        %add3A_754 = vector.broadcast %add3A_753 : i32 to vector<16xi32>
        %add3A_755 = arith.addi %broadcast_in_dim3A_749, %add3A_754 : vector<16xi32>
        %select_n3A_756 = arith.select %lt3A_752, %add3A_755, %broadcast_in_dim3A_749 : vector<16xi1>, vector<16xi32>
        %broadcast_in_dim3A_757 = vector.shape_cast %select_n3A_756 : vector<16xi32> to vector<16x1xi32>
        %gather3A_758 = vector.shape_cast %broadcast_in_dim3A_757 : vector<16x1xi32> to vector<16xi32>
        %gather3A_759 = tpu.dynamic_gather %get3A_134[%gather3A_758] in [0] : vector<16xf32>, vector<16xi32> -> vector<16xf32>
        %mul3A_760 = arith.constant 16 : i32
        %mul3A_761 = arith.muli %scan3A_127, %mul3A_760 : i32
        %add3A_762 = arith.constant 11 : i32
        %add3A_763 = arith.addi %mul3A_761, %add3A_762 : i32
        %get3A_764 = arith.index_cast %add3A_763 : i32 to index
        %get3A_765 = arith.constant 0 : index
        %get3A_766 = tpu.vector_load %arg11[%get3A_764, %get3A_765] {strides = array<i32>} : memref<128x64xf32, #tpu.memory_space<vmem>>, vector<1x16xf32>,
        %get3A_767 = vector.shape_cast %get3A_766 : vector<1x16xf32> to vector<16xf32>
        %mul3A_768 = arith.mulf %get3A_767, %gather3A_759 : vector<16xf32>
        %swap3A_769 = arith.index_cast %add3A_763 : i32 to index
        %swap3A_770 = arith.constant 0 : index
        %swap3A_771 = tpu.vector_load %arg11[%swap3A_769, %swap3A_770] {strides = array<i32>} : memref<128x64xf32, #tpu.memory_space<vmem>>, vector<1x16xf32>,
        %swap3A_772 = vector.shape_cast %swap3A_771 : vector<1x16xf32> to vector<16xf32>
        %swap3A_773 = vector.shape_cast %mul3A_768 : vector<16xf32> to vector<1x16xf32>
        tpu.vector_store %arg11[%swap3A_769, %swap3A_770], %swap3A_773 {strides = array<i32>} : memref<128x64xf32, #tpu.memory_space<vmem>>, vector<1x16xf32>,
        %get3A_774 = arith.index_cast %add3A_763 : i32 to index
        %get3A_775 = arith.constant 16 : index
        %get3A_776 = tpu.vector_load %arg11[%get3A_774, %get3A_775] {strides = array<i32>} : memref<128x64xf32, #tpu.memory_space<vmem>>, vector<1x16xf32>,
        %get3A_777 = vector.shape_cast %get3A_776 : vector<1x16xf32> to vector<16xf32>
        %mul3A_778 = arith.mulf %get3A_777, %gather3A_759 : vector<16xf32>
        %swap3A_779 = arith.index_cast %add3A_763 : i32 to index
        %swap3A_780 = arith.constant 16 : index
        %swap3A_781 = tpu.vector_load %arg11[%swap3A_779, %swap3A_780] {strides = array<i32>} : memref<128x64xf32, #tpu.memory_space<vmem>>, vector<1x16xf32>,
        %swap3A_782 = vector.shape_cast %swap3A_781 : vector<1x16xf32> to vector<16xf32>
        %swap3A_783 = vector.shape_cast %mul3A_778 : vector<16xf32> to vector<1x16xf32>
        tpu.vector_store %arg11[%swap3A_779, %swap3A_780], %swap3A_783 {strides = array<i32>} : memref<128x64xf32, #tpu.memory_space<vmem>>, vector<1x16xf32>,
        %get3A_784 = arith.index_cast %add3A_763 : i32 to index
        %get3A_785 = arith.constant 32 : index
        %get3A_786 = tpu.vector_load %arg11[%get3A_784, %get3A_785] {strides = array<i32>} : memref<128x64xf32, #tpu.memory_space<vmem>>, vector<1x16xf32>,
        %get3A_787 = vector.shape_cast %get3A_786 : vector<1x16xf32> to vector<16xf32>
        %mul3A_788 = arith.mulf %get3A_787, %gather3A_759 : vector<16xf32>
        %swap3A_789 = arith.index_cast %add3A_763 : i32 to index
        %swap3A_790 = arith.constant 32 : index
        %swap3A_791 = tpu.vector_load %arg11[%swap3A_789, %swap3A_790] {strides = array<i32>} : memref<128x64xf32, #tpu.memory_space<vmem>>, vector<1x16xf32>,
        %swap3A_792 = vector.shape_cast %swap3A_791 : vector<1x16xf32> to vector<16xf32>
        %swap3A_793 = vector.shape_cast %mul3A_788 : vector<16xf32> to vector<1x16xf32>
        tpu.vector_store %arg11[%swap3A_789, %swap3A_790], %swap3A_793 {strides = array<i32>} : memref<128x64xf32, #tpu.memory_space<vmem>>, vector<1x16xf32>,
        %get3A_794 = arith.index_cast %add3A_763 : i32 to index
        %get3A_795 = arith.constant 48 : index
        %get3A_796 = tpu.vector_load %arg11[%get3A_794, %get3A_795] {strides = array<i32>} : memref<128x64xf32, #tpu.memory_space<vmem>>, vector<1x16xf32>,
        %get3A_797 = vector.shape_cast %get3A_796 : vector<1x16xf32> to vector<16xf32>
        %mul3A_798 = arith.mulf %get3A_797, %gather3A_759 : vector<16xf32>
        %swap3A_799 = arith.index_cast %add3A_763 : i32 to index
        %swap3A_800 = arith.constant 48 : index
        %swap3A_801 = tpu.vector_load %arg11[%swap3A_799, %swap3A_800] {strides = array<i32>} : memref<128x64xf32, #tpu.memory_space<vmem>>, vector<1x16xf32>,
        %swap3A_802 = vector.shape_cast %swap3A_801 : vector<1x16xf32> to vector<16xf32>
        %swap3A_803 = vector.shape_cast %mul3A_798 : vector<16xf32> to vector<1x16xf32>
        tpu.vector_store %arg11[%swap3A_799, %swap3A_800], %swap3A_803 {strides = array<i32>} : memref<128x64xf32, #tpu.memory_space<vmem>>, vector<1x16xf32>,
        %broadcast_in_dim3A_804 = arith.constant 12 : i32
        %broadcast_in_dim3A_805 = vector.broadcast %broadcast_in_dim3A_804 : i32 to vector<16xi32>
        %lt3A_806 = arith.constant 0 : i32
        %lt3A_807 = vector.broadcast %lt3A_806 : i32 to vector<16xi32>
        %lt3A_808 = arith.cmpi slt, %broadcast_in_dim3A_805, %lt3A_807 : vector<16xi32>
        %add3A_809 = arith.constant 16 : i32
        %add3A_810 = vector.broadcast %add3A_809 : i32 to vector<16xi32>
        %add3A_811 = arith.addi %broadcast_in_dim3A_805, %add3A_810 : vector<16xi32>
        %select_n3A_812 = arith.select %lt3A_808, %add3A_811, %broadcast_in_dim3A_805 : vector<16xi1>, vector<16xi32>
        %broadcast_in_dim3A_813 = vector.shape_cast %select_n3A_812 : vector<16xi32> to vector<16x1xi32>
        %gather3A_814 = vector.shape_cast %broadcast_in_dim3A_813 : vector<16x1xi32> to vector<16xi32>
        %gather3A_815 = tpu.dynamic_gather %get3A_134[%gather3A_814] in [0] : vector<16xf32>, vector<16xi32> -> vector<16xf32>
        %mul3A_816 = arith.constant 16 : i32
        %mul3A_817 = arith.muli %scan3A_127, %mul3A_816 : i32
        %add3A_818 = arith.constant 12 : i32
        %add3A_819 = arith.addi %mul3A_817, %add3A_818 : i32
        %get3A_820 = arith.index_cast %add3A_819 : i32 to index
        %get3A_821 = arith.constant 0 : index
        %get3A_822 = tpu.vector_load %arg11[%get3A_820, %get3A_821] {strides = array<i32>} : memref<128x64xf32, #tpu.memory_space<vmem>>, vector<1x16xf32>,
        %get3A_823 = vector.shape_cast %get3A_822 : vector<1x16xf32> to vector<16xf32>
        %mul3A_824 = arith.mulf %get3A_823, %gather3A_815 : vector<16xf32>
        %swap3A_825 = arith.index_cast %add3A_819 : i32 to index
        %swap3A_826 = arith.constant 0 : index
        %swap3A_827 = tpu.vector_load %arg11[%swap3A_825, %swap3A_826] {strides = array<i32>} : memref<128x64xf32, #tpu.memory_space<vmem>>, vector<1x16xf32>,
        %swap3A_828 = vector.shape_cast %swap3A_827 : vector<1x16xf32> to vector<16xf32>
        %swap3A_829 = vector.shape_cast %mul3A_824 : vector<16xf32> to vector<1x16xf32>
        tpu.vector_store %arg11[%swap3A_825, %swap3A_826], %swap3A_829 {strides = array<i32>} : memref<128x64xf32, #tpu.memory_space<vmem>>, vector<1x16xf32>,
        %get3A_830 = arith.index_cast %add3A_819 : i32 to index
        %get3A_831 = arith.constant 16 : index
        %get3A_832 = tpu.vector_load %arg11[%get3A_830, %get3A_831] {strides = array<i32>} : memref<128x64xf32, #tpu.memory_space<vmem>>, vector<1x16xf32>,
        %get3A_833 = vector.shape_cast %get3A_832 : vector<1x16xf32> to vector<16xf32>
        %mul3A_834 = arith.mulf %get3A_833, %gather3A_815 : vector<16xf32>
        %swap3A_835 = arith.index_cast %add3A_819 : i32 to index
        %swap3A_836 = arith.constant 16 : index
        %swap3A_837 = tpu.vector_load %arg11[%swap3A_835, %swap3A_836] {strides = array<i32>} : memref<128x64xf32, #tpu.memory_space<vmem>>, vector<1x16xf32>,
        %swap3A_838 = vector.shape_cast %swap3A_837 : vector<1x16xf32> to vector<16xf32>
        %swap3A_839 = vector.shape_cast %mul3A_834 : vector<16xf32> to vector<1x16xf32>
        tpu.vector_store %arg11[%swap3A_835, %swap3A_836], %swap3A_839 {strides = array<i32>} : memref<128x64xf32, #tpu.memory_space<vmem>>, vector<1x16xf32>,
        %get3A_840 = arith.index_cast %add3A_819 : i32 to index
        %get3A_841 = arith.constant 32 : index
        %get3A_842 = tpu.vector_load %arg11[%get3A_840, %get3A_841] {strides = array<i32>} : memref<128x64xf32, #tpu.memory_space<vmem>>, vector<1x16xf32>,
        %get3A_843 = vector.shape_cast %get3A_842 : vector<1x16xf32> to vector<16xf32>
        %mul3A_844 = arith.mulf %get3A_843, %gather3A_815 : vector<16xf32>
        %swap3A_845 = arith.index_cast %add3A_819 : i32 to index
        %swap3A_846 = arith.constant 32 : index
        %swap3A_847 = tpu.vector_load %arg11[%swap3A_845, %swap3A_846] {strides = array<i32>} : memref<128x64xf32, #tpu.memory_space<vmem>>, vector<1x16xf32>,
        %swap3A_848 = vector.shape_cast %swap3A_847 : vector<1x16xf32> to vector<16xf32>
        %swap3A_849 = vector.shape_cast %mul3A_844 : vector<16xf32> to vector<1x16xf32>
        tpu.vector_store %arg11[%swap3A_845, %swap3A_846], %swap3A_849 {strides = array<i32>} : memref<128x64xf32, #tpu.memory_space<vmem>>, vector<1x16xf32>,
        %get3A_850 = arith.index_cast %add3A_819 : i32 to index
        %get3A_851 = arith.constant 48 : index
        %get3A_852 = tpu.vector_load %arg11[%get3A_850, %get3A_851] {strides = array<i32>} : memref<128x64xf32, #tpu.memory_space<vmem>>, vector<1x16xf32>,
        %get3A_853 = vector.shape_cast %get3A_852 : vector<1x16xf32> to vector<16xf32>
        %mul3A_854 = arith.mulf %get3A_853, %gather3A_815 : vector<16xf32>
        %swap3A_855 = arith.index_cast %add3A_819 : i32 to index
        %swap3A_856 = arith.constant 48 : index
        %swap3A_857 = tpu.vector_load %arg11[%swap3A_855, %swap3A_856] {strides = array<i32>} : memref<128x64xf32, #tpu.memory_space<vmem>>, vector<1x16xf32>,
        %swap3A_858 = vector.shape_cast %swap3A_857 : vector<1x16xf32> to vector<16xf32>
        %swap3A_859 = vector.shape_cast %mul3A_854 : vector<16xf32> to vector<1x16xf32>
        tpu.vector_store %arg11[%swap3A_855, %swap3A_856], %swap3A_859 {strides = array<i32>} : memref<128x64xf32, #tpu.memory_space<vmem>>, vector<1x16xf32>,
        %broadcast_in_dim3A_860 = arith.constant 13 : i32
        %broadcast_in_dim3A_861 = vector.broadcast %broadcast_in_dim3A_860 : i32 to vector<16xi32>
        %lt3A_862 = arith.constant 0 : i32
        %lt3A_863 = vector.broadcast %lt3A_862 : i32 to vector<16xi32>
        %lt3A_864 = arith.cmpi slt, %broadcast_in_dim3A_861, %lt3A_863 : vector<16xi32>
        %add3A_865 = arith.constant 16 : i32
        %add3A_866 = vector.broadcast %add3A_865 : i32 to vector<16xi32>
        %add3A_867 = arith.addi %broadcast_in_dim3A_861, %add3A_866 : vector<16xi32>
        %select_n3A_868 = arith.select %lt3A_864, %add3A_867, %broadcast_in_dim3A_861 : vector<16xi1>, vector<16xi32>
        %broadcast_in_dim3A_869 = vector.shape_cast %select_n3A_868 : vector<16xi32> to vector<16x1xi32>
        %gather3A_870 = vector.shape_cast %broadcast_in_dim3A_869 : vector<16x1xi32> to vector<16xi32>
        %gather3A_871 = tpu.dynamic_gather %get3A_134[%gather3A_870] in [0] : vector<16xf32>, vector<16xi32> -> vector<16xf32>
        %mul3A_872 = arith.constant 16 : i32
        %mul3A_873 = arith.muli %scan3A_127, %mul3A_872 : i32
        %add3A_874 = arith.constant 13 : i32
        %add3A_875 = arith.addi %mul3A_873, %add3A_874 : i32
        %get3A_876 = arith.index_cast %add3A_875 : i32 to index
        %get3A_877 = arith.constant 0 : index
        %get3A_878 = tpu.vector_load %arg11[%get3A_876, %get3A_877] {strides = array<i32>} : memref<128x64xf32, #tpu.memory_space<vmem>>, vector<1x16xf32>,
        %get3A_879 = vector.shape_cast %get3A_878 : vector<1x16xf32> to vector<16xf32>
        %mul3A_880 = arith.mulf %get3A_879, %gather3A_871 : vector<16xf32>
        %swap3A_881 = arith.index_cast %add3A_875 : i32 to index
        %swap3A_882 = arith.constant 0 : index
        %swap3A_883 = tpu.vector_load %arg11[%swap3A_881, %swap3A_882] {strides = array<i32>} : memref<128x64xf32, #tpu.memory_space<vmem>>, vector<1x16xf32>,
        %swap3A_884 = vector.shape_cast %swap3A_883 : vector<1x16xf32> to vector<16xf32>
        %swap3A_885 = vector.shape_cast %mul3A_880 : vector<16xf32> to vector<1x16xf32>
        tpu.vector_store %arg11[%swap3A_881, %swap3A_882], %swap3A_885 {strides = array<i32>} : memref<128x64xf32, #tpu.memory_space<vmem>>, vector<1x16xf32>,
        %get3A_886 = arith.index_cast %add3A_875 : i32 to index
        %get3A_887 = arith.constant 16 : index
        %get3A_888 = tpu.vector_load %arg11[%get3A_886, %get3A_887] {strides = array<i32>} : memref<128x64xf32, #tpu.memory_space<vmem>>, vector<1x16xf32>,
        %get3A_889 = vector.shape_cast %get3A_888 : vector<1x16xf32> to vector<16xf32>
        %mul3A_890 = arith.mulf %get3A_889, %gather3A_871 : vector<16xf32>
        %swap3A_891 = arith.index_cast %add3A_875 : i32 to index
        %swap3A_892 = arith.constant 16 : index
        %swap3A_893 = tpu.vector_load %arg11[%swap3A_891, %swap3A_892] {strides = array<i32>} : memref<128x64xf32, #tpu.memory_space<vmem>>, vector<1x16xf32>,
        %swap3A_894 = vector.shape_cast %swap3A_893 : vector<1x16xf32> to vector<16xf32>
        %swap3A_895 = vector.shape_cast %mul3A_890 : vector<16xf32> to vector<1x16xf32>
        tpu.vector_store %arg11[%swap3A_891, %swap3A_892], %swap3A_895 {strides = array<i32>} : memref<128x64xf32, #tpu.memory_space<vmem>>, vector<1x16xf32>,
        %get3A_896 = arith.index_cast %add3A_875 : i32 to index
        %get3A_897 = arith.constant 32 : index
        %get3A_898 = tpu.vector_load %arg11[%get3A_896, %get3A_897] {strides = array<i32>} : memref<128x64xf32, #tpu.memory_space<vmem>>, vector<1x16xf32>,
        %get3A_899 = vector.shape_cast %get3A_898 : vector<1x16xf32> to vector<16xf32>
        %mul3A_900 = arith.mulf %get3A_899, %gather3A_871 : vector<16xf32>
        %swap3A_901 = arith.index_cast %add3A_875 : i32 to index
        %swap3A_902 = arith.constant 32 : index
        %swap3A_903 = tpu.vector_load %arg11[%swap3A_901, %swap3A_902] {strides = array<i32>} : memref<128x64xf32, #tpu.memory_space<vmem>>, vector<1x16xf32>,
        %swap3A_904 = vector.shape_cast %swap3A_903 : vector<1x16xf32> to vector<16xf32>
        %swap3A_905 = vector.shape_cast %mul3A_900 : vector<16xf32> to vector<1x16xf32>
        tpu.vector_store %arg11[%swap3A_901, %swap3A_902], %swap3A_905 {strides = array<i32>} : memref<128x64xf32, #tpu.memory_space<vmem>>, vector<1x16xf32>,
        %get3A_906 = arith.index_cast %add3A_875 : i32 to index
        %get3A_907 = arith.constant 48 : index
        %get3A_908 = tpu.vector_load %arg11[%get3A_906, %get3A_907] {strides = array<i32>} : memref<128x64xf32, #tpu.memory_space<vmem>>, vector<1x16xf32>,
        %get3A_909 = vector.shape_cast %get3A_908 : vector<1x16xf32> to vector<16xf32>
        %mul3A_910 = arith.mulf %get3A_909, %gather3A_871 : vector<16xf32>
        %swap3A_911 = arith.index_cast %add3A_875 : i32 to index
        %swap3A_912 = arith.constant 48 : index
        %swap3A_913 = tpu.vector_load %arg11[%swap3A_911, %swap3A_912] {strides = array<i32>} : memref<128x64xf32, #tpu.memory_space<vmem>>, vector<1x16xf32>,
        %swap3A_914 = vector.shape_cast %swap3A_913 : vector<1x16xf32> to vector<16xf32>
        %swap3A_915 = vector.shape_cast %mul3A_910 : vector<16xf32> to vector<1x16xf32>
        tpu.vector_store %arg11[%swap3A_911, %swap3A_912], %swap3A_915 {strides = array<i32>} : memref<128x64xf32, #tpu.memory_space<vmem>>, vector<1x16xf32>,
        %broadcast_in_dim3A_916 = arith.constant 14 : i32
        %broadcast_in_dim3A_917 = vector.broadcast %broadcast_in_dim3A_916 : i32 to vector<16xi32>
        %lt3A_918 = arith.constant 0 : i32
        %lt3A_919 = vector.broadcast %lt3A_918 : i32 to vector<16xi32>
        %lt3A_920 = arith.cmpi slt, %broadcast_in_dim3A_917, %lt3A_919 : vector<16xi32>
        %add3A_921 = arith.constant 16 : i32
        %add3A_922 = vector.broadcast %add3A_921 : i32 to vector<16xi32>
        %add3A_923 = arith.addi %broadcast_in_dim3A_917, %add3A_922 : vector<16xi32>
        %select_n3A_924 = arith.select %lt3A_920, %add3A_923, %broadcast_in_dim3A_917 : vector<16xi1>, vector<16xi32>
        %broadcast_in_dim3A_925 = vector.shape_cast %select_n3A_924 : vector<16xi32> to vector<16x1xi32>
        %gather3A_926 = vector.shape_cast %broadcast_in_dim3A_925 : vector<16x1xi32> to vector<16xi32>
        %gather3A_927 = tpu.dynamic_gather %get3A_134[%gather3A_926] in [0] : vector<16xf32>, vector<16xi32> -> vector<16xf32>
        %mul3A_928 = arith.constant 16 : i32
        %mul3A_929 = arith.muli %scan3A_127, %mul3A_928 : i32
        %add3A_930 = arith.constant 14 : i32
        %add3A_931 = arith.addi %mul3A_929, %add3A_930 : i32
        %get3A_932 = arith.index_cast %add3A_931 : i32 to index
        %get3A_933 = arith.constant 0 : index
        %get3A_934 = tpu.vector_load %arg11[%get3A_932, %get3A_933] {strides = array<i32>} : memref<128x64xf32, #tpu.memory_space<vmem>>, vector<1x16xf32>,
        %get3A_935 = vector.shape_cast %get3A_934 : vector<1x16xf32> to vector<16xf32>
        %mul3A_936 = arith.mulf %get3A_935, %gather3A_927 : vector<16xf32>
        %swap3A_937 = arith.index_cast %add3A_931 : i32 to index
        %swap3A_938 = arith.constant 0 : index
        %swap3A_939 = tpu.vector_load %arg11[%swap3A_937, %swap3A_938] {strides = array<i32>} : memref<128x64xf32, #tpu.memory_space<vmem>>, vector<1x16xf32>,
        %swap3A_940 = vector.shape_cast %swap3A_939 : vector<1x16xf32> to vector<16xf32>
        %swap3A_941 = vector.shape_cast %mul3A_936 : vector<16xf32> to vector<1x16xf32>
        tpu.vector_store %arg11[%swap3A_937, %swap3A_938], %swap3A_941 {strides = array<i32>} : memref<128x64xf32, #tpu.memory_space<vmem>>, vector<1x16xf32>,
        %get3A_942 = arith.index_cast %add3A_931 : i32 to index
        %get3A_943 = arith.constant 16 : index
        %get3A_944 = tpu.vector_load %arg11[%get3A_942, %get3A_943] {strides = array<i32>} : memref<128x64xf32, #tpu.memory_space<vmem>>, vector<1x16xf32>,
        %get3A_945 = vector.shape_cast %get3A_944 : vector<1x16xf32> to vector<16xf32>
        %mul3A_946 = arith.mulf %get3A_945, %gather3A_927 : vector<16xf32>
        %swap3A_947 = arith.index_cast %add3A_931 : i32 to index
        %swap3A_948 = arith.constant 16 : index
        %swap3A_949 = tpu.vector_load %arg11[%swap3A_947, %swap3A_948] {strides = array<i32>} : memref<128x64xf32, #tpu.memory_space<vmem>>, vector<1x16xf32>,
        %swap3A_950 = vector.shape_cast %swap3A_949 : vector<1x16xf32> to vector<16xf32>
        %swap3A_951 = vector.shape_cast %mul3A_946 : vector<16xf32> to vector<1x16xf32>
        tpu.vector_store %arg11[%swap3A_947, %swap3A_948], %swap3A_951 {strides = array<i32>} : memref<128x64xf32, #tpu.memory_space<vmem>>, vector<1x16xf32>,
        %get3A_952 = arith.index_cast %add3A_931 : i32 to index
        %get3A_953 = arith.constant 32 : index
        %get3A_954 = tpu.vector_load %arg11[%get3A_952, %get3A_953] {strides = array<i32>} : memref<128x64xf32, #tpu.memory_space<vmem>>, vector<1x16xf32>,
        %get3A_955 = vector.shape_cast %get3A_954 : vector<1x16xf32> to vector<16xf32>
        %mul3A_956 = arith.mulf %get3A_955, %gather3A_927 : vector<16xf32>
        %swap3A_957 = arith.index_cast %add3A_931 : i32 to index
        %swap3A_958 = arith.constant 32 : index
        %swap3A_959 = tpu.vector_load %arg11[%swap3A_957, %swap3A_958] {strides = array<i32>} : memref<128x64xf32, #tpu.memory_space<vmem>>, vector<1x16xf32>,
        %swap3A_960 = vector.shape_cast %swap3A_959 : vector<1x16xf32> to vector<16xf32>
        %swap3A_961 = vector.shape_cast %mul3A_956 : vector<16xf32> to vector<1x16xf32>
        tpu.vector_store %arg11[%swap3A_957, %swap3A_958], %swap3A_961 {strides = array<i32>} : memref<128x64xf32, #tpu.memory_space<vmem>>, vector<1x16xf32>,
        %get3A_962 = arith.index_cast %add3A_931 : i32 to index
        %get3A_963 = arith.constant 48 : index
        %get3A_964 = tpu.vector_load %arg11[%get3A_962, %get3A_963] {strides = array<i32>} : memref<128x64xf32, #tpu.memory_space<vmem>>, vector<1x16xf32>,
        %get3A_965 = vector.shape_cast %get3A_964 : vector<1x16xf32> to vector<16xf32>
        %mul3A_966 = arith.mulf %get3A_965, %gather3A_927 : vector<16xf32>
        %swap3A_967 = arith.index_cast %add3A_931 : i32 to index
        %swap3A_968 = arith.constant 48 : index
        %swap3A_969 = tpu.vector_load %arg11[%swap3A_967, %swap3A_968] {strides = array<i32>} : memref<128x64xf32, #tpu.memory_space<vmem>>, vector<1x16xf32>,
        %swap3A_970 = vector.shape_cast %swap3A_969 : vector<1x16xf32> to vector<16xf32>
        %swap3A_971 = vector.shape_cast %mul3A_966 : vector<16xf32> to vector<1x16xf32>
        tpu.vector_store %arg11[%swap3A_967, %swap3A_968], %swap3A_971 {strides = array<i32>} : memref<128x64xf32, #tpu.memory_space<vmem>>, vector<1x16xf32>,
        %broadcast_in_dim3A_972 = arith.constant 15 : i32
        %broadcast_in_dim3A_973 = vector.broadcast %broadcast_in_dim3A_972 : i32 to vector<16xi32>
        %lt3A_974 = arith.constant 0 : i32
        %lt3A_975 = vector.broadcast %lt3A_974 : i32 to vector<16xi32>
        %lt3A_976 = arith.cmpi slt, %broadcast_in_dim3A_973, %lt3A_975 : vector<16xi32>
        %add3A_977 = arith.constant 16 : i32
        %add3A_978 = vector.broadcast %add3A_977 : i32 to vector<16xi32>
        %add3A_979 = arith.addi %broadcast_in_dim3A_973, %add3A_978 : vector<16xi32>
        %select_n3A_980 = arith.select %lt3A_976, %add3A_979, %broadcast_in_dim3A_973 : vector<16xi1>, vector<16xi32>
        %broadcast_in_dim3A_981 = vector.shape_cast %select_n3A_980 : vector<16xi32> to vector<16x1xi32>
        %gather3A_982 = vector.shape_cast %broadcast_in_dim3A_981 : vector<16x1xi32> to vector<16xi32>
        %gather3A_983 = tpu.dynamic_gather %get3A_134[%gather3A_982] in [0] : vector<16xf32>, vector<16xi32> -> vector<16xf32>
        %mul3A_984 = arith.constant 16 : i32
        %mul3A_985 = arith.muli %scan3A_127, %mul3A_984 : i32
        %add3A_986 = arith.constant 15 : i32
        %add3A_987 = arith.addi %mul3A_985, %add3A_986 : i32
        %get3A_988 = arith.index_cast %add3A_987 : i32 to index
        %get3A_989 = arith.constant 0 : index
        %get3A_990 = tpu.vector_load %arg11[%get3A_988, %get3A_989] {strides = array<i32>} : memref<128x64xf32, #tpu.memory_space<vmem>>, vector<1x16xf32>,
        %get3A_991 = vector.shape_cast %get3A_990 : vector<1x16xf32> to vector<16xf32>
        %mul3A_992 = arith.mulf %get3A_991, %gather3A_983 : vector<16xf32>
        %swap3A_993 = arith.index_cast %add3A_987 : i32 to index
        %swap3A_994 = arith.constant 0 : index
        %swap3A_995 = tpu.vector_load %arg11[%swap3A_993, %swap3A_994] {strides = array<i32>} : memref<128x64xf32, #tpu.memory_space<vmem>>, vector<1x16xf32>,
        %swap3A_996 = vector.shape_cast %swap3A_995 : vector<1x16xf32> to vector<16xf32>
        %swap3A_997 = vector.shape_cast %mul3A_992 : vector<16xf32> to vector<1x16xf32>
        tpu.vector_store %arg11[%swap3A_993, %swap3A_994], %swap3A_997 {strides = array<i32>} : memref<128x64xf32, #tpu.memory_space<vmem>>, vector<1x16xf32>,
        %get3A_998 = arith.index_cast %add3A_987 : i32 to index
        %get3A_999 = arith.constant 16 : index
        %get3A_1000 = tpu.vector_load %arg11[%get3A_998, %get3A_999] {strides = array<i32>} : memref<128x64xf32, #tpu.memory_space<vmem>>, vector<1x16xf32>,
        %get3A_1001 = vector.shape_cast %get3A_1000 : vector<1x16xf32> to vector<16xf32>
        %mul3A_1002 = arith.mulf %get3A_1001, %gather3A_983 : vector<16xf32>
        %swap3A_1003 = arith.index_cast %add3A_987 : i32 to index
        %swap3A_1004 = arith.constant 16 : index
        %swap3A_1005 = tpu.vector_load %arg11[%swap3A_1003, %swap3A_1004] {strides = array<i32>} : memref<128x64xf32, #tpu.memory_space<vmem>>, vector<1x16xf32>,
        %swap3A_1006 = vector.shape_cast %swap3A_1005 : vector<1x16xf32> to vector<16xf32>
        %swap3A_1007 = vector.shape_cast %mul3A_1002 : vector<16xf32> to vector<1x16xf32>
        tpu.vector_store %arg11[%swap3A_1003, %swap3A_1004], %swap3A_1007 {strides = array<i32>} : memref<128x64xf32, #tpu.memory_space<vmem>>, vector<1x16xf32>,
        %get3A_1008 = arith.index_cast %add3A_987 : i32 to index
        %get3A_1009 = arith.constant 32 : index
        %get3A_1010 = tpu.vector_load %arg11[%get3A_1008, %get3A_1009] {strides = array<i32>} : memref<128x64xf32, #tpu.memory_space<vmem>>, vector<1x16xf32>,
        %get3A_1011 = vector.shape_cast %get3A_1010 : vector<1x16xf32> to vector<16xf32>
        %mul3A_1012 = arith.mulf %get3A_1011, %gather3A_983 : vector<16xf32>
        %swap3A_1013 = arith.index_cast %add3A_987 : i32 to index
        %swap3A_1014 = arith.constant 32 : index
        %swap3A_1015 = tpu.vector_load %arg11[%swap3A_1013, %swap3A_1014] {strides = array<i32>} : memref<128x64xf32, #tpu.memory_space<vmem>>, vector<1x16xf32>,
        %swap3A_1016 = vector.shape_cast %swap3A_1015 : vector<1x16xf32> to vector<16xf32>
        %swap3A_1017 = vector.shape_cast %mul3A_1012 : vector<16xf32> to vector<1x16xf32>
        tpu.vector_store %arg11[%swap3A_1013, %swap3A_1014], %swap3A_1017 {strides = array<i32>} : memref<128x64xf32, #tpu.memory_space<vmem>>, vector<1x16xf32>,
        %get3A_1018 = arith.index_cast %add3A_987 : i32 to index
        %get3A_1019 = arith.constant 48 : index
        %get3A_1020 = tpu.vector_load %arg11[%get3A_1018, %get3A_1019] {strides = array<i32>} : memref<128x64xf32, #tpu.memory_space<vmem>>, vector<1x16xf32>,
        %get3A_1021 = vector.shape_cast %get3A_1020 : vector<1x16xf32> to vector<16xf32>
        %mul3A_1022 = arith.mulf %get3A_1021, %gather3A_983 : vector<16xf32>
        %swap3A_1023 = arith.index_cast %add3A_987 : i32 to index
        %swap3A_1024 = arith.constant 48 : index
        %swap3A_1025 = tpu.vector_load %arg11[%swap3A_1023, %swap3A_1024] {strides = array<i32>} : memref<128x64xf32, #tpu.memory_space<vmem>>, vector<1x16xf32>,
        %swap3A_1026 = vector.shape_cast %swap3A_1025 : vector<1x16xf32> to vector<16xf32>
        %swap3A_1027 = vector.shape_cast %mul3A_1022 : vector<16xf32> to vector<1x16xf32>
        tpu.vector_store %arg11[%swap3A_1023, %swap3A_1024], %swap3A_1027 {strides = array<i32>} : memref<128x64xf32, #tpu.memory_space<vmem>>, vector<1x16xf32>,
      }
      %scan3A_97 = arith.constant 8 : i32
      %dma_start3A_98 = arith.constant 0 : i32
      %dma_start3A_99 = tpu.memref_slice %arg8[%add3A_68, %dma_start3A_98] : memref<80x128xi32, #tpu.memory_space<vmem>> -> memref<1x128xi32, #tpu.memory_space<vmem>>
      %dma_start3A_100 = tpu.memref_squeeze %dma_start3A_99 : memref<1x128xi32, #tpu.memory_space<vmem>> -> memref<128xi32, #tpu.memory_space<vmem>>
      %dma_start3A_101 = arith.constant 0 : i32
      %dma_start3A_102 = arith.constant 0 : i32
      %dma_start3A_103 = tpu.memref_slice %arg13[%dma_start3A_101, %dma_start3A_102] : memref<10240x64xf32, #tpu.memory_space<vmem_shared>> -> memref<10240x64xf32, #tpu.memory_space<vmem_shared>>
      tpu.enqueue_indirect_dma source(%arg11 : memref<128x64xf32, #tpu.memory_space<vmem>>) target(%dma_start3A_103 : memref<10240x64xf32, #tpu.memory_space<vmem_shared>>) offsets(%dma_start3A_100 : memref<128xi32, #tpu.memory_space<vmem>>) semaphore(%arg17 : memref<!tpu.dma_semaphore, #tpu.memory_space<semaphore_mem>>) {add = true}
      %dma_wait3A_104 = arith.constant 0 : i32
      %dma_wait3A_105 = tpu.memref_slice %arg8[%mul3A_66, %dma_wait3A_104] : memref<80x128xi32, #tpu.memory_space<vmem>> -> memref<1x128xi32, #tpu.memory_space<vmem>>
      %dma_wait3A_106 = tpu.memref_squeeze %dma_wait3A_105 : memref<1x128xi32, #tpu.memory_space<vmem>> -> memref<128xi32, #tpu.memory_space<vmem>>
      %dma_wait3A_107 = arith.constant 0 : i32
      %dma_wait3A_108 = arith.constant 0 : i32
      %dma_wait3A_109 = tpu.memref_slice %arg13[%dma_wait3A_107, %dma_wait3A_108] : memref<10240x64xf32, #tpu.memory_space<vmem_shared>> -> memref<10240x64xf32, #tpu.memory_space<vmem_shared>>
      tpu.wait_indirect_dma semaphore(%arg16 : memref<!tpu.dma_semaphore, #tpu.memory_space<semaphore_mem>>) src(%arg10 : memref<128x64xf32, #tpu.memory_space<vmem>>) dst(%dma_wait3A_109 : memref<10240x64xf32, #tpu.memory_space<vmem_shared>>)
      %add3A_110 = arith.constant 2 : i32
      %add3A_111 = arith.addi %mul3A_66, %add3A_110 : i32
      %lt3A = arith.constant 80 : i32
      %lt3A_112 = arith.cmpi slt, %add3A_111, %lt3A : i32
      %convert_element_type3A = arith.extui %lt3A_112 : i1 to i32
      %cond3A = arith.constant 0 : i32
      %cond3A_113 = arith.cmpi ne, %convert_element_type3A, %cond3A : i32
      scf.if %cond3A_113 {
        %add3A_127 = arith.constant 2 : i32
        %add3A_128 = arith.addi %mul3A_66, %add3A_127 : i32
        %dma_start3A_129 = arith.constant 0 : i32
        %dma_start3A_130 = tpu.memref_slice %arg7[%add3A_128, %dma_start3A_129] : memref<80x128xi32, #tpu.memory_space<vmem>> -> memref<1x128xi32, #tpu.memory_space<vmem>>
        %dma_start3A_131 = tpu.memref_squeeze %dma_start3A_130 : memref<1x128xi32, #tpu.memory_space<vmem>> -> memref<128xi32, #tpu.memory_space<vmem>>
        %dma_start3A_132 = arith.constant 0 : i32
        %dma_start3A_133 = arith.constant 0 : i32
        %dma_start3A_134 = tpu.memref_slice %arg2[%dma_start3A_132, %dma_start3A_133] : memref<10240x64xf32, #tpu.memory_space<hbm>> -> memref<10240x64xf32, #tpu.memory_space<hbm>>
        tpu.enqueue_indirect_dma source(%dma_start3A_134 : memref<10240x64xf32, #tpu.memory_space<hbm>>) target(%arg10 : memref<128x64xf32, #tpu.memory_space<vmem>>) offsets(%dma_start3A_131 : memref<128xi32, #tpu.memory_space<vmem>>) semaphore(%arg14 : memref<!tpu.dma_semaphore, #tpu.memory_space<semaphore_mem>>)
      } else {
      }
      %dma_wait3A_114 = arith.constant 0 : i32
      %dma_wait3A_115 = tpu.memref_slice %arg8[%add3A_68, %dma_wait3A_114] : memref<80x128xi32, #tpu.memory_space<vmem>> -> memref<1x128xi32, #tpu.memory_space<vmem>>
      %dma_wait3A_116 = tpu.memref_squeeze %dma_wait3A_115 : memref<1x128xi32, #tpu.memory_space<vmem>> -> memref<128xi32, #tpu.memory_space<vmem>>
      %dma_wait3A_117 = arith.constant 0 : i32
      %dma_wait3A_118 = arith.constant 0 : i32
      %dma_wait3A_119 = tpu.memref_slice %arg13[%dma_wait3A_117, %dma_wait3A_118] : memref<10240x64xf32, #tpu.memory_space<vmem_shared>> -> memref<10240x64xf32, #tpu.memory_space<vmem_shared>>
      tpu.wait_indirect_dma semaphore(%arg17 : memref<!tpu.dma_semaphore, #tpu.memory_space<semaphore_mem>>) src(%arg11 : memref<128x64xf32, #tpu.memory_space<vmem>>) dst(%dma_wait3A_119 : memref<10240x64xf32, #tpu.memory_space<vmem_shared>>)
      %add3A_120 = arith.constant 2 : i32
      %add3A_121 = arith.addi %add3A_68, %add3A_120 : i32
      %lt3A_122 = arith.constant 80 : i32
      %lt3A_123 = arith.cmpi slt, %add3A_121, %lt3A_122 : i32
      %convert_element_type3A_124 = arith.extui %lt3A_123 : i1 to i32
      %cond3A_125 = arith.constant 0 : i32
      %cond3A_126 = arith.cmpi ne, %convert_element_type3A_124, %cond3A_125 : i32
      scf.if %cond3A_126 {
        %add3A_127 = arith.constant 2 : i32
        %add3A_128 = arith.addi %add3A_68, %add3A_127 : i32
        %dma_start3A_129 = arith.constant 0 : i32
        %dma_start3A_130 = tpu.memref_slice %arg7[%add3A_128, %dma_start3A_129] : memref<80x128xi32, #tpu.memory_space<vmem>> -> memref<1x128xi32, #tpu.memory_space<vmem>>
        %dma_start3A_131 = tpu.memref_squeeze %dma_start3A_130 : memref<1x128xi32, #tpu.memory_space<vmem>> -> memref<128xi32, #tpu.memory_space<vmem>>
        %dma_start3A_132 = arith.constant 0 : i32
        %dma_start3A_133 = arith.constant 0 : i32
        %dma_start3A_134 = tpu.memref_slice %arg2[%dma_start3A_132, %dma_start3A_133] : memref<10240x64xf32, #tpu.memory_space<hbm>> -> memref<10240x64xf32, #tpu.memory_space<hbm>>
        tpu.enqueue_indirect_dma source(%dma_start3A_134 : memref<10240x64xf32, #tpu.memory_space<hbm>>) target(%arg11 : memref<128x64xf32, #tpu.memory_space<vmem>>) offsets(%dma_start3A_131 : memref<128xi32, #tpu.memory_space<vmem>>) semaphore(%arg15 : memref<!tpu.dma_semaphore, #tpu.memory_space<semaphore_mem>>)
      } else {
      }
    }
    %scan3A_37 = arith.constant 40 : i32
    %barrier3A_38 = arith.constant 0 : index
    tpu.barrier barrier_id(%barrier3A_38)
    %add3A_39 = arith.constant 0 : i32
    %add3A_40 = arith.addi %mul3A_8, %add3A_39 : i32
    "tpu.region"() ({
      %run_scoped3A = tpu.sem_alloc : memref<!tpu.dma_semaphore, #tpu.memory_space<semaphore_mem>>
      %dma_start3A_64 = arith.constant 0 : i32
      %dma_start3A_65 = tpu.memref_slice %arg13[%add3A_40, %dma_start3A_64] : memref<10240x64xf32, #tpu.memory_space<vmem_shared>> -> memref<128x64xf32, #tpu.memory_space<vmem_shared>>
      %dma_start3A_66 = arith.constant 0 : i32
      %dma_start3A_67 = tpu.memref_slice %arg13[%add3A_40, %dma_start3A_66] : memref<10240x64xf32, #tpu.memory_space<vmem_shared>> -> memref<128x64xf32, #tpu.memory_space<vmem_shared>>
      tpu.enqueue_dma source(%dma_start3A_67 : memref<128x64xf32, #tpu.memory_space<vmem_shared>>) target(%arg10 : memref<128x64xf32, #tpu.memory_space<vmem>>) target_semaphore(%run_scoped3A : memref<!tpu.dma_semaphore, #tpu.memory_space<semaphore_mem>>)
      %dma_wait3A = arith.constant 0 : i32
      %dma_wait3A_68 = tpu.memref_slice %arg13[%add3A_40, %dma_wait3A] : memref<10240x64xf32, #tpu.memory_space<vmem_shared>> -> memref<128x64xf32, #tpu.memory_space<vmem_shared>>
      %dma_wait3A_69 = arith.constant 0 : i32
      %dma_wait3A_70 = tpu.memref_slice %arg13[%add3A_40, %dma_wait3A_69] : memref<10240x64xf32, #tpu.memory_space<vmem_shared>> -> memref<128x64xf32, #tpu.memory_space<vmem_shared>>
      tpu.wait_dma2 semaphore(%run_scoped3A : memref<!tpu.dma_semaphore, #tpu.memory_space<semaphore_mem>>) src(%dma_wait3A_70 : memref<128x64xf32, #tpu.memory_space<vmem_shared>>) dst(%arg10 : memref<128x64xf32, #tpu.memory_space<vmem>>)
      tpu.yield
    }) : () -> ()
    %mul3A_41 = arith.constant 10240 : i32
    %mul3A_42 = arith.muli %arg0, %mul3A_41 : i32
    %add3A_43 = arith.addi %mul3A_42, %add3A_40 : i32
    "tpu.region"() ({
      %run_scoped3A = tpu.sem_alloc : memref<!tpu.dma_semaphore, #tpu.memory_space<semaphore_mem>>
      %dma_start3A_64 = arith.constant 0 : i32
      %dma_start3A_65 = tpu.memref_slice %arg6[%add3A_43, %dma_start3A_64] : memref<20480x64xf32, #tpu.memory_space<hbm>> -> memref<128x64xf32, #tpu.memory_space<hbm>>
      %dma_start3A_66 = arith.constant 0 : i32
      %dma_start3A_67 = tpu.memref_slice %arg6[%add3A_43, %dma_start3A_66] : memref<20480x64xf32, #tpu.memory_space<hbm>> -> memref<128x64xf32, #tpu.memory_space<hbm>>
      tpu.enqueue_dma source(%arg10 : memref<128x64xf32, #tpu.memory_space<vmem>>) target(%dma_start3A_67 : memref<128x64xf32, #tpu.memory_space<hbm>>) target_semaphore(%run_scoped3A : memref<!tpu.dma_semaphore, #tpu.memory_space<semaphore_mem>>)
      %dma_wait3A = arith.constant 0 : i32
      %dma_wait3A_68 = tpu.memref_slice %arg6[%add3A_43, %dma_wait3A] : memref<20480x64xf32, #tpu.memory_space<hbm>> -> memref<128x64xf32, #tpu.memory_space<hbm>>
      %dma_wait3A_69 = arith.constant 0 : i32
      %dma_wait3A_70 = tpu.memref_slice %arg6[%add3A_43, %dma_wait3A_69] : memref<20480x64xf32, #tpu.memory_space<hbm>> -> memref<128x64xf32, #tpu.memory_space<hbm>>
      tpu.wait_dma2 semaphore(%run_scoped3A : memref<!tpu.dma_semaphore, #tpu.memory_space<semaphore_mem>>) src(%arg10 : memref<128x64xf32, #tpu.memory_space<vmem>>) dst(%dma_wait3A_70 : memref<128x64xf32, #tpu.memory_space<hbm>>)
      tpu.yield
    }) : () -> ()
    %add3A_44 = arith.constant 128 : i32
    %add3A_45 = arith.addi %mul3A_8, %add3A_44 : i32
    "tpu.region"() ({
      %run_scoped3A = tpu.sem_alloc : memref<!tpu.dma_semaphore, #tpu.memory_space<semaphore_mem>>
      %dma_start3A_64 = arith.constant 0 : i32
      %dma_start3A_65 = tpu.memref_slice %arg13[%add3A_45, %dma_start3A_64] : memref<10240x64xf32, #tpu.memory_space<vmem_shared>> -> memref<128x64xf32, #tpu.memory_space<vmem_shared>>
      %dma_start3A_66 = arith.constant 0 : i32
      %dma_start3A_67 = tpu.memref_slice %arg13[%add3A_45, %dma_start3A_66] : memref<10240x64xf32, #tpu.memory_space<vmem_shared>> -> memref<128x64xf32, #tpu.memory_space<vmem_shared>>
      tpu.enqueue_dma source(%dma_start3A_67 : memref<128x64xf32, #tpu.memory_space<vmem_shared>>) target(%arg10 : memref<128x64xf32, #tpu.memory_space<vmem>>) target_semaphore(%run_scoped3A : memref<!tpu.dma_semaphore, #tpu.memory_space<semaphore_mem>>)
      %dma_wait3A = arith.constant 0 : i32
      %dma_wait3A_68 = tpu.memref_slice %arg13[%add3A_45, %dma_wait3A] : memref<10240x64xf32, #tpu.memory_space<vmem_shared>> -> memref<128x64xf32, #tpu.memory_space<vmem_shared>>
      %dma_wait3A_69 = arith.constant 0 : i32
      %dma_wait3A_70 = tpu.memref_slice %arg13[%add3A_45, %dma_wait3A_69] : memref<10240x64xf32, #tpu.memory_space<vmem_shared>> -> memref<128x64xf32, #tpu.memory_space<vmem_shared>>
      tpu.wait_dma2 semaphore(%run_scoped3A : memref<!tpu.dma_semaphore, #tpu.memory_space<semaphore_mem>>) src(%dma_wait3A_70 : memref<128x64xf32, #tpu.memory_space<vmem_shared>>) dst(%arg10 : memref<128x64xf32, #tpu.memory_space<vmem>>)
      tpu.yield
    }) : () -> ()
    %mul3A_46 = arith.constant 10240 : i32
    %mul3A_47 = arith.muli %arg0, %mul3A_46 : i32
    %add3A_48 = arith.addi %mul3A_47, %add3A_45 : i32
    "tpu.region"() ({
      %run_scoped3A = tpu.sem_alloc : memref<!tpu.dma_semaphore, #tpu.memory_space<semaphore_mem>>
      %dma_start3A_64 = arith.constant 0 : i32
      %dma_start3A_65 = tpu.memref_slice %arg6[%add3A_48, %dma_start3A_64] : memref<20480x64xf32, #tpu.memory_space<hbm>> -> memref<128x64xf32, #tpu.memory_space<hbm>>
      %dma_start3A_66 = arith.constant 0 : i32
      %dma_start3A_67 = tpu.memref_slice %arg6[%add3A_48, %dma_start3A_66] : memref<20480x64xf32, #tpu.memory_space<hbm>> -> memref<128x64xf32, #tpu.memory_space<hbm>>
      tpu.enqueue_dma source(%arg10 : memref<128x64xf32, #tpu.memory_space<vmem>>) target(%dma_start3A_67 : memref<128x64xf32, #tpu.memory_space<hbm>>) target_semaphore(%run_scoped3A : memref<!tpu.dma_semaphore, #tpu.memory_space<semaphore_mem>>)
      %dma_wait3A = arith.constant 0 : i32
      %dma_wait3A_68 = tpu.memref_slice %arg6[%add3A_48, %dma_wait3A] : memref<20480x64xf32, #tpu.memory_space<hbm>> -> memref<128x64xf32, #tpu.memory_space<hbm>>
      %dma_wait3A_69 = arith.constant 0 : i32
      %dma_wait3A_70 = tpu.memref_slice %arg6[%add3A_48, %dma_wait3A_69] : memref<20480x64xf32, #tpu.memory_space<hbm>> -> memref<128x64xf32, #tpu.memory_space<hbm>>
      tpu.wait_dma2 semaphore(%run_scoped3A : memref<!tpu.dma_semaphore, #tpu.memory_space<semaphore_mem>>) src(%arg10 : memref<128x64xf32, #tpu.memory_space<vmem>>) dst(%dma_wait3A_70 : memref<128x64xf32, #tpu.memory_space<hbm>>)
      tpu.yield
    }) : () -> ()
    %add3A_49 = arith.constant 256 : i32
    %add3A_50 = arith.addi %mul3A_8, %add3A_49 : i32
    "tpu.region"() ({
      %run_scoped3A = tpu.sem_alloc : memref<!tpu.dma_semaphore, #tpu.memory_space<semaphore_mem>>
      %dma_start3A_64 = arith.constant 0 : i32
      %dma_start3A_65 = tpu.memref_slice %arg13[%add3A_50, %dma_start3A_64] : memref<10240x64xf32, #tpu.memory_space<vmem_shared>> -> memref<128x64xf32, #tpu.memory_space<vmem_shared>>
      %dma_start3A_66 = arith.constant 0 : i32
      %dma_start3A_67 = tpu.memref_slice %arg13[%add3A_50, %dma_start3A_66] : memref<10240x64xf32, #tpu.memory_space<vmem_shared>> -> memref<128x64xf32, #tpu.memory_space<vmem_shared>>
      tpu.enqueue_dma source(%dma_start3A_67 : memref<128x64xf32, #tpu.memory_space<vmem_shared>>) target(%arg10 : memref<128x64xf32, #tpu.memory_space<vmem>>) target_semaphore(%run_scoped3A : memref<!tpu.dma_semaphore, #tpu.memory_space<semaphore_mem>>)
      %dma_wait3A = arith.constant 0 : i32
      %dma_wait3A_68 = tpu.memref_slice %arg13[%add3A_50, %dma_wait3A] : memref<10240x64xf32, #tpu.memory_space<vmem_shared>> -> memref<128x64xf32, #tpu.memory_space<vmem_shared>>
      %dma_wait3A_69 = arith.constant 0 : i32
      %dma_wait3A_70 = tpu.memref_slice %arg13[%add3A_50, %dma_wait3A_69] : memref<10240x64xf32, #tpu.memory_space<vmem_shared>> -> memref<128x64xf32, #tpu.memory_space<vmem_shared>>
      tpu.wait_dma2 semaphore(%run_scoped3A : memref<!tpu.dma_semaphore, #tpu.memory_space<semaphore_mem>>) src(%dma_wait3A_70 : memref<128x64xf32, #tpu.memory_space<vmem_shared>>) dst(%arg10 : memref<128x64xf32, #tpu.memory_space<vmem>>)
      tpu.yield
    }) : () -> ()
    %mul3A_51 = arith.constant 10240 : i32
    %mul3A_52 = arith.muli %arg0, %mul3A_51 : i32
    %add3A_53 = arith.addi %mul3A_52, %add3A_50 : i32
    "tpu.region"() ({
      %run_scoped3A = tpu.sem_alloc : memref<!tpu.dma_semaphore, #tpu.memory_space<semaphore_mem>>
      %dma_start3A_64 = arith.constant 0 : i32
      %dma_start3A_65 = tpu.memref_slice %arg6[%add3A_53, %dma_start3A_64] : memref<20480x64xf32, #tpu.memory_space<hbm>> -> memref<128x64xf32, #tpu.memory_space<hbm>>
      %dma_start3A_66 = arith.constant 0 : i32
      %dma_start3A_67 = tpu.memref_slice %arg6[%add3A_53, %dma_start3A_66] : memref<20480x64xf32, #tpu.memory_space<hbm>> -> memref<128x64xf32, #tpu.memory_space<hbm>>
      tpu.enqueue_dma source(%arg10 : memref<128x64xf32, #tpu.memory_space<vmem>>) target(%dma_start3A_67 : memref<128x64xf32, #tpu.memory_space<hbm>>) target_semaphore(%run_scoped3A : memref<!tpu.dma_semaphore, #tpu.memory_space<semaphore_mem>>)
      %dma_wait3A = arith.constant 0 : i32
      %dma_wait3A_68 = tpu.memref_slice %arg6[%add3A_53, %dma_wait3A] : memref<20480x64xf32, #tpu.memory_space<hbm>> -> memref<128x64xf32, #tpu.memory_space<hbm>>
      %dma_wait3A_69 = arith.constant 0 : i32
      %dma_wait3A_70 = tpu.memref_slice %arg6[%add3A_53, %dma_wait3A_69] : memref<20480x64xf32, #tpu.memory_space<hbm>> -> memref<128x64xf32, #tpu.memory_space<hbm>>
      tpu.wait_dma2 semaphore(%run_scoped3A : memref<!tpu.dma_semaphore, #tpu.memory_space<semaphore_mem>>) src(%arg10 : memref<128x64xf32, #tpu.memory_space<vmem>>) dst(%dma_wait3A_70 : memref<128x64xf32, #tpu.memory_space<hbm>>)
      tpu.yield
    }) : () -> ()
    %add3A_54 = arith.constant 384 : i32
    %add3A_55 = arith.addi %mul3A_8, %add3A_54 : i32
    "tpu.region"() ({
      %run_scoped3A = tpu.sem_alloc : memref<!tpu.dma_semaphore, #tpu.memory_space<semaphore_mem>>
      %dma_start3A_64 = arith.constant 0 : i32
      %dma_start3A_65 = tpu.memref_slice %arg13[%add3A_55, %dma_start3A_64] : memref<10240x64xf32, #tpu.memory_space<vmem_shared>> -> memref<128x64xf32, #tpu.memory_space<vmem_shared>>
      %dma_start3A_66 = arith.constant 0 : i32
      %dma_start3A_67 = tpu.memref_slice %arg13[%add3A_55, %dma_start3A_66] : memref<10240x64xf32, #tpu.memory_space<vmem_shared>> -> memref<128x64xf32, #tpu.memory_space<vmem_shared>>
      tpu.enqueue_dma source(%dma_start3A_67 : memref<128x64xf32, #tpu.memory_space<vmem_shared>>) target(%arg10 : memref<128x64xf32, #tpu.memory_space<vmem>>) target_semaphore(%run_scoped3A : memref<!tpu.dma_semaphore, #tpu.memory_space<semaphore_mem>>)
      %dma_wait3A = arith.constant 0 : i32
      %dma_wait3A_68 = tpu.memref_slice %arg13[%add3A_55, %dma_wait3A] : memref<10240x64xf32, #tpu.memory_space<vmem_shared>> -> memref<128x64xf32, #tpu.memory_space<vmem_shared>>
      %dma_wait3A_69 = arith.constant 0 : i32
      %dma_wait3A_70 = tpu.memref_slice %arg13[%add3A_55, %dma_wait3A_69] : memref<10240x64xf32, #tpu.memory_space<vmem_shared>> -> memref<128x64xf32, #tpu.memory_space<vmem_shared>>
      tpu.wait_dma2 semaphore(%run_scoped3A : memref<!tpu.dma_semaphore, #tpu.memory_space<semaphore_mem>>) src(%dma_wait3A_70 : memref<128x64xf32, #tpu.memory_space<vmem_shared>>) dst(%arg10 : memref<128x64xf32, #tpu.memory_space<vmem>>)
      tpu.yield
    }) : () -> ()
    %mul3A_56 = arith.constant 10240 : i32
    %mul3A_57 = arith.muli %arg0, %mul3A_56 : i32
    %add3A_58 = arith.addi %mul3A_57, %add3A_55 : i32
    "tpu.region"() ({
      %run_scoped3A = tpu.sem_alloc : memref<!tpu.dma_semaphore, #tpu.memory_space<semaphore_mem>>
      %dma_start3A_64 = arith.constant 0 : i32
      %dma_start3A_65 = tpu.memref_slice %arg6[%add3A_58, %dma_start3A_64] : memref<20480x64xf32, #tpu.memory_space<hbm>> -> memref<128x64xf32, #tpu.memory_space<hbm>>
      %dma_start3A_66 = arith.constant 0 : i32
      %dma_start3A_67 = tpu.memref_slice %arg6[%add3A_58, %dma_start3A_66] : memref<20480x64xf32, #tpu.memory_space<hbm>> -> memref<128x64xf32, #tpu.memory_space<hbm>>
      tpu.enqueue_dma source(%arg10 : memref<128x64xf32, #tpu.memory_space<vmem>>) target(%dma_start3A_67 : memref<128x64xf32, #tpu.memory_space<hbm>>) target_semaphore(%run_scoped3A : memref<!tpu.dma_semaphore, #tpu.memory_space<semaphore_mem>>)
      %dma_wait3A = arith.constant 0 : i32
      %dma_wait3A_68 = tpu.memref_slice %arg6[%add3A_58, %dma_wait3A] : memref<20480x64xf32, #tpu.memory_space<hbm>> -> memref<128x64xf32, #tpu.memory_space<hbm>>
      %dma_wait3A_69 = arith.constant 0 : i32
      %dma_wait3A_70 = tpu.memref_slice %arg6[%add3A_58, %dma_wait3A_69] : memref<20480x64xf32, #tpu.memory_space<hbm>> -> memref<128x64xf32, #tpu.memory_space<hbm>>
      tpu.wait_dma2 semaphore(%run_scoped3A : memref<!tpu.dma_semaphore, #tpu.memory_space<semaphore_mem>>) src(%arg10 : memref<128x64xf32, #tpu.memory_space<vmem>>) dst(%dma_wait3A_70 : memref<128x64xf32, #tpu.memory_space<hbm>>)
      tpu.yield
    }) : () -> ()
    %add3A_59 = arith.constant 512 : i32
    %add3A_60 = arith.addi %mul3A_8, %add3A_59 : i32
    "tpu.region"() ({
      %run_scoped3A = tpu.sem_alloc : memref<!tpu.dma_semaphore, #tpu.memory_space<semaphore_mem>>
      %dma_start3A_64 = arith.constant 0 : i32
      %dma_start3A_65 = tpu.memref_slice %arg13[%add3A_60, %dma_start3A_64] : memref<10240x64xf32, #tpu.memory_space<vmem_shared>> -> memref<128x64xf32, #tpu.memory_space<vmem_shared>>
      %dma_start3A_66 = arith.constant 0 : i32
      %dma_start3A_67 = tpu.memref_slice %arg13[%add3A_60, %dma_start3A_66] : memref<10240x64xf32, #tpu.memory_space<vmem_shared>> -> memref<128x64xf32, #tpu.memory_space<vmem_shared>>
      tpu.enqueue_dma source(%dma_start3A_67 : memref<128x64xf32, #tpu.memory_space<vmem_shared>>) target(%arg10 : memref<128x64xf32, #tpu.memory_space<vmem>>) target_semaphore(%run_scoped3A : memref<!tpu.dma_semaphore, #tpu.memory_space<semaphore_mem>>)
      %dma_wait3A = arith.constant 0 : i32
      %dma_wait3A_68 = tpu.memref_slice %arg13[%add3A_60, %dma_wait3A] : memref<10240x64xf32, #tpu.memory_space<vmem_shared>> -> memref<128x64xf32, #tpu.memory_space<vmem_shared>>
      %dma_wait3A_69 = arith.constant 0 : i32
      %dma_wait3A_70 = tpu.memref_slice %arg13[%add3A_60, %dma_wait3A_69] : memref<10240x64xf32, #tpu.memory_space<vmem_shared>> -> memref<128x64xf32, #tpu.memory_space<vmem_shared>>
      tpu.wait_dma2 semaphore(%run_scoped3A : memref<!tpu.dma_semaphore, #tpu.memory_space<semaphore_mem>>) src(%dma_wait3A_70 : memref<128x64xf32, #tpu.memory_space<vmem_shared>>) dst(%arg10 : memref<128x64xf32, #tpu.memory_space<vmem>>)
      tpu.yield
    }) : () -> ()
    %mul3A_61 = arith.constant 10240 : i32
    %mul3A_62 = arith.muli %arg0, %mul3A_61 : i32
    %add3A_63 = arith.addi %mul3A_62, %add3A_60 : i32
    "tpu.region"() ({
      %run_scoped3A = tpu.sem_alloc : memref<!tpu.dma_semaphore, #tpu.memory_space<semaphore_mem>>
      %dma_start3A_64 = arith.constant 0 : i32
      %dma_start3A_65 = tpu.memref_slice %arg6[%add3A_63, %dma_start3A_64] : memref<20480x64xf32, #tpu.memory_space<hbm>> -> memref<128x64xf32, #tpu.memory_space<hbm>>
      %dma_start3A_66 = arith.constant 0 : i32
      %dma_start3A_67 = tpu.memref_slice %arg6[%add3A_63, %dma_start3A_66] : memref<20480x64xf32, #tpu.memory_space<hbm>> -> memref<128x64xf32, #tpu.memory_space<hbm>>
      tpu.enqueue_dma source(%arg10 : memref<128x64xf32, #tpu.memory_space<vmem>>) target(%dma_start3A_67 : memref<128x64xf32, #tpu.memory_space<hbm>>) target_semaphore(%run_scoped3A : memref<!tpu.dma_semaphore, #tpu.memory_space<semaphore_mem>>)
      %dma_wait3A = arith.constant 0 : i32
      %dma_wait3A_68 = tpu.memref_slice %arg6[%add3A_63, %dma_wait3A] : memref<20480x64xf32, #tpu.memory_space<hbm>> -> memref<128x64xf32, #tpu.memory_space<hbm>>
      %dma_wait3A_69 = arith.constant 0 : i32
      %dma_wait3A_70 = tpu.memref_slice %arg6[%add3A_63, %dma_wait3A_69] : memref<20480x64xf32, #tpu.memory_space<hbm>> -> memref<128x64xf32, #tpu.memory_space<hbm>>
      tpu.wait_dma2 semaphore(%run_scoped3A : memref<!tpu.dma_semaphore, #tpu.memory_space<semaphore_mem>>) src(%arg10 : memref<128x64xf32, #tpu.memory_space<vmem>>) dst(%dma_wait3A_70 : memref<128x64xf32, #tpu.memory_space<hbm>>)
      tpu.yield
    }) : () -> ()
    return
  }
}

module attributes {stable_mosaic.version = 14 : i64} {
  func.func @_mm1_body(%arg0: memref<10240x128xf32, #tpu.memory_space<vmem>>, %arg1: memref<128x64xf32, #tpu.memory_space<vmem>>, %arg2: memref<10240x64xf32, #tpu.memory_space<vmem>>) attributes {dimension_semantics = [], scalar_prefetch = 0 : i64, scratch_operands = 0 : i64, tpu.core_type = #tpu.core_type<tc>} {
    %get3A = arith.constant 0 : index
    %get3A_0 = arith.constant 0 : index
    %get3A_1 = vector.load %arg0[%get3A, %get3A_0] : memref<10240x128xf32, #tpu.memory_space<vmem>>, vector<10240x128xf32>
    %get3A_2 = arith.constant 0 : index
    %get3A_3 = arith.constant 0 : index
    %get3A_4 = vector.load %arg1[%get3A_2, %get3A_3] : memref<128x64xf32, #tpu.memory_space<vmem>>, vector<128x64xf32>
    %dot_general3A = arith.constant dense<0.000000e+00> : vector<10240x64xf32>
    %dot_general3A_5 = tpu.matmul %get3A_1, %get3A_4, %dot_general3A {dimension_numbers = #tpu.dot_dimension_numbers<[1], [0], [0], [1], [0, 0, 1, 1], [], []>, transpose_lhs_hint = false} : vector<10240x128xf32>, vector<128x64xf32>, vector<10240x64xf32> -> vector<10240x64xf32>
    %swap3A = arith.constant 0 : index
    %swap3A_6 = arith.constant 0 : index
    %swap3A_7 = vector.load %arg2[%swap3A, %swap3A_6] : memref<10240x64xf32, #tpu.memory_space<vmem>>, vector<10240x64xf32>
    tpu.vector_store %arg2[%swap3A, %swap3A_6], %dot_general3A_5 {strides = array<i32>} : memref<10240x64xf32, #tpu.memory_space<vmem>>, vector<10240x64xf32>,
    return
  }
}

module attributes {stable_mosaic.version = 14 : i64} {
  func.func @_mm2_body(%arg0: memref<2x10240x64xf32, #tpu.memory_space<vmem>>, %arg1: memref<1x64xf32, #tpu.memory_space<vmem>>, %arg2: memref<64x16xf32, #tpu.memory_space<vmem>>, %arg3: memref<10240x16xf32, #tpu.memory_space<vmem>>) attributes {dimension_semantics = [], scalar_prefetch = 0 : i64, scratch_operands = 0 : i64, tpu.core_type = #tpu.core_type<tc>} {
    %get3A = arith.constant 0 : index
    %get3A_0 = arith.constant 0 : index
    %get3A_1 = arith.constant 0 : index
    %get3A_2 = vector.load %arg0[%get3A, %get3A_0, %get3A_1] : memref<2x10240x64xf32, #tpu.memory_space<vmem>>, vector<1x10240x64xf32>
    %get3A_3 = vector.shape_cast %get3A_2 : vector<1x10240x64xf32> to vector<10240x64xf32>
    %get3A_4 = arith.constant 1 : index
    %get3A_5 = arith.constant 0 : index
    %get3A_6 = arith.constant 0 : index
    %get3A_7 = vector.load %arg0[%get3A_4, %get3A_5, %get3A_6] : memref<2x10240x64xf32, #tpu.memory_space<vmem>>, vector<1x10240x64xf32>
    %get3A_8 = vector.shape_cast %get3A_7 : vector<1x10240x64xf32> to vector<10240x64xf32>
    %add3A = arith.addf %get3A_3, %get3A_8 : vector<10240x64xf32>
    %get3A_9 = arith.constant 0 : index
    %get3A_10 = arith.constant 0 : index
    %get3A_11 = vector.load %arg1[%get3A_9, %get3A_10] : memref<1x64xf32, #tpu.memory_space<vmem>>, vector<1x64xf32>
    %add3A_12 = vector.broadcast %get3A_11 : vector<1x64xf32> to vector<10240x64xf32>
    %add3A_13 = arith.addf %add3A, %add3A_12 : vector<10240x64xf32>
    %max3A = arith.constant 0.000000e+00 : f32
    %max3A_14 = vector.broadcast %max3A : f32 to vector<10240x64xf32>
    %max3A_15 = arith.maximumf %add3A_13, %max3A_14 : vector<10240x64xf32>
    %get3A_16 = arith.constant 0 : index
    %get3A_17 = arith.constant 0 : index
    %get3A_18 = vector.load %arg2[%get3A_16, %get3A_17] : memref<64x16xf32, #tpu.memory_space<vmem>>, vector<64x16xf32>
    %dot_general3A = arith.constant dense<0.000000e+00> : vector<10240x16xf32>
    %dot_general3A_19 = tpu.matmul %max3A_15, %get3A_18, %dot_general3A {dimension_numbers = #tpu.dot_dimension_numbers<[1], [0], [0], [1], [0, 0, 1, 1], [], []>, transpose_lhs_hint = false} : vector<10240x64xf32>, vector<64x16xf32>, vector<10240x16xf32> -> vector<10240x16xf32>
    %swap3A = arith.constant 0 : index
    %swap3A_20 = arith.constant 0 : index
    %swap3A_21 = vector.load %arg3[%swap3A, %swap3A_20] : memref<10240x16xf32, #tpu.memory_space<vmem>>, vector<10240x16xf32>
    tpu.vector_store %arg3[%swap3A, %swap3A_20], %dot_general3A_19 {strides = array<i32>} : memref<10240x16xf32, #tpu.memory_space<vmem>>, vector<10240x16xf32>,
    return
  }
}

module attributes {stable_mosaic.version = 14 : i64} {
  func.func @_fin_body(%arg0: memref<2x10000x16xf32, #tpu.memory_space<vmem>>, %arg1: memref<1x16xf32, #tpu.memory_space<vmem>>, %arg2: memref<10000x16xf32, #tpu.memory_space<vmem>>) attributes {dimension_semantics = [], scalar_prefetch = 0 : i64, scratch_operands = 0 : i64, tpu.core_type = #tpu.core_type<tc>} {
    %get3A = arith.constant 0 : index
    %get3A_0 = arith.constant 0 : index
    %get3A_1 = arith.constant 0 : index
    %get3A_2 = vector.load %arg0[%get3A, %get3A_0, %get3A_1] : memref<2x10000x16xf32, #tpu.memory_space<vmem>>, vector<1x10000x16xf32>
    %get3A_3 = vector.shape_cast %get3A_2 : vector<1x10000x16xf32> to vector<10000x16xf32>
    %get3A_4 = arith.constant 1 : index
    %get3A_5 = arith.constant 0 : index
    %get3A_6 = arith.constant 0 : index
    %get3A_7 = vector.load %arg0[%get3A_4, %get3A_5, %get3A_6] : memref<2x10000x16xf32, #tpu.memory_space<vmem>>, vector<1x10000x16xf32>
    %get3A_8 = vector.shape_cast %get3A_7 : vector<1x10000x16xf32> to vector<10000x16xf32>
    %add3A = arith.addf %get3A_3, %get3A_8 : vector<10000x16xf32>
    %get3A_9 = arith.constant 0 : index
    %get3A_10 = arith.constant 0 : index
    %get3A_11 = vector.load %arg1[%get3A_9, %get3A_10] : memref<1x16xf32, #tpu.memory_space<vmem>>, vector<1x16xf32>
    %add3A_12 = vector.broadcast %get3A_11 : vector<1x16xf32> to vector<10000x16xf32>
    %add3A_13 = arith.addf %add3A, %add3A_12 : vector<10000x16xf32>
    %swap3A = arith.constant 0 : index
    %swap3A_14 = arith.constant 0 : index
    %swap3A_15 = vector.load %arg2[%swap3A, %swap3A_14] : memref<10000x16xf32, #tpu.memory_space<vmem>>, vector<10000x16xf32>
    tpu.vector_store %arg2[%swap3A, %swap3A_14], %add3A_13 {strides = array<i32>} : memref<10000x16xf32, #tpu.memory_space<vmem>>, vector<10000x16xf32>,
    return
  }
}

</mosaic_0001>

<sc_bundles>
// kernel: kernel.10.cloned.1.call-start
scs
__scs_entry_jumppad:
0x0: {  	(pc) =	sbr.rel $0x88, $3  }
0x1: {  	(tag) =	ssettag $0x0;
	lr =	simm.s32 $0x1  }
0x2: {  	[smem:$0x3F9A] =	sst lr;
	_ =	strace $0xD0000000  }
0x3: {  	_ = 	snop  }
0x4: {  	_ = 	snop  }
0x5: {  	_ = 	snop  }
0x6: {  	_ = 	snop  }
0x7: {  	_ = 	snop  }
__scs_overlays_trampoline_lowered:
0x8: {  	[smem:$0x3FA9] =	sst s0  }
0x9: {  	[smem:$0x3FAA] =	sst s1  }
0xa: {  	[smem:$0x3FAB] =	sst s2  }
0xb: {  	[smem:$0x3FAC] =	sst s3  }
0xc: {  	[smem:$0x3FAD] =	sst s4  }
0xd: {  	[smem:$0x3FAE] =	sst s5  }
0xe: {  	[smem:$0x3FAF] =	sst s6  }
0xf: {  	[smem:$0x3FB0] =	sst s7  }
0x10: {  	[smem:$0x3FB1] =	sst s8  }
0x11: {  	[smem:$0x3FB2] =	sst s9;
	s0 =	simm.s32 @!p0 $0x0  }
0x12: {  	s1 =	sld [smem:$0x3F98];
	s0 =	simm.s32 @p0 $0x1  }
0x13: {  	[smem:$0x3FB3] =	sst s0;
	s0 =	simm.s32 @!p1 $0x0  }
0x14: {  	s2 =	sld [smem:$0x3F97];
	s0 =	simm.s32 @p1 $0x1  }
0x15: {  	[smem:$0x3FB4] =	sst s0;
	s0 =	simm.s32 @!p2 $0x0  }
0x16: {  	s3 =	sld [smem:$0x3FDB];
	s0 =	simm.s32 @p2 $0x1  }
0x17: {  	s4 =	simm.s32 $0x1BF5;
	[smem:$0x3FB6] =	sst s0  }
0x18: {  	s0 =	sld [smem:$0x3F99];
	_ =	swait.ge [sflag:s4], $0x0  }
0x19: {  	s7 =	sld [smem:$0x3F9A]  }
0x1a: {  	s8 =	sadd.s32 $0xFFFFE003, lr  }
0x1b: {  	s9 =	sadd.s32 $0xFFFFFEF7, lr;
	s5 =	simm.s32 $0xFFFFFFFF;
	p2 =	slt.u32 s8, $0xFFFFF086  }
0x1c: {  	p1 =	slt.u32 s9, $0xF7A;
	s5 =	simm.s32 @!p2 $0x0  }
0x1d: {  	s5 =	simm.s32 @p1 $0x1;
	p0 =	seq.s32 s7, s2  }
0x1e: {  	s7 =	smul.u32 @!p0 $0xF7A, s2;
	p2 =	seq.s32 @!p0 s5, $0x0  }
0x1f: {  	s9 =	smul.u32 $0xF7A, s1;
	s8 =	simm.s32 @!p0 $0x1BF5;
	p2 =	por !p2, p0  }
0x20: {  	[sflag:s8] =	ssyncset.s32 @!p0 $0xFFFFF086;
	s6 =	sadd.s32 @!p0 s3, s7;
	s7 =	simm.s32 @!p0 $0x108  }
0x21: {  	s3 =	sadd.s32 s3, s9;
	s6 =	sadd.s32 @!p0 $0x88, s6;
	s7 =	simm.s32 @p2 $0x1082  }
0x22: {  	[simem:s7], [sflag:s8] =	dma.local @!p0 [hbm:s6], $0xF7A  }
0x23: {  	s9 =	sor.u32 $0xD0000000, s2;
	s6 =	simm.s32 $0x108;
	_ =	swait.ge @!p0 [sflag:s8], $0x0  }
0x24: {  	s3 =	sadd.s32 $0x88, s3;
	s6 =	simm.s32 @!p1 $0x1082;
	[sflag:s4] =	ssyncset.s32 $0xFFFFF086  }
0x25: {  	[simem:s6], [sflag:s4] =	dma.local [hbm:s3], $0xF7A  }
0x26: {  	[smem:$0x3F9A] =	sst s1;
	(tag) =	ssettag s2;
	_ =	strace s9  }
0x27: {  	s1 =	sld [smem:$0x3FAA]  }
0x28: {  	s2 =	sld [smem:$0x3FAB]  }
0x29: {  	s4 =	sld [smem:$0x3FAD]  }
0x2a: {  	p0 =	seq.s32 s5, $0x0;
	s5 =	sld [smem:$0x3FAE]  }
0x2b: {  	s6 =	sld [smem:$0x3FAF]  }
0x2c: {  	s7 =	sld [smem:$0x3FB0]  }
0x2d: {  	s3 =	simm.s32 $0x108;
	s8 =	sld [smem:$0x3FB1]  }
0x2e: {  	s3 =	simm.s32 @!p0 $0x1082;
	s9 =	sld [smem:$0x3FB2]  }
0x2f: {  	lr =	sadd.s32 s0, s3;
	s0 =	sld [smem:$0x3FA9]  }
0x30: {  	s3 =	sld [smem:$0x3FAC]  }
0x31: {  	[smem:$0x3FB5] =	sst s10  }
0x32: {  	s10 =	sld [smem:$0x3FB3];
	_ =	sdelay $0x3  }
0x33: {  	p0 =	seq.s32 s10, $0x1;
	s10 =	sld [smem:$0x3FB5];
	_ =	sdelay $0x3  }
0x34: {  	[smem:$0x3FB5] =	sst s10  }
0x35: {  	s10 =	sld [smem:$0x3FB4];
	_ =	sdelay $0x3  }
0x36: {  	p1 =	seq.s32 s10, $0x1;
	s10 =	sld [smem:$0x3FB5];
	_ =	sdelay $0x3  }
0x37: {  	[smem:$0x3FB5] =	sst s10  }
0x38: {  	s10 =	sld [smem:$0x3FB6]  }
0x39: {  	_ = 	snop;
	(pc) =	sbr.ind lr, $3  }
0x3a: {  	_ = 	snop  }
0x3b: {  	_ = 	snop  }
0x3c: {  	p2 =	seq.s32 s10, $0x1;
	s10 =	sld [smem:$0x3FB5]  }
0x3d: {  	_ =	shalt  }
0x3e: {  	_ =	shalt  }
0x3f: {  	_ =	shalt  }
0x40: {  	_ =	shalt  }
0x41: {  	_ =	shalt  }
0x42: {  	_ =	shalt  }
0x43: {  	_ =	shalt  }
0x44: {  	_ =	shalt  }
0x45: {  	_ =	shalt  }
0x46: {  	_ =	shalt  }
0x47: {  	_ =	shalt  }
0x48: {  	_ =	shalt  }
0x49: {  	_ =	shalt  }
0x4a: {  	_ =	shalt  }
0x4b: {  	_ =	shalt  }
0x4c: {  	_ =	shalt  }
0x4d: {  	_ =	shalt  }
0x4e: {  	_ =	shalt  }
0x4f: {  	_ =	shalt  }
0x50: {  	_ =	shalt  }
0x51: {  	_ =	shalt  }
0x52: {  	_ =	shalt  }
0x53: {  	_ =	shalt  }
0x54: {  	_ =	shalt  }
0x55: {  	_ =	shalt  }
0x56: {  	_ =	shalt  }
0x57: {  	_ =	shalt  }
0x58: {  	_ =	shalt  }
0x59: {  	_ =	shalt  }
0x5a: {  	_ =	shalt  }
0x5b: {  	_ =	shalt  }
0x5c: {  	_ =	shalt  }
0x5d: {  	_ =	shalt  }
0x5e: {  	_ =	shalt  }
0x5f: {  	_ =	shalt  }
0x60: {  	_ =	shalt  }
0x61: {  	_ =	shalt  }
0x62: {  	_ =	shalt  }
0x63: {  	_ =	shalt  }
0x64: {  	_ =	shalt  }
0x65: {  	_ =	shalt  }
0x66: {  	_ =	shalt  }
0x67: {  	_ =	shalt  }
0x68: {  	_ =	shalt  }
0x69: {  	_ =	shalt  }
0x6a: {  	_ =	shalt  }
0x6b: {  	_ =	shalt  }
0x6c: {  	_ =	shalt  }
0x6d: {  	_ =	shalt  }
0x6e: {  	_ =	shalt  }
0x6f: {  	_ =	shalt  }
0x70: {  	_ =	shalt  }
0x71: {  	_ =	shalt  }
0x72: {  	_ =	shalt  }
0x73: {  	_ =	shalt  }
0x74: {  	_ =	shalt  }
0x75: {  	_ =	shalt  }
0x76: {  	_ =	shalt  }
0x77: {  	_ =	shalt  }
0x78: {  	_ =	shalt  }
0x79: {  	_ =	shalt  }
0x7a: {  	_ =	shalt  }
0x7b: {  	_ =	shalt  }
0x7c: {  	_ =	shalt  }
0x7d: {  	_ =	shalt  }
0x7e: {  	_ =	shalt  }
0x7f: {  	_ =	shalt  }
0x80: {  	_ =	shalt  }
0x81: {  	_ =	shalt  }
0x82: {  	_ =	shalt  }
0x83: {  	_ =	shalt  }
0x84: {  	_ =	shalt  }
0x85: {  	_ =	shalt  }
0x86: {  	_ =	shalt  }
0x87: {  	_ =	shalt  }
.Lfunc_end0:
.L_simem_size_0:
called_computation.1_lowered:
.L_overlay_start_0:
0x88: {  	s2 =	sld [smem:$0x3FD9]  }
0x89: {  	s3 =	sld [smem:$0x3FFE];
	_ =	sdelay $0x1  }
0x8a: {  	s1 =	srdreg.scid  }
0x8b: {  	s0 =	sand.u32 $0x1, s1  }
0x8c: {  	s16 =	sshll.u32 s0, $0xA;
	s2 =	sadd.s32 s3, s2  }
0x8d: {  	s2 =	sadd.s32 s2, s16  }
0x8e: {  	[smem:$0x3FC1] =	sst s2  }
0x8f: {  	_ = 	snop  }
0x90: {  	(tm) =	ssettm $0x1  }
0x91: {  	s17 =	sld [smem:$0x3FFB];
	_ =	sdelay $0x3  }
0x92: {  	_ =	strace s17  }
0x93: {  	s2 =	sld [smem:$0x3FFC];
	_ =	sdelay $0x3  }
0x94: {  	_ =	strace s2  }
0x95: {  	s2 =	sld [smem:$0x3FFD];
	_ =	sdelay $0x3  }
0x96: {  	_ =	strace s2  }
0x97: {  	_ =	strace $0x8FFFFFFF  }
0x98: {  	s18 =	sld [smem:$0x3FDB];
	_ =	sdelay $0x1  }
0x99: {  	s19 =	simm.s32 $_scs_section_size  }
0x9a: {  	s4 =	simm.s32 $_size__tile_overlayer_lowered;
	s5 =	simm.s32 $_tile_overlayer_lowered  }
0x9b: {  	s22 =	simm.s32 $0x1BFF;
	s21 =	sshll.u32 s5, $0x1;
	s2 =	sadd.s32 s19, s18  }
0x9c: {  	s6 =	simm.s32 $0x0;
	s20 =	sshll.u32 s4, $0x1;
	s4 =	sadd.s32 s21, s2  }
0x9d: {  	[timem:s6], [sflag:s22] =	dma.local [hbm:s4], s20  }
0x9e: {  	_ =	swait.ge [sflag:s22], s20  }
0x9f: {  	s3 =	ssub.s32 $0x0, s20;
	[sflag:s22] =	ssyncset.done $0x0  }
0xa0: {  	[sflag:s22] =	ssyncadd.s32 s3;
	_ =	sdelay $0x1  }
0xa1: {  	s23 =	simm.s32 $0x1B8B  }
0xa2: {  	_ =	swait.ge [sflag:s23], $0x1  }
0xa3: {  	[sflag:s23] =	ssyncset.done $0x0  }
0xa4: {  	s25 =	simm.s32 $0x1B8E;
	s24 =	sld [smem:$0x3FFE];
	[sflag:s23] =	ssyncadd.s32 $0xFFFFFFFF  }
0xa5: {  	s26 =	simm.s32 $execute0_lowered;
	[smem:$0x3FD2] =	sst s25  }
0xa6: {  	s4 =	sshll.u32 s26, $0x1;
	_ =	strace $0x80000049;
	[dreg:$0x1] =	wrdreg $0xFFFFFFFF  }
0xa7: {  	s28 =	simm.s32 $_size_execute0_lowered;
	s2 =	sadd.s32 s2, s4;
	[dreg:$0x0] =	wrdreg $0x0  }
0xa8: {  	s4 =	sshll.u32 s28, $0x1;
	[dreg:$0x2] =	wrdreg s2  }
0xa9: {  	[dreg:$0x3] =	wrdreg s4  }
0xaa: {  	[dreg:$0x4] =	wrdreg $0xC0  }
0xab: {  	_ =	task [dreg:s6], $0x5FFFF  }
0xac: {  	[dreg:$0x1] =	wrdreg $0xFFFFFFFF  }
0xad: {  	[dreg:$0x0] =	wrdreg $0x60  }
0xae: {  	[dreg:$0x2] =	wrdreg s24  }
0xaf: {  	[dreg:$0x3] =	wrdreg $0x90000  }
0xb0: {  	[dreg:$0x4] =	wrdreg $0x9  }
0xb1: {  	_ =	task.clear_ibuf [dreg:s6], $0x5FFFF;
	_ =	strace $0x90000049  }
0xb2: {  	s29 =	simm.s32 $0x9;
	_ =	strace $0x8000004B  }
0xb3: {  	_ =	swait.ge [sflag:s29], $0x1  }
0xb4: {  	[sflag:s29] =	ssyncadd.s32 $0xFFFFFFFF  }
0xb5: {  	_ =	strace $0x9000004B  }
0xb6: {  	_ =	sfence  }
0xb7: {  	s30 =	sld [smem:$0x0];
	_ =	sdelay $0x2  }
0xb8: {  	s31 =	sshll.u32 s1, $0xD;
	s1 =	sshrl.u32 s1, $0x2  }
0xb9: {  	s3 =	sand.u32 $0x4000, s31;
	s1 =	sadd.s32 s1, s30  }
0xba: {  	s0 =	sor.u32 s3, s0;
	s1 =	sshll.u32 s1, $0x11  }
0xbb: {  	s0 =	sor.u32 s1, s0  }
0xbc: {  	s0 =	sadd.s32 $0x8F2B, s0  }
0xbd: {  	[sflag:s0] =	ssyncadd.remote.s32 $0x1  }
0xbe: {  	_ =	sfence.sel $0xFFFF  }
0xbf: {  	[dreg:$0x0] =	wrdreg $0xFFFFFFFF;
	(pc) =	sbr.abs _section_cstart, $3  }
0xc0: {  	[dreg:$0x1] =	wrdreg $0xFFFFFFFF  }
0xc1: {  	_ =	task.clear_ibuf [dreg:s6], $0x2FFFF;
	_ =	strace $0x9FFFFFFF  }
0xc2: {  	(tm) =	ssettm $0x7FFFFFFF  }
0xc3: {  	_ =	shalt  }
tec
execute0_lowered:
.L_overlay_start_1:
0x0: {  	(tag) =	ssettag $0x1  }
0x1: {  	s0 =	rddreg [dreg:$0x0]  }
0x2: {  	s2 =	rddreg [dreg:$0x1]  }
0x3: {  	s1 =	srdreg.scid;
	s9 =	stileid.u32;
	s3 =	simm.s32 $0x0  }
0x4: {  	s28 =	simm.s32 $0x2;
	s29 =	simm.s32 $0x3;
	s30 =	simm.s32 $0x4  }
0x5: {  	s31 =	simm.s32 $0x0;
	s1 =	sand.u32 $0x1, s1;
	s7 =	smul.u32 $0x280, s9  }
0x6: {  	s4 =	sshll.u32 s9, $0x1;
	[smem:$0x7FF] =	sst s3;
	s9 =	smul.u32 $0xA000, s9  }
0x7: {  	s4 =	sor.u32 s1, s4;
	s6 =	ssub.s32 $0x2, s1;
	s1 =	smul.u32 $0x2800, s1  }
0x8: {  	_ =	strace $0x8000004A;
	s5 =	smul.u32 $0x500, s4;
	s4 =	sadd.s32 $0x1F000, s0  }
0x9: {  	s8 =	sshrl.u32 s6, $0x1;
	s21 =	sshrl.u32 s9, $0x2;
	s12 =	sadd.s32 $0x80, s7  }
0xa: {  	s23 =	sadd.s32 $0x100, s7;
	s13 =	sadd.s32 $0x180, s7;
	s15 =	sadd.s32 $0x200, s7  }
0xb: {  	s6 =	ssub.s32 s6, s8;
	s8 =	sadd.s32 s21, s2;
	s22 =	sshll.u32 s12, $0x4  }
0xc: {  	s10 =	sshll.u32 s23, $0x4;
	s11 =	sshll.u32 s13, $0x4;
	s14 =	sshll.u32 s15, $0x4  }
0xd: {  	s7 =	sadd.s32 s7, s1;
	s16 =	sadd.s32 s1, s12;
	s25 =	sadd.s32 s1, s13  }
0xe: {  	s5 =	sadd.s32 s5, s0;
	s0 =	sadd.s32 $0x24000, s0;
	s9 =	sadd.s32 s22, s2  }
0xf: {  	s10 =	sadd.s32 s10, s2;
	s11 =	sadd.s32 s11, s2;
	s12 =	sadd.s32 s14, s2  }
0x10: {  	s7 =	sshll.u32 s7, $0x1;
	s24 =	sshll.u32 s16, $0x1;
	s26 =	sshll.u32 s25, $0x1  }
0x11: {  	s18 =	smax.u32 s6, $0x1;
	s22 =	simm.s32 $0x8800;
	s25 =	simm.s32 $0x8000  }
0x12: {  	s19 =	sadd.s32 $0xB000, s5;
	s20 =	sadd.s32 $0x1000, s5;
	s5 =	sadd.s32 $0x15000, s5  }
0x13: {  	v0 =	vimm.f32 $0.0e+00;
	v1 =	vimm.s32 $0x0;
	s7 =	sadd.s32 s0, s7;
	s14 =	sadd.s32 s0, s24;
	[dreg:$0x3] =	wrdreg s19  }
.Ltmp0:
0x14: {  	v2 =	vimm.s32 $0x1;
	v3 =	vimm.s32 $0x2;
	v4 =	vimm.s32 $0x3;
	s16 =	sadd.s32 s0, s26;
	[dreg:$0x4] =	wrdreg s20;
	(pc) =	sbr.rel .LBB2_1-.Ltmp0, $4  }
0x15: {  	v5 =	vimm.s32 $0x4;
	v6 =	vimm.s32 $0x5;
	v7 =	vimm.s32 $0x6;
	s24 =	simm.s32 $0x7800;
	s26 =	simm.s32 $0x1;
	[dreg:$0x5] =	wrdreg s5  }
0x16: {  	v8 =	vimm.s32 $0x7;
	v9 =	vimm.s32 $0x8;
	v10 =	vimm.s32 $0x9;
	[dreg:$0x6] =	wrdreg s7;
	s5 =	sadd.s32 s1, s23;
	s1 =	sadd.s32 s1, s15  }
0x17: {  	v11 =	vimm.s32 $0xA;
	v12 =	vimm.s32 $0xB;
	v13 =	vimm.s32 $0xC;
	s19 =	simm.s32 $0x5;
	s5 =	sshll.u32 s5, $0x1;
	s1 =	sshll.u32 s1, $0x1  }
0x18: {  	v14 =	vimm.s32 $0xD;
	v15 =	vimm.s32 $0xE;
	v16 =	vimm.s32 $0xF;
	s23 =	simm.s32 $0x80;
	s15 =	sadd.s32 s0, s5;
	s17 =	sadd.s32 s0, s1  }
.LBB2_10:
0x19: {  	_ =	swait.ge [sflag:s30], $0x800  }
0x1a: {  	[sflag:s30] =	ssyncset.done $0x0  }
0x1b: {  	[sflag:s30] =	ssyncadd.s32 $0xFFFFF800  }
0x1c: {  	[bflag:$0x0] =	sbarrier.arrive $0xFFFF  }
0x1d: {  	[tilespmem:s24], [sflag:$0x5] =	stream.linear.gather [spmem:s8], $0x800, $0x38;
	[tilespmem:$0xB800] =	vst v63  }
0x1e: {  	_ =	swait.ge [sflag:s19], $0x800  }
0x1f: {  	[sflag:s19] =	ssyncset.done $0x0  }
0x20: {  	s0 =	rddreg [dreg:$0x6];
	[sflag:s19] =	ssyncadd.s32 $0xFFFFF800  }
0x21: {  	[hbm4b:s0+s3] =	stream.linear.scatter [tilespmem:s24], [sflag:$0x5], $0x800, $0x38;
	[tilespmem:$0xB800] =	vst v63  }
0x22: {  	_ =	swait.ge [sflag:s19], $0x800  }
0x23: {  	[sflag:s19] =	ssyncset.done $0x0  }
0x24: {  	[sflag:s19] =	ssyncadd.s32 $0xFFFFF800  }
0x25: {  	[tilespmem:s24], [sflag:$0x5] =	stream.linear.gather [spmem:s9], $0x800, $0x38;
	[tilespmem:$0xB800] =	vst v63  }
0x26: {  	_ =	swait.ge [sflag:s19], $0x800  }
0x27: {  	[sflag:s19] =	ssyncset.done $0x0  }
0x28: {  	[sflag:s19] =	ssyncadd.s32 $0xFFFFF800  }
0x29: {  	[hbm4b:s14+s3] =	stream.linear.scatter [tilespmem:s24], [sflag:$0x5], $0x800, $0x38;
	[tilespmem:$0xB800] =	vst v63  }
0x2a: {  	_ =	swait.ge [sflag:s19], $0x800  }
0x2b: {  	[sflag:s19] =	ssyncset.done $0x0  }
0x2c: {  	[sflag:s19] =	ssyncadd.s32 $0xFFFFF800  }
0x2d: {  	[tilespmem:s24], [sflag:$0x5] =	stream.linear.gather [spmem:s10], $0x800, $0x38;
	[tilespmem:$0xB800] =	vst v63  }
0x2e: {  	_ =	swait.ge [sflag:s19], $0x800  }
0x2f: {  	[sflag:s19] =	ssyncset.done $0x0  }
0x30: {  	[sflag:s19] =	ssyncadd.s32 $0xFFFFF800  }
0x31: {  	[hbm4b:s15+s3] =	stream.linear.scatter [tilespmem:s24], [sflag:$0x5], $0x800, $0x38;
	[tilespmem:$0xB800] =	vst v63  }
0x32: {  	_ =	swait.ge [sflag:s19], $0x800  }
0x33: {  	[sflag:s19] =	ssyncset.done $0x0  }
0x34: {  	[sflag:s19] =	ssyncadd.s32 $0xFFFFF800  }
0x35: {  	[tilespmem:s24], [sflag:$0x5] =	stream.linear.gather [spmem:s11], $0x800, $0x38;
	[tilespmem:$0xB800] =	vst v63  }
0x36: {  	_ =	swait.ge [sflag:s19], $0x800  }
0x37: {  	[sflag:s19] =	ssyncset.done $0x0  }
0x38: {  	[sflag:s19] =	ssyncadd.s32 $0xFFFFF800  }
0x39: {  	[hbm4b:s16+s3] =	stream.linear.scatter [tilespmem:s24], [sflag:$0x5], $0x800, $0x38;
	[tilespmem:$0xB800] =	vst v63  }
0x3a: {  	_ =	swait.ge [sflag:s19], $0x800  }
0x3b: {  	[sflag:s19] =	ssyncset.done $0x0  }
0x3c: {  	[sflag:s19] =	ssyncadd.s32 $0xFFFFF800  }
0x3d: {  	[tilespmem:s24], [sflag:$0x5] =	stream.linear.gather [spmem:s12], $0x800, $0x38;
	[tilespmem:$0xB800] =	vst v63  }
0x3e: {  	s31 =	sadd.s32 $0x1, s31;
	_ =	swait.ge [sflag:s19], $0x800  }
0x3f: {  	p0 =	sne.s32 s31, s18;
	[sflag:s19] =	ssyncset.done $0x0  }
.Ltmp1:
0x40: {  	[sflag:s19] =	ssyncadd.s32 $0xFFFFF800;
	(pc) =	sbr.rel @!p0 .LBB2_11-.Ltmp1, $4  }
0x41: {  	[hbm4b:s17+s3] =	stream.linear.scatter [tilespmem:s24], [sflag:$0x5], $0x800, $0x38;
	[tilespmem:$0xB800] =	vst v63  }
0x42: {  	_ =	swait.ge [sflag:s19], $0x800  }
0x43: {  	[sflag:s19] =	ssyncset.done $0x0  }
0x44: {  	[sflag:s19] =	ssyncadd.s32 $0xFFFFF800  }
.LBB2_1:
0x45: {  	s0 =	rddreg [dreg:$0x3]  }
0x46: {  	[tilespmem:s3], [sflag:$0x5] =	stream.linear.gather [hbm4b:s0+s3], $0x2800, $0x38;
	[tilespmem:$0xB800] =	vst v63  }
0x47: {  	_ =	swait.ge [sflag:s19], $0x2800  }
0x48: {  	[sflag:s19] =	ssyncset.done $0x0  }
0x49: {  	s1 =	simm.s32 $0x2800;
	s13 =	rddreg [dreg:$0x4];
	[sflag:s19] =	ssyncadd.s32 $0xFFFFD800  }
0x4a: {  	[tilespmem:s1], [sflag:$0x5] =	stream.linear.gather [hbm4b:s13+s3], $0x2800, $0x38;
	[tilespmem:$0xB800] =	vst v63  }
0x4b: {  	_ =	swait.ge [sflag:s19], $0x2800  }
0x4c: {  	[sflag:s19] =	ssyncset.done $0x0  }
0x4d: {  	s21 =	simm.s32 $0x5000;
	s20 =	rddreg [dreg:$0x5];
	[sflag:s19] =	ssyncadd.s32 $0xFFFFD800  }
0x4e: {  	[tilespmem:s21], [sflag:$0x5] =	stream.linear.gather [hbm4b:s20+s3], $0x2800, $0x38;
	[tilespmem:$0xB800] =	vst v63  }
0x4f: {  	_ =	swait.ge [sflag:s19], $0x2800  }
0x50: {  	[sflag:s19] =	ssyncset.done $0x0  }
0x51: {  	s0 =	simm.s32 $0x40;
	s1 =	simm.s32 $0x0;
	[sflag:s19] =	ssyncadd.s32 $0xFFFFD800  }
.LBB2_2:
0x52: {  	p0 =	sne.s32 s0, $0x1FC0;
	[tilespmem:s1+$0x8800] =	vst v0;
	s1 =	smov.u32 s0;
	s0 =	sadd.s32 $0x40, s0  }
.Ltmp2:
0x53: {  	(pc) =	sbr.rel @p0 .LBB2_2-.Ltmp2, $2  }
0x54: {  	_ =	sdelay $0x2  }
0x55: {  	s1 =	sshra.s32 s1, $0x2  }
0x56: {  	[tilespmem:s1+$0x8800] =	vst v0  }
0x57: {  	[spmem:s8] =	stream.linear.scatter [tilespmem:s22], [sflag:$0x5], $0x800, $0x38;
	[tilespmem:$0xB800] =	vst v63  }
0x58: {  	_ =	swait.ge [sflag:s19], $0x800  }
0x59: {  	[sflag:s19] =	ssyncset.done $0x0  }
0x5a: {  	[sflag:s19] =	ssyncadd.s32 $0xFFFFF800  }
0x5b: {  	[spmem:s9] =	stream.linear.scatter [tilespmem:s22], [sflag:$0x5], $0x800, $0x38;
	[tilespmem:$0xB800] =	vst v63  }
0x5c: {  	_ =	swait.ge [sflag:s19], $0x800  }
0x5d: {  	[sflag:s19] =	ssyncset.done $0x0  }
0x5e: {  	[sflag:s19] =	ssyncadd.s32 $0xFFFFF800  }
0x5f: {  	[spmem:s10] =	stream.linear.scatter [tilespmem:s22], [sflag:$0x5], $0x800, $0x38;
	[tilespmem:$0xB800] =	vst v63  }
0x60: {  	_ =	swait.ge [sflag:s19], $0x800  }
0x61: {  	[sflag:s19] =	ssyncset.done $0x0  }
0x62: {  	[sflag:s19] =	ssyncadd.s32 $0xFFFFF800  }
0x63: {  	[spmem:s11] =	stream.linear.scatter [tilespmem:s22], [sflag:$0x5], $0x800, $0x38;
	[tilespmem:$0xB800] =	vst v63  }
0x64: {  	_ =	swait.ge [sflag:s19], $0x800  }
0x65: {  	[sflag:s19] =	ssyncset.done $0x0  }
0x66: {  	[sflag:s19] =	ssyncadd.s32 $0xFFFFF800  }
0x67: {  	[spmem:s12] =	stream.linear.scatter [tilespmem:s22], [sflag:$0x5], $0x800, $0x38;
	[tilespmem:$0xB800] =	vst v63  }
0x68: {  	_ =	swait.ge [sflag:s19], $0x800  }
0x69: {  	[sflag:s19] =	ssyncset.done $0x0  }
0x6a: {  	s0 =	simm.s32 $0x0;
	[sflag:s19] =	ssyncadd.s32 $0xFFFFF800  }
0x6b: {  	[tilespmem:s24], [sflag:$0x1] =	stream.indirect.gather [hbm4b:s4+s23], $0x10, s0, s23, $0xb8;
	[tilespmem:$0xB800] =	vst v63  }
0x6c: {  	_ = 	snop  }
0x6d: {  	[tilespmem:s25], [sflag:$0x2] =	stream.indirect.gather [hbm4b:s4+s23], $0x10, s23, s23, $0xb8;
	[tilespmem:$0xB800] =	vst v63  }
0x6e: {  	s1 =	simm.s32 $0x5000;
	s20 =	simm.s32 $0x5080;
	[bflag:$0x0] =	sbarrier.arrive $0xFFFF  }
.LBB2_4:
0x6f: {  	v17 =	vmov s1;
	_ =	sdelay $0x1  }
0x70: {  	_ =	swait.ge [sflag:s26], $0x800  }
0x71: {  	[sflag:s26] =	ssyncset.done $0x0  }
0x72: {  	s5 =	simm.s32 $0x0;
	[sflag:s26] =	ssyncadd.s32 $0xFFFFF800  }
0x73: {  	v18 =	vld.idx.msk [tilespmem:v17+s5+$0x0 ss:$0x1], $0xffff  }
0x74: {  	s21 =	simm.s32 $0x7880  }
0x75: {  	v19 =	vld [tilespmem:s21+$0xFFFFFF80]  }
0x76: {  	v20 =	vld [tilespmem:s21+$0xFFFFFF90]  }
0x77: {  	v21 =	vld [tilespmem:s21+$0xFFFFFFA0]  }
0x78: {  	v22 =	vld [tilespmem:s21+$0xFFFFFFB0];
	v23 =	vperm.xlane v18, v1  }
0x79: {  	v26 =	vld [tilespmem:s21+$0xFFFFFFD0];
	v24 =	vperm.xlane v18, v2  }
0x7a: {  	v46 =	vld [tilespmem:s21+$0xFFFFFFE0];
	v27 =	vperm.xlane v18, v3;
	v19 =	vmul.f32 v19, v23  }
0x7b: {  	v25 =	vld [tilespmem:s21+$0xFFFFFFC0];
	v45 =	vperm.xlane v18, v4;
	v20 =	vmul.f32 v20, v24  }
0x7c: {  	v49 =	vld [tilespmem:s21+$0x10];
	v47 =	vperm.xlane v18, v6;
	v21 =	vmul.f32 v21, v27;
	[tilespmem:s21+$0xFFFFFF80] =	vst v19  }
0x7d: {  	v59 =	vld [tilespmem:s21+$0x60];
	v29 =	vperm.xlane v18, v7;
	v22 =	vmul.f32 v22, v45;
	[tilespmem:s21+$0xFFFFFF90] =	vst v20  }
0x7e: {  	v28 =	vld [tilespmem:s21+$0xFFFFFFF0];
	v23 =	vmul.f32 v26, v47;
	v19 =	vperm.xlane v18, v5;
	[tilespmem:s21+$0xFFFFFFA0] =	vst v21  }
0x7f: {  	v48 =	vld [tilespmem:s21+$0x0];
	v53 =	vperm.xlane v18, v10;
	v24 =	vmul.f32 v46, v29;
	[tilespmem:s21+$0xFFFFFFB0] =	vst v22  }
0x80: {  	v52 =	vld [tilespmem:s21+$0x30];
	v62 =	vperm.xlane v18, v15;
	[tilespmem:s21+$0xFFFFFFD0] =	vst v23;
	v19 =	vmul.f32 v25, v19  }
0x81: {  	v55 =	vld [tilespmem:s21+$0x50];
	v50 =	vperm.xlane v18, v8;
	v58 =	vmul.f32 v49, v53;
	[tilespmem:s21+$0xFFFFFFE0] =	vst v24  }
0x82: {  	v51 =	vld [tilespmem:s21+$0x20];
	v63 =	vmul.f32 v59, v62;
	[tilespmem:s21+$0xFFFFFFC0] =	vst v19;
	v19 =	vperm.xlane v18, v9  }
0x83: {  	v54 =	vld [tilespmem:s21+$0x40];
	v57 =	vperm.xlane v18, v12;
	v21 =	vmul.f32 v28, v50;
	[tilespmem:s21+$0x10] =	vst v58  }
0x84: {  	v60 =	vld [tilespmem:s21+$0x70];
	v61 =	vperm.xlane v18, v14;
	[tilespmem:s21+$0x60] =	vst v63;
	v19 =	vmul.f32 v48, v19  }
0x85: {  	v56 =	vperm.xlane v18, v11;
	v20 =	vmul.f32 v52, v57;
	[tilespmem:s21+$0xFFFFFFF0] =	vst v21  }
0x86: {  	v22 =	vmul.f32 v55, v61;
	[tilespmem:s21+$0x0] =	vst v19;
	v19 =	vperm.xlane v18, v13  }
0x87: {  	v25 =	vmul.f32 v51, v56;
	[tilespmem:s21+$0x30] =	vst v20;
	v18 =	vperm.xlane v18, v16  }
0x88: {  	[tilespmem:s21+$0x50] =	vst v22;
	v19 =	vmul.f32 v54, v19  }
0x89: {  	[tilespmem:s21+$0x20] =	vst v25;
	v18 =	vmul.f32 v60, v18  }
0x8a: {  	[tilespmem:s21+$0x40] =	vst v19  }
0x8b: {  	s7 =	simm.s32 $0x10;
	s6 =	simm.s32 $0x80;
	s5 =	sshll.u32 s0, $0xA;
	[tilespmem:s21+$0x70] =	vst v18  }
.LBB2_5:
0x8c: {  	p0 =	sne.s32 s6, $0x1C0;
	v18 =	vld.idx.msk [tilespmem:v17+s7+$0x0 ss:$0x1], $0xffff;
	s21 =	sadd.s32 $0x100, s21  }
0x8d: {  	v19 =	vld [tilespmem:s21+$0xFFFFFFB0]  }
0x8e: {  	v20 =	vld [tilespmem:s21+$0xFFFFFF90]  }
0x8f: {  	v21 =	vld [tilespmem:s21+$0xFFFFFF80]  }
0x90: {  	v22 =	vld [tilespmem:s21+$0xFFFFFFA0]  }
0x91: {  	v23 =	vld [tilespmem:s21+$0xFFFFFFF0]  }
0x92: {  	v24 =	vperm.xlane v18, v1;
	v25 =	vperm.xlane v18, v2;
	v26 =	vld [tilespmem:s21+$0xFFFFFFD0]  }
0x93: {  	v27 =	vperm.xlane v18, v3;
	v28 =	vperm.xlane v18, v4;
	v29 =	vld [tilespmem:s21+$0xFFFFFFC0]  }
0x94: {  	v20 =	vmul.f32 v20, v25;
	v21 =	vmul.f32 v21, v24;
	v24 =	vld [tilespmem:s21+$0xFFFFFFE0]  }
0x95: {  	v19 =	vmul.f32 v19, v28;
	v22 =	vmul.f32 v22, v27;
	v25 =	vld [tilespmem:s21+$0x30]  }
0x96: {  	v27 =	vperm.xlane v18, v6;
	[tilespmem:s21+$0xFFFFFF80] =	vst v21;
	v21 =	vperm.xlane v18, v5;
	v28 =	vld [tilespmem:s21+$0x10]  }
0x97: {  	v30 =	vperm.xlane v18, v8;
	[tilespmem:s21+$0xFFFFFF90] =	vst v20;
	v20 =	vperm.xlane v18, v7;
	v31 =	vld [tilespmem:s21+$0x0]  }
0x98: {  	[tilespmem:s21+$0xFFFFFFA0] =	vst v22;
	v21 =	vmul.f32 v29, v21;
	v22 =	vmul.f32 v26, v27;
	v26 =	vld [tilespmem:s21+$0x20]  }
0x99: {  	[tilespmem:s21+$0xFFFFFFB0] =	vst v19;
	v19 =	vmul.f32 v24, v20;
	v20 =	vmul.f32 v23, v30;
	v23 =	vld [tilespmem:s21+$0x70]  }
0x9a: {  	v24 =	vperm.xlane v18, v10;
	[tilespmem:s21+$0xFFFFFFC0] =	vst v21;
	v21 =	vperm.xlane v18, v9;
	v27 =	vld [tilespmem:s21+$0x50]  }
0x9b: {  	v29 =	vperm.xlane v18, v12;
	[tilespmem:s21+$0xFFFFFFD0] =	vst v22;
	v22 =	vperm.xlane v18, v11;
	v30 =	vld [tilespmem:s21+$0x40]  }
0x9c: {  	[tilespmem:s21+$0xFFFFFFE0] =	vst v19;
	v19 =	vmul.f32 v31, v21;
	v21 =	vmul.f32 v28, v24;
	v24 =	vld [tilespmem:s21+$0x60]  }
0x9d: {  	[tilespmem:s21+$0xFFFFFFF0] =	vst v20;
	v20 =	vmul.f32 v26, v22;
	v22 =	vmul.f32 v25, v29  }
0x9e: {  	v25 =	vperm.xlane v18, v14;
	[tilespmem:s21+$0x0] =	vst v19;
	v19 =	vperm.xlane v18, v13  }
0x9f: {  	[tilespmem:s21+$0x10] =	vst v21;
	v21 =	vperm.xlane v18, v15;
	v18 =	vperm.xlane v18, v16  }
0xa0: {  	[tilespmem:s21+$0x20] =	vst v20;
	v19 =	vmul.f32 v30, v19;
	v20 =	vmul.f32 v27, v25  }
.Ltmp3:
0xa1: {  	[tilespmem:s21+$0x30] =	vst v22;
	v21 =	vmul.f32 v24, v21;
	v18 =	vmul.f32 v23, v18;
	(pc) =	sbr.rel @p0 .LBB2_5-.Ltmp3, $4  }
0xa2: {  	[tilespmem:s21+$0x40] =	vst v19  }
0xa3: {  	[tilespmem:s21+$0x50] =	vst v20  }
0xa4: {  	[tilespmem:s21+$0x60] =	vst v21  }
0xa5: {  	s7 =	sshra.s32 s6, $0x2;
	s6 =	sadd.s32 $0x40, s6;
	[tilespmem:s21+$0x70] =	vst v18  }
0xa6: {  	_ =	sdelay $0x3  }
0xa7: {  	v17 =	vld.idx.msk [tilespmem:v17+s7+$0x0 ss:$0x1], $0xffff  }
0xa8: {  	s6 =	sadd.s32 $0x100, s21  }
0xa9: {  	v18 =	vld [tilespmem:s6+$0xFFFFFF80]  }
0xaa: {  	v19 =	vld [tilespmem:s6+$0xFFFFFF90]  }
0xab: {  	v20 =	vld [tilespmem:s6+$0xFFFFFFA0]  }
0xac: {  	v21 =	vld [tilespmem:s6+$0xFFFFFFB0];
	v22 =	vperm.xlane v17, v1  }
0xad: {  	v25 =	vld [tilespmem:s6+$0xFFFFFFD0];
	v23 =	vperm.xlane v17, v2  }
0xae: {  	v24 =	vld [tilespmem:s6+$0xFFFFFFC0];
	v26 =	vperm.xlane v17, v3;
	v18 =	vmul.f32 v18, v22  }
0xaf: {  	v54 =	vld [tilespmem:s6+$0xFFFFFFE0];
	v53 =	vperm.xlane v17, v4;
	v19 =	vmul.f32 v19, v23  }
0xb0: {  	v56 =	vld [tilespmem:s6+$0x10];
	v55 =	vperm.xlane v17, v6;
	v20 =	vmul.f32 v20, v26;
	[tilespmem:s6+$0xFFFFFF80] =	vst v18  }
0xb1: {  	v27 =	vld [tilespmem:s6+$0xFFFFFFF0];
	v21 =	vmul.f32 v21, v53;
	v18 =	vperm.xlane v17, v5;
	[tilespmem:s6+$0xFFFFFF90] =	vst v19  }
0xb2: {  	v28 =	vperm.xlane v17, v7;
	v22 =	vmul.f32 v25, v55;
	v19 =	vld [tilespmem:s6+$0x0];
	[tilespmem:s6+$0xFFFFFFA0] =	vst v20  }
0xb3: {  	v62 =	vld [tilespmem:s6+$0x50];
	v60 =	vperm.xlane v17, v10;
	[tilespmem:s6+$0xFFFFFFB0] =	vst v21;
	v18 =	vmul.f32 v24, v18  }
0xb4: {  	v58 =	vld [tilespmem:s6+$0x20];
	v57 =	vperm.xlane v17, v8;
	v23 =	vmul.f32 v54, v28;
	[tilespmem:s6+$0xFFFFFFD0] =	vst v22  }
0xb5: {  	v59 =	vld [tilespmem:s6+$0x30];
	v31 =	vmul.f32 v56, v60;
	[tilespmem:s6+$0xFFFFFFC0] =	vst v18;
	v18 =	vperm.xlane v17, v9  }
0xb6: {  	v61 =	vld [tilespmem:s6+$0x40];
	v34 =	vperm.xlane v17, v14;
	v20 =	vmul.f32 v27, v57;
	[tilespmem:s6+$0xFFFFFFE0] =	vst v23  }
0xb7: {  	v32 =	vld [tilespmem:s6+$0x60];
	v63 =	vperm.xlane v17, v11;
	[tilespmem:s6+$0x10] =	vst v31;
	v18 =	vmul.f32 v19, v18  }
0xb8: {  	v33 =	vld [tilespmem:s6+$0x70];
	v21 =	vmul.f32 v62, v34;
	[tilespmem:s6+$0xFFFFFFF0] =	vst v20;
	v19 =	vperm.xlane v17, v12  }
0xb9: {  	v24 =	vmul.f32 v58, v63;
	[tilespmem:s6+$0x0] =	vst v18;
	v18 =	vperm.xlane v17, v13  }
0xba: {  	v35 =	vperm.xlane v17, v15;
	[tilespmem:s6+$0x50] =	vst v21;
	v19 =	vmul.f32 v59, v19  }
0xbb: {  	[tilespmem:s6+$0x20] =	vst v24;
	v17 =	vperm.xlane v17, v16;
	v18 =	vmul.f32 v61, v18  }
0xbc: {  	[tilespmem:s6+$0x30] =	vst v19;
	v19 =	vmul.f32 v32, v35  }
0xbd: {  	v17 =	vmul.f32 v33, v17;
	[tilespmem:s6+$0x40] =	vst v18  }
0xbe: {  	s21 =	sshrl.u32 s5, $0x2;
	[tilespmem:s6+$0x60] =	vst v19  }
0xbf: {  	s7 =	sadd.s32 $0x2800, s21;
	[tilespmem:s6+$0x70] =	vst v17;
	v17 =	vmov s20  }
0xc0: {  	[spmem:s2] =	stream.indirect.scatter.add.f32 [tilespmem:s24], [sflag:$0x3], $0x10, s7, s23, $0xb8;
	[tilespmem:$0xB800] =	vst v63  }
0xc1: {  	_ =	swait.ge [sflag:s28], $0x800  }
0xc2: {  	[sflag:s28] =	ssyncset.done $0x0  }
0xc3: {  	s13 =	simm.s32 $0x0;
	[sflag:s28] =	ssyncadd.s32 $0xFFFFF800  }
0xc4: {  	v18 =	vld.idx.msk [tilespmem:v17+s13+$0x0 ss:$0x1], $0xffff  }
0xc5: {  	s6 =	simm.s32 $0x8080  }
0xc6: {  	v19 =	vld [tilespmem:s6+$0xFFFFFF80]  }
0xc7: {  	v36 =	vld [tilespmem:s6+$0xFFFFFF90]  }
0xc8: {  	v37 =	vld [tilespmem:s6+$0xFFFFFFA0]  }
0xc9: {  	v38 =	vld [tilespmem:s6+$0xFFFFFFB0];
	v39 =	vperm.xlane v18, v1  }
0xca: {  	v42 =	vld [tilespmem:s6+$0xFFFFFFD0];
	v40 =	vperm.xlane v18, v2  }
0xcb: {  	v45 =	vld [tilespmem:s6+$0xFFFFFFE0];
	v43 =	vperm.xlane v18, v3;
	v19 =	vmul.f32 v19, v39  }
0xcc: {  	v41 =	vld [tilespmem:s6+$0xFFFFFFC0];
	v44 =	vperm.xlane v18, v4;
	v20 =	vmul.f32 v36, v40  }
0xcd: {  	v49 =	vld [tilespmem:s6+$0x10];
	v47 =	vperm.xlane v18, v6;
	v21 =	vmul.f32 v37, v43;
	[tilespmem:s6+$0xFFFFFF80] =	vst v19  }
0xce: {  	v51 =	vld [tilespmem:s6+$0x20];
	v29 =	vperm.xlane v18, v7;
	v22 =	vmul.f32 v38, v44;
	[tilespmem:s6+$0xFFFFFF90] =	vst v20  }
0xcf: {  	v59 =	vld [tilespmem:s6+$0x60];
	v23 =	vmul.f32 v42, v47;
	v19 =	vperm.xlane v18, v5;
	[tilespmem:s6+$0xFFFFFFA0] =	vst v21  }
0xd0: {  	v48 =	vld [tilespmem:s6+$0x0];
	v53 =	vperm.xlane v18, v10;
	v24 =	vmul.f32 v45, v29;
	[tilespmem:s6+$0xFFFFFFB0] =	vst v22  }
0xd1: {  	v46 =	vld [tilespmem:s6+$0xFFFFFFF0];
	v56 =	vperm.xlane v18, v11;
	[tilespmem:s6+$0xFFFFFFD0] =	vst v23;
	v19 =	vmul.f32 v41, v19  }
0xd2: {  	v52 =	vld [tilespmem:s6+$0x30];
	v62 =	vperm.xlane v18, v15;
	v58 =	vmul.f32 v49, v53;
	[tilespmem:s6+$0xFFFFFFE0] =	vst v24  }
0xd3: {  	v55 =	vld [tilespmem:s6+$0x50];
	v25 =	vmul.f32 v51, v56;
	[tilespmem:s6+$0xFFFFFFC0] =	vst v19;
	v19 =	vperm.xlane v18, v9  }
0xd4: {  	v54 =	vld [tilespmem:s6+$0x40];
	v50 =	vperm.xlane v18, v8;
	v63 =	vmul.f32 v59, v62;
	[tilespmem:s6+$0x10] =	vst v58  }
0xd5: {  	v60 =	vld [tilespmem:s6+$0x70];
	v57 =	vperm.xlane v18, v12;
	[tilespmem:s6+$0x20] =	vst v25;
	v19 =	vmul.f32 v48, v19  }
0xd6: {  	v61 =	vperm.xlane v18, v14;
	v21 =	vmul.f32 v46, v50;
	[tilespmem:s6+$0x60] =	vst v63  }
0xd7: {  	v20 =	vmul.f32 v52, v57;
	[tilespmem:s6+$0x0] =	vst v19;
	v19 =	vperm.xlane v18, v13  }
0xd8: {  	v22 =	vmul.f32 v55, v61;
	[tilespmem:s6+$0xFFFFFFF0] =	vst v21;
	v18 =	vperm.xlane v18, v16  }
0xd9: {  	[tilespmem:s6+$0x30] =	vst v20;
	v19 =	vmul.f32 v54, v19  }
0xda: {  	[tilespmem:s6+$0x50] =	vst v22;
	v18 =	vmul.f32 v60, v18  }
0xdb: {  	[tilespmem:s6+$0x40] =	vst v19  }
0xdc: {  	s5 =	sor.u32 $0x200, s5;
	s7 =	simm.s32 $0x80;
	s13 =	simm.s32 $0x10;
	[tilespmem:s6+$0x70] =	vst v18  }
.LBB2_7:
0xdd: {  	p0 =	sne.s32 s7, $0x1C0;
	v18 =	vld.idx.msk [tilespmem:v17+s13+$0x0 ss:$0x1], $0xffff;
	s6 =	sadd.s32 $0x100, s6  }
0xde: {  	v19 =	vld [tilespmem:s6+$0xFFFFFFB0]  }
0xdf: {  	v20 =	vld [tilespmem:s6+$0xFFFFFF90]  }
0xe0: {  	v21 =	vld [tilespmem:s6+$0xFFFFFF80]  }
0xe1: {  	v22 =	vld [tilespmem:s6+$0xFFFFFFA0]  }
0xe2: {  	v23 =	vld [tilespmem:s6+$0xFFFFFFF0]  }
0xe3: {  	v24 =	vperm.xlane v18, v1;
	v25 =	vperm.xlane v18, v2;
	v26 =	vld [tilespmem:s6+$0xFFFFFFD0]  }
0xe4: {  	v27 =	vperm.xlane v18, v3;
	v28 =	vperm.xlane v18, v4;
	v29 =	vld [tilespmem:s6+$0xFFFFFFC0]  }
0xe5: {  	v20 =	vmul.f32 v20, v25;
	v21 =	vmul.f32 v21, v24;
	v24 =	vld [tilespmem:s6+$0xFFFFFFE0]  }
0xe6: {  	v19 =	vmul.f32 v19, v28;
	v22 =	vmul.f32 v22, v27;
	v25 =	vld [tilespmem:s6+$0x30]  }
0xe7: {  	v27 =	vperm.xlane v18, v6;
	[tilespmem:s6+$0xFFFFFF80] =	vst v21;
	v21 =	vperm.xlane v18, v5;
	v28 =	vld [tilespmem:s6+$0x10]  }
0xe8: {  	v30 =	vperm.xlane v18, v8;
	[tilespmem:s6+$0xFFFFFF90] =	vst v20;
	v20 =	vperm.xlane v18, v7;
	v31 =	vld [tilespmem:s6+$0x0]  }
0xe9: {  	[tilespmem:s6+$0xFFFFFFA0] =	vst v22;
	v21 =	vmul.f32 v29, v21;
	v22 =	vmul.f32 v26, v27;
	v26 =	vld [tilespmem:s6+$0x20]  }
0xea: {  	[tilespmem:s6+$0xFFFFFFB0] =	vst v19;
	v19 =	vmul.f32 v24, v20;
	v20 =	vmul.f32 v23, v30;
	v23 =	vld [tilespmem:s6+$0x70]  }
0xeb: {  	v24 =	vperm.xlane v18, v10;
	[tilespmem:s6+$0xFFFFFFC0] =	vst v21;
	v21 =	vperm.xlane v18, v9;
	v27 =	vld [tilespmem:s6+$0x50]  }
0xec: {  	v29 =	vperm.xlane v18, v12;
	[tilespmem:s6+$0xFFFFFFD0] =	vst v22;
	v22 =	vperm.xlane v18, v11;
	v30 =	vld [tilespmem:s6+$0x40]  }
0xed: {  	[tilespmem:s6+$0xFFFFFFE0] =	vst v19;
	v19 =	vmul.f32 v31, v21;
	v21 =	vmul.f32 v28, v24;
	v24 =	vld [tilespmem:s6+$0x60]  }
0xee: {  	[tilespmem:s6+$0xFFFFFFF0] =	vst v20;
	v20 =	vmul.f32 v26, v22;
	v22 =	vmul.f32 v25, v29  }
0xef: {  	v25 =	vperm.xlane v18, v14;
	[tilespmem:s6+$0x0] =	vst v19;
	v19 =	vperm.xlane v18, v13  }
0xf0: {  	[tilespmem:s6+$0x10] =	vst v21;
	v21 =	vperm.xlane v18, v15;
	v18 =	vperm.xlane v18, v16  }
0xf1: {  	[tilespmem:s6+$0x20] =	vst v20;
	v19 =	vmul.f32 v30, v19;
	v20 =	vmul.f32 v27, v25  }
.Ltmp4:
0xf2: {  	[tilespmem:s6+$0x30] =	vst v22;
	v21 =	vmul.f32 v24, v21;
	v18 =	vmul.f32 v23, v18;
	(pc) =	sbr.rel @p0 .LBB2_7-.Ltmp4, $4  }
0xf3: {  	[tilespmem:s6+$0x40] =	vst v19  }
0xf4: {  	[tilespmem:s6+$0x50] =	vst v20  }
0xf5: {  	[tilespmem:s6+$0x60] =	vst v21  }
0xf6: {  	s13 =	sshra.s32 s7, $0x2;
	s7 =	sadd.s32 $0x40, s7;
	[tilespmem:s6+$0x70] =	vst v18  }
0xf7: {  	_ =	sdelay $0x3  }
0xf8: {  	v17 =	vld.idx.msk [tilespmem:v17+s13+$0x0 ss:$0x1], $0xffff  }
0xf9: {  	s6 =	sadd.s32 $0x100, s6  }
0xfa: {  	v18 =	vld [tilespmem:s6+$0xFFFFFF80]  }
0xfb: {  	v19 =	vld [tilespmem:s6+$0xFFFFFF90]  }
0xfc: {  	v20 =	vld [tilespmem:s6+$0xFFFFFFA0]  }
0xfd: {  	v21 =	vld [tilespmem:s6+$0xFFFFFFB0];
	v22 =	vperm.xlane v17, v1  }
0xfe: {  	v25 =	vld [tilespmem:s6+$0xFFFFFFD0];
	v23 =	vperm.xlane v17, v2  }
0xff: {  	v24 =	vld [tilespmem:s6+$0xFFFFFFC0];
	v26 =	vperm.xlane v17, v3;
	v18 =	vmul.f32 v18, v22  }
0x100: {  	v49 =	vld [tilespmem:s6+$0xFFFFFFE0];
	v48 =	vperm.xlane v17, v4;
	v19 =	vmul.f32 v19, v23  }
0x101: {  	v51 =	vld [tilespmem:s6+$0x10];
	v50 =	vperm.xlane v17, v6;
	v20 =	vmul.f32 v20, v26;
	[tilespmem:s6+$0xFFFFFF80] =	vst v18  }
0x102: {  	v27 =	vld [tilespmem:s6+$0xFFFFFFF0];
	v21 =	vmul.f32 v21, v48;
	v18 =	vperm.xlane v17, v5;
	[tilespmem:s6+$0xFFFFFF90] =	vst v19  }
0x103: {  	v28 =	vperm.xlane v17, v7;
	v22 =	vmul.f32 v25, v50;
	v19 =	vld [tilespmem:s6+$0x0];
	[tilespmem:s6+$0xFFFFFFA0] =	vst v20  }
0x104: {  	v57 =	vld [tilespmem:s6+$0x50];
	v55 =	vperm.xlane v17, v10;
	[tilespmem:s6+$0xFFFFFFB0] =	vst v21;
	v18 =	vmul.f32 v24, v18  }
0x105: {  	v53 =	vld [tilespmem:s6+$0x20];
	v52 =	vperm.xlane v17, v8;
	v23 =	vmul.f32 v49, v28;
	[tilespmem:s6+$0xFFFFFFD0] =	vst v22  }
0x106: {  	v54 =	vld [tilespmem:s6+$0x30];
	v59 =	vmul.f32 v51, v55;
	[tilespmem:s6+$0xFFFFFFC0] =	vst v18;
	v18 =	vperm.xlane v17, v9  }
0x107: {  	v56 =	vld [tilespmem:s6+$0x40];
	v62 =	vperm.xlane v17, v14;
	v20 =	vmul.f32 v27, v52;
	[tilespmem:s6+$0xFFFFFFE0] =	vst v23  }
0x108: {  	v60 =	vld [tilespmem:s6+$0x60];
	v58 =	vperm.xlane v17, v11;
	[tilespmem:s6+$0x10] =	vst v59;
	v18 =	vmul.f32 v19, v18  }
0x109: {  	v61 =	vld [tilespmem:s6+$0x70];
	v21 =	vmul.f32 v57, v62;
	[tilespmem:s6+$0xFFFFFFF0] =	vst v20;
	v19 =	vperm.xlane v17, v12  }
0x10a: {  	v24 =	vmul.f32 v53, v58;
	[tilespmem:s6+$0x0] =	vst v18;
	v18 =	vperm.xlane v17, v13  }
0x10b: {  	v63 =	vperm.xlane v17, v15;
	[tilespmem:s6+$0x50] =	vst v21;
	v19 =	vmul.f32 v54, v19  }
0x10c: {  	[tilespmem:s6+$0x20] =	vst v24;
	v17 =	vperm.xlane v17, v16;
	v18 =	vmul.f32 v56, v18  }
0x10d: {  	[tilespmem:s6+$0x30] =	vst v19;
	v19 =	vmul.f32 v60, v63  }
0x10e: {  	v17 =	vmul.f32 v61, v17;
	[tilespmem:s6+$0x40] =	vst v18  }
0x10f: {  	s5 =	sshrl.u32 s5, $0x2;
	p0 =	seq.s32 s0, $0x27;
	[tilespmem:s6+$0x60] =	vst v19  }
.Ltmp5:
0x110: {  	s5 =	sadd.s32 $0x2800, s5;
	[tilespmem:s6+$0x70] =	vst v17;
	(pc) =	sbr.rel @p0 .LBB2_10-.Ltmp5, $4  }
0x111: {  	[spmem:s2] =	stream.indirect.scatter.add.f32 [tilespmem:s25], [sflag:$0x4], $0x10, s5, s23, $0xb8;
	[tilespmem:$0xB800] =	vst v63  }
0x112: {  	_ =	swait.ge [sflag:s29], $0x800  }
0x113: {  	[sflag:s29] =	ssyncset.done $0x0  }
0x114: {  	[sflag:s29] =	ssyncadd.s32 $0xFFFFF800  }
0x115: {  	s5 =	sadd.s32 $0x100, s21  }
0x116: {  	[tilespmem:s24], [sflag:$0x1] =	stream.indirect.gather [hbm4b:s4+s23], $0x10, s5, s23, $0xb8;
	[tilespmem:$0xB800] =	vst v63  }
.Ltmp6:
0x117: {  	_ = 	snop;
	(pc) =	sbr.rel .LBB2_4-.Ltmp6, $4  }
0x118: {  	_ =	swait.ge [sflag:s30], $0x800  }
0x119: {  	s21 =	sadd.s32 $0x180, s21;
	s0 =	sadd.s32 $0x1, s0;
	[sflag:s30] =	ssyncset.done $0x0  }
0x11a: {  	s1 =	sadd.s32 $0x100, s1;
	s20 =	sadd.s32 $0x100, s20;
	[sflag:s30] =	ssyncadd.s32 $0xFFFFF800  }
0x11b: {  	[tilespmem:s25], [sflag:$0x2] =	stream.indirect.gather [hbm4b:s4+s23], $0x10, s21, s23, $0xb8;
	[tilespmem:$0xB800] =	vst v63  }
.LBB2_11:
0x11c: {  	_ =	sfence.sel $0x180000  }
0x11d: {  	[bflag:$0x0] =	sbarrier.arrive $0xFFFF  }
0x11e: {  	_ =	strace $0x9000004A  }
0x11f: {  	s0 =	stileid.u32;
	[bflag:$0x2] =	sbarrier.arrive $0xFFFF  }
0x120: {  	p0 =	sne.s32 s0, $0x0;
	s0 =	rddreg [dreg:$0x2]  }
0x121: {  	s0 =	sadd.s32 @!p0 $0x100000, s0  }
0x122: {  	[sflag:s0] =	ssyncadd.tile.s32 @!p0 $0x1;
	_ =	shalt  }
.Lfunc_end2:
_tile_overlayer_lowered:
.L_overlay_start_2:
0x123: {  	(tag) =	ssettag $0x2  }
0x124: {  	s0 =	rddreg [dreg:$0x0];
	s2 =	stileid.u32  }
0x125: {  	s1 =	rddreg [dreg:$0x1];
	p0 =	sne.s32 s2, $0x0  }
0x126: {  	s3 =	rddreg [dreg:$0x2];
	[bflag:$0x3] =	sbarrier.arrive $0xFFFF;
	s2 =	simm.s32 @!p0 $0x1C05  }
0x127: {  	[timem:s3], [sflag:s2] =	dma.local @!p0 [hbm:s0], s1  }
0x128: {  	s0 =	simm.s32 @!p0 $0x5  }
0x129: {  	_ =	swait.ge @!p0 [sflag:s0], s1  }
0x12a: {  	s1 =	ssub.s32 @!p0 $0x0, s1;
	[sflag:s0] =	ssyncset.done @!p0 $0x0  }
0x12b: {  	[sflag:s0] =	ssyncadd.s32 @!p0 s1  }
0x12c: {  	[bflag:$0x3] =	sbarrier.arrive $0xFFFF  }
0x12d: {  	_ =	shalt  }

// kernel: kernel.7.cloned.1.call-start
scs
__scs_entry_jumppad:
0x0: {  	(pc) =	sbr.rel $0x88, $3  }
0x1: {  	(tag) =	ssettag $0x0;
	lr =	simm.s32 $0x1  }
0x2: {  	[smem:$0x3F9A] =	sst lr;
	_ =	strace $0xD0000000  }
0x3: {  	_ = 	snop  }
0x4: {  	_ = 	snop  }
0x5: {  	_ = 	snop  }
0x6: {  	_ = 	snop  }
0x7: {  	_ = 	snop  }
__scs_overlays_trampoline_lowered:
0x8: {  	[smem:$0x3FA9] =	sst s0  }
0x9: {  	[smem:$0x3FAA] =	sst s1  }
0xa: {  	[smem:$0x3FAB] =	sst s2  }
0xb: {  	[smem:$0x3FAC] =	sst s3  }
0xc: {  	[smem:$0x3FAD] =	sst s4  }
0xd: {  	[smem:$0x3FAE] =	sst s5  }
0xe: {  	[smem:$0x3FAF] =	sst s6  }
0xf: {  	[smem:$0x3FB0] =	sst s7  }
0x10: {  	[smem:$0x3FB1] =	sst s8  }
0x11: {  	[smem:$0x3FB2] =	sst s9;
	s0 =	simm.s32 @!p0 $0x0  }
0x12: {  	s1 =	sld [smem:$0x3F98];
	s0 =	simm.s32 @p0 $0x1  }
0x13: {  	[smem:$0x3FB3] =	sst s0;
	s0 =	simm.s32 @!p1 $0x0  }
0x14: {  	s2 =	sld [smem:$0x3F97];
	s0 =	simm.s32 @p1 $0x1  }
0x15: {  	[smem:$0x3FB4] =	sst s0;
	s0 =	simm.s32 @!p2 $0x0  }
0x16: {  	s3 =	sld [smem:$0x3FDB];
	s0 =	simm.s32 @p2 $0x1  }
0x17: {  	s4 =	simm.s32 $0x1BF5;
	[smem:$0x3FB6] =	sst s0  }
0x18: {  	s0 =	sld [smem:$0x3F99];
	_ =	swait.ge [sflag:s4], $0x0  }
0x19: {  	s7 =	sld [smem:$0x3F9A]  }
0x1a: {  	s8 =	sadd.s32 $0xFFFFE003, lr  }
0x1b: {  	s9 =	sadd.s32 $0xFFFFFEF7, lr;
	s5 =	simm.s32 $0xFFFFFFFF;
	p2 =	slt.u32 s8, $0xFFFFF086  }
0x1c: {  	p1 =	slt.u32 s9, $0xF7A;
	s5 =	simm.s32 @!p2 $0x0  }
0x1d: {  	s5 =	simm.s32 @p1 $0x1;
	p0 =	seq.s32 s7, s2  }
0x1e: {  	s7 =	smul.u32 @!p0 $0xF7A, s2;
	p2 =	seq.s32 @!p0 s5, $0x0  }
0x1f: {  	s9 =	smul.u32 $0xF7A, s1;
	s8 =	simm.s32 @!p0 $0x1BF5;
	p2 =	por !p2, p0  }
0x20: {  	[sflag:s8] =	ssyncset.s32 @!p0 $0xFFFFF086;
	s6 =	sadd.s32 @!p0 s3, s7;
	s7 =	simm.s32 @!p0 $0x108  }
0x21: {  	s3 =	sadd.s32 s3, s9;
	s6 =	sadd.s32 @!p0 $0x88, s6;
	s7 =	simm.s32 @p2 $0x1082  }
0x22: {  	[simem:s7], [sflag:s8] =	dma.local @!p0 [hbm:s6], $0xF7A  }
0x23: {  	s9 =	sor.u32 $0xD0000000, s2;
	s6 =	simm.s32 $0x108;
	_ =	swait.ge @!p0 [sflag:s8], $0x0  }
0x24: {  	s3 =	sadd.s32 $0x88, s3;
	s6 =	simm.s32 @!p1 $0x1082;
	[sflag:s4] =	ssyncset.s32 $0xFFFFF086  }
0x25: {  	[simem:s6], [sflag:s4] =	dma.local [hbm:s3], $0xF7A  }
0x26: {  	[smem:$0x3F9A] =	sst s1;
	(tag) =	ssettag s2;
	_ =	strace s9  }
0x27: {  	s1 =	sld [smem:$0x3FAA]  }
0x28: {  	s2 =	sld [smem:$0x3FAB]  }
0x29: {  	s4 =	sld [smem:$0x3FAD]  }
0x2a: {  	p0 =	seq.s32 s5, $0x0;
	s5 =	sld [smem:$0x3FAE]  }
0x2b: {  	s6 =	sld [smem:$0x3FAF]  }
0x2c: {  	s7 =	sld [smem:$0x3FB0]  }
0x2d: {  	s3 =	simm.s32 $0x108;
	s8 =	sld [smem:$0x3FB1]  }
0x2e: {  	s3 =	simm.s32 @!p0 $0x1082;
	s9 =	sld [smem:$0x3FB2]  }
0x2f: {  	lr =	sadd.s32 s0, s3;
	s0 =	sld [smem:$0x3FA9]  }
0x30: {  	s3 =	sld [smem:$0x3FAC]  }
0x31: {  	[smem:$0x3FB5] =	sst s10  }
0x32: {  	s10 =	sld [smem:$0x3FB3];
	_ =	sdelay $0x3  }
0x33: {  	p0 =	seq.s32 s10, $0x1;
	s10 =	sld [smem:$0x3FB5];
	_ =	sdelay $0x3  }
0x34: {  	[smem:$0x3FB5] =	sst s10  }
0x35: {  	s10 =	sld [smem:$0x3FB4];
	_ =	sdelay $0x3  }
0x36: {  	p1 =	seq.s32 s10, $0x1;
	s10 =	sld [smem:$0x3FB5];
	_ =	sdelay $0x3  }
0x37: {  	[smem:$0x3FB5] =	sst s10  }
0x38: {  	s10 =	sld [smem:$0x3FB6]  }
0x39: {  	_ = 	snop;
	(pc) =	sbr.ind lr, $3  }
0x3a: {  	_ = 	snop  }
0x3b: {  	_ = 	snop  }
0x3c: {  	p2 =	seq.s32 s10, $0x1;
	s10 =	sld [smem:$0x3FB5]  }
0x3d: {  	_ =	shalt  }
0x3e: {  	_ =	shalt  }
0x3f: {  	_ =	shalt  }
0x40: {  	_ =	shalt  }
0x41: {  	_ =	shalt  }
0x42: {  	_ =	shalt  }
0x43: {  	_ =	shalt  }
0x44: {  	_ =	shalt  }
0x45: {  	_ =	shalt  }
0x46: {  	_ =	shalt  }
0x47: {  	_ =	shalt  }
0x48: {  	_ =	shalt  }
0x49: {  	_ =	shalt  }
0x4a: {  	_ =	shalt  }
0x4b: {  	_ =	shalt  }
0x4c: {  	_ =	shalt  }
0x4d: {  	_ =	shalt  }
0x4e: {  	_ =	shalt  }
0x4f: {  	_ =	shalt  }
0x50: {  	_ =	shalt  }
0x51: {  	_ =	shalt  }
0x52: {  	_ =	shalt  }
0x53: {  	_ =	shalt  }
0x54: {  	_ =	shalt  }
0x55: {  	_ =	shalt  }
0x56: {  	_ =	shalt  }
0x57: {  	_ =	shalt  }
0x58: {  	_ =	shalt  }
0x59: {  	_ =	shalt  }
0x5a: {  	_ =	shalt  }
0x5b: {  	_ =	shalt  }
0x5c: {  	_ =	shalt  }
0x5d: {  	_ =	shalt  }
0x5e: {  	_ =	shalt  }
0x5f: {  	_ =	shalt  }
0x60: {  	_ =	shalt  }
0x61: {  	_ =	shalt  }
0x62: {  	_ =	shalt  }
0x63: {  	_ =	shalt  }
0x64: {  	_ =	shalt  }
0x65: {  	_ =	shalt  }
0x66: {  	_ =	shalt  }
0x67: {  	_ =	shalt  }
0x68: {  	_ =	shalt  }
0x69: {  	_ =	shalt  }
0x6a: {  	_ =	shalt  }
0x6b: {  	_ =	shalt  }
0x6c: {  	_ =	shalt  }
0x6d: {  	_ =	shalt  }
0x6e: {  	_ =	shalt  }
0x6f: {  	_ =	shalt  }
0x70: {  	_ =	shalt  }
0x71: {  	_ =	shalt  }
0x72: {  	_ =	shalt  }
0x73: {  	_ =	shalt  }
0x74: {  	_ =	shalt  }
0x75: {  	_ =	shalt  }
0x76: {  	_ =	shalt  }
0x77: {  	_ =	shalt  }
0x78: {  	_ =	shalt  }
0x79: {  	_ =	shalt  }
0x7a: {  	_ =	shalt  }
0x7b: {  	_ =	shalt  }
0x7c: {  	_ =	shalt  }
0x7d: {  	_ =	shalt  }
0x7e: {  	_ =	shalt  }
0x7f: {  	_ =	shalt  }
0x80: {  	_ =	shalt  }
0x81: {  	_ =	shalt  }
0x82: {  	_ =	shalt  }
0x83: {  	_ =	shalt  }
0x84: {  	_ =	shalt  }
0x85: {  	_ =	shalt  }
0x86: {  	_ =	shalt  }
0x87: {  	_ =	shalt  }
.Lfunc_end0:
.L_simem_size_0:
called_computation_lowered:
.L_overlay_start_0:
0x88: {  	s2 =	sld [smem:$0x3FD9]  }
0x89: {  	s3 =	sld [smem:$0x3FFE];
	_ =	sdelay $0x1  }
0x8a: {  	s1 =	srdreg.scid  }
0x8b: {  	s0 =	sand.u32 $0x1, s1  }
0x8c: {  	s16 =	sshll.u32 s0, $0xA;
	s2 =	sadd.s32 s3, s2  }
0x8d: {  	s2 =	sadd.s32 s2, s16  }
0x8e: {  	[smem:$0x3FC1] =	sst s2  }
0x8f: {  	_ = 	snop  }
0x90: {  	(tm) =	ssettm $0x1  }
0x91: {  	s17 =	sld [smem:$0x3FFB];
	_ =	sdelay $0x3  }
0x92: {  	_ =	strace s17  }
0x93: {  	s2 =	sld [smem:$0x3FFC];
	_ =	sdelay $0x3  }
0x94: {  	_ =	strace s2  }
0x95: {  	s2 =	sld [smem:$0x3FFD];
	_ =	sdelay $0x3  }
0x96: {  	_ =	strace s2  }
0x97: {  	_ =	strace $0x8FFFFFFF  }
0x98: {  	s18 =	sld [smem:$0x3FDB];
	_ =	sdelay $0x1  }
0x99: {  	s19 =	simm.s32 $_scs_section_size  }
0x9a: {  	s4 =	simm.s32 $_size__tile_overlayer_lowered;
	s5 =	simm.s32 $_tile_overlayer_lowered  }
0x9b: {  	s22 =	simm.s32 $0x1BFF;
	s21 =	sshll.u32 s5, $0x1;
	s2 =	sadd.s32 s19, s18  }
0x9c: {  	s6 =	simm.s32 $0x0;
	s20 =	sshll.u32 s4, $0x1;
	s4 =	sadd.s32 s21, s2  }
0x9d: {  	[timem:s6], [sflag:s22] =	dma.local [hbm:s4], s20  }
0x9e: {  	_ =	swait.ge [sflag:s22], s20  }
0x9f: {  	s3 =	ssub.s32 $0x0, s20;
	[sflag:s22] =	ssyncset.done $0x0  }
0xa0: {  	[sflag:s22] =	ssyncadd.s32 s3;
	_ =	sdelay $0x1  }
0xa1: {  	s23 =	simm.s32 $0x1B8B  }
0xa2: {  	_ =	swait.ge [sflag:s23], $0x1  }
0xa3: {  	[sflag:s23] =	ssyncset.done $0x0  }
0xa4: {  	s25 =	simm.s32 $0x1B8E;
	s24 =	sld [smem:$0x3FFE];
	[sflag:s23] =	ssyncadd.s32 $0xFFFFFFFF  }
0xa5: {  	s26 =	simm.s32 $execute0_lowered;
	[smem:$0x3FD2] =	sst s25  }
0xa6: {  	s4 =	sshll.u32 s26, $0x1;
	_ =	strace $0x80000046;
	[dreg:$0x1] =	wrdreg $0xFFFFFFFF  }
0xa7: {  	s28 =	simm.s32 $_size_execute0_lowered;
	s2 =	sadd.s32 s2, s4;
	[dreg:$0x0] =	wrdreg $0x0  }
0xa8: {  	s4 =	sshll.u32 s28, $0x1;
	[dreg:$0x2] =	wrdreg s2  }
0xa9: {  	[dreg:$0x3] =	wrdreg s4  }
0xaa: {  	[dreg:$0x4] =	wrdreg $0xC0  }
0xab: {  	_ =	task [dreg:s6], $0x5FFFF  }
0xac: {  	[dreg:$0x1] =	wrdreg $0xFFFFFFFF  }
0xad: {  	[dreg:$0x0] =	wrdreg $0x60  }
0xae: {  	[dreg:$0x2] =	wrdreg s24  }
0xaf: {  	[dreg:$0x3] =	wrdreg $0xD8000  }
0xb0: {  	[dreg:$0x4] =	wrdreg $0x9  }
0xb1: {  	_ =	task.clear_ibuf [dreg:s6], $0x5FFFF;
	_ =	strace $0x90000046  }
0xb2: {  	s29 =	simm.s32 $0x9;
	_ =	strace $0x80000048  }
0xb3: {  	_ =	swait.ge [sflag:s29], $0x1  }
0xb4: {  	[sflag:s29] =	ssyncadd.s32 $0xFFFFFFFF  }
0xb5: {  	_ =	strace $0x90000048  }
0xb6: {  	_ =	sfence  }
0xb7: {  	s30 =	sld [smem:$0x0];
	_ =	sdelay $0x2  }
0xb8: {  	s31 =	sshll.u32 s1, $0xD;
	s1 =	sshrl.u32 s1, $0x2  }
0xb9: {  	s3 =	sand.u32 $0x4000, s31;
	s1 =	sadd.s32 s1, s30  }
0xba: {  	s0 =	sor.u32 s3, s0;
	s1 =	sshll.u32 s1, $0x11  }
0xbb: {  	s0 =	sor.u32 s1, s0  }
0xbc: {  	s0 =	sadd.s32 $0x8F2B, s0  }
0xbd: {  	[sflag:s0] =	ssyncadd.remote.s32 $0x1  }
0xbe: {  	_ =	sfence.sel $0xFFFF  }
0xbf: {  	[dreg:$0x0] =	wrdreg $0xFFFFFFFF;
	(pc) =	sbr.abs _section_cstart, $3  }
0xc0: {  	[dreg:$0x1] =	wrdreg $0xFFFFFFFF  }
0xc1: {  	_ =	task.clear_ibuf [dreg:s6], $0x2FFFF;
	_ =	strace $0x9FFFFFFF  }
0xc2: {  	(tm) =	ssettm $0x7FFFFFFF  }
0xc3: {  	_ =	shalt  }
tec
execute0_lowered:
.L_overlay_start_1:
0x0: {  	(tag) =	ssettag $0x1  }
0x1: {  	s0 =	rddreg [dreg:$0x0]  }
0x2: {  	s2 =	rddreg [dreg:$0x1]  }
0x3: {  	s1 =	srdreg.scid;
	s9 =	stileid.u32;
	s3 =	simm.s32 $0x0  }
0x4: {  	s19 =	simm.s32 $0x5;
	s28 =	simm.s32 $0x2;
	s29 =	simm.s32 $0x3  }
0x5: {  	s30 =	simm.s32 $0x4;
	s1 =	sand.u32 $0x1, s1;
	s7 =	smul.u32 $0x280, s9  }
0x6: {  	s4 =	sshll.u32 s9, $0x1;
	[smem:$0x7FF] =	sst s3;
	s9 =	smul.u32 $0x28000, s9  }
0x7: {  	s4 =	sor.u32 s1, s4;
	s6 =	ssub.s32 $0x2, s1;
	s1 =	smul.u32 $0x2800, s1  }
0x8: {  	s31 =	simm.s32 $0x0;
	_ =	strace $0x80000047;
	s5 =	smul.u32 $0x500, s4  }
0x9: {  	s4 =	sadd.s32 $0x1F000, s0;
	s8 =	sshrl.u32 s6, $0x1;
	s22 =	sshrl.u32 s9, $0x2  }
0xa: {  	s12 =	sadd.s32 $0x80, s7;
	s24 =	sadd.s32 $0x100, s7;
	s15 =	sadd.s32 $0x180, s7  }
0xb: {  	s16 =	sadd.s32 $0x200, s7;
	s6 =	ssub.s32 s6, s8;
	s8 =	sadd.s32 s22, s2  }
0xc: {  	s23 =	sshll.u32 s12, $0x6;
	s10 =	sshll.u32 s24, $0x6;
	s11 =	sshll.u32 s15, $0x6  }
0xd: {  	s13 =	sshll.u32 s16, $0x6;
	s7 =	sadd.s32 s7, s1;
	s14 =	sadd.s32 s1, s12  }
0xe: {  	s25 =	sadd.s32 s1, s15;
	s22 =	simm.s32 $0xB800;
	s5 =	sadd.s32 s5, s0  }
0xf: {  	s0 =	sadd.s32 $0x33000, s0;
	s9 =	sadd.s32 s23, s2;
	s10 =	sadd.s32 s10, s2  }
0x10: {  	s11 =	sadd.s32 s11, s2;
	s12 =	sadd.s32 s13, s2;
	s7 =	sshll.u32 s7, $0x3  }
0x11: {  	s14 =	sshll.u32 s14, $0x3;
	s26 =	sshll.u32 s25, $0x3;
	s20 =	sadd.s32 $0xB000, s5  }
0x12: {  	s18 =	smax.u32 s6, $0x1;
	s21 =	sadd.s32 $0x1000, s5;
	[dreg:$0x3] =	wrdreg s20  }
0x13: {  	v0 =	vimm.f32 $0.0e+00;
	v1 =	vimm.s32 $0x0;
	s23 =	simm.s32 $0x80;
	s5 =	sadd.s32 $0x15000, s5;
	[dreg:$0x4] =	wrdreg s21  }
.Ltmp0:
0x14: {  	v2 =	vimm.s32 $0x1;
	v3 =	vimm.s32 $0x2;
	v4 =	vimm.s32 $0x3;
	s7 =	sadd.s32 s0, s7;
	[dreg:$0x5] =	wrdreg s5;
	(pc) =	sbr.rel .LBB2_1-.Ltmp0, $4  }
0x15: {  	v5 =	vimm.s32 $0x4;
	v6 =	vimm.s32 $0x5;
	v7 =	vimm.s32 $0x6;
	s25 =	simm.s32 $0x9800;
	s14 =	sadd.s32 s0, s14;
	[dreg:$0x6] =	wrdreg s7  }
0x16: {  	v8 =	vimm.s32 $0x7;
	v9 =	vimm.s32 $0x8;
	v10 =	vimm.s32 $0x9;
	s5 =	sadd.s32 s1, s24;
	s1 =	sadd.s32 s1, s16;
	s16 =	sadd.s32 s0, s26  }
0x17: {  	v11 =	vimm.s32 $0xA;
	v12 =	vimm.s32 $0xB;
	v13 =	vimm.s32 $0xC;
	s24 =	simm.s32 $0x7800;
	s5 =	sshll.u32 s5, $0x3;
	s1 =	sshll.u32 s1, $0x3  }
0x18: {  	v14 =	vimm.s32 $0xD;
	v15 =	vimm.s32 $0xE;
	v16 =	vimm.s32 $0xF;
	s26 =	simm.s32 $0x1;
	s15 =	sadd.s32 s0, s5;
	s17 =	sadd.s32 s0, s1  }
.LBB2_10:
0x19: {  	_ =	swait.ge [sflag:s30], $0x2000  }
0x1a: {  	[sflag:s30] =	ssyncset.done $0x0  }
0x1b: {  	[sflag:s30] =	ssyncadd.s32 $0xFFFFE000  }
0x1c: {  	[bflag:$0x0] =	sbarrier.arrive $0xFFFF  }
0x1d: {  	[tilespmem:s24], [sflag:$0x5] =	stream.linear.gather [spmem:s8], $0x2000, $0x38;
	[tilespmem:$0x17800] =	vst v63  }
0x1e: {  	_ =	swait.ge [sflag:s19], $0x2000  }
0x1f: {  	[sflag:s19] =	ssyncset.done $0x0  }
0x20: {  	s0 =	rddreg [dreg:$0x6];
	[sflag:s19] =	ssyncadd.s32 $0xFFFFE000  }
0x21: {  	[hbm4b:s0+s3] =	stream.linear.scatter [tilespmem:s24], [sflag:$0x5], $0x2000, $0x38;
	[tilespmem:$0x17800] =	vst v63  }
0x22: {  	_ =	swait.ge [sflag:s19], $0x2000  }
0x23: {  	[sflag:s19] =	ssyncset.done $0x0  }
0x24: {  	[sflag:s19] =	ssyncadd.s32 $0xFFFFE000  }
0x25: {  	[tilespmem:s24], [sflag:$0x5] =	stream.linear.gather [spmem:s9], $0x2000, $0x38;
	[tilespmem:$0x17800] =	vst v63  }
0x26: {  	_ =	swait.ge [sflag:s19], $0x2000  }
0x27: {  	[sflag:s19] =	ssyncset.done $0x0  }
0x28: {  	[sflag:s19] =	ssyncadd.s32 $0xFFFFE000  }
0x29: {  	[hbm4b:s14+s3] =	stream.linear.scatter [tilespmem:s24], [sflag:$0x5], $0x2000, $0x38;
	[tilespmem:$0x17800] =	vst v63  }
0x2a: {  	_ =	swait.ge [sflag:s19], $0x2000  }
0x2b: {  	[sflag:s19] =	ssyncset.done $0x0  }
0x2c: {  	[sflag:s19] =	ssyncadd.s32 $0xFFFFE000  }
0x2d: {  	[tilespmem:s24], [sflag:$0x5] =	stream.linear.gather [spmem:s10], $0x2000, $0x38;
	[tilespmem:$0x17800] =	vst v63  }
0x2e: {  	_ =	swait.ge [sflag:s19], $0x2000  }
0x2f: {  	[sflag:s19] =	ssyncset.done $0x0  }
0x30: {  	[sflag:s19] =	ssyncadd.s32 $0xFFFFE000  }
0x31: {  	[hbm4b:s15+s3] =	stream.linear.scatter [tilespmem:s24], [sflag:$0x5], $0x2000, $0x38;
	[tilespmem:$0x17800] =	vst v63  }
0x32: {  	_ =	swait.ge [sflag:s19], $0x2000  }
0x33: {  	[sflag:s19] =	ssyncset.done $0x0  }
0x34: {  	[sflag:s19] =	ssyncadd.s32 $0xFFFFE000  }
0x35: {  	[tilespmem:s24], [sflag:$0x5] =	stream.linear.gather [spmem:s11], $0x2000, $0x38;
	[tilespmem:$0x17800] =	vst v63  }
0x36: {  	_ =	swait.ge [sflag:s19], $0x2000  }
0x37: {  	[sflag:s19] =	ssyncset.done $0x0  }
0x38: {  	[sflag:s19] =	ssyncadd.s32 $0xFFFFE000  }
0x39: {  	[hbm4b:s16+s3] =	stream.linear.scatter [tilespmem:s24], [sflag:$0x5], $0x2000, $0x38;
	[tilespmem:$0x17800] =	vst v63  }
0x3a: {  	_ =	swait.ge [sflag:s19], $0x2000  }
0x3b: {  	[sflag:s19] =	ssyncset.done $0x0  }
0x3c: {  	[sflag:s19] =	ssyncadd.s32 $0xFFFFE000  }
0x3d: {  	[tilespmem:s24], [sflag:$0x5] =	stream.linear.gather [spmem:s12], $0x2000, $0x38;
	[tilespmem:$0x17800] =	vst v63  }
0x3e: {  	s31 =	sadd.s32 $0x1, s31;
	_ =	swait.ge [sflag:s19], $0x2000  }
0x3f: {  	p0 =	sne.s32 s31, s18;
	[sflag:s19] =	ssyncset.done $0x0  }
.Ltmp1:
0x40: {  	[sflag:s19] =	ssyncadd.s32 $0xFFFFE000;
	(pc) =	sbr.rel @!p0 .LBB2_11-.Ltmp1, $4  }
0x41: {  	[hbm4b:s17+s3] =	stream.linear.scatter [tilespmem:s24], [sflag:$0x5], $0x2000, $0x38;
	[tilespmem:$0x17800] =	vst v63  }
0x42: {  	_ =	swait.ge [sflag:s19], $0x2000  }
0x43: {  	[sflag:s19] =	ssyncset.done $0x0  }
0x44: {  	[sflag:s19] =	ssyncadd.s32 $0xFFFFE000  }
.LBB2_1:
0x45: {  	s0 =	rddreg [dreg:$0x3]  }
0x46: {  	[tilespmem:s3], [sflag:$0x5] =	stream.linear.gather [hbm4b:s0+s3], $0x2800, $0x38;
	[tilespmem:$0x17800] =	vst v63  }
0x47: {  	_ =	swait.ge [sflag:s19], $0x2800  }
0x48: {  	[sflag:s19] =	ssyncset.done $0x0  }
0x49: {  	s1 =	simm.s32 $0x2800;
	s6 =	rddreg [dreg:$0x4];
	[sflag:s19] =	ssyncadd.s32 $0xFFFFD800  }
0x4a: {  	[tilespmem:s1], [sflag:$0x5] =	stream.linear.gather [hbm4b:s6+s3], $0x2800, $0x38;
	[tilespmem:$0x17800] =	vst v63  }
0x4b: {  	_ =	swait.ge [sflag:s19], $0x2800  }
0x4c: {  	[sflag:s19] =	ssyncset.done $0x0  }
0x4d: {  	s13 =	simm.s32 $0x5000;
	s7 =	rddreg [dreg:$0x5];
	[sflag:s19] =	ssyncadd.s32 $0xFFFFD800  }
0x4e: {  	[tilespmem:s13], [sflag:$0x5] =	stream.linear.gather [hbm4b:s7+s3], $0x2800, $0x38;
	[tilespmem:$0x17800] =	vst v63  }
0x4f: {  	s20 =	sand.u32 $0x7F00, s3;
	s21 =	sand.u32 $0x30, s3;
	_ =	swait.ge [sflag:s19], $0x2800  }
0x50: {  	s5 =	sshrl.u32 s20, $0x2;
	s0 =	simm.s32 $0x40;
	[sflag:s19] =	ssyncset.done $0x0  }
0x51: {  	s5 =	sor.u32 s21, s5;
	s1 =	simm.s32 $0x0;
	[sflag:s19] =	ssyncadd.s32 $0xFFFFD800  }
.LBB2_2:
0x52: {  	p0 =	sne.s32 s0, $0x7FC0  }
0x53: {  	[tilespmem:s5+$0xB800] =	vst v0;
	s1 =	sadd.s32 $0x10, s1;
	s5 =	smov.u32 s0;
	s0 =	sadd.s32 $0x40, s0  }
.Ltmp2:
0x54: {  	(pc) =	sbr.rel @p0 .LBB2_2-.Ltmp2, $4  }
0x55: {  	_ = 	snop  }
0x56: {  	s5 =	sand.u32 $0x7F00, s5  }
0x57: {  	s6 =	sand.u32 $0x30, s1;
	s5 =	sshrl.u32 s5, $0x2  }
0x58: {  	s5 =	sor.u32 s6, s5  }
0x59: {  	[tilespmem:s5+$0xB800] =	vst v0  }
0x5a: {  	[spmem:s8] =	stream.linear.scatter [tilespmem:s22], [sflag:$0x5], $0x2000, $0x38;
	[tilespmem:$0x17800] =	vst v63  }
0x5b: {  	_ =	swait.ge [sflag:s19], $0x2000  }
0x5c: {  	[sflag:s19] =	ssyncset.done $0x0  }
0x5d: {  	[sflag:s19] =	ssyncadd.s32 $0xFFFFE000  }
0x5e: {  	[spmem:s9] =	stream.linear.scatter [tilespmem:s22], [sflag:$0x5], $0x2000, $0x38;
	[tilespmem:$0x17800] =	vst v63  }
0x5f: {  	_ =	swait.ge [sflag:s19], $0x2000  }
0x60: {  	[sflag:s19] =	ssyncset.done $0x0  }
0x61: {  	[sflag:s19] =	ssyncadd.s32 $0xFFFFE000  }
0x62: {  	[spmem:s10] =	stream.linear.scatter [tilespmem:s22], [sflag:$0x5], $0x2000, $0x38;
	[tilespmem:$0x17800] =	vst v63  }
0x63: {  	_ =	swait.ge [sflag:s19], $0x2000  }
0x64: {  	[sflag:s19] =	ssyncset.done $0x0  }
0x65: {  	[sflag:s19] =	ssyncadd.s32 $0xFFFFE000  }
0x66: {  	[spmem:s11] =	stream.linear.scatter [tilespmem:s22], [sflag:$0x5], $0x2000, $0x38;
	[tilespmem:$0x17800] =	vst v63  }
0x67: {  	_ =	swait.ge [sflag:s19], $0x2000  }
0x68: {  	[sflag:s19] =	ssyncset.done $0x0  }
0x69: {  	[sflag:s19] =	ssyncadd.s32 $0xFFFFE000  }
0x6a: {  	[spmem:s12] =	stream.linear.scatter [tilespmem:s22], [sflag:$0x5], $0x2000, $0x38;
	[tilespmem:$0x17800] =	vst v63  }
0x6b: {  	_ =	swait.ge [sflag:s19], $0x2000  }
0x6c: {  	[sflag:s19] =	ssyncset.done $0x0  }
0x6d: {  	s0 =	simm.s32 $0x0;
	[sflag:s19] =	ssyncadd.s32 $0xFFFFE000  }
0x6e: {  	[tilespmem:s24], [sflag:$0x1] =	stream.indirect.gather [hbm4b:s4+s23], $0x40, s0, s23, $0xb8;
	[tilespmem:$0x17800] =	vst v63  }
0x6f: {  	_ = 	snop  }
0x70: {  	[tilespmem:s25], [sflag:$0x2] =	stream.indirect.gather [hbm4b:s4+s23], $0x40, s23, s23, $0xb8;
	[tilespmem:$0x17800] =	vst v63  }
0x71: {  	s1 =	simm.s32 $0x5000;
	s20 =	simm.s32 $0x5080;
	[bflag:$0x0] =	sbarrier.arrive $0xFFFF  }
.LBB2_4:
0x72: {  	v17 =	vmov s1  }
0x73: {  	_ =	swait.ge [sflag:s26], $0x2000  }
0x74: {  	s5 =	sshll.u32 s0, $0xA;
	[sflag:s26] =	ssyncset.done $0x0  }
0x75: {  	s21 =	simm.s32 $0x7A00;
	s6 =	simm.s32 $0x0;
	[sflag:s26] =	ssyncadd.s32 $0xFFFFE000  }
.LBB2_5:
0x76: {  	s7 =	sshra.s32 s6, $0x2  }
0x77: {  	v18 =	vld.idx.msk [tilespmem:v17+s7+$0x0 ss:$0x1], $0xffff;
	_ =	sdelay $0x1  }
0x78: {  	v19 =	vld [tilespmem:s21+$0xFFFFFE00];
	_ =	sdelay $0x2  }
0x79: {  	v20 =	vperm.xlane v18, v1;
	_ =	sdelay $0x1  }
0x7a: {  	v19 =	vmul.f32 v19, v20;
	_ =	sdelay $0x1  }
0x7b: {  	[tilespmem:s21+$0xFFFFFE00] =	vst v19;
	v19 =	vld [tilespmem:s21+$0xFFFFFE10];
	_ =	sdelay $0x4  }
0x7c: {  	v19 =	vmul.f32 v19, v20;
	_ =	sdelay $0x1  }
0x7d: {  	[tilespmem:s21+$0xFFFFFE10] =	vst v19;
	v19 =	vld [tilespmem:s21+$0xFFFFFE20];
	_ =	sdelay $0x4  }
0x7e: {  	v19 =	vmul.f32 v19, v20;
	_ =	sdelay $0x1  }
0x7f: {  	[tilespmem:s21+$0xFFFFFE20] =	vst v19;
	v19 =	vld [tilespmem:s21+$0xFFFFFE30];
	_ =	sdelay $0x4  }
0x80: {  	v19 =	vmul.f32 v19, v20;
	_ =	sdelay $0x1  }
0x81: {  	[tilespmem:s21+$0xFFFFFE30] =	vst v19;
	v19 =	vld [tilespmem:s21+$0xFFFFFE40];
	_ =	sdelay $0x2  }
0x82: {  	v50 =	vperm.xlane v18, v2;
	_ =	sdelay $0x1  }
0x83: {  	v19 =	vmul.f32 v19, v50;
	_ =	sdelay $0x1  }
0x84: {  	[tilespmem:s21+$0xFFFFFE40] =	vst v19;
	v19 =	vld [tilespmem:s21+$0xFFFFFE50];
	_ =	sdelay $0x4  }
0x85: {  	v19 =	vmul.f32 v19, v50;
	_ =	sdelay $0x1  }
0x86: {  	[tilespmem:s21+$0xFFFFFE50] =	vst v19;
	v19 =	vld [tilespmem:s21+$0xFFFFFE60];
	_ =	sdelay $0x4  }
0x87: {  	v19 =	vmul.f32 v19, v50;
	_ =	sdelay $0x1  }
0x88: {  	[tilespmem:s21+$0xFFFFFE60] =	vst v19;
	v19 =	vld [tilespmem:s21+$0xFFFFFE70];
	_ =	sdelay $0x4  }
0x89: {  	v19 =	vmul.f32 v19, v50;
	_ =	sdelay $0x1  }
0x8a: {  	[tilespmem:s21+$0xFFFFFE70] =	vst v19;
	v19 =	vld [tilespmem:s21+$0xFFFFFE80];
	_ =	sdelay $0x2  }
0x8b: {  	v51 =	vperm.xlane v18, v3;
	_ =	sdelay $0x1  }
0x8c: {  	v19 =	vmul.f32 v19, v51;
	_ =	sdelay $0x1  }
0x8d: {  	[tilespmem:s21+$0xFFFFFE80] =	vst v19;
	v19 =	vld [tilespmem:s21+$0xFFFFFE90];
	_ =	sdelay $0x4  }
0x8e: {  	v19 =	vmul.f32 v19, v51;
	_ =	sdelay $0x1  }
0x8f: {  	[tilespmem:s21+$0xFFFFFE90] =	vst v19;
	v19 =	vld [tilespmem:s21+$0xFFFFFEA0];
	_ =	sdelay $0x4  }
0x90: {  	v19 =	vmul.f32 v19, v51;
	_ =	sdelay $0x1  }
0x91: {  	[tilespmem:s21+$0xFFFFFEA0] =	vst v19;
	v19 =	vld [tilespmem:s21+$0xFFFFFEB0];
	_ =	sdelay $0x4  }
0x92: {  	v19 =	vmul.f32 v19, v51;
	_ =	sdelay $0x1  }
0x93: {  	[tilespmem:s21+$0xFFFFFEB0] =	vst v19;
	v19 =	vld [tilespmem:s21+$0xFFFFFEC0];
	_ =	sdelay $0x2  }
0x94: {  	v52 =	vperm.xlane v18, v4;
	_ =	sdelay $0x1  }
0x95: {  	v19 =	vmul.f32 v19, v52;
	_ =	sdelay $0x1  }
0x96: {  	[tilespmem:s21+$0xFFFFFEC0] =	vst v19;
	v19 =	vld [tilespmem:s21+$0xFFFFFED0];
	_ =	sdelay $0x4  }
0x97: {  	v19 =	vmul.f32 v19, v52;
	_ =	sdelay $0x1  }
0x98: {  	[tilespmem:s21+$0xFFFFFED0] =	vst v19;
	v19 =	vld [tilespmem:s21+$0xFFFFFEE0];
	_ =	sdelay $0x4  }
0x99: {  	v19 =	vmul.f32 v19, v52;
	_ =	sdelay $0x1  }
0x9a: {  	[tilespmem:s21+$0xFFFFFEE0] =	vst v19;
	v19 =	vld [tilespmem:s21+$0xFFFFFEF0];
	_ =	sdelay $0x4  }
0x9b: {  	v19 =	vmul.f32 v19, v52;
	_ =	sdelay $0x1  }
0x9c: {  	[tilespmem:s21+$0xFFFFFEF0] =	vst v19;
	v19 =	vld [tilespmem:s21+$0xFFFFFF00];
	_ =	sdelay $0x2  }
0x9d: {  	v53 =	vperm.xlane v18, v5;
	_ =	sdelay $0x1  }
0x9e: {  	v19 =	vmul.f32 v19, v53;
	_ =	sdelay $0x1  }
0x9f: {  	[tilespmem:s21+$0xFFFFFF00] =	vst v19;
	v19 =	vld [tilespmem:s21+$0xFFFFFF10];
	_ =	sdelay $0x4  }
0xa0: {  	v19 =	vmul.f32 v19, v53;
	_ =	sdelay $0x1  }
0xa1: {  	[tilespmem:s21+$0xFFFFFF10] =	vst v19;
	v19 =	vld [tilespmem:s21+$0xFFFFFF20];
	_ =	sdelay $0x4  }
0xa2: {  	v19 =	vmul.f32 v19, v53;
	_ =	sdelay $0x1  }
0xa3: {  	[tilespmem:s21+$0xFFFFFF20] =	vst v19;
	v19 =	vld [tilespmem:s21+$0xFFFFFF30];
	_ =	sdelay $0x4  }
0xa4: {  	v19 =	vmul.f32 v19, v53;
	_ =	sdelay $0x1  }
0xa5: {  	[tilespmem:s21+$0xFFFFFF30] =	vst v19;
	v19 =	vld [tilespmem:s21+$0xFFFFFF40];
	_ =	sdelay $0x2  }
0xa6: {  	v54 =	vperm.xlane v18, v6;
	_ =	sdelay $0x1  }
0xa7: {  	v19 =	vmul.f32 v19, v54;
	_ =	sdelay $0x1  }
0xa8: {  	[tilespmem:s21+$0xFFFFFF40] =	vst v19;
	v19 =	vld [tilespmem:s21+$0xFFFFFF50];
	_ =	sdelay $0x4  }
0xa9: {  	v19 =	vmul.f32 v19, v54;
	_ =	sdelay $0x1  }
0xaa: {  	[tilespmem:s21+$0xFFFFFF50] =	vst v19;
	v19 =	vld [tilespmem:s21+$0xFFFFFF60];
	_ =	sdelay $0x4  }
0xab: {  	v19 =	vmul.f32 v19, v54;
	_ =	sdelay $0x1  }
0xac: {  	[tilespmem:s21+$0xFFFFFF60] =	vst v19;
	v19 =	vld [tilespmem:s21+$0xFFFFFF70];
	_ =	sdelay $0x4  }
0xad: {  	v19 =	vmul.f32 v19, v54;
	_ =	sdelay $0x1  }
0xae: {  	[tilespmem:s21+$0xFFFFFF70] =	vst v19;
	v19 =	vld [tilespmem:s21+$0xFFFFFF80];
	_ =	sdelay $0x2  }
0xaf: {  	v55 =	vperm.xlane v18, v7;
	_ =	sdelay $0x1  }
0xb0: {  	v19 =	vmul.f32 v19, v55;
	_ =	sdelay $0x1  }
0xb1: {  	[tilespmem:s21+$0xFFFFFF80] =	vst v19;
	v19 =	vld [tilespmem:s21+$0xFFFFFF90];
	_ =	sdelay $0x4  }
0xb2: {  	v19 =	vmul.f32 v19, v55;
	_ =	sdelay $0x1  }
0xb3: {  	[tilespmem:s21+$0xFFFFFF90] =	vst v19;
	v19 =	vld [tilespmem:s21+$0xFFFFFFA0];
	_ =	sdelay $0x4  }
0xb4: {  	v19 =	vmul.f32 v19, v55;
	_ =	sdelay $0x1  }
0xb5: {  	[tilespmem:s21+$0xFFFFFFA0] =	vst v19;
	v19 =	vld [tilespmem:s21+$0xFFFFFFB0];
	_ =	sdelay $0x4  }
0xb6: {  	v19 =	vmul.f32 v19, v55;
	_ =	sdelay $0x1  }
0xb7: {  	[tilespmem:s21+$0xFFFFFFB0] =	vst v19;
	v19 =	vld [tilespmem:s21+$0xFFFFFFC0];
	_ =	sdelay $0x2  }
0xb8: {  	v56 =	vperm.xlane v18, v8;
	_ =	sdelay $0x1  }
0xb9: {  	v19 =	vmul.f32 v19, v56;
	_ =	sdelay $0x1  }
0xba: {  	[tilespmem:s21+$0xFFFFFFC0] =	vst v19;
	v19 =	vld [tilespmem:s21+$0xFFFFFFD0];
	_ =	sdelay $0x4  }
0xbb: {  	v19 =	vmul.f32 v19, v56;
	_ =	sdelay $0x1  }
0xbc: {  	[tilespmem:s21+$0xFFFFFFD0] =	vst v19;
	v19 =	vld [tilespmem:s21+$0xFFFFFFE0];
	_ =	sdelay $0x4  }
0xbd: {  	v19 =	vmul.f32 v19, v56;
	_ =	sdelay $0x1  }
0xbe: {  	[tilespmem:s21+$0xFFFFFFE0] =	vst v19;
	v19 =	vld [tilespmem:s21+$0xFFFFFFF0];
	_ =	sdelay $0x4  }
0xbf: {  	v19 =	vmul.f32 v19, v56;
	_ =	sdelay $0x1  }
0xc0: {  	[tilespmem:s21+$0xFFFFFFF0] =	vst v19;
	v19 =	vld [tilespmem:s21+$0x0];
	_ =	sdelay $0x2  }
0xc1: {  	v57 =	vperm.xlane v18, v9;
	_ =	sdelay $0x1  }
0xc2: {  	v19 =	vmul.f32 v19, v57;
	_ =	sdelay $0x1  }
0xc3: {  	[tilespmem:s21+$0x0] =	vst v19;
	v19 =	vld [tilespmem:s21+$0x10];
	_ =	sdelay $0x4  }
0xc4: {  	v19 =	vmul.f32 v19, v57;
	_ =	sdelay $0x1  }
0xc5: {  	[tilespmem:s21+$0x10] =	vst v19;
	v19 =	vld [tilespmem:s21+$0x20];
	_ =	sdelay $0x4  }
0xc6: {  	v19 =	vmul.f32 v19, v57;
	_ =	sdelay $0x1  }
0xc7: {  	[tilespmem:s21+$0x20] =	vst v19;
	v19 =	vld [tilespmem:s21+$0x30];
	_ =	sdelay $0x4  }
0xc8: {  	v19 =	vmul.f32 v19, v57;
	_ =	sdelay $0x1  }
0xc9: {  	[tilespmem:s21+$0x30] =	vst v19;
	v19 =	vld [tilespmem:s21+$0x40];
	_ =	sdelay $0x2  }
0xca: {  	v58 =	vperm.xlane v18, v10;
	_ =	sdelay $0x1  }
0xcb: {  	v19 =	vmul.f32 v19, v58;
	_ =	sdelay $0x1  }
0xcc: {  	[tilespmem:s21+$0x40] =	vst v19;
	v19 =	vld [tilespmem:s21+$0x50];
	_ =	sdelay $0x4  }
0xcd: {  	v19 =	vmul.f32 v19, v58;
	_ =	sdelay $0x1  }
0xce: {  	[tilespmem:s21+$0x50] =	vst v19;
	v19 =	vld [tilespmem:s21+$0x60];
	_ =	sdelay $0x4  }
0xcf: {  	v19 =	vmul.f32 v19, v58;
	_ =	sdelay $0x1  }
0xd0: {  	[tilespmem:s21+$0x60] =	vst v19;
	v19 =	vld [tilespmem:s21+$0x70];
	_ =	sdelay $0x4  }
0xd1: {  	v19 =	vmul.f32 v19, v58;
	_ =	sdelay $0x1  }
0xd2: {  	[tilespmem:s21+$0x70] =	vst v19;
	v19 =	vld [tilespmem:s21+$0x80];
	_ =	sdelay $0x2  }
0xd3: {  	v59 =	vperm.xlane v18, v11;
	_ =	sdelay $0x1  }
0xd4: {  	v19 =	vmul.f32 v19, v59;
	_ =	sdelay $0x1  }
0xd5: {  	[tilespmem:s21+$0x80] =	vst v19;
	v19 =	vld [tilespmem:s21+$0x90];
	_ =	sdelay $0x4  }
0xd6: {  	v19 =	vmul.f32 v19, v59;
	_ =	sdelay $0x1  }
0xd7: {  	[tilespmem:s21+$0x90] =	vst v19;
	v19 =	vld [tilespmem:s21+$0xA0];
	_ =	sdelay $0x4  }
0xd8: {  	v19 =	vmul.f32 v19, v59;
	_ =	sdelay $0x1  }
0xd9: {  	[tilespmem:s21+$0xA0] =	vst v19;
	v19 =	vld [tilespmem:s21+$0xB0];
	_ =	sdelay $0x4  }
0xda: {  	v19 =	vmul.f32 v19, v59;
	_ =	sdelay $0x1  }
0xdb: {  	[tilespmem:s21+$0xB0] =	vst v19;
	v19 =	vld [tilespmem:s21+$0xC0];
	_ =	sdelay $0x2  }
0xdc: {  	v60 =	vperm.xlane v18, v12;
	_ =	sdelay $0x1  }
0xdd: {  	v19 =	vmul.f32 v19, v60;
	_ =	sdelay $0x1  }
0xde: {  	[tilespmem:s21+$0xC0] =	vst v19;
	v19 =	vld [tilespmem:s21+$0xD0];
	_ =	sdelay $0x4  }
0xdf: {  	v19 =	vmul.f32 v19, v60;
	_ =	sdelay $0x1  }
0xe0: {  	[tilespmem:s21+$0xD0] =	vst v19;
	v19 =	vld [tilespmem:s21+$0xE0];
	_ =	sdelay $0x4  }
0xe1: {  	v19 =	vmul.f32 v19, v60;
	_ =	sdelay $0x1  }
0xe2: {  	[tilespmem:s21+$0xE0] =	vst v19;
	v19 =	vld [tilespmem:s21+$0xF0];
	_ =	sdelay $0x4  }
0xe3: {  	v19 =	vmul.f32 v19, v60;
	_ =	sdelay $0x1  }
0xe4: {  	[tilespmem:s21+$0xF0] =	vst v19;
	v19 =	vld [tilespmem:s21+$0x100];
	_ =	sdelay $0x2  }
0xe5: {  	v61 =	vperm.xlane v18, v13;
	_ =	sdelay $0x1  }
0xe6: {  	v19 =	vmul.f32 v19, v61;
	_ =	sdelay $0x1  }
0xe7: {  	[tilespmem:s21+$0x100] =	vst v19;
	v19 =	vld [tilespmem:s21+$0x110];
	_ =	sdelay $0x4  }
0xe8: {  	v19 =	vmul.f32 v19, v61;
	_ =	sdelay $0x1  }
0xe9: {  	[tilespmem:s21+$0x110] =	vst v19;
	v19 =	vld [tilespmem:s21+$0x120];
	_ =	sdelay $0x4  }
0xea: {  	v19 =	vmul.f32 v19, v61;
	_ =	sdelay $0x1  }
0xeb: {  	[tilespmem:s21+$0x120] =	vst v19;
	v19 =	vld [tilespmem:s21+$0x130];
	_ =	sdelay $0x4  }
0xec: {  	v19 =	vmul.f32 v19, v61;
	_ =	sdelay $0x1  }
0xed: {  	[tilespmem:s21+$0x130] =	vst v19;
	v19 =	vld [tilespmem:s21+$0x140];
	_ =	sdelay $0x2  }
0xee: {  	v62 =	vperm.xlane v18, v14;
	_ =	sdelay $0x1  }
0xef: {  	v19 =	vmul.f32 v19, v62;
	_ =	sdelay $0x1  }
0xf0: {  	[tilespmem:s21+$0x140] =	vst v19;
	v19 =	vld [tilespmem:s21+$0x150];
	_ =	sdelay $0x4  }
0xf1: {  	v19 =	vmul.f32 v19, v62;
	_ =	sdelay $0x1  }
0xf2: {  	[tilespmem:s21+$0x150] =	vst v19;
	v19 =	vld [tilespmem:s21+$0x160];
	_ =	sdelay $0x4  }
0xf3: {  	v19 =	vmul.f32 v19, v62;
	_ =	sdelay $0x1  }
0xf4: {  	[tilespmem:s21+$0x160] =	vst v19;
	v19 =	vld [tilespmem:s21+$0x170];
	_ =	sdelay $0x4  }
0xf5: {  	v19 =	vmul.f32 v19, v62;
	_ =	sdelay $0x1  }
0xf6: {  	[tilespmem:s21+$0x170] =	vst v19;
	v19 =	vld [tilespmem:s21+$0x180];
	_ =	sdelay $0x2  }
0xf7: {  	v63 =	vperm.xlane v18, v15;
	_ =	sdelay $0x1  }
0xf8: {  	v19 =	vmul.f32 v19, v63;
	_ =	sdelay $0x1  }
0xf9: {  	[tilespmem:s21+$0x180] =	vst v19;
	v19 =	vld [tilespmem:s21+$0x190];
	_ =	sdelay $0x4  }
0xfa: {  	v19 =	vmul.f32 v19, v63;
	_ =	sdelay $0x1  }
0xfb: {  	[tilespmem:s21+$0x190] =	vst v19;
	v19 =	vld [tilespmem:s21+$0x1A0];
	_ =	sdelay $0x4  }
0xfc: {  	v19 =	vmul.f32 v19, v63;
	_ =	sdelay $0x1  }
0xfd: {  	[tilespmem:s21+$0x1A0] =	vst v19;
	v19 =	vld [tilespmem:s21+$0x1B0];
	_ =	sdelay $0x4  }
0xfe: {  	v19 =	vmul.f32 v19, v63;
	_ =	sdelay $0x1  }
0xff: {  	[tilespmem:s21+$0x1B0] =	vst v19;
	v19 =	vld [tilespmem:s21+$0x1C0];
	_ =	sdelay $0x2  }
0x100: {  	v18 =	vperm.xlane v18, v16;
	_ =	sdelay $0x1  }
0x101: {  	v19 =	vmul.f32 v19, v18;
	_ =	sdelay $0x1  }
0x102: {  	[tilespmem:s21+$0x1C0] =	vst v19;
	v19 =	vld [tilespmem:s21+$0x1D0];
	_ =	sdelay $0x4  }
0x103: {  	v19 =	vmul.f32 v19, v18;
	_ =	sdelay $0x1  }
0x104: {  	[tilespmem:s21+$0x1D0] =	vst v19;
	v19 =	vld [tilespmem:s21+$0x1E0];
	_ =	sdelay $0x4  }
0x105: {  	v19 =	vmul.f32 v19, v18;
	_ =	sdelay $0x1  }
0x106: {  	[tilespmem:s21+$0x1E0] =	vst v19;
	v19 =	vld [tilespmem:s21+$0x1F0];
	_ =	sdelay $0x1  }
0x107: {  	p0 =	sne.s32 s6, $0x1C0  }
.Ltmp3:
0x108: {  	_ = 	snop;
	(pc) =	sbr.rel @p0 .LBB2_5-.Ltmp3, $3  }
0x109: {  	_ = 	snop  }
0x10a: {  	v18 =	vmul.f32 v19, v18;
	_ =	sdelay $0x1  }
0x10b: {  	s6 =	sadd.s32 $0x40, s6;
	[tilespmem:s21+$0x1F0] =	vst v18;
	s21 =	sadd.s32 $0x400, s21  }
0x10c: {  	s21 =	sshrl.u32 s5, $0x2  }
0x10d: {  	s6 =	sadd.s32 $0x2800, s21  }
0x10e: {  	v17 =	vmov s20;
	[spmem:s2] =	stream.indirect.scatter.add.f32 [tilespmem:s24], [sflag:$0x3], $0x40, s6, s23, $0xb8;
	[tilespmem:$0x17800] =	vst v63  }
0x10f: {  	_ =	swait.ge [sflag:s28], $0x2000  }
0x110: {  	s5 =	sor.u32 $0x200, s5;
	[sflag:s28] =	ssyncset.done $0x0  }
0x111: {  	s7 =	simm.s32 $0x9A00;
	s6 =	simm.s32 $0x0;
	[sflag:s28] =	ssyncadd.s32 $0xFFFFE000  }
.LBB2_7:
0x112: {  	s13 =	sshra.s32 s6, $0x2  }
0x113: {  	v18 =	vld.idx.msk [tilespmem:v17+s13+$0x0 ss:$0x1], $0xffff;
	_ =	sdelay $0x1  }
0x114: {  	v19 =	vld [tilespmem:s7+$0xFFFFFE00];
	_ =	sdelay $0x2  }
0x115: {  	v20 =	vperm.xlane v18, v1;
	_ =	sdelay $0x1  }
0x116: {  	v19 =	vmul.f32 v19, v20;
	_ =	sdelay $0x1  }
0x117: {  	[tilespmem:s7+$0xFFFFFE00] =	vst v19;
	v19 =	vld [tilespmem:s7+$0xFFFFFE10];
	_ =	sdelay $0x4  }
0x118: {  	v19 =	vmul.f32 v19, v20;
	_ =	sdelay $0x1  }
0x119: {  	[tilespmem:s7+$0xFFFFFE10] =	vst v19;
	v19 =	vld [tilespmem:s7+$0xFFFFFE20];
	_ =	sdelay $0x4  }
0x11a: {  	v19 =	vmul.f32 v19, v20;
	_ =	sdelay $0x1  }
0x11b: {  	[tilespmem:s7+$0xFFFFFE20] =	vst v19;
	v19 =	vld [tilespmem:s7+$0xFFFFFE30];
	_ =	sdelay $0x4  }
0x11c: {  	v19 =	vmul.f32 v19, v20;
	_ =	sdelay $0x1  }
0x11d: {  	[tilespmem:s7+$0xFFFFFE30] =	vst v19;
	v19 =	vld [tilespmem:s7+$0xFFFFFE40];
	_ =	sdelay $0x2  }
0x11e: {  	v50 =	vperm.xlane v18, v2;
	_ =	sdelay $0x1  }
0x11f: {  	v19 =	vmul.f32 v19, v50;
	_ =	sdelay $0x1  }
0x120: {  	[tilespmem:s7+$0xFFFFFE40] =	vst v19;
	v19 =	vld [tilespmem:s7+$0xFFFFFE50];
	_ =	sdelay $0x4  }
0x121: {  	v19 =	vmul.f32 v19, v50;
	_ =	sdelay $0x1  }
0x122: {  	[tilespmem:s7+$0xFFFFFE50] =	vst v19;
	v19 =	vld [tilespmem:s7+$0xFFFFFE60];
	_ =	sdelay $0x4  }
0x123: {  	v19 =	vmul.f32 v19, v50;
	_ =	sdelay $0x1  }
0x124: {  	[tilespmem:s7+$0xFFFFFE60] =	vst v19;
	v19 =	vld [tilespmem:s7+$0xFFFFFE70];
	_ =	sdelay $0x4  }
0x125: {  	v19 =	vmul.f32 v19, v50;
	_ =	sdelay $0x1  }
0x126: {  	[tilespmem:s7+$0xFFFFFE70] =	vst v19;
	v19 =	vld [tilespmem:s7+$0xFFFFFE80];
	_ =	sdelay $0x2  }
0x127: {  	v51 =	vperm.xlane v18, v3;
	_ =	sdelay $0x1  }
0x128: {  	v19 =	vmul.f32 v19, v51;
	_ =	sdelay $0x1  }
0x129: {  	[tilespmem:s7+$0xFFFFFE80] =	vst v19;
	v19 =	vld [tilespmem:s7+$0xFFFFFE90];
	_ =	sdelay $0x4  }
0x12a: {  	v19 =	vmul.f32 v19, v51;
	_ =	sdelay $0x1  }
0x12b: {  	[tilespmem:s7+$0xFFFFFE90] =	vst v19;
	v19 =	vld [tilespmem:s7+$0xFFFFFEA0];
	_ =	sdelay $0x4  }
0x12c: {  	v19 =	vmul.f32 v19, v51;
	_ =	sdelay $0x1  }
0x12d: {  	[tilespmem:s7+$0xFFFFFEA0] =	vst v19;
	v19 =	vld [tilespmem:s7+$0xFFFFFEB0];
	_ =	sdelay $0x4  }
0x12e: {  	v19 =	vmul.f32 v19, v51;
	_ =	sdelay $0x1  }
0x12f: {  	[tilespmem:s7+$0xFFFFFEB0] =	vst v19;
	v19 =	vld [tilespmem:s7+$0xFFFFFEC0];
	_ =	sdelay $0x2  }
0x130: {  	v52 =	vperm.xlane v18, v4;
	_ =	sdelay $0x1  }
0x131: {  	v19 =	vmul.f32 v19, v52;
	_ =	sdelay $0x1  }
0x132: {  	[tilespmem:s7+$0xFFFFFEC0] =	vst v19;
	v19 =	vld [tilespmem:s7+$0xFFFFFED0];
	_ =	sdelay $0x4  }
0x133: {  	v19 =	vmul.f32 v19, v52;
	_ =	sdelay $0x1  }
0x134: {  	[tilespmem:s7+$0xFFFFFED0] =	vst v19;
	v19 =	vld [tilespmem:s7+$0xFFFFFEE0];
	_ =	sdelay $0x4  }
0x135: {  	v19 =	vmul.f32 v19, v52;
	_ =	sdelay $0x1  }
0x136: {  	[tilespmem:s7+$0xFFFFFEE0] =	vst v19;
	v19 =	vld [tilespmem:s7+$0xFFFFFEF0];
	_ =	sdelay $0x4  }
0x137: {  	v19 =	vmul.f32 v19, v52;
	_ =	sdelay $0x1  }
0x138: {  	[tilespmem:s7+$0xFFFFFEF0] =	vst v19;
	v19 =	vld [tilespmem:s7+$0xFFFFFF00];
	_ =	sdelay $0x2  }
0x139: {  	v53 =	vperm.xlane v18, v5;
	_ =	sdelay $0x1  }
0x13a: {  	v19 =	vmul.f32 v19, v53;
	_ =	sdelay $0x1  }
0x13b: {  	[tilespmem:s7+$0xFFFFFF00] =	vst v19;
	v19 =	vld [tilespmem:s7+$0xFFFFFF10];
	_ =	sdelay $0x4  }
0x13c: {  	v19 =	vmul.f32 v19, v53;
	_ =	sdelay $0x1  }
0x13d: {  	[tilespmem:s7+$0xFFFFFF10] =	vst v19;
	v19 =	vld [tilespmem:s7+$0xFFFFFF20];
	_ =	sdelay $0x4  }
0x13e: {  	v19 =	vmul.f32 v19, v53;
	_ =	sdelay $0x1  }
0x13f: {  	[tilespmem:s7+$0xFFFFFF20] =	vst v19;
	v19 =	vld [tilespmem:s7+$0xFFFFFF30];
	_ =	sdelay $0x4  }
0x140: {  	v19 =	vmul.f32 v19, v53;
	_ =	sdelay $0x1  }
0x141: {  	[tilespmem:s7+$0xFFFFFF30] =	vst v19;
	v19 =	vld [tilespmem:s7+$0xFFFFFF40];
	_ =	sdelay $0x2  }
0x142: {  	v54 =	vperm.xlane v18, v6;
	_ =	sdelay $0x1  }
0x143: {  	v19 =	vmul.f32 v19, v54;
	_ =	sdelay $0x1  }
0x144: {  	[tilespmem:s7+$0xFFFFFF40] =	vst v19;
	v19 =	vld [tilespmem:s7+$0xFFFFFF50];
	_ =	sdelay $0x4  }
0x145: {  	v19 =	vmul.f32 v19, v54;
	_ =	sdelay $0x1  }
0x146: {  	[tilespmem:s7+$0xFFFFFF50] =	vst v19;
	v19 =	vld [tilespmem:s7+$0xFFFFFF60];
	_ =	sdelay $0x4  }
0x147: {  	v19 =	vmul.f32 v19, v54;
	_ =	sdelay $0x1  }
0x148: {  	[tilespmem:s7+$0xFFFFFF60] =	vst v19;
	v19 =	vld [tilespmem:s7+$0xFFFFFF70];
	_ =	sdelay $0x4  }
0x149: {  	v19 =	vmul.f32 v19, v54;
	_ =	sdelay $0x1  }
0x14a: {  	[tilespmem:s7+$0xFFFFFF70] =	vst v19;
	v19 =	vld [tilespmem:s7+$0xFFFFFF80];
	_ =	sdelay $0x2  }
0x14b: {  	v55 =	vperm.xlane v18, v7;
	_ =	sdelay $0x1  }
0x14c: {  	v19 =	vmul.f32 v19, v55;
	_ =	sdelay $0x1  }
0x14d: {  	[tilespmem:s7+$0xFFFFFF80] =	vst v19;
	v19 =	vld [tilespmem:s7+$0xFFFFFF90];
	_ =	sdelay $0x4  }
0x14e: {  	v19 =	vmul.f32 v19, v55;
	_ =	sdelay $0x1  }
0x14f: {  	[tilespmem:s7+$0xFFFFFF90] =	vst v19;
	v19 =	vld [tilespmem:s7+$0xFFFFFFA0];
	_ =	sdelay $0x4  }
0x150: {  	v19 =	vmul.f32 v19, v55;
	_ =	sdelay $0x1  }
0x151: {  	[tilespmem:s7+$0xFFFFFFA0] =	vst v19;
	v19 =	vld [tilespmem:s7+$0xFFFFFFB0];
	_ =	sdelay $0x4  }
0x152: {  	v19 =	vmul.f32 v19, v55;
	_ =	sdelay $0x1  }
0x153: {  	[tilespmem:s7+$0xFFFFFFB0] =	vst v19;
	v19 =	vld [tilespmem:s7+$0xFFFFFFC0];
	_ =	sdelay $0x2  }
0x154: {  	v56 =	vperm.xlane v18, v8;
	_ =	sdelay $0x1  }
0x155: {  	v19 =	vmul.f32 v19, v56;
	_ =	sdelay $0x1  }
0x156: {  	[tilespmem:s7+$0xFFFFFFC0] =	vst v19;
	v19 =	vld [tilespmem:s7+$0xFFFFFFD0];
	_ =	sdelay $0x4  }
0x157: {  	v19 =	vmul.f32 v19, v56;
	_ =	sdelay $0x1  }
0x158: {  	[tilespmem:s7+$0xFFFFFFD0] =	vst v19;
	v19 =	vld [tilespmem:s7+$0xFFFFFFE0];
	_ =	sdelay $0x4  }
0x159: {  	v19 =	vmul.f32 v19, v56;
	_ =	sdelay $0x1  }
0x15a: {  	[tilespmem:s7+$0xFFFFFFE0] =	vst v19;
	v19 =	vld [tilespmem:s7+$0xFFFFFFF0];
	_ =	sdelay $0x4  }
0x15b: {  	v19 =	vmul.f32 v19, v56;
	_ =	sdelay $0x1  }
0x15c: {  	[tilespmem:s7+$0xFFFFFFF0] =	vst v19;
	v19 =	vld [tilespmem:s7+$0x0];
	_ =	sdelay $0x2  }
0x15d: {  	v57 =	vperm.xlane v18, v9;
	_ =	sdelay $0x1  }
0x15e: {  	v19 =	vmul.f32 v19, v57;
	_ =	sdelay $0x1  }
0x15f: {  	[tilespmem:s7+$0x0] =	vst v19;
	v19 =	vld [tilespmem:s7+$0x10];
	_ =	sdelay $0x4  }
0x160: {  	v19 =	vmul.f32 v19, v57;
	_ =	sdelay $0x1  }
0x161: {  	[tilespmem:s7+$0x10] =	vst v19;
	v19 =	vld [tilespmem:s7+$0x20];
	_ =	sdelay $0x4  }
0x162: {  	v19 =	vmul.f32 v19, v57;
	_ =	sdelay $0x1  }
0x163: {  	[tilespmem:s7+$0x20] =	vst v19;
	v19 =	vld [tilespmem:s7+$0x30];
	_ =	sdelay $0x4  }
0x164: {  	v19 =	vmul.f32 v19, v57;
	_ =	sdelay $0x1  }
0x165: {  	[tilespmem:s7+$0x30] =	vst v19;
	v19 =	vld [tilespmem:s7+$0x40];
	_ =	sdelay $0x2  }
0x166: {  	v58 =	vperm.xlane v18, v10;
	_ =	sdelay $0x1  }
0x167: {  	v19 =	vmul.f32 v19, v58;
	_ =	sdelay $0x1  }
0x168: {  	[tilespmem:s7+$0x40] =	vst v19;
	v19 =	vld [tilespmem:s7+$0x50];
	_ =	sdelay $0x4  }
0x169: {  	v19 =	vmul.f32 v19, v58;
	_ =	sdelay $0x1  }
0x16a: {  	[tilespmem:s7+$0x50] =	vst v19;
	v19 =	vld [tilespmem:s7+$0x60];
	_ =	sdelay $0x4  }
0x16b: {  	v19 =	vmul.f32 v19, v58;
	_ =	sdelay $0x1  }
0x16c: {  	[tilespmem:s7+$0x60] =	vst v19;
	v19 =	vld [tilespmem:s7+$0x70];
	_ =	sdelay $0x4  }
0x16d: {  	v19 =	vmul.f32 v19, v58;
	_ =	sdelay $0x1  }
0x16e: {  	[tilespmem:s7+$0x70] =	vst v19;
	v19 =	vld [tilespmem:s7+$0x80];
	_ =	sdelay $0x2  }
0x16f: {  	v59 =	vperm.xlane v18, v11;
	_ =	sdelay $0x1  }
0x170: {  	v19 =	vmul.f32 v19, v59;
	_ =	sdelay $0x1  }
0x171: {  	[tilespmem:s7+$0x80] =	vst v19;
	v19 =	vld [tilespmem:s7+$0x90];
	_ =	sdelay $0x4  }
0x172: {  	v19 =	vmul.f32 v19, v59;
	_ =	sdelay $0x1  }
0x173: {  	[tilespmem:s7+$0x90] =	vst v19;
	v19 =	vld [tilespmem:s7+$0xA0];
	_ =	sdelay $0x4  }
0x174: {  	v19 =	vmul.f32 v19, v59;
	_ =	sdelay $0x1  }
0x175: {  	[tilespmem:s7+$0xA0] =	vst v19;
	v19 =	vld [tilespmem:s7+$0xB0];
	_ =	sdelay $0x4  }
0x176: {  	v19 =	vmul.f32 v19, v59;
	_ =	sdelay $0x1  }
0x177: {  	[tilespmem:s7+$0xB0] =	vst v19;
	v19 =	vld [tilespmem:s7+$0xC0];
	_ =	sdelay $0x2  }
0x178: {  	v60 =	vperm.xlane v18, v12;
	_ =	sdelay $0x1  }
0x179: {  	v19 =	vmul.f32 v19, v60;
	_ =	sdelay $0x1  }
0x17a: {  	[tilespmem:s7+$0xC0] =	vst v19;
	v19 =	vld [tilespmem:s7+$0xD0];
	_ =	sdelay $0x4  }
0x17b: {  	v19 =	vmul.f32 v19, v60;
	_ =	sdelay $0x1  }
0x17c: {  	[tilespmem:s7+$0xD0] =	vst v19;
	v19 =	vld [tilespmem:s7+$0xE0];
	_ =	sdelay $0x4  }
0x17d: {  	v19 =	vmul.f32 v19, v60;
	_ =	sdelay $0x1  }
0x17e: {  	[tilespmem:s7+$0xE0] =	vst v19;
	v19 =	vld [tilespmem:s7+$0xF0];
	_ =	sdelay $0x4  }
0x17f: {  	v19 =	vmul.f32 v19, v60;
	_ =	sdelay $0x1  }
0x180: {  	[tilespmem:s7+$0xF0] =	vst v19;
	v19 =	vld [tilespmem:s7+$0x100];
	_ =	sdelay $0x2  }
0x181: {  	v61 =	vperm.xlane v18, v13;
	_ =	sdelay $0x1  }
0x182: {  	v19 =	vmul.f32 v19, v61;
	_ =	sdelay $0x1  }
0x183: {  	[tilespmem:s7+$0x100] =	vst v19;
	v19 =	vld [tilespmem:s7+$0x110];
	_ =	sdelay $0x4  }
0x184: {  	v19 =	vmul.f32 v19, v61;
	_ =	sdelay $0x1  }
0x185: {  	[tilespmem:s7+$0x110] =	vst v19;
	v19 =	vld [tilespmem:s7+$0x120];
	_ =	sdelay $0x4  }
0x186: {  	v19 =	vmul.f32 v19, v61;
	_ =	sdelay $0x1  }
0x187: {  	[tilespmem:s7+$0x120] =	vst v19;
	v19 =	vld [tilespmem:s7+$0x130];
	_ =	sdelay $0x4  }
0x188: {  	v19 =	vmul.f32 v19, v61;
	_ =	sdelay $0x1  }
0x189: {  	[tilespmem:s7+$0x130] =	vst v19;
	v19 =	vld [tilespmem:s7+$0x140];
	_ =	sdelay $0x2  }
0x18a: {  	v62 =	vperm.xlane v18, v14;
	_ =	sdelay $0x1  }
0x18b: {  	v19 =	vmul.f32 v19, v62;
	_ =	sdelay $0x1  }
0x18c: {  	[tilespmem:s7+$0x140] =	vst v19;
	v19 =	vld [tilespmem:s7+$0x150];
	_ =	sdelay $0x4  }
0x18d: {  	v19 =	vmul.f32 v19, v62;
	_ =	sdelay $0x1  }
0x18e: {  	[tilespmem:s7+$0x150] =	vst v19;
	v19 =	vld [tilespmem:s7+$0x160];
	_ =	sdelay $0x4  }
0x18f: {  	v19 =	vmul.f32 v19, v62;
	_ =	sdelay $0x1  }
0x190: {  	[tilespmem:s7+$0x160] =	vst v19;
	v19 =	vld [tilespmem:s7+$0x170];
	_ =	sdelay $0x4  }
0x191: {  	v19 =	vmul.f32 v19, v62;
	_ =	sdelay $0x1  }
0x192: {  	[tilespmem:s7+$0x170] =	vst v19;
	v19 =	vld [tilespmem:s7+$0x180];
	_ =	sdelay $0x2  }
0x193: {  	v63 =	vperm.xlane v18, v15;
	_ =	sdelay $0x1  }
0x194: {  	v19 =	vmul.f32 v19, v63;
	_ =	sdelay $0x1  }
0x195: {  	[tilespmem:s7+$0x180] =	vst v19;
	v19 =	vld [tilespmem:s7+$0x190];
	_ =	sdelay $0x4  }
0x196: {  	v19 =	vmul.f32 v19, v63;
	_ =	sdelay $0x1  }
0x197: {  	[tilespmem:s7+$0x190] =	vst v19;
	v19 =	vld [tilespmem:s7+$0x1A0];
	_ =	sdelay $0x4  }
0x198: {  	v19 =	vmul.f32 v19, v63;
	_ =	sdelay $0x1  }
0x199: {  	[tilespmem:s7+$0x1A0] =	vst v19;
	v19 =	vld [tilespmem:s7+$0x1B0];
	_ =	sdelay $0x4  }
0x19a: {  	v19 =	vmul.f32 v19, v63;
	_ =	sdelay $0x1  }
0x19b: {  	[tilespmem:s7+$0x1B0] =	vst v19;
	v19 =	vld [tilespmem:s7+$0x1C0];
	_ =	sdelay $0x2  }
0x19c: {  	v18 =	vperm.xlane v18, v16;
	_ =	sdelay $0x1  }
0x19d: {  	v19 =	vmul.f32 v19, v18;
	_ =	sdelay $0x1  }
0x19e: {  	[tilespmem:s7+$0x1C0] =	vst v19;
	v19 =	vld [tilespmem:s7+$0x1D0];
	_ =	sdelay $0x4  }
0x19f: {  	v19 =	vmul.f32 v19, v18;
	_ =	sdelay $0x1  }
0x1a0: {  	[tilespmem:s7+$0x1D0] =	vst v19;
	v19 =	vld [tilespmem:s7+$0x1E0];
	_ =	sdelay $0x4  }
0x1a1: {  	v19 =	vmul.f32 v19, v18;
	_ =	sdelay $0x1  }
0x1a2: {  	[tilespmem:s7+$0x1E0] =	vst v19;
	v19 =	vld [tilespmem:s7+$0x1F0];
	_ =	sdelay $0x1  }
0x1a3: {  	p0 =	sne.s32 s6, $0x1C0  }
.Ltmp4:
0x1a4: {  	_ = 	snop;
	(pc) =	sbr.rel @p0 .LBB2_7-.Ltmp4, $3  }
0x1a5: {  	_ = 	snop  }
0x1a6: {  	v18 =	vmul.f32 v19, v18;
	_ =	sdelay $0x1  }
0x1a7: {  	s6 =	sadd.s32 $0x40, s6;
	[tilespmem:s7+$0x1F0] =	vst v18;
	s7 =	sadd.s32 $0x400, s7  }
0x1a8: {  	s5 =	sshrl.u32 s5, $0x2;
	p0 =	seq.s32 s0, $0x27  }
.Ltmp5:
0x1a9: {  	s5 =	sadd.s32 $0x2800, s5;
	(pc) =	sbr.rel @p0 .LBB2_10-.Ltmp5, $4  }
0x1aa: {  	[spmem:s2] =	stream.indirect.scatter.add.f32 [tilespmem:s25], [sflag:$0x4], $0x40, s5, s23, $0xb8;
	[tilespmem:$0x17800] =	vst v63  }
0x1ab: {  	_ =	swait.ge [sflag:s29], $0x2000  }
0x1ac: {  	[sflag:s29] =	ssyncset.done $0x0  }
0x1ad: {  	[sflag:s29] =	ssyncadd.s32 $0xFFFFE000  }
0x1ae: {  	s5 =	sadd.s32 $0x100, s21  }
0x1af: {  	[tilespmem:s24], [sflag:$0x1] =	stream.indirect.gather [hbm4b:s4+s23], $0x40, s5, s23, $0xb8;
	[tilespmem:$0x17800] =	vst v63  }
.Ltmp6:
0x1b0: {  	_ = 	snop;
	(pc) =	sbr.rel .LBB2_4-.Ltmp6, $4  }
0x1b1: {  	_ =	swait.ge [sflag:s30], $0x2000  }
0x1b2: {  	s21 =	sadd.s32 $0x180, s21;
	s0 =	sadd.s32 $0x1, s0;
	[sflag:s30] =	ssyncset.done $0x0  }
0x1b3: {  	s1 =	sadd.s32 $0x100, s1;
	s20 =	sadd.s32 $0x100, s20;
	[sflag:s30] =	ssyncadd.s32 $0xFFFFE000  }
0x1b4: {  	[tilespmem:s25], [sflag:$0x2] =	stream.indirect.gather [hbm4b:s4+s23], $0x40, s21, s23, $0xb8;
	[tilespmem:$0x17800] =	vst v63  }
.LBB2_11:
0x1b5: {  	_ =	sfence.sel $0x180000  }
0x1b6: {  	[bflag:$0x0] =	sbarrier.arrive $0xFFFF  }
0x1b7: {  	_ =	strace $0x90000047  }
0x1b8: {  	s0 =	stileid.u32;
	[bflag:$0x2] =	sbarrier.arrive $0xFFFF  }
0x1b9: {  	p0 =	sne.s32 s0, $0x0;
	s0 =	rddreg [dreg:$0x2]  }
0x1ba: {  	s0 =	sadd.s32 @!p0 $0x100000, s0  }
0x1bb: {  	[sflag:s0] =	ssyncadd.tile.s32 @!p0 $0x1;
	_ =	shalt  }
.Lfunc_end2:
_tile_overlayer_lowered:
.L_overlay_start_2:
0x1bc: {  	(tag) =	ssettag $0x2  }
0x1bd: {  	s0 =	rddreg [dreg:$0x0];
	s2 =	stileid.u32  }
0x1be: {  	s1 =	rddreg [dreg:$0x1];
	p0 =	sne.s32 s2, $0x0  }
0x1bf: {  	s3 =	rddreg [dreg:$0x2];
	[bflag:$0x3] =	sbarrier.arrive $0xFFFF;
	s2 =	simm.s32 @!p0 $0x1C05  }
0x1c0: {  	[timem:s3], [sflag:s2] =	dma.local @!p0 [hbm:s0], s1  }
0x1c1: {  	s0 =	simm.s32 @!p0 $0x5  }
0x1c2: {  	_ =	swait.ge @!p0 [sflag:s0], s1  }
0x1c3: {  	s1 =	ssub.s32 @!p0 $0x0, s1;
	[sflag:s0] =	ssyncset.done @!p0 $0x0  }
0x1c4: {  	[sflag:s0] =	ssyncadd.s32 @!p0 s1  }
0x1c5: {  	[bflag:$0x3] =	sbarrier.arrive $0xFFFF  }
0x1c6: {  	_ =	shalt  }

</sc_bundles>
